<compile_context>
chip_gen: v7x
topology: tpu7x:2x2x1
jax: 0.10.2.dev20260603
libtpu: 0.0.44.dev20260713+nightly
codegen_flags: <defaults>
</compile_context>

<pallas_src>
import functools

import jax
import jax.numpy as jnp
from jax import lax
from jax.experimental import pallas as pl
from jax.experimental.pallas import tpu as pltpu
from jax.experimental.pallas import tpu_sc as plsc

N = 10000
E = 320000
R = 16
NBASES = 4
D = 128
G = R + 1

BN = 1000
NBLK = N // BN

CH = 128
NCHUNK = E // CH
NWORK = 32

NPAD = 10240
ROWS_PER_TILE = NPAD // 16
DUMP = 128


def _wcat_body(comp_ref, bases_ref, wself_ref, out_ref):
    ws = []
    for r in range(R):
        w = comp_ref[r, 0] * bases_ref[0]
        for b in range(1, NBASES):
            w = w + comp_ref[r, b] * bases_ref[b]
        ws.append(w)
    ws.append(wself_ref[...])
    out_ref[...] = jnp.concatenate(ws, axis=1).astype(jnp.bfloat16)


def _wcat_call(comp, bases, wself):
    return pl.pallas_call(
        _wcat_body,
        in_specs=[
            pl.BlockSpec(memory_space=pltpu.SMEM),
            pl.BlockSpec((NBASES, D, D), lambda: (0, 0, 0)),
            pl.BlockSpec((D, D), lambda: (0, 0)),
        ],
        out_specs=pl.BlockSpec((D, G * D), lambda: (0, 0)),
        out_shape=jax.ShapeDtypeStruct((D, G * D), jnp.bfloat16),
    )(comp, bases, wself)


def _hw_body(wcat_ref, h_ref, out_ref, self_ref):
    y = jnp.dot(h_ref[...].astype(jnp.bfloat16), wcat_ref[...],
                preferred_element_type=jnp.float32)
    out_ref[...] = y.reshape(BN * G, D)
    self_ref[...] = y[:, R * D:]


def _hw_call(wcat, h):
    return pl.pallas_call(
        _hw_body,
        grid=(NBLK,),
        in_specs=[
            pl.BlockSpec((D, G * D), lambda i: (0, 0)),
            pl.BlockSpec((BN, D), lambda i: (i, 0)),
        ],
        out_specs=[
            pl.BlockSpec((BN * G, D), lambda i: (i, 0)),
            pl.BlockSpec((BN, D), lambda i: (i, 0)),
        ],
        out_shape=[
            jax.ShapeDtypeStruct((N * G, D), jnp.float32),
            jax.ShapeDtypeStruct((N, D), jnp.float32),
        ],
    )(wcat, h)


def _sc_edges_body(ei, et, hw, out, src_v, et_v, gidx_v, dst_v, rows_v,
                   gidx_b, dst_b, rows_b, agg_sh, sem, sem_b):
    stage_v = rows_v
    c = lax.axis_index("c")
    s = lax.axis_index("s")
    wid = c * 16 + s

    def _zero(i, carry):
        for k in range(D // 16):
            stage_v[i, pl.ds(k * 16, 16)] = jnp.zeros((16,), jnp.float32)
        return carry
    lax.fori_loop(0, DUMP, _zero, 0)
    for j in range(ROWS_PER_TILE // DUMP):
        pltpu.sync_copy(stage_v,
                        agg_sh.at[pl.ds(s * ROWS_PER_TILE + j * DUMP, DUMP)])
    plsc.subcore_barrier()

    pstart = wid * (NCHUNK // 2) // NWORK
    pstop = (wid + 1) * (NCHUNK // 2) // NWORK

    def _load(ci, gv, dv):
        off = ci * CH
        pltpu.sync_copy(ei.at[0, pl.ds(off, CH)], src_v)
        pltpu.sync_copy(ei.at[1, pl.ds(off, CH)], dv)
        pltpu.sync_copy(et.at[pl.ds(off, CH)], et_v)
        for i in range(CH // 16):
            sl = pl.ds(i * 16, 16)
            gv[sl] = src_v[sl] * G + et_v[sl]

    _load(2 * pstart, gidx_v, dst_v)
    pltpu.async_copy(hw.at[gidx_v], rows_v, sem)

    def _pair(p, carry):
        l0 = 2 * p
        _load(l0 + 1, gidx_b, dst_b)
        pltpu.make_async_copy(hw.at[gidx_v], rows_v, sem).wait()
        pltpu.async_copy(hw.at[gidx_b], rows_b, sem_b)
        pltpu.sync_copy(rows_v, agg_sh.at[dst_v], add=True)
        more = p + 1 < pstop
        @pl.when(more)
        def _():
            _load(l0 + 2, gidx_v, dst_v)
        pltpu.make_async_copy(hw.at[gidx_b], rows_b, sem_b).wait()
        @pl.when(more)
        def _():
            pltpu.async_copy(hw.at[gidx_v], rows_v, sem)
        pltpu.sync_copy(rows_b, agg_sh.at[dst_b], add=True)
        return carry
    lax.fori_loop(pstart, pstop, _pair, 0)
    plsc.subcore_barrier()

    for j in range(ROWS_PER_TILE // DUMP):
        row0 = s * ROWS_PER_TILE + j * DUMP
        pltpu.sync_copy(agg_sh.at[pl.ds(row0, DUMP)], stage_v)
        pltpu.sync_copy(stage_v, out.at[c, pl.ds(row0, DUMP)])


def _sc_edges_call(edge_index, etypes, hw_flat):
    mesh = plsc.VectorSubcoreMesh(core_axis_name="c", subcore_axis_name="s")
    f = functools.partial(
        pl.kernel,
        out_type=jax.ShapeDtypeStruct((2, NPAD, D), jnp.float32),
        mesh=mesh,
        scratch_types=[
            pltpu.VMEM((CH,), jnp.int32),
            pltpu.VMEM((CH,), jnp.int32),
            pltpu.VMEM((CH,), jnp.int32),
            pltpu.VMEM((CH,), jnp.int32),
            pltpu.VMEM((CH, D), jnp.float32),
            pltpu.VMEM((CH,), jnp.int32),
            pltpu.VMEM((CH,), jnp.int32),
            pltpu.VMEM((CH, D), jnp.float32),
            pltpu.VMEM_SHARED((NPAD, D), jnp.float32),
            pltpu.SemaphoreType.DMA,
            pltpu.SemaphoreType.DMA,
        ],
    )(_sc_edges_body)
    return f(edge_index, etypes, hw_flat)


def _combine_body(agg_ref, self_ref, bias_ref, gamma_ref, beta_ref, out_ref,
                  *, act):
    x = agg_ref[0] + agg_ref[1] + self_ref[...] + bias_ref[...]
    mu = jnp.mean(x, axis=-1, keepdims=True)
    xc = x - mu
    var = jnp.mean(xc * xc, axis=-1, keepdims=True)
    y = gamma_ref[...] * (xc * lax.rsqrt(var + 1e-5)) + beta_ref[...]
    if act:
        y = jnp.maximum(y, 0.0)
    out_ref[...] = y


def _combine_call(agg, selfp, bias, gamma, beta, act):
    return pl.pallas_call(
        functools.partial(_combine_body, act=act),
        grid=(NBLK,),
        in_specs=[
            pl.BlockSpec((2, BN, D), lambda i: (0, i, 0)),
            pl.BlockSpec((BN, D), lambda i: (i, 0)),
            pl.BlockSpec((1, D), lambda i: (0, 0)),
            pl.BlockSpec((1, D), lambda i: (0, 0)),
            pl.BlockSpec((1, D), lambda i: (0, 0)),
        ],
        out_specs=pl.BlockSpec((BN, D), lambda i: (i, 0)),
        out_shape=jax.ShapeDtypeStruct((N, D), jnp.float32),
    )(agg, selfp, bias.reshape(1, D), gamma.reshape(1, D), beta.reshape(1, D))


GB = 320
GC = 64


def _sc_gather_body(nodes, h2, out, idx_v, rows_v, sem):
    c = lax.axis_index("c")
    s = lax.axis_index("s")
    wid = c * 16 + s
    base = jnp.minimum(wid * GB, N - GB)
    for j in range(GB // GC):
        pltpu.sync_copy(nodes.at[pl.ds(base + j * GC, GC)], idx_v)
        pltpu.async_copy(h2.at[idx_v], rows_v, sem).wait()
        pltpu.sync_copy(rows_v, out.at[pl.ds(base + j * GC, GC)])


def _sc_gather_call(nodes, h2):
    mesh = plsc.VectorSubcoreMesh(core_axis_name="c", subcore_axis_name="s")
    f = functools.partial(
        pl.kernel,
        out_type=jax.ShapeDtypeStruct((N, D), jnp.float32),
        mesh=mesh,
        scratch_types=[
            pltpu.VMEM((GC,), jnp.int32),
            pltpu.VMEM((GC, D), jnp.float32),
            pltpu.SemaphoreType.DMA,
        ],
    )(_sc_gather_body)
    return f(nodes, h2)


def _layer(h, edge_index, etypes, bases, comp, wself, bias, gamma, beta,
           act):
    wcat = _wcat_call(comp, bases, wself)
    hwflat, selfp = _hw_call(wcat, h)
    agg = _sc_edges_call(edge_index, etypes, hwflat)
    return _combine_call(agg, selfp, bias, gamma, beta, act)


def kernel(nodes, edge_index, etypes, node_feat, bases0, comp0, wself0,
           bias0, gamma0, beta0, bases1, comp1, wself1, bias1, gamma1,
           beta1):
    h1 = _layer(node_feat, edge_index, etypes, bases0, comp0, wself0,
                bias0, gamma0, beta0, True)
    h2 = _layer(h1, edge_index, etypes, bases1, comp1, wself1,
                bias1, gamma1, beta1, False)
    return _sc_gather_call(nodes, h2)

# --- scband reference (transcript-rebuilt; emitter-appended) ---
"""Pipeline reference for scband-rgcn-11304353923241 (READ-ONLY COPY).

The authoritative reference and input builder live on the scoring server;
editing this copy changes nothing except your own understanding.
"""

import jax, jax.numpy as jnp
import numpy as np

N_NODES = 10000
N_EDGES = 320000
N_REL = 16
NUM_BASES = 4
IN_DIM = 128
H_DIM = 128


def _rgcn_layer(h, src, dst, etypes, bases, comp, w_self, bias, gamma, beta, apply_act):
    # basis decomposition: W_r = sum_b comp[r, b] * bases[b]
    W = jnp.einsum('rb,bio->rio', comp, bases)          # [R, in, out]
    hW = jnp.einsum('ni,rio->nro', h, W)                # [N, R, out]
    msgs = hW[src, etypes]                              # [E, out] gather by (src node, edge relation)
    agg = jax.ops.segment_sum(msgs, dst, num_segments=h.shape[0])  # scatter-add to dst
    out = agg + h @ w_self + bias                       # self-loop + bias
    # layer norm (enabled because a truthy module was passed as layer_norm)
    mu = jnp.mean(out, axis=-1, keepdims=True)
    var = jnp.var(out, axis=-1, keepdims=True)
    out = gamma * (out - mu) / jnp.sqrt(var + 1e-5) + beta
    if apply_act:
        out = jax.nn.relu(out)
    return out


def setup_inputs(seed: int = 0):
    key = jax.random.key(seed)
    ks = jax.random.split(key, 16)
    inp = {}
    inp['nodes'] = jax.random.randint(ks[0], (N_NODES,), 0, N_NODES)
    inp['edge_index'] = jax.random.randint(ks[1], (2, N_EDGES), 0, N_NODES)
    inp['etypes'] = jax.random.randint(ks[2], (N_EDGES,), 0, N_REL)
    # learned parameters
    inp['node_feat'] = jax.random.normal(ks[3], (N_NODES, IN_DIM), dtype=jnp.float32) * 0.1
    dims = [(IN_DIM, H_DIM), (H_DIM, H_DIM)]
    for l, (di, do) in enumerate(dims):
        base = 4 + 6 * l
        inp['bases%d' % l] = jax.random.normal(ks[base], (NUM_BASES, di, do), dtype=jnp.float32) / np.sqrt(di)
        inp['comp%d' % l] = jax.random.normal(ks[base + 1], (N_REL, NUM_BASES), dtype=jnp.float32) / np.sqrt(NUM_BASES)
        inp['wself%d' % l] = jax.random.normal(ks[base + 2], (di, do), dtype=jnp.float32) / np.sqrt(di)
        inp['bias%d' % l] = jnp.zeros((do,), dtype=jnp.float32)
        inp['gamma%d' % l] = jnp.ones((do,), dtype=jnp.float32)
        inp['beta%d' % l] = jnp.zeros((do,), dtype=jnp.float32)
    return inp


def reference(nodes, edge_index, etypes, node_feat, bases0, comp0, wself0, bias0, gamma0, beta0, bases1, comp1, wself1, bias1, gamma1, beta1):
    src = edge_index[0]
    dst = edge_index[1]
    h = _rgcn_layer(node_feat, src, dst, etypes, bases0, comp0, wself0, bias0, gamma0, beta0, True)
    h = _rgcn_layer(h, src, dst, etypes, bases1, comp1, wself1, bias1, gamma1, beta1, False)
    return h[nodes]

if __name__ == "__main__":
    import jax
    _d = setup_inputs()
    print(jax.jit(kernel)(*tuple(_d.values())))

</pallas_src>

<mosaic_0001>
#map = affine_map<(d0, d1) -> (0, 0)>
#map1 = affine_map<(d0, d1) -> (0)>
#map2 = affine_map<(d0, d1) -> (0, 0, 0)>
module attributes {stable_mosaic.version = 14 : i64} {
  func.func @_sc_edges_body(%arg0: i32, %arg1: i32, %arg2: memref<2x320000xi32, #tpu.memory_space<hbm>>, %arg3: memref<320000xi32, #tpu.memory_space<hbm>>, %arg4: memref<170000x128xf32, #tpu.memory_space<hbm>>, %arg5: memref<2x10240x128xf32, #tpu.memory_space<hbm>>, %arg6: memref<128xi32, #tpu.memory_space<vmem>>, %arg7: memref<128xi32, #tpu.memory_space<vmem>>, %arg8: memref<128xi32, #tpu.memory_space<vmem>>, %arg9: memref<128xi32, #tpu.memory_space<vmem>>, %arg10: memref<128x128xf32, #tpu.memory_space<vmem>>, %arg11: memref<128xi32, #tpu.memory_space<vmem>>, %arg12: memref<128xi32, #tpu.memory_space<vmem>>, %arg13: memref<128x128xf32, #tpu.memory_space<vmem>>, %arg14: memref<10240x128xf32, #tpu.memory_space<vmem_shared>>, %arg15: memref<!tpu.dma_semaphore, #tpu.memory_space<semaphore_mem>>, %arg16: memref<!tpu.dma_semaphore, #tpu.memory_space<semaphore_mem>>) attributes {dimension_semantics = [#tpu.dimension_semantics<core_parallel>, #tpu.dimension_semantics<subcore_parallel>], iteration_bounds = array<i64: 2, 16>, scalar_prefetch = 0 : i64, scratch_operands = 11 : i64, tpu.core_type = #tpu.core_type<sc_vector_subcore>, window_params = [{transform_indices = #map}, {transform_indices = #map1}, {transform_indices = #map}, {transform_indices = #map2}]} {
    %mul3A = arith.constant 16 : i32
    %mul3A_0 = arith.muli %arg0, %mul3A : i32
    %add3A = arith.addi %mul3A_0, %arg1 : i32
    %scan3A = arith.constant 0 : i32
    %scan3A_1 = arith.constant 0 : i32
    %scan3A_2 = arith.constant 128 : i32
    %scan3A_3 = arith.addi %scan3A_1, %scan3A_2 : i32
    %scan3A_4 = arith.constant 1 : i32
    scf.for %scan3A_218 = %scan3A_1 to %scan3A_3 step %scan3A_4  : i32 {
      %broadcast_in_dim3A = arith.constant 0.000000e+00 : f32
      %broadcast_in_dim3A_219 = vector.broadcast %broadcast_in_dim3A : f32 to vector<16xf32>
      %swap3A_220 = arith.index_cast %scan3A_218 : i32 to index
      %swap3A_221 = arith.constant 0 : index
      %swap3A_222 = tpu.vector_load %arg10[%swap3A_220, %swap3A_221] {strides = array<i32>} : memref<128x128xf32, #tpu.memory_space<vmem>>, vector<1x16xf32>,
      %swap3A_223 = vector.shape_cast %swap3A_222 : vector<1x16xf32> to vector<16xf32>
      %swap3A_224 = vector.shape_cast %broadcast_in_dim3A_219 : vector<16xf32> to vector<1x16xf32>
      tpu.vector_store %arg10[%swap3A_220, %swap3A_221], %swap3A_224 {strides = array<i32>} : memref<128x128xf32, #tpu.memory_space<vmem>>, vector<1x16xf32>,
      %broadcast_in_dim3A_225 = arith.constant 0.000000e+00 : f32
      %broadcast_in_dim3A_226 = vector.broadcast %broadcast_in_dim3A_225 : f32 to vector<16xf32>
      %swap3A_227 = arith.index_cast %scan3A_218 : i32 to index
      %swap3A_228 = arith.constant 16 : index
      %swap3A_229 = tpu.vector_load %arg10[%swap3A_227, %swap3A_228] {strides = array<i32>} : memref<128x128xf32, #tpu.memory_space<vmem>>, vector<1x16xf32>,
      %swap3A_230 = vector.shape_cast %swap3A_229 : vector<1x16xf32> to vector<16xf32>
      %swap3A_231 = vector.shape_cast %broadcast_in_dim3A_226 : vector<16xf32> to vector<1x16xf32>
      tpu.vector_store %arg10[%swap3A_227, %swap3A_228], %swap3A_231 {strides = array<i32>} : memref<128x128xf32, #tpu.memory_space<vmem>>, vector<1x16xf32>,
      %broadcast_in_dim3A_232 = arith.constant 0.000000e+00 : f32
      %broadcast_in_dim3A_233 = vector.broadcast %broadcast_in_dim3A_232 : f32 to vector<16xf32>
      %swap3A_234 = arith.index_cast %scan3A_218 : i32 to index
      %swap3A_235 = arith.constant 32 : index
      %swap3A_236 = tpu.vector_load %arg10[%swap3A_234, %swap3A_235] {strides = array<i32>} : memref<128x128xf32, #tpu.memory_space<vmem>>, vector<1x16xf32>,
      %swap3A_237 = vector.shape_cast %swap3A_236 : vector<1x16xf32> to vector<16xf32>
      %swap3A_238 = vector.shape_cast %broadcast_in_dim3A_233 : vector<16xf32> to vector<1x16xf32>
      tpu.vector_store %arg10[%swap3A_234, %swap3A_235], %swap3A_238 {strides = array<i32>} : memref<128x128xf32, #tpu.memory_space<vmem>>, vector<1x16xf32>,
      %broadcast_in_dim3A_239 = arith.constant 0.000000e+00 : f32
      %broadcast_in_dim3A_240 = vector.broadcast %broadcast_in_dim3A_239 : f32 to vector<16xf32>
      %swap3A_241 = arith.index_cast %scan3A_218 : i32 to index
      %swap3A_242 = arith.constant 48 : index
      %swap3A_243 = tpu.vector_load %arg10[%swap3A_241, %swap3A_242] {strides = array<i32>} : memref<128x128xf32, #tpu.memory_space<vmem>>, vector<1x16xf32>,
      %swap3A_244 = vector.shape_cast %swap3A_243 : vector<1x16xf32> to vector<16xf32>
      %swap3A_245 = vector.shape_cast %broadcast_in_dim3A_240 : vector<16xf32> to vector<1x16xf32>
      tpu.vector_store %arg10[%swap3A_241, %swap3A_242], %swap3A_245 {strides = array<i32>} : memref<128x128xf32, #tpu.memory_space<vmem>>, vector<1x16xf32>,
      %broadcast_in_dim3A_246 = arith.constant 0.000000e+00 : f32
      %broadcast_in_dim3A_247 = vector.broadcast %broadcast_in_dim3A_246 : f32 to vector<16xf32>
      %swap3A_248 = arith.index_cast %scan3A_218 : i32 to index
      %swap3A_249 = arith.constant 64 : index
      %swap3A_250 = tpu.vector_load %arg10[%swap3A_248, %swap3A_249] {strides = array<i32>} : memref<128x128xf32, #tpu.memory_space<vmem>>, vector<1x16xf32>,
      %swap3A_251 = vector.shape_cast %swap3A_250 : vector<1x16xf32> to vector<16xf32>
      %swap3A_252 = vector.shape_cast %broadcast_in_dim3A_247 : vector<16xf32> to vector<1x16xf32>
      tpu.vector_store %arg10[%swap3A_248, %swap3A_249], %swap3A_252 {strides = array<i32>} : memref<128x128xf32, #tpu.memory_space<vmem>>, vector<1x16xf32>,
      %broadcast_in_dim3A_253 = arith.constant 0.000000e+00 : f32
      %broadcast_in_dim3A_254 = vector.broadcast %broadcast_in_dim3A_253 : f32 to vector<16xf32>
      %swap3A_255 = arith.index_cast %scan3A_218 : i32 to index
      %swap3A_256 = arith.constant 80 : index
      %swap3A_257 = tpu.vector_load %arg10[%swap3A_255, %swap3A_256] {strides = array<i32>} : memref<128x128xf32, #tpu.memory_space<vmem>>, vector<1x16xf32>,
      %swap3A_258 = vector.shape_cast %swap3A_257 : vector<1x16xf32> to vector<16xf32>
      %swap3A_259 = vector.shape_cast %broadcast_in_dim3A_254 : vector<16xf32> to vector<1x16xf32>
      tpu.vector_store %arg10[%swap3A_255, %swap3A_256], %swap3A_259 {strides = array<i32>} : memref<128x128xf32, #tpu.memory_space<vmem>>, vector<1x16xf32>,
      %broadcast_in_dim3A_260 = arith.constant 0.000000e+00 : f32
      %broadcast_in_dim3A_261 = vector.broadcast %broadcast_in_dim3A_260 : f32 to vector<16xf32>
      %swap3A_262 = arith.index_cast %scan3A_218 : i32 to index
      %swap3A_263 = arith.constant 96 : index
      %swap3A_264 = tpu.vector_load %arg10[%swap3A_262, %swap3A_263] {strides = array<i32>} : memref<128x128xf32, #tpu.memory_space<vmem>>, vector<1x16xf32>,
      %swap3A_265 = vector.shape_cast %swap3A_264 : vector<1x16xf32> to vector<16xf32>
      %swap3A_266 = vector.shape_cast %broadcast_in_dim3A_261 : vector<16xf32> to vector<1x16xf32>
      tpu.vector_store %arg10[%swap3A_262, %swap3A_263], %swap3A_266 {strides = array<i32>} : memref<128x128xf32, #tpu.memory_space<vmem>>, vector<1x16xf32>,
      %broadcast_in_dim3A_267 = arith.constant 0.000000e+00 : f32
      %broadcast_in_dim3A_268 = vector.broadcast %broadcast_in_dim3A_267 : f32 to vector<16xf32>
      %swap3A_269 = arith.index_cast %scan3A_218 : i32 to index
      %swap3A_270 = arith.constant 112 : index
      %swap3A_271 = tpu.vector_load %arg10[%swap3A_269, %swap3A_270] {strides = array<i32>} : memref<128x128xf32, #tpu.memory_space<vmem>>, vector<1x16xf32>,
      %swap3A_272 = vector.shape_cast %swap3A_271 : vector<1x16xf32> to vector<16xf32>
      %swap3A_273 = vector.shape_cast %broadcast_in_dim3A_268 : vector<16xf32> to vector<1x16xf32>
      tpu.vector_store %arg10[%swap3A_269, %swap3A_270], %swap3A_273 {strides = array<i32>} : memref<128x128xf32, #tpu.memory_space<vmem>>, vector<1x16xf32>,
    }
    %scan3A_5 = arith.constant 128 : i32
    %mul3A_6 = arith.constant 640 : i32
    %mul3A_7 = arith.muli %arg1, %mul3A_6 : i32
    %add3A_8 = arith.constant 0 : i32
    %add3A_9 = arith.addi %mul3A_7, %add3A_8 : i32
    "tpu.region"() ({
      %run_scoped3A_218 = tpu.sem_alloc : memref<!tpu.dma_semaphore, #tpu.memory_space<semaphore_mem>>
      %dma_start3A_219 = arith.constant 0 : i32
      %dma_start3A_220 = tpu.memref_slice %arg14[%add3A_9, %dma_start3A_219] : memref<10240x128xf32, #tpu.memory_space<vmem_shared>> -> memref<128x128xf32, #tpu.memory_space<vmem_shared>>
      %dma_start3A_221 = arith.constant 0 : i32
      %dma_start3A_222 = tpu.memref_slice %arg14[%add3A_9, %dma_start3A_221] : memref<10240x128xf32, #tpu.memory_space<vmem_shared>> -> memref<128x128xf32, #tpu.memory_space<vmem_shared>>
      tpu.enqueue_dma source(%arg10 : memref<128x128xf32, #tpu.memory_space<vmem>>) target(%dma_start3A_222 : memref<128x128xf32, #tpu.memory_space<vmem_shared>>) target_semaphore(%run_scoped3A_218 : memref<!tpu.dma_semaphore, #tpu.memory_space<semaphore_mem>>)
      %dma_wait3A = arith.constant 0 : i32
      %dma_wait3A_223 = tpu.memref_slice %arg14[%add3A_9, %dma_wait3A] : memref<10240x128xf32, #tpu.memory_space<vmem_shared>> -> memref<128x128xf32, #tpu.memory_space<vmem_shared>>
      %dma_wait3A_224 = arith.constant 0 : i32
      %dma_wait3A_225 = tpu.memref_slice %arg14[%add3A_9, %dma_wait3A_224] : memref<10240x128xf32, #tpu.memory_space<vmem_shared>> -> memref<128x128xf32, #tpu.memory_space<vmem_shared>>
      tpu.wait_dma2 semaphore(%run_scoped3A_218 : memref<!tpu.dma_semaphore, #tpu.memory_space<semaphore_mem>>) src(%arg10 : memref<128x128xf32, #tpu.memory_space<vmem>>) dst(%dma_wait3A_225 : memref<128x128xf32, #tpu.memory_space<vmem_shared>>)
      tpu.yield
    }) : () -> ()
    %mul3A_10 = arith.constant 640 : i32
    %mul3A_11 = arith.muli %arg1, %mul3A_10 : i32
    %add3A_12 = arith.constant 128 : i32
    %add3A_13 = arith.addi %mul3A_11, %add3A_12 : i32
    "tpu.region"() ({
      %run_scoped3A_218 = tpu.sem_alloc : memref<!tpu.dma_semaphore, #tpu.memory_space<semaphore_mem>>
      %dma_start3A_219 = arith.constant 0 : i32
      %dma_start3A_220 = tpu.memref_slice %arg14[%add3A_13, %dma_start3A_219] : memref<10240x128xf32, #tpu.memory_space<vmem_shared>> -> memref<128x128xf32, #tpu.memory_space<vmem_shared>>
      %dma_start3A_221 = arith.constant 0 : i32
      %dma_start3A_222 = tpu.memref_slice %arg14[%add3A_13, %dma_start3A_221] : memref<10240x128xf32, #tpu.memory_space<vmem_shared>> -> memref<128x128xf32, #tpu.memory_space<vmem_shared>>
      tpu.enqueue_dma source(%arg10 : memref<128x128xf32, #tpu.memory_space<vmem>>) target(%dma_start3A_222 : memref<128x128xf32, #tpu.memory_space<vmem_shared>>) target_semaphore(%run_scoped3A_218 : memref<!tpu.dma_semaphore, #tpu.memory_space<semaphore_mem>>)
      %dma_wait3A = arith.constant 0 : i32
      %dma_wait3A_223 = tpu.memref_slice %arg14[%add3A_13, %dma_wait3A] : memref<10240x128xf32, #tpu.memory_space<vmem_shared>> -> memref<128x128xf32, #tpu.memory_space<vmem_shared>>
      %dma_wait3A_224 = arith.constant 0 : i32
      %dma_wait3A_225 = tpu.memref_slice %arg14[%add3A_13, %dma_wait3A_224] : memref<10240x128xf32, #tpu.memory_space<vmem_shared>> -> memref<128x128xf32, #tpu.memory_space<vmem_shared>>
      tpu.wait_dma2 semaphore(%run_scoped3A_218 : memref<!tpu.dma_semaphore, #tpu.memory_space<semaphore_mem>>) src(%arg10 : memref<128x128xf32, #tpu.memory_space<vmem>>) dst(%dma_wait3A_225 : memref<128x128xf32, #tpu.memory_space<vmem_shared>>)
      tpu.yield
    }) : () -> ()
    %mul3A_14 = arith.constant 640 : i32
    %mul3A_15 = arith.muli %arg1, %mul3A_14 : i32
    %add3A_16 = arith.constant 256 : i32
    %add3A_17 = arith.addi %mul3A_15, %add3A_16 : i32
    "tpu.region"() ({
      %run_scoped3A_218 = tpu.sem_alloc : memref<!tpu.dma_semaphore, #tpu.memory_space<semaphore_mem>>
      %dma_start3A_219 = arith.constant 0 : i32
      %dma_start3A_220 = tpu.memref_slice %arg14[%add3A_17, %dma_start3A_219] : memref<10240x128xf32, #tpu.memory_space<vmem_shared>> -> memref<128x128xf32, #tpu.memory_space<vmem_shared>>
      %dma_start3A_221 = arith.constant 0 : i32
      %dma_start3A_222 = tpu.memref_slice %arg14[%add3A_17, %dma_start3A_221] : memref<10240x128xf32, #tpu.memory_space<vmem_shared>> -> memref<128x128xf32, #tpu.memory_space<vmem_shared>>
      tpu.enqueue_dma source(%arg10 : memref<128x128xf32, #tpu.memory_space<vmem>>) target(%dma_start3A_222 : memref<128x128xf32, #tpu.memory_space<vmem_shared>>) target_semaphore(%run_scoped3A_218 : memref<!tpu.dma_semaphore, #tpu.memory_space<semaphore_mem>>)
      %dma_wait3A = arith.constant 0 : i32
      %dma_wait3A_223 = tpu.memref_slice %arg14[%add3A_17, %dma_wait3A] : memref<10240x128xf32, #tpu.memory_space<vmem_shared>> -> memref<128x128xf32, #tpu.memory_space<vmem_shared>>
      %dma_wait3A_224 = arith.constant 0 : i32
      %dma_wait3A_225 = tpu.memref_slice %arg14[%add3A_17, %dma_wait3A_224] : memref<10240x128xf32, #tpu.memory_space<vmem_shared>> -> memref<128x128xf32, #tpu.memory_space<vmem_shared>>
      tpu.wait_dma2 semaphore(%run_scoped3A_218 : memref<!tpu.dma_semaphore, #tpu.memory_space<semaphore_mem>>) src(%arg10 : memref<128x128xf32, #tpu.memory_space<vmem>>) dst(%dma_wait3A_225 : memref<128x128xf32, #tpu.memory_space<vmem_shared>>)
      tpu.yield
    }) : () -> ()
    %mul3A_18 = arith.constant 640 : i32
    %mul3A_19 = arith.muli %arg1, %mul3A_18 : i32
    %add3A_20 = arith.constant 384 : i32
    %add3A_21 = arith.addi %mul3A_19, %add3A_20 : i32
    "tpu.region"() ({
      %run_scoped3A_218 = tpu.sem_alloc : memref<!tpu.dma_semaphore, #tpu.memory_space<semaphore_mem>>
      %dma_start3A_219 = arith.constant 0 : i32
      %dma_start3A_220 = tpu.memref_slice %arg14[%add3A_21, %dma_start3A_219] : memref<10240x128xf32, #tpu.memory_space<vmem_shared>> -> memref<128x128xf32, #tpu.memory_space<vmem_shared>>
      %dma_start3A_221 = arith.constant 0 : i32
      %dma_start3A_222 = tpu.memref_slice %arg14[%add3A_21, %dma_start3A_221] : memref<10240x128xf32, #tpu.memory_space<vmem_shared>> -> memref<128x128xf32, #tpu.memory_space<vmem_shared>>
      tpu.enqueue_dma source(%arg10 : memref<128x128xf32, #tpu.memory_space<vmem>>) target(%dma_start3A_222 : memref<128x128xf32, #tpu.memory_space<vmem_shared>>) target_semaphore(%run_scoped3A_218 : memref<!tpu.dma_semaphore, #tpu.memory_space<semaphore_mem>>)
      %dma_wait3A = arith.constant 0 : i32
      %dma_wait3A_223 = tpu.memref_slice %arg14[%add3A_21, %dma_wait3A] : memref<10240x128xf32, #tpu.memory_space<vmem_shared>> -> memref<128x128xf32, #tpu.memory_space<vmem_shared>>
      %dma_wait3A_224 = arith.constant 0 : i32
      %dma_wait3A_225 = tpu.memref_slice %arg14[%add3A_21, %dma_wait3A_224] : memref<10240x128xf32, #tpu.memory_space<vmem_shared>> -> memref<128x128xf32, #tpu.memory_space<vmem_shared>>
      tpu.wait_dma2 semaphore(%run_scoped3A_218 : memref<!tpu.dma_semaphore, #tpu.memory_space<semaphore_mem>>) src(%arg10 : memref<128x128xf32, #tpu.memory_space<vmem>>) dst(%dma_wait3A_225 : memref<128x128xf32, #tpu.memory_space<vmem_shared>>)
      tpu.yield
    }) : () -> ()
    %mul3A_22 = arith.constant 640 : i32
    %mul3A_23 = arith.muli %arg1, %mul3A_22 : i32
    %add3A_24 = arith.constant 512 : i32
    %add3A_25 = arith.addi %mul3A_23, %add3A_24 : i32
    "tpu.region"() ({
      %run_scoped3A_218 = tpu.sem_alloc : memref<!tpu.dma_semaphore, #tpu.memory_space<semaphore_mem>>
      %dma_start3A_219 = arith.constant 0 : i32
      %dma_start3A_220 = tpu.memref_slice %arg14[%add3A_25, %dma_start3A_219] : memref<10240x128xf32, #tpu.memory_space<vmem_shared>> -> memref<128x128xf32, #tpu.memory_space<vmem_shared>>
      %dma_start3A_221 = arith.constant 0 : i32
      %dma_start3A_222 = tpu.memref_slice %arg14[%add3A_25, %dma_start3A_221] : memref<10240x128xf32, #tpu.memory_space<vmem_shared>> -> memref<128x128xf32, #tpu.memory_space<vmem_shared>>
      tpu.enqueue_dma source(%arg10 : memref<128x128xf32, #tpu.memory_space<vmem>>) target(%dma_start3A_222 : memref<128x128xf32, #tpu.memory_space<vmem_shared>>) target_semaphore(%run_scoped3A_218 : memref<!tpu.dma_semaphore, #tpu.memory_space<semaphore_mem>>)
      %dma_wait3A = arith.constant 0 : i32
      %dma_wait3A_223 = tpu.memref_slice %arg14[%add3A_25, %dma_wait3A] : memref<10240x128xf32, #tpu.memory_space<vmem_shared>> -> memref<128x128xf32, #tpu.memory_space<vmem_shared>>
      %dma_wait3A_224 = arith.constant 0 : i32
      %dma_wait3A_225 = tpu.memref_slice %arg14[%add3A_25, %dma_wait3A_224] : memref<10240x128xf32, #tpu.memory_space<vmem_shared>> -> memref<128x128xf32, #tpu.memory_space<vmem_shared>>
      tpu.wait_dma2 semaphore(%run_scoped3A_218 : memref<!tpu.dma_semaphore, #tpu.memory_space<semaphore_mem>>) src(%arg10 : memref<128x128xf32, #tpu.memory_space<vmem>>) dst(%dma_wait3A_225 : memref<128x128xf32, #tpu.memory_space<vmem_shared>>)
      tpu.yield
    }) : () -> ()
    %barrier3A = arith.constant 0 : index
    tpu.barrier barrier_id(%barrier3A)
    %mul3A_26 = arith.constant 1250 : i32
    %mul3A_27 = arith.muli %add3A, %mul3A_26 : i32
    %jit3A = arith.constant 32 : i32
    %div3A = arith.divsi %mul3A_27, %jit3A : i32
    %sign3A = arith.constant 0 : i32
    %sign3A_28 = arith.cmpi sgt, %mul3A_27, %sign3A : i32
    %sign3A_29 = arith.extui %sign3A_28 : i1 to i32
    %sign3A_30 = arith.constant 0 : i32
    %sign3A_31 = arith.cmpi slt, %mul3A_27, %sign3A_30 : i32
    %sign3A_32 = arith.extui %sign3A_31 : i1 to i32
    %sign3A_33 = arith.subi %sign3A_29, %sign3A_32 : i32
    %sign3A_34 = arith.constant 0 : i32
    %sign3A_35 = arith.cmpi sgt, %jit3A, %sign3A_34 : i32
    %sign3A_36 = arith.extui %sign3A_35 : i1 to i32
    %sign3A_37 = arith.constant 0 : i32
    %sign3A_38 = arith.cmpi slt, %jit3A, %sign3A_37 : i32
    %sign3A_39 = arith.extui %sign3A_38 : i1 to i32
    %sign3A_40 = arith.subi %sign3A_36, %sign3A_39 : i32
    %ne3A = arith.cmpi ne, %sign3A_33, %sign3A_40 : i32
    %rem3A = arith.remsi %mul3A_27, %jit3A : i32
    %ne3A_41 = arith.constant 0 : i32
    %ne3A_42 = arith.cmpi ne, %rem3A, %ne3A_41 : i32
    %and3A = arith.andi %ne3A, %ne3A_42 : i1
    %sub3A = arith.constant 1 : i32
    %sub3A_43 = arith.subi %div3A, %sub3A : i32
    %select_n3A = arith.select %and3A, %sub3A_43, %div3A : i32
    %add3A_44 = arith.constant 1 : i32
    %add3A_45 = arith.addi %add3A, %add3A_44 : i32
    %mul3A_46 = arith.constant 1250 : i32
    %mul3A_47 = arith.muli %add3A_45, %mul3A_46 : i32
    %jit3A_48 = arith.constant 32 : i32
    %div3A_49 = arith.divsi %mul3A_47, %jit3A_48 : i32
    %sign3A_50 = arith.constant 0 : i32
    %sign3A_51 = arith.cmpi sgt, %mul3A_47, %sign3A_50 : i32
    %sign3A_52 = arith.extui %sign3A_51 : i1 to i32
    %sign3A_53 = arith.constant 0 : i32
    %sign3A_54 = arith.cmpi slt, %mul3A_47, %sign3A_53 : i32
    %sign3A_55 = arith.extui %sign3A_54 : i1 to i32
    %sign3A_56 = arith.subi %sign3A_52, %sign3A_55 : i32
    %sign3A_57 = arith.constant 0 : i32
    %sign3A_58 = arith.cmpi sgt, %jit3A_48, %sign3A_57 : i32
    %sign3A_59 = arith.extui %sign3A_58 : i1 to i32
    %sign3A_60 = arith.constant 0 : i32
    %sign3A_61 = arith.cmpi slt, %jit3A_48, %sign3A_60 : i32
    %sign3A_62 = arith.extui %sign3A_61 : i1 to i32
    %sign3A_63 = arith.subi %sign3A_59, %sign3A_62 : i32
    %ne3A_64 = arith.cmpi ne, %sign3A_56, %sign3A_63 : i32
    %rem3A_65 = arith.remsi %mul3A_47, %jit3A_48 : i32
    %ne3A_66 = arith.constant 0 : i32
    %ne3A_67 = arith.cmpi ne, %rem3A_65, %ne3A_66 : i32
    %and3A_68 = arith.andi %ne3A_64, %ne3A_67 : i1
    %sub3A_69 = arith.constant 1 : i32
    %sub3A_70 = arith.subi %div3A_49, %sub3A_69 : i32
    %select_n3A_71 = arith.select %and3A_68, %sub3A_70, %div3A_49 : i32
    %mul3A_72 = arith.constant 2 : i32
    %mul3A_73 = arith.muli %mul3A_72, %select_n3A : i32
    %mul3A_74 = arith.constant 128 : i32
    %mul3A_75 = arith.muli %mul3A_73, %mul3A_74 : i32
    %run_scoped3A = arith.constant 0 : i32
    "tpu.region"() ({
      %run_scoped3A_218 = tpu.sem_alloc : memref<!tpu.dma_semaphore, #tpu.memory_space<semaphore_mem>>
      %dma_start3A_219 = tpu.memref_slice %arg2[%run_scoped3A, %mul3A_75] : memref<2x320000xi32, #tpu.memory_space<hbm>> -> memref<1x128xi32, #tpu.memory_space<hbm>>
      %dma_start3A_220 = tpu.memref_squeeze %dma_start3A_219 : memref<1x128xi32, #tpu.memory_space<hbm>> -> memref<128xi32, #tpu.memory_space<hbm>>
      %dma_start3A_221 = tpu.memref_slice %arg2[%run_scoped3A, %mul3A_75] : memref<2x320000xi32, #tpu.memory_space<hbm>> -> memref<1x128xi32, #tpu.memory_space<hbm>>
      %dma_start3A_222 = tpu.memref_squeeze %dma_start3A_221 : memref<1x128xi32, #tpu.memory_space<hbm>> -> memref<128xi32, #tpu.memory_space<hbm>>
      tpu.enqueue_dma source(%dma_start3A_222 : memref<128xi32, #tpu.memory_space<hbm>>) target(%arg6 : memref<128xi32, #tpu.memory_space<vmem>>) target_semaphore(%run_scoped3A_218 : memref<!tpu.dma_semaphore, #tpu.memory_space<semaphore_mem>>)
      %dma_wait3A = tpu.memref_slice %arg2[%run_scoped3A, %mul3A_75] : memref<2x320000xi32, #tpu.memory_space<hbm>> -> memref<1x128xi32, #tpu.memory_space<hbm>>
      %dma_wait3A_223 = tpu.memref_squeeze %dma_wait3A : memref<1x128xi32, #tpu.memory_space<hbm>> -> memref<128xi32, #tpu.memory_space<hbm>>
      %dma_wait3A_224 = tpu.memref_slice %arg2[%run_scoped3A, %mul3A_75] : memref<2x320000xi32, #tpu.memory_space<hbm>> -> memref<1x128xi32, #tpu.memory_space<hbm>>
      %dma_wait3A_225 = tpu.memref_squeeze %dma_wait3A_224 : memref<1x128xi32, #tpu.memory_space<hbm>> -> memref<128xi32, #tpu.memory_space<hbm>>
      tpu.wait_dma2 semaphore(%run_scoped3A_218 : memref<!tpu.dma_semaphore, #tpu.memory_space<semaphore_mem>>) src(%dma_wait3A_225 : memref<128xi32, #tpu.memory_space<hbm>>) dst(%arg6 : memref<128xi32, #tpu.memory_space<vmem>>)
      tpu.yield
    }) : () -> ()
    %run_scoped3A_76 = arith.constant 1 : i32
    "tpu.region"() ({
      %run_scoped3A_218 = tpu.sem_alloc : memref<!tpu.dma_semaphore, #tpu.memory_space<semaphore_mem>>
      %dma_start3A_219 = tpu.memref_slice %arg2[%run_scoped3A_76, %mul3A_75] : memref<2x320000xi32, #tpu.memory_space<hbm>> -> memref<1x128xi32, #tpu.memory_space<hbm>>
      %dma_start3A_220 = tpu.memref_squeeze %dma_start3A_219 : memref<1x128xi32, #tpu.memory_space<hbm>> -> memref<128xi32, #tpu.memory_space<hbm>>
      %dma_start3A_221 = tpu.memref_slice %arg2[%run_scoped3A_76, %mul3A_75] : memref<2x320000xi32, #tpu.memory_space<hbm>> -> memref<1x128xi32, #tpu.memory_space<hbm>>
      %dma_start3A_222 = tpu.memref_squeeze %dma_start3A_221 : memref<1x128xi32, #tpu.memory_space<hbm>> -> memref<128xi32, #tpu.memory_space<hbm>>
      tpu.enqueue_dma source(%dma_start3A_222 : memref<128xi32, #tpu.memory_space<hbm>>) target(%arg9 : memref<128xi32, #tpu.memory_space<vmem>>) target_semaphore(%run_scoped3A_218 : memref<!tpu.dma_semaphore, #tpu.memory_space<semaphore_mem>>)
      %dma_wait3A = tpu.memref_slice %arg2[%run_scoped3A_76, %mul3A_75] : memref<2x320000xi32, #tpu.memory_space<hbm>> -> memref<1x128xi32, #tpu.memory_space<hbm>>
      %dma_wait3A_223 = tpu.memref_squeeze %dma_wait3A : memref<1x128xi32, #tpu.memory_space<hbm>> -> memref<128xi32, #tpu.memory_space<hbm>>
      %dma_wait3A_224 = tpu.memref_slice %arg2[%run_scoped3A_76, %mul3A_75] : memref<2x320000xi32, #tpu.memory_space<hbm>> -> memref<1x128xi32, #tpu.memory_space<hbm>>
      %dma_wait3A_225 = tpu.memref_squeeze %dma_wait3A_224 : memref<1x128xi32, #tpu.memory_space<hbm>> -> memref<128xi32, #tpu.memory_space<hbm>>
      tpu.wait_dma2 semaphore(%run_scoped3A_218 : memref<!tpu.dma_semaphore, #tpu.memory_space<semaphore_mem>>) src(%dma_wait3A_225 : memref<128xi32, #tpu.memory_space<hbm>>) dst(%arg9 : memref<128xi32, #tpu.memory_space<vmem>>)
      tpu.yield
    }) : () -> ()
    "tpu.region"() ({
      %run_scoped3A_218 = tpu.sem_alloc : memref<!tpu.dma_semaphore, #tpu.memory_space<semaphore_mem>>
      %dma_start3A_219 = tpu.memref_slice %arg3[%mul3A_75] : memref<320000xi32, #tpu.memory_space<hbm>> -> memref<128xi32, #tpu.memory_space<hbm>>
      %dma_start3A_220 = tpu.memref_slice %arg3[%mul3A_75] : memref<320000xi32, #tpu.memory_space<hbm>> -> memref<128xi32, #tpu.memory_space<hbm>>
      tpu.enqueue_dma source(%dma_start3A_220 : memref<128xi32, #tpu.memory_space<hbm>>) target(%arg7 : memref<128xi32, #tpu.memory_space<vmem>>) target_semaphore(%run_scoped3A_218 : memref<!tpu.dma_semaphore, #tpu.memory_space<semaphore_mem>>)
      %dma_wait3A = tpu.memref_slice %arg3[%mul3A_75] : memref<320000xi32, #tpu.memory_space<hbm>> -> memref<128xi32, #tpu.memory_space<hbm>>
      %dma_wait3A_221 = tpu.memref_slice %arg3[%mul3A_75] : memref<320000xi32, #tpu.memory_space<hbm>> -> memref<128xi32, #tpu.memory_space<hbm>>
      tpu.wait_dma2 semaphore(%run_scoped3A_218 : memref<!tpu.dma_semaphore, #tpu.memory_space<semaphore_mem>>) src(%dma_wait3A_221 : memref<128xi32, #tpu.memory_space<hbm>>) dst(%arg7 : memref<128xi32, #tpu.memory_space<vmem>>)
      tpu.yield
    }) : () -> ()
    %get3A = arith.constant 0 : index
    %get3A_77 = tpu.vector_load %arg6[%get3A] {strides = array<i32>} : memref<128xi32, #tpu.memory_space<vmem>>, vector<16xi32>,
    %get3A_78 = vector.shape_cast %get3A_77 : vector<16xi32> to vector<16xi32>
    %mul3A_79 = arith.constant 17 : i32
    %mul3A_80 = vector.broadcast %mul3A_79 : i32 to vector<16xi32>
    %mul3A_81 = arith.muli %get3A_78, %mul3A_80 : vector<16xi32>
    %get3A_82 = arith.constant 0 : index
    %get3A_83 = tpu.vector_load %arg7[%get3A_82] {strides = array<i32>} : memref<128xi32, #tpu.memory_space<vmem>>, vector<16xi32>,
    %get3A_84 = vector.shape_cast %get3A_83 : vector<16xi32> to vector<16xi32>
    %add3A_85 = arith.addi %mul3A_81, %get3A_84 : vector<16xi32>
    %swap3A = arith.constant 0 : index
    %swap3A_86 = tpu.vector_load %arg8[%swap3A] {strides = array<i32>} : memref<128xi32, #tpu.memory_space<vmem>>, vector<16xi32>,
    %swap3A_87 = vector.shape_cast %swap3A_86 : vector<16xi32> to vector<16xi32>
    %swap3A_88 = vector.shape_cast %add3A_85 : vector<16xi32> to vector<16xi32>
    tpu.vector_store %arg8[%swap3A], %swap3A_88 {strides = array<i32>} : memref<128xi32, #tpu.memory_space<vmem>>, vector<16xi32>,
    %get3A_89 = arith.constant 16 : index
    %get3A_90 = tpu.vector_load %arg6[%get3A_89] {strides = array<i32>} : memref<128xi32, #tpu.memory_space<vmem>>, vector<16xi32>,
    %get3A_91 = vector.shape_cast %get3A_90 : vector<16xi32> to vector<16xi32>
    %mul3A_92 = arith.constant 17 : i32
    %mul3A_93 = vector.broadcast %mul3A_92 : i32 to vector<16xi32>
    %mul3A_94 = arith.muli %get3A_91, %mul3A_93 : vector<16xi32>
    %get3A_95 = arith.constant 16 : index
    %get3A_96 = tpu.vector_load %arg7[%get3A_95] {strides = array<i32>} : memref<128xi32, #tpu.memory_space<vmem>>, vector<16xi32>,
    %get3A_97 = vector.shape_cast %get3A_96 : vector<16xi32> to vector<16xi32>
    %add3A_98 = arith.addi %mul3A_94, %get3A_97 : vector<16xi32>
    %swap3A_99 = arith.constant 16 : index
    %swap3A_100 = tpu.vector_load %arg8[%swap3A_99] {strides = array<i32>} : memref<128xi32, #tpu.memory_space<vmem>>, vector<16xi32>,
    %swap3A_101 = vector.shape_cast %swap3A_100 : vector<16xi32> to vector<16xi32>
    %swap3A_102 = vector.shape_cast %add3A_98 : vector<16xi32> to vector<16xi32>
    tpu.vector_store %arg8[%swap3A_99], %swap3A_102 {strides = array<i32>} : memref<128xi32, #tpu.memory_space<vmem>>, vector<16xi32>,
    %get3A_103 = arith.constant 32 : index
    %get3A_104 = tpu.vector_load %arg6[%get3A_103] {strides = array<i32>} : memref<128xi32, #tpu.memory_space<vmem>>, vector<16xi32>,
    %get3A_105 = vector.shape_cast %get3A_104 : vector<16xi32> to vector<16xi32>
    %mul3A_106 = arith.constant 17 : i32
    %mul3A_107 = vector.broadcast %mul3A_106 : i32 to vector<16xi32>
    %mul3A_108 = arith.muli %get3A_105, %mul3A_107 : vector<16xi32>
    %get3A_109 = arith.constant 32 : index
    %get3A_110 = tpu.vector_load %arg7[%get3A_109] {strides = array<i32>} : memref<128xi32, #tpu.memory_space<vmem>>, vector<16xi32>,
    %get3A_111 = vector.shape_cast %get3A_110 : vector<16xi32> to vector<16xi32>
    %add3A_112 = arith.addi %mul3A_108, %get3A_111 : vector<16xi32>
    %swap3A_113 = arith.constant 32 : index
    %swap3A_114 = tpu.vector_load %arg8[%swap3A_113] {strides = array<i32>} : memref<128xi32, #tpu.memory_space<vmem>>, vector<16xi32>,
    %swap3A_115 = vector.shape_cast %swap3A_114 : vector<16xi32> to vector<16xi32>
    %swap3A_116 = vector.shape_cast %add3A_112 : vector<16xi32> to vector<16xi32>
    tpu.vector_store %arg8[%swap3A_113], %swap3A_116 {strides = array<i32>} : memref<128xi32, #tpu.memory_space<vmem>>, vector<16xi32>,
    %get3A_117 = arith.constant 48 : index
    %get3A_118 = tpu.vector_load %arg6[%get3A_117] {strides = array<i32>} : memref<128xi32, #tpu.memory_space<vmem>>, vector<16xi32>,
    %get3A_119 = vector.shape_cast %get3A_118 : vector<16xi32> to vector<16xi32>
    %mul3A_120 = arith.constant 17 : i32
    %mul3A_121 = vector.broadcast %mul3A_120 : i32 to vector<16xi32>
    %mul3A_122 = arith.muli %get3A_119, %mul3A_121 : vector<16xi32>
    %get3A_123 = arith.constant 48 : index
    %get3A_124 = tpu.vector_load %arg7[%get3A_123] {strides = array<i32>} : memref<128xi32, #tpu.memory_space<vmem>>, vector<16xi32>,
    %get3A_125 = vector.shape_cast %get3A_124 : vector<16xi32> to vector<16xi32>
    %add3A_126 = arith.addi %mul3A_122, %get3A_125 : vector<16xi32>
    %swap3A_127 = arith.constant 48 : index
    %swap3A_128 = tpu.vector_load %arg8[%swap3A_127] {strides = array<i32>} : memref<128xi32, #tpu.memory_space<vmem>>, vector<16xi32>,
    %swap3A_129 = vector.shape_cast %swap3A_128 : vector<16xi32> to vector<16xi32>
    %swap3A_130 = vector.shape_cast %add3A_126 : vector<16xi32> to vector<16xi32>
    tpu.vector_store %arg8[%swap3A_127], %swap3A_130 {strides = array<i32>} : memref<128xi32, #tpu.memory_space<vmem>>, vector<16xi32>,
    %get3A_131 = arith.constant 64 : index
    %get3A_132 = tpu.vector_load %arg6[%get3A_131] {strides = array<i32>} : memref<128xi32, #tpu.memory_space<vmem>>, vector<16xi32>,
    %get3A_133 = vector.shape_cast %get3A_132 : vector<16xi32> to vector<16xi32>
    %mul3A_134 = arith.constant 17 : i32
    %mul3A_135 = vector.broadcast %mul3A_134 : i32 to vector<16xi32>
    %mul3A_136 = arith.muli %get3A_133, %mul3A_135 : vector<16xi32>
    %get3A_137 = arith.constant 64 : index
    %get3A_138 = tpu.vector_load %arg7[%get3A_137] {strides = array<i32>} : memref<128xi32, #tpu.memory_space<vmem>>, vector<16xi32>,
    %get3A_139 = vector.shape_cast %get3A_138 : vector<16xi32> to vector<16xi32>
    %add3A_140 = arith.addi %mul3A_136, %get3A_139 : vector<16xi32>
    %swap3A_141 = arith.constant 64 : index
    %swap3A_142 = tpu.vector_load %arg8[%swap3A_141] {strides = array<i32>} : memref<128xi32, #tpu.memory_space<vmem>>, vector<16xi32>,
    %swap3A_143 = vector.shape_cast %swap3A_142 : vector<16xi32> to vector<16xi32>
    %swap3A_144 = vector.shape_cast %add3A_140 : vector<16xi32> to vector<16xi32>
    tpu.vector_store %arg8[%swap3A_141], %swap3A_144 {strides = array<i32>} : memref<128xi32, #tpu.memory_space<vmem>>, vector<16xi32>,
    %get3A_145 = arith.constant 80 : index
    %get3A_146 = tpu.vector_load %arg6[%get3A_145] {strides = array<i32>} : memref<128xi32, #tpu.memory_space<vmem>>, vector<16xi32>,
    %get3A_147 = vector.shape_cast %get3A_146 : vector<16xi32> to vector<16xi32>
    %mul3A_148 = arith.constant 17 : i32
    %mul3A_149 = vector.broadcast %mul3A_148 : i32 to vector<16xi32>
    %mul3A_150 = arith.muli %get3A_147, %mul3A_149 : vector<16xi32>
    %get3A_151 = arith.constant 80 : index
    %get3A_152 = tpu.vector_load %arg7[%get3A_151] {strides = array<i32>} : memref<128xi32, #tpu.memory_space<vmem>>, vector<16xi32>,
    %get3A_153 = vector.shape_cast %get3A_152 : vector<16xi32> to vector<16xi32>
    %add3A_154 = arith.addi %mul3A_150, %get3A_153 : vector<16xi32>
    %swap3A_155 = arith.constant 80 : index
    %swap3A_156 = tpu.vector_load %arg8[%swap3A_155] {strides = array<i32>} : memref<128xi32, #tpu.memory_space<vmem>>, vector<16xi32>,
    %swap3A_157 = vector.shape_cast %swap3A_156 : vector<16xi32> to vector<16xi32>
    %swap3A_158 = vector.shape_cast %add3A_154 : vector<16xi32> to vector<16xi32>
    tpu.vector_store %arg8[%swap3A_155], %swap3A_158 {strides = array<i32>} : memref<128xi32, #tpu.memory_space<vmem>>, vector<16xi32>,
    %get3A_159 = arith.constant 96 : index
    %get3A_160 = tpu.vector_load %arg6[%get3A_159] {strides = array<i32>} : memref<128xi32, #tpu.memory_space<vmem>>, vector<16xi32>,
    %get3A_161 = vector.shape_cast %get3A_160 : vector<16xi32> to vector<16xi32>
    %mul3A_162 = arith.constant 17 : i32
    %mul3A_163 = vector.broadcast %mul3A_162 : i32 to vector<16xi32>
    %mul3A_164 = arith.muli %get3A_161, %mul3A_163 : vector<16xi32>
    %get3A_165 = arith.constant 96 : index
    %get3A_166 = tpu.vector_load %arg7[%get3A_165] {strides = array<i32>} : memref<128xi32, #tpu.memory_space<vmem>>, vector<16xi32>,
    %get3A_167 = vector.shape_cast %get3A_166 : vector<16xi32> to vector<16xi32>
    %add3A_168 = arith.addi %mul3A_164, %get3A_167 : vector<16xi32>
    %swap3A_169 = arith.constant 96 : index
    %swap3A_170 = tpu.vector_load %arg8[%swap3A_169] {strides = array<i32>} : memref<128xi32, #tpu.memory_space<vmem>>, vector<16xi32>,
    %swap3A_171 = vector.shape_cast %swap3A_170 : vector<16xi32> to vector<16xi32>
    %swap3A_172 = vector.shape_cast %add3A_168 : vector<16xi32> to vector<16xi32>
    tpu.vector_store %arg8[%swap3A_169], %swap3A_172 {strides = array<i32>} : memref<128xi32, #tpu.memory_space<vmem>>, vector<16xi32>,
    %get3A_173 = arith.constant 112 : index
    %get3A_174 = tpu.vector_load %arg6[%get3A_173] {strides = array<i32>} : memref<128xi32, #tpu.memory_space<vmem>>, vector<16xi32>,
    %get3A_175 = vector.shape_cast %get3A_174 : vector<16xi32> to vector<16xi32>
    %mul3A_176 = arith.constant 17 : i32
    %mul3A_177 = vector.broadcast %mul3A_176 : i32 to vector<16xi32>
    %mul3A_178 = arith.muli %get3A_175, %mul3A_177 : vector<16xi32>
    %get3A_179 = arith.constant 112 : index
    %get3A_180 = tpu.vector_load %arg7[%get3A_179] {strides = array<i32>} : memref<128xi32, #tpu.memory_space<vmem>>, vector<16xi32>,
    %get3A_181 = vector.shape_cast %get3A_180 : vector<16xi32> to vector<16xi32>
    %add3A_182 = arith.addi %mul3A_178, %get3A_181 : vector<16xi32>
    %swap3A_183 = arith.constant 112 : index
    %swap3A_184 = tpu.vector_load %arg8[%swap3A_183] {strides = array<i32>} : memref<128xi32, #tpu.memory_space<vmem>>, vector<16xi32>,
    %swap3A_185 = vector.shape_cast %swap3A_184 : vector<16xi32> to vector<16xi32>
    %swap3A_186 = vector.shape_cast %add3A_182 : vector<16xi32> to vector<16xi32>
    tpu.vector_store %arg8[%swap3A_183], %swap3A_186 {strides = array<i32>} : memref<128xi32, #tpu.memory_space<vmem>>, vector<16xi32>,
    %dma_start3A = arith.constant 0 : i32
    %dma_start3A_187 = arith.constant 0 : i32
    %dma_start3A_188 = tpu.memref_slice %arg4[%dma_start3A, %dma_start3A_187] : memref<170000x128xf32, #tpu.memory_space<hbm>> -> memref<170000x128xf32, #tpu.memory_space<hbm>>
    tpu.enqueue_indirect_dma source(%dma_start3A_188 : memref<170000x128xf32, #tpu.memory_space<hbm>>) target(%arg10 : memref<128x128xf32, #tpu.memory_space<vmem>>) offsets(%arg8 : memref<128xi32, #tpu.memory_space<vmem>>) semaphore(%arg15 : memref<!tpu.dma_semaphore, #tpu.memory_space<semaphore_mem>>)
    %while3A = arith.constant 0 : i32
    %while3A_189 = arith.subi %select_n3A_71, %select_n3A : i32
    %while3A_190 = arith.addi %select_n3A, %while3A_189 : i32
    %while3A_191 = arith.constant 1 : i32
    %while3A_192 = arith.divsi %while3A_189, %while3A_191 : i32
    %while3A_193 = arith.muli %while3A_192, %while3A_191 : i32
    %while3A_194 = arith.addi %select_n3A, %while3A_193 : i32
    %while3A_195 = arith.constant 1 : i32
    scf.for %while3A_218 = %select_n3A to %while3A_194 step %while3A_195  : i32 {
      %mul3A_219 = arith.constant 2 : i32
      %mul3A_220 = arith.muli %mul3A_219, %while3A_218 : i32
      %add3A_221 = arith.constant 1 : i32
      %add3A_222 = arith.addi %mul3A_220, %add3A_221 : i32
      %mul3A_223 = arith.constant 128 : i32
      %mul3A_224 = arith.muli %add3A_222, %mul3A_223 : i32
      %run_scoped3A_225 = arith.constant 0 : i32
      "tpu.region"() ({
        %run_scoped3A_353 = tpu.sem_alloc : memref<!tpu.dma_semaphore, #tpu.memory_space<semaphore_mem>>
        %dma_start3A_354 = tpu.memref_slice %arg2[%run_scoped3A_225, %mul3A_224] : memref<2x320000xi32, #tpu.memory_space<hbm>> -> memref<1x128xi32, #tpu.memory_space<hbm>>
        %dma_start3A_355 = tpu.memref_squeeze %dma_start3A_354 : memref<1x128xi32, #tpu.memory_space<hbm>> -> memref<128xi32, #tpu.memory_space<hbm>>
        %dma_start3A_356 = tpu.memref_slice %arg2[%run_scoped3A_225, %mul3A_224] : memref<2x320000xi32, #tpu.memory_space<hbm>> -> memref<1x128xi32, #tpu.memory_space<hbm>>
        %dma_start3A_357 = tpu.memref_squeeze %dma_start3A_356 : memref<1x128xi32, #tpu.memory_space<hbm>> -> memref<128xi32, #tpu.memory_space<hbm>>
        tpu.enqueue_dma source(%dma_start3A_357 : memref<128xi32, #tpu.memory_space<hbm>>) target(%arg6 : memref<128xi32, #tpu.memory_space<vmem>>) target_semaphore(%run_scoped3A_353 : memref<!tpu.dma_semaphore, #tpu.memory_space<semaphore_mem>>)
        %dma_wait3A_358 = tpu.memref_slice %arg2[%run_scoped3A_225, %mul3A_224] : memref<2x320000xi32, #tpu.memory_space<hbm>> -> memref<1x128xi32, #tpu.memory_space<hbm>>
        %dma_wait3A_359 = tpu.memref_squeeze %dma_wait3A_358 : memref<1x128xi32, #tpu.memory_space<hbm>> -> memref<128xi32, #tpu.memory_space<hbm>>
        %dma_wait3A_360 = tpu.memref_slice %arg2[%run_scoped3A_225, %mul3A_224] : memref<2x320000xi32, #tpu.memory_space<hbm>> -> memref<1x128xi32, #tpu.memory_space<hbm>>
        %dma_wait3A_361 = tpu.memref_squeeze %dma_wait3A_360 : memref<1x128xi32, #tpu.memory_space<hbm>> -> memref<128xi32, #tpu.memory_space<hbm>>
        tpu.wait_dma2 semaphore(%run_scoped3A_353 : memref<!tpu.dma_semaphore, #tpu.memory_space<semaphore_mem>>) src(%dma_wait3A_361 : memref<128xi32, #tpu.memory_space<hbm>>) dst(%arg6 : memref<128xi32, #tpu.memory_space<vmem>>)
        tpu.yield
      }) : () -> ()
      %run_scoped3A_226 = arith.constant 1 : i32
      "tpu.region"() ({
        %run_scoped3A_353 = tpu.sem_alloc : memref<!tpu.dma_semaphore, #tpu.memory_space<semaphore_mem>>
        %dma_start3A_354 = tpu.memref_slice %arg2[%run_scoped3A_226, %mul3A_224] : memref<2x320000xi32, #tpu.memory_space<hbm>> -> memref<1x128xi32, #tpu.memory_space<hbm>>
        %dma_start3A_355 = tpu.memref_squeeze %dma_start3A_354 : memref<1x128xi32, #tpu.memory_space<hbm>> -> memref<128xi32, #tpu.memory_space<hbm>>
        %dma_start3A_356 = tpu.memref_slice %arg2[%run_scoped3A_226, %mul3A_224] : memref<2x320000xi32, #tpu.memory_space<hbm>> -> memref<1x128xi32, #tpu.memory_space<hbm>>
        %dma_start3A_357 = tpu.memref_squeeze %dma_start3A_356 : memref<1x128xi32, #tpu.memory_space<hbm>> -> memref<128xi32, #tpu.memory_space<hbm>>
        tpu.enqueue_dma source(%dma_start3A_357 : memref<128xi32, #tpu.memory_space<hbm>>) target(%arg12 : memref<128xi32, #tpu.memory_space<vmem>>) target_semaphore(%run_scoped3A_353 : memref<!tpu.dma_semaphore, #tpu.memory_space<semaphore_mem>>)
        %dma_wait3A_358 = tpu.memref_slice %arg2[%run_scoped3A_226, %mul3A_224] : memref<2x320000xi32, #tpu.memory_space<hbm>> -> memref<1x128xi32, #tpu.memory_space<hbm>>
        %dma_wait3A_359 = tpu.memref_squeeze %dma_wait3A_358 : memref<1x128xi32, #tpu.memory_space<hbm>> -> memref<128xi32, #tpu.memory_space<hbm>>
        %dma_wait3A_360 = tpu.memref_slice %arg2[%run_scoped3A_226, %mul3A_224] : memref<2x320000xi32, #tpu.memory_space<hbm>> -> memref<1x128xi32, #tpu.memory_space<hbm>>
        %dma_wait3A_361 = tpu.memref_squeeze %dma_wait3A_360 : memref<1x128xi32, #tpu.memory_space<hbm>> -> memref<128xi32, #tpu.memory_space<hbm>>
        tpu.wait_dma2 semaphore(%run_scoped3A_353 : memref<!tpu.dma_semaphore, #tpu.memory_space<semaphore_mem>>) src(%dma_wait3A_361 : memref<128xi32, #tpu.memory_space<hbm>>) dst(%arg12 : memref<128xi32, #tpu.memory_space<vmem>>)
        tpu.yield
      }) : () -> ()
      "tpu.region"() ({
        %run_scoped3A_353 = tpu.sem_alloc : memref<!tpu.dma_semaphore, #tpu.memory_space<semaphore_mem>>
        %dma_start3A_354 = tpu.memref_slice %arg3[%mul3A_224] : memref<320000xi32, #tpu.memory_space<hbm>> -> memref<128xi32, #tpu.memory_space<hbm>>
        %dma_start3A_355 = tpu.memref_slice %arg3[%mul3A_224] : memref<320000xi32, #tpu.memory_space<hbm>> -> memref<128xi32, #tpu.memory_space<hbm>>
        tpu.enqueue_dma source(%dma_start3A_355 : memref<128xi32, #tpu.memory_space<hbm>>) target(%arg7 : memref<128xi32, #tpu.memory_space<vmem>>) target_semaphore(%run_scoped3A_353 : memref<!tpu.dma_semaphore, #tpu.memory_space<semaphore_mem>>)
        %dma_wait3A_356 = tpu.memref_slice %arg3[%mul3A_224] : memref<320000xi32, #tpu.memory_space<hbm>> -> memref<128xi32, #tpu.memory_space<hbm>>
        %dma_wait3A_357 = tpu.memref_slice %arg3[%mul3A_224] : memref<320000xi32, #tpu.memory_space<hbm>> -> memref<128xi32, #tpu.memory_space<hbm>>
        tpu.wait_dma2 semaphore(%run_scoped3A_353 : memref<!tpu.dma_semaphore, #tpu.memory_space<semaphore_mem>>) src(%dma_wait3A_357 : memref<128xi32, #tpu.memory_space<hbm>>) dst(%arg7 : memref<128xi32, #tpu.memory_space<vmem>>)
        tpu.yield
      }) : () -> ()
      %get3A_227 = arith.constant 0 : index
      %get3A_228 = tpu.vector_load %arg6[%get3A_227] {strides = array<i32>} : memref<128xi32, #tpu.memory_space<vmem>>, vector<16xi32>,
      %get3A_229 = vector.shape_cast %get3A_228 : vector<16xi32> to vector<16xi32>
      %mul3A_230 = arith.constant 17 : i32
      %mul3A_231 = vector.broadcast %mul3A_230 : i32 to vector<16xi32>
      %mul3A_232 = arith.muli %get3A_229, %mul3A_231 : vector<16xi32>
      %get3A_233 = arith.constant 0 : index
      %get3A_234 = tpu.vector_load %arg7[%get3A_233] {strides = array<i32>} : memref<128xi32, #tpu.memory_space<vmem>>, vector<16xi32>,
      %get3A_235 = vector.shape_cast %get3A_234 : vector<16xi32> to vector<16xi32>
      %add3A_236 = arith.addi %mul3A_232, %get3A_235 : vector<16xi32>
      %swap3A_237 = arith.constant 0 : index
      %swap3A_238 = tpu.vector_load %arg11[%swap3A_237] {strides = array<i32>} : memref<128xi32, #tpu.memory_space<vmem>>, vector<16xi32>,
      %swap3A_239 = vector.shape_cast %swap3A_238 : vector<16xi32> to vector<16xi32>
      %swap3A_240 = vector.shape_cast %add3A_236 : vector<16xi32> to vector<16xi32>
      tpu.vector_store %arg11[%swap3A_237], %swap3A_240 {strides = array<i32>} : memref<128xi32, #tpu.memory_space<vmem>>, vector<16xi32>,
      %get3A_241 = arith.constant 16 : index
      %get3A_242 = tpu.vector_load %arg6[%get3A_241] {strides = array<i32>} : memref<128xi32, #tpu.memory_space<vmem>>, vector<16xi32>,
      %get3A_243 = vector.shape_cast %get3A_242 : vector<16xi32> to vector<16xi32>
      %mul3A_244 = arith.constant 17 : i32
      %mul3A_245 = vector.broadcast %mul3A_244 : i32 to vector<16xi32>
      %mul3A_246 = arith.muli %get3A_243, %mul3A_245 : vector<16xi32>
      %get3A_247 = arith.constant 16 : index
      %get3A_248 = tpu.vector_load %arg7[%get3A_247] {strides = array<i32>} : memref<128xi32, #tpu.memory_space<vmem>>, vector<16xi32>,
      %get3A_249 = vector.shape_cast %get3A_248 : vector<16xi32> to vector<16xi32>
      %add3A_250 = arith.addi %mul3A_246, %get3A_249 : vector<16xi32>
      %swap3A_251 = arith.constant 16 : index
      %swap3A_252 = tpu.vector_load %arg11[%swap3A_251] {strides = array<i32>} : memref<128xi32, #tpu.memory_space<vmem>>, vector<16xi32>,
      %swap3A_253 = vector.shape_cast %swap3A_252 : vector<16xi32> to vector<16xi32>
      %swap3A_254 = vector.shape_cast %add3A_250 : vector<16xi32> to vector<16xi32>
      tpu.vector_store %arg11[%swap3A_251], %swap3A_254 {strides = array<i32>} : memref<128xi32, #tpu.memory_space<vmem>>, vector<16xi32>,
      %get3A_255 = arith.constant 32 : index
      %get3A_256 = tpu.vector_load %arg6[%get3A_255] {strides = array<i32>} : memref<128xi32, #tpu.memory_space<vmem>>, vector<16xi32>,
      %get3A_257 = vector.shape_cast %get3A_256 : vector<16xi32> to vector<16xi32>
      %mul3A_258 = arith.constant 17 : i32
      %mul3A_259 = vector.broadcast %mul3A_258 : i32 to vector<16xi32>
      %mul3A_260 = arith.muli %get3A_257, %mul3A_259 : vector<16xi32>
      %get3A_261 = arith.constant 32 : index
      %get3A_262 = tpu.vector_load %arg7[%get3A_261] {strides = array<i32>} : memref<128xi32, #tpu.memory_space<vmem>>, vector<16xi32>,
      %get3A_263 = vector.shape_cast %get3A_262 : vector<16xi32> to vector<16xi32>
      %add3A_264 = arith.addi %mul3A_260, %get3A_263 : vector<16xi32>
      %swap3A_265 = arith.constant 32 : index
      %swap3A_266 = tpu.vector_load %arg11[%swap3A_265] {strides = array<i32>} : memref<128xi32, #tpu.memory_space<vmem>>, vector<16xi32>,
      %swap3A_267 = vector.shape_cast %swap3A_266 : vector<16xi32> to vector<16xi32>
      %swap3A_268 = vector.shape_cast %add3A_264 : vector<16xi32> to vector<16xi32>
      tpu.vector_store %arg11[%swap3A_265], %swap3A_268 {strides = array<i32>} : memref<128xi32, #tpu.memory_space<vmem>>, vector<16xi32>,
      %get3A_269 = arith.constant 48 : index
      %get3A_270 = tpu.vector_load %arg6[%get3A_269] {strides = array<i32>} : memref<128xi32, #tpu.memory_space<vmem>>, vector<16xi32>,
      %get3A_271 = vector.shape_cast %get3A_270 : vector<16xi32> to vector<16xi32>
      %mul3A_272 = arith.constant 17 : i32
      %mul3A_273 = vector.broadcast %mul3A_272 : i32 to vector<16xi32>
      %mul3A_274 = arith.muli %get3A_271, %mul3A_273 : vector<16xi32>
      %get3A_275 = arith.constant 48 : index
      %get3A_276 = tpu.vector_load %arg7[%get3A_275] {strides = array<i32>} : memref<128xi32, #tpu.memory_space<vmem>>, vector<16xi32>,
      %get3A_277 = vector.shape_cast %get3A_276 : vector<16xi32> to vector<16xi32>
      %add3A_278 = arith.addi %mul3A_274, %get3A_277 : vector<16xi32>
      %swap3A_279 = arith.constant 48 : index
      %swap3A_280 = tpu.vector_load %arg11[%swap3A_279] {strides = array<i32>} : memref<128xi32, #tpu.memory_space<vmem>>, vector<16xi32>,
      %swap3A_281 = vector.shape_cast %swap3A_280 : vector<16xi32> to vector<16xi32>
      %swap3A_282 = vector.shape_cast %add3A_278 : vector<16xi32> to vector<16xi32>
      tpu.vector_store %arg11[%swap3A_279], %swap3A_282 {strides = array<i32>} : memref<128xi32, #tpu.memory_space<vmem>>, vector<16xi32>,
      %get3A_283 = arith.constant 64 : index
      %get3A_284 = tpu.vector_load %arg6[%get3A_283] {strides = array<i32>} : memref<128xi32, #tpu.memory_space<vmem>>, vector<16xi32>,
      %get3A_285 = vector.shape_cast %get3A_284 : vector<16xi32> to vector<16xi32>
      %mul3A_286 = arith.constant 17 : i32
      %mul3A_287 = vector.broadcast %mul3A_286 : i32 to vector<16xi32>
      %mul3A_288 = arith.muli %get3A_285, %mul3A_287 : vector<16xi32>
      %get3A_289 = arith.constant 64 : index
      %get3A_290 = tpu.vector_load %arg7[%get3A_289] {strides = array<i32>} : memref<128xi32, #tpu.memory_space<vmem>>, vector<16xi32>,
      %get3A_291 = vector.shape_cast %get3A_290 : vector<16xi32> to vector<16xi32>
      %add3A_292 = arith.addi %mul3A_288, %get3A_291 : vector<16xi32>
      %swap3A_293 = arith.constant 64 : index
      %swap3A_294 = tpu.vector_load %arg11[%swap3A_293] {strides = array<i32>} : memref<128xi32, #tpu.memory_space<vmem>>, vector<16xi32>,
      %swap3A_295 = vector.shape_cast %swap3A_294 : vector<16xi32> to vector<16xi32>
      %swap3A_296 = vector.shape_cast %add3A_292 : vector<16xi32> to vector<16xi32>
      tpu.vector_store %arg11[%swap3A_293], %swap3A_296 {strides = array<i32>} : memref<128xi32, #tpu.memory_space<vmem>>, vector<16xi32>,
      %get3A_297 = arith.constant 80 : index
      %get3A_298 = tpu.vector_load %arg6[%get3A_297] {strides = array<i32>} : memref<128xi32, #tpu.memory_space<vmem>>, vector<16xi32>,
      %get3A_299 = vector.shape_cast %get3A_298 : vector<16xi32> to vector<16xi32>
      %mul3A_300 = arith.constant 17 : i32
      %mul3A_301 = vector.broadcast %mul3A_300 : i32 to vector<16xi32>
      %mul3A_302 = arith.muli %get3A_299, %mul3A_301 : vector<16xi32>
      %get3A_303 = arith.constant 80 : index
      %get3A_304 = tpu.vector_load %arg7[%get3A_303] {strides = array<i32>} : memref<128xi32, #tpu.memory_space<vmem>>, vector<16xi32>,
      %get3A_305 = vector.shape_cast %get3A_304 : vector<16xi32> to vector<16xi32>
      %add3A_306 = arith.addi %mul3A_302, %get3A_305 : vector<16xi32>
      %swap3A_307 = arith.constant 80 : index
      %swap3A_308 = tpu.vector_load %arg11[%swap3A_307] {strides = array<i32>} : memref<128xi32, #tpu.memory_space<vmem>>, vector<16xi32>,
      %swap3A_309 = vector.shape_cast %swap3A_308 : vector<16xi32> to vector<16xi32>
      %swap3A_310 = vector.shape_cast %add3A_306 : vector<16xi32> to vector<16xi32>
      tpu.vector_store %arg11[%swap3A_307], %swap3A_310 {strides = array<i32>} : memref<128xi32, #tpu.memory_space<vmem>>, vector<16xi32>,
      %get3A_311 = arith.constant 96 : index
      %get3A_312 = tpu.vector_load %arg6[%get3A_311] {strides = array<i32>} : memref<128xi32, #tpu.memory_space<vmem>>, vector<16xi32>,
      %get3A_313 = vector.shape_cast %get3A_312 : vector<16xi32> to vector<16xi32>
      %mul3A_314 = arith.constant 17 : i32
      %mul3A_315 = vector.broadcast %mul3A_314 : i32 to vector<16xi32>
      %mul3A_316 = arith.muli %get3A_313, %mul3A_315 : vector<16xi32>
      %get3A_317 = arith.constant 96 : index
      %get3A_318 = tpu.vector_load %arg7[%get3A_317] {strides = array<i32>} : memref<128xi32, #tpu.memory_space<vmem>>, vector<16xi32>,
      %get3A_319 = vector.shape_cast %get3A_318 : vector<16xi32> to vector<16xi32>
      %add3A_320 = arith.addi %mul3A_316, %get3A_319 : vector<16xi32>
      %swap3A_321 = arith.constant 96 : index
      %swap3A_322 = tpu.vector_load %arg11[%swap3A_321] {strides = array<i32>} : memref<128xi32, #tpu.memory_space<vmem>>, vector<16xi32>,
      %swap3A_323 = vector.shape_cast %swap3A_322 : vector<16xi32> to vector<16xi32>
      %swap3A_324 = vector.shape_cast %add3A_320 : vector<16xi32> to vector<16xi32>
      tpu.vector_store %arg11[%swap3A_321], %swap3A_324 {strides = array<i32>} : memref<128xi32, #tpu.memory_space<vmem>>, vector<16xi32>,
      %get3A_325 = arith.constant 112 : index
      %get3A_326 = tpu.vector_load %arg6[%get3A_325] {strides = array<i32>} : memref<128xi32, #tpu.memory_space<vmem>>, vector<16xi32>,
      %get3A_327 = vector.shape_cast %get3A_326 : vector<16xi32> to vector<16xi32>
      %mul3A_328 = arith.constant 17 : i32
      %mul3A_329 = vector.broadcast %mul3A_328 : i32 to vector<16xi32>
      %mul3A_330 = arith.muli %get3A_327, %mul3A_329 : vector<16xi32>
      %get3A_331 = arith.constant 112 : index
      %get3A_332 = tpu.vector_load %arg7[%get3A_331] {strides = array<i32>} : memref<128xi32, #tpu.memory_space<vmem>>, vector<16xi32>,
      %get3A_333 = vector.shape_cast %get3A_332 : vector<16xi32> to vector<16xi32>
      %add3A_334 = arith.addi %mul3A_330, %get3A_333 : vector<16xi32>
      %swap3A_335 = arith.constant 112 : index
      %swap3A_336 = tpu.vector_load %arg11[%swap3A_335] {strides = array<i32>} : memref<128xi32, #tpu.memory_space<vmem>>, vector<16xi32>,
      %swap3A_337 = vector.shape_cast %swap3A_336 : vector<16xi32> to vector<16xi32>
      %swap3A_338 = vector.shape_cast %add3A_334 : vector<16xi32> to vector<16xi32>
      tpu.vector_store %arg11[%swap3A_335], %swap3A_338 {strides = array<i32>} : memref<128xi32, #tpu.memory_space<vmem>>, vector<16xi32>,
      %dma_wait3A = arith.constant 0 : i32
      %dma_wait3A_339 = arith.constant 0 : i32
      %dma_wait3A_340 = tpu.memref_slice %arg4[%dma_wait3A, %dma_wait3A_339] : memref<170000x128xf32, #tpu.memory_space<hbm>> -> memref<170000x128xf32, #tpu.memory_space<hbm>>
      tpu.wait_indirect_dma semaphore(%arg15 : memref<!tpu.dma_semaphore, #tpu.memory_space<semaphore_mem>>) src(%dma_wait3A_340 : memref<170000x128xf32, #tpu.memory_space<hbm>>) dst(%arg10 : memref<128x128xf32, #tpu.memory_space<vmem>>)
      %dma_start3A_341 = arith.constant 0 : i32
      %dma_start3A_342 = arith.constant 0 : i32
      %dma_start3A_343 = tpu.memref_slice %arg4[%dma_start3A_341, %dma_start3A_342] : memref<170000x128xf32, #tpu.memory_space<hbm>> -> memref<170000x128xf32, #tpu.memory_space<hbm>>
      tpu.enqueue_indirect_dma source(%dma_start3A_343 : memref<170000x128xf32, #tpu.memory_space<hbm>>) target(%arg13 : memref<128x128xf32, #tpu.memory_space<vmem>>) offsets(%arg11 : memref<128xi32, #tpu.memory_space<vmem>>) semaphore(%arg16 : memref<!tpu.dma_semaphore, #tpu.memory_space<semaphore_mem>>)
      "tpu.region"() ({
        %run_scoped3A_353 = tpu.sem_alloc : memref<!tpu.dma_semaphore, #tpu.memory_space<semaphore_mem>>
        %dma_start3A_354 = arith.constant 0 : i32
        %dma_start3A_355 = arith.constant 0 : i32
        %dma_start3A_356 = tpu.memref_slice %arg14[%dma_start3A_354, %dma_start3A_355] : memref<10240x128xf32, #tpu.memory_space<vmem_shared>> -> memref<10240x128xf32, #tpu.memory_space<vmem_shared>>
        tpu.enqueue_indirect_dma source(%arg10 : memref<128x128xf32, #tpu.memory_space<vmem>>) target(%dma_start3A_356 : memref<10240x128xf32, #tpu.memory_space<vmem_shared>>) offsets(%arg9 : memref<128xi32, #tpu.memory_space<vmem>>) semaphore(%run_scoped3A_353 : memref<!tpu.dma_semaphore, #tpu.memory_space<semaphore_mem>>) {add = true}
        %dma_wait3A_357 = arith.constant 0 : i32
        %dma_wait3A_358 = arith.constant 0 : i32
        %dma_wait3A_359 = tpu.memref_slice %arg14[%dma_wait3A_357, %dma_wait3A_358] : memref<10240x128xf32, #tpu.memory_space<vmem_shared>> -> memref<10240x128xf32, #tpu.memory_space<vmem_shared>>
        tpu.wait_indirect_dma semaphore(%run_scoped3A_353 : memref<!tpu.dma_semaphore, #tpu.memory_space<semaphore_mem>>) src(%arg10 : memref<128x128xf32, #tpu.memory_space<vmem>>) dst(%dma_wait3A_359 : memref<10240x128xf32, #tpu.memory_space<vmem_shared>>)
        tpu.yield
      }) : () -> ()
      %add3A_344 = arith.constant 1 : i32
      %add3A_345 = arith.addi %while3A_218, %add3A_344 : i32
      %lt3A = arith.cmpi slt, %add3A_345, %select_n3A_71 : i32
      %convert_element_type3A = arith.extui %lt3A : i1 to i32
      %cond3A = arith.constant 0 : i32
      %cond3A_346 = arith.cmpi ne, %convert_element_type3A, %cond3A : i32
      scf.if %cond3A_346 {
        %add3A_353 = arith.constant 2 : i32
        %add3A_354 = arith.addi %mul3A_220, %add3A_353 : i32
        %mul3A_355 = arith.constant 128 : i32
        %mul3A_356 = arith.muli %add3A_354, %mul3A_355 : i32
        %run_scoped3A_357 = arith.constant 0 : i32
        "tpu.region"() ({
          %run_scoped3A_471 = tpu.sem_alloc : memref<!tpu.dma_semaphore, #tpu.memory_space<semaphore_mem>>
          %dma_start3A_472 = tpu.memref_slice %arg2[%run_scoped3A_357, %mul3A_356] : memref<2x320000xi32, #tpu.memory_space<hbm>> -> memref<1x128xi32, #tpu.memory_space<hbm>>
          %dma_start3A_473 = tpu.memref_squeeze %dma_start3A_472 : memref<1x128xi32, #tpu.memory_space<hbm>> -> memref<128xi32, #tpu.memory_space<hbm>>
          %dma_start3A_474 = tpu.memref_slice %arg2[%run_scoped3A_357, %mul3A_356] : memref<2x320000xi32, #tpu.memory_space<hbm>> -> memref<1x128xi32, #tpu.memory_space<hbm>>
          %dma_start3A_475 = tpu.memref_squeeze %dma_start3A_474 : memref<1x128xi32, #tpu.memory_space<hbm>> -> memref<128xi32, #tpu.memory_space<hbm>>
          tpu.enqueue_dma source(%dma_start3A_475 : memref<128xi32, #tpu.memory_space<hbm>>) target(%arg6 : memref<128xi32, #tpu.memory_space<vmem>>) target_semaphore(%run_scoped3A_471 : memref<!tpu.dma_semaphore, #tpu.memory_space<semaphore_mem>>)
          %dma_wait3A_476 = tpu.memref_slice %arg2[%run_scoped3A_357, %mul3A_356] : memref<2x320000xi32, #tpu.memory_space<hbm>> -> memref<1x128xi32, #tpu.memory_space<hbm>>
          %dma_wait3A_477 = tpu.memref_squeeze %dma_wait3A_476 : memref<1x128xi32, #tpu.memory_space<hbm>> -> memref<128xi32, #tpu.memory_space<hbm>>
          %dma_wait3A_478 = tpu.memref_slice %arg2[%run_scoped3A_357, %mul3A_356] : memref<2x320000xi32, #tpu.memory_space<hbm>> -> memref<1x128xi32, #tpu.memory_space<hbm>>
          %dma_wait3A_479 = tpu.memref_squeeze %dma_wait3A_478 : memref<1x128xi32, #tpu.memory_space<hbm>> -> memref<128xi32, #tpu.memory_space<hbm>>
          tpu.wait_dma2 semaphore(%run_scoped3A_471 : memref<!tpu.dma_semaphore, #tpu.memory_space<semaphore_mem>>) src(%dma_wait3A_479 : memref<128xi32, #tpu.memory_space<hbm>>) dst(%arg6 : memref<128xi32, #tpu.memory_space<vmem>>)
          tpu.yield
        }) : () -> ()
        %run_scoped3A_358 = arith.constant 1 : i32
        "tpu.region"() ({
          %run_scoped3A_471 = tpu.sem_alloc : memref<!tpu.dma_semaphore, #tpu.memory_space<semaphore_mem>>
          %dma_start3A_472 = tpu.memref_slice %arg2[%run_scoped3A_358, %mul3A_356] : memref<2x320000xi32, #tpu.memory_space<hbm>> -> memref<1x128xi32, #tpu.memory_space<hbm>>
          %dma_start3A_473 = tpu.memref_squeeze %dma_start3A_472 : memref<1x128xi32, #tpu.memory_space<hbm>> -> memref<128xi32, #tpu.memory_space<hbm>>
          %dma_start3A_474 = tpu.memref_slice %arg2[%run_scoped3A_358, %mul3A_356] : memref<2x320000xi32, #tpu.memory_space<hbm>> -> memref<1x128xi32, #tpu.memory_space<hbm>>
          %dma_start3A_475 = tpu.memref_squeeze %dma_start3A_474 : memref<1x128xi32, #tpu.memory_space<hbm>> -> memref<128xi32, #tpu.memory_space<hbm>>
          tpu.enqueue_dma source(%dma_start3A_475 : memref<128xi32, #tpu.memory_space<hbm>>) target(%arg9 : memref<128xi32, #tpu.memory_space<vmem>>) target_semaphore(%run_scoped3A_471 : memref<!tpu.dma_semaphore, #tpu.memory_space<semaphore_mem>>)
          %dma_wait3A_476 = tpu.memref_slice %arg2[%run_scoped3A_358, %mul3A_356] : memref<2x320000xi32, #tpu.memory_space<hbm>> -> memref<1x128xi32, #tpu.memory_space<hbm>>
          %dma_wait3A_477 = tpu.memref_squeeze %dma_wait3A_476 : memref<1x128xi32, #tpu.memory_space<hbm>> -> memref<128xi32, #tpu.memory_space<hbm>>
          %dma_wait3A_478 = tpu.memref_slice %arg2[%run_scoped3A_358, %mul3A_356] : memref<2x320000xi32, #tpu.memory_space<hbm>> -> memref<1x128xi32, #tpu.memory_space<hbm>>
          %dma_wait3A_479 = tpu.memref_squeeze %dma_wait3A_478 : memref<1x128xi32, #tpu.memory_space<hbm>> -> memref<128xi32, #tpu.memory_space<hbm>>
          tpu.wait_dma2 semaphore(%run_scoped3A_471 : memref<!tpu.dma_semaphore, #tpu.memory_space<semaphore_mem>>) src(%dma_wait3A_479 : memref<128xi32, #tpu.memory_space<hbm>>) dst(%arg9 : memref<128xi32, #tpu.memory_space<vmem>>)
          tpu.yield
        }) : () -> ()
        "tpu.region"() ({
          %run_scoped3A_471 = tpu.sem_alloc : memref<!tpu.dma_semaphore, #tpu.memory_space<semaphore_mem>>
          %dma_start3A_472 = tpu.memref_slice %arg3[%mul3A_356] : memref<320000xi32, #tpu.memory_space<hbm>> -> memref<128xi32, #tpu.memory_space<hbm>>
          %dma_start3A_473 = tpu.memref_slice %arg3[%mul3A_356] : memref<320000xi32, #tpu.memory_space<hbm>> -> memref<128xi32, #tpu.memory_space<hbm>>
          tpu.enqueue_dma source(%dma_start3A_473 : memref<128xi32, #tpu.memory_space<hbm>>) target(%arg7 : memref<128xi32, #tpu.memory_space<vmem>>) target_semaphore(%run_scoped3A_471 : memref<!tpu.dma_semaphore, #tpu.memory_space<semaphore_mem>>)
          %dma_wait3A_474 = tpu.memref_slice %arg3[%mul3A_356] : memref<320000xi32, #tpu.memory_space<hbm>> -> memref<128xi32, #tpu.memory_space<hbm>>
          %dma_wait3A_475 = tpu.memref_slice %arg3[%mul3A_356] : memref<320000xi32, #tpu.memory_space<hbm>> -> memref<128xi32, #tpu.memory_space<hbm>>
          tpu.wait_dma2 semaphore(%run_scoped3A_471 : memref<!tpu.dma_semaphore, #tpu.memory_space<semaphore_mem>>) src(%dma_wait3A_475 : memref<128xi32, #tpu.memory_space<hbm>>) dst(%arg7 : memref<128xi32, #tpu.memory_space<vmem>>)
          tpu.yield
        }) : () -> ()
        %get3A_359 = arith.constant 0 : index
        %get3A_360 = tpu.vector_load %arg6[%get3A_359] {strides = array<i32>} : memref<128xi32, #tpu.memory_space<vmem>>, vector<16xi32>,
        %get3A_361 = vector.shape_cast %get3A_360 : vector<16xi32> to vector<16xi32>
        %mul3A_362 = arith.constant 17 : i32
        %mul3A_363 = vector.broadcast %mul3A_362 : i32 to vector<16xi32>
        %mul3A_364 = arith.muli %get3A_361, %mul3A_363 : vector<16xi32>
        %get3A_365 = arith.constant 0 : index
        %get3A_366 = tpu.vector_load %arg7[%get3A_365] {strides = array<i32>} : memref<128xi32, #tpu.memory_space<vmem>>, vector<16xi32>,
        %get3A_367 = vector.shape_cast %get3A_366 : vector<16xi32> to vector<16xi32>
        %add3A_368 = arith.addi %mul3A_364, %get3A_367 : vector<16xi32>
        %swap3A_369 = arith.constant 0 : index
        %swap3A_370 = tpu.vector_load %arg8[%swap3A_369] {strides = array<i32>} : memref<128xi32, #tpu.memory_space<vmem>>, vector<16xi32>,
        %swap3A_371 = vector.shape_cast %swap3A_370 : vector<16xi32> to vector<16xi32>
        %swap3A_372 = vector.shape_cast %add3A_368 : vector<16xi32> to vector<16xi32>
        tpu.vector_store %arg8[%swap3A_369], %swap3A_372 {strides = array<i32>} : memref<128xi32, #tpu.memory_space<vmem>>, vector<16xi32>,
        %get3A_373 = arith.constant 16 : index
        %get3A_374 = tpu.vector_load %arg6[%get3A_373] {strides = array<i32>} : memref<128xi32, #tpu.memory_space<vmem>>, vector<16xi32>,
        %get3A_375 = vector.shape_cast %get3A_374 : vector<16xi32> to vector<16xi32>
        %mul3A_376 = arith.constant 17 : i32
        %mul3A_377 = vector.broadcast %mul3A_376 : i32 to vector<16xi32>
        %mul3A_378 = arith.muli %get3A_375, %mul3A_377 : vector<16xi32>
        %get3A_379 = arith.constant 16 : index
        %get3A_380 = tpu.vector_load %arg7[%get3A_379] {strides = array<i32>} : memref<128xi32, #tpu.memory_space<vmem>>, vector<16xi32>,
        %get3A_381 = vector.shape_cast %get3A_380 : vector<16xi32> to vector<16xi32>
        %add3A_382 = arith.addi %mul3A_378, %get3A_381 : vector<16xi32>
        %swap3A_383 = arith.constant 16 : index
        %swap3A_384 = tpu.vector_load %arg8[%swap3A_383] {strides = array<i32>} : memref<128xi32, #tpu.memory_space<vmem>>, vector<16xi32>,
        %swap3A_385 = vector.shape_cast %swap3A_384 : vector<16xi32> to vector<16xi32>
        %swap3A_386 = vector.shape_cast %add3A_382 : vector<16xi32> to vector<16xi32>
        tpu.vector_store %arg8[%swap3A_383], %swap3A_386 {strides = array<i32>} : memref<128xi32, #tpu.memory_space<vmem>>, vector<16xi32>,
        %get3A_387 = arith.constant 32 : index
        %get3A_388 = tpu.vector_load %arg6[%get3A_387] {strides = array<i32>} : memref<128xi32, #tpu.memory_space<vmem>>, vector<16xi32>,
        %get3A_389 = vector.shape_cast %get3A_388 : vector<16xi32> to vector<16xi32>
        %mul3A_390 = arith.constant 17 : i32
        %mul3A_391 = vector.broadcast %mul3A_390 : i32 to vector<16xi32>
        %mul3A_392 = arith.muli %get3A_389, %mul3A_391 : vector<16xi32>
        %get3A_393 = arith.constant 32 : index
        %get3A_394 = tpu.vector_load %arg7[%get3A_393] {strides = array<i32>} : memref<128xi32, #tpu.memory_space<vmem>>, vector<16xi32>,
        %get3A_395 = vector.shape_cast %get3A_394 : vector<16xi32> to vector<16xi32>
        %add3A_396 = arith.addi %mul3A_392, %get3A_395 : vector<16xi32>
        %swap3A_397 = arith.constant 32 : index
        %swap3A_398 = tpu.vector_load %arg8[%swap3A_397] {strides = array<i32>} : memref<128xi32, #tpu.memory_space<vmem>>, vector<16xi32>,
        %swap3A_399 = vector.shape_cast %swap3A_398 : vector<16xi32> to vector<16xi32>
        %swap3A_400 = vector.shape_cast %add3A_396 : vector<16xi32> to vector<16xi32>
        tpu.vector_store %arg8[%swap3A_397], %swap3A_400 {strides = array<i32>} : memref<128xi32, #tpu.memory_space<vmem>>, vector<16xi32>,
        %get3A_401 = arith.constant 48 : index
        %get3A_402 = tpu.vector_load %arg6[%get3A_401] {strides = array<i32>} : memref<128xi32, #tpu.memory_space<vmem>>, vector<16xi32>,
        %get3A_403 = vector.shape_cast %get3A_402 : vector<16xi32> to vector<16xi32>
        %mul3A_404 = arith.constant 17 : i32
        %mul3A_405 = vector.broadcast %mul3A_404 : i32 to vector<16xi32>
        %mul3A_406 = arith.muli %get3A_403, %mul3A_405 : vector<16xi32>
        %get3A_407 = arith.constant 48 : index
        %get3A_408 = tpu.vector_load %arg7[%get3A_407] {strides = array<i32>} : memref<128xi32, #tpu.memory_space<vmem>>, vector<16xi32>,
        %get3A_409 = vector.shape_cast %get3A_408 : vector<16xi32> to vector<16xi32>
        %add3A_410 = arith.addi %mul3A_406, %get3A_409 : vector<16xi32>
        %swap3A_411 = arith.constant 48 : index
        %swap3A_412 = tpu.vector_load %arg8[%swap3A_411] {strides = array<i32>} : memref<128xi32, #tpu.memory_space<vmem>>, vector<16xi32>,
        %swap3A_413 = vector.shape_cast %swap3A_412 : vector<16xi32> to vector<16xi32>
        %swap3A_414 = vector.shape_cast %add3A_410 : vector<16xi32> to vector<16xi32>
        tpu.vector_store %arg8[%swap3A_411], %swap3A_414 {strides = array<i32>} : memref<128xi32, #tpu.memory_space<vmem>>, vector<16xi32>,
        %get3A_415 = arith.constant 64 : index
        %get3A_416 = tpu.vector_load %arg6[%get3A_415] {strides = array<i32>} : memref<128xi32, #tpu.memory_space<vmem>>, vector<16xi32>,
        %get3A_417 = vector.shape_cast %get3A_416 : vector<16xi32> to vector<16xi32>
        %mul3A_418 = arith.constant 17 : i32
        %mul3A_419 = vector.broadcast %mul3A_418 : i32 to vector<16xi32>
        %mul3A_420 = arith.muli %get3A_417, %mul3A_419 : vector<16xi32>
        %get3A_421 = arith.constant 64 : index
        %get3A_422 = tpu.vector_load %arg7[%get3A_421] {strides = array<i32>} : memref<128xi32, #tpu.memory_space<vmem>>, vector<16xi32>,
        %get3A_423 = vector.shape_cast %get3A_422 : vector<16xi32> to vector<16xi32>
        %add3A_424 = arith.addi %mul3A_420, %get3A_423 : vector<16xi32>
        %swap3A_425 = arith.constant 64 : index
        %swap3A_426 = tpu.vector_load %arg8[%swap3A_425] {strides = array<i32>} : memref<128xi32, #tpu.memory_space<vmem>>, vector<16xi32>,
        %swap3A_427 = vector.shape_cast %swap3A_426 : vector<16xi32> to vector<16xi32>
        %swap3A_428 = vector.shape_cast %add3A_424 : vector<16xi32> to vector<16xi32>
        tpu.vector_store %arg8[%swap3A_425], %swap3A_428 {strides = array<i32>} : memref<128xi32, #tpu.memory_space<vmem>>, vector<16xi32>,
        %get3A_429 = arith.constant 80 : index
        %get3A_430 = tpu.vector_load %arg6[%get3A_429] {strides = array<i32>} : memref<128xi32, #tpu.memory_space<vmem>>, vector<16xi32>,
        %get3A_431 = vector.shape_cast %get3A_430 : vector<16xi32> to vector<16xi32>
        %mul3A_432 = arith.constant 17 : i32
        %mul3A_433 = vector.broadcast %mul3A_432 : i32 to vector<16xi32>
        %mul3A_434 = arith.muli %get3A_431, %mul3A_433 : vector<16xi32>
        %get3A_435 = arith.constant 80 : index
        %get3A_436 = tpu.vector_load %arg7[%get3A_435] {strides = array<i32>} : memref<128xi32, #tpu.memory_space<vmem>>, vector<16xi32>,
        %get3A_437 = vector.shape_cast %get3A_436 : vector<16xi32> to vector<16xi32>
        %add3A_438 = arith.addi %mul3A_434, %get3A_437 : vector<16xi32>
        %swap3A_439 = arith.constant 80 : index
        %swap3A_440 = tpu.vector_load %arg8[%swap3A_439] {strides = array<i32>} : memref<128xi32, #tpu.memory_space<vmem>>, vector<16xi32>,
        %swap3A_441 = vector.shape_cast %swap3A_440 : vector<16xi32> to vector<16xi32>
        %swap3A_442 = vector.shape_cast %add3A_438 : vector<16xi32> to vector<16xi32>
        tpu.vector_store %arg8[%swap3A_439], %swap3A_442 {strides = array<i32>} : memref<128xi32, #tpu.memory_space<vmem>>, vector<16xi32>,
        %get3A_443 = arith.constant 96 : index
        %get3A_444 = tpu.vector_load %arg6[%get3A_443] {strides = array<i32>} : memref<128xi32, #tpu.memory_space<vmem>>, vector<16xi32>,
        %get3A_445 = vector.shape_cast %get3A_444 : vector<16xi32> to vector<16xi32>
        %mul3A_446 = arith.constant 17 : i32
        %mul3A_447 = vector.broadcast %mul3A_446 : i32 to vector<16xi32>
        %mul3A_448 = arith.muli %get3A_445, %mul3A_447 : vector<16xi32>
        %get3A_449 = arith.constant 96 : index
        %get3A_450 = tpu.vector_load %arg7[%get3A_449] {strides = array<i32>} : memref<128xi32, #tpu.memory_space<vmem>>, vector<16xi32>,
        %get3A_451 = vector.shape_cast %get3A_450 : vector<16xi32> to vector<16xi32>
        %add3A_452 = arith.addi %mul3A_448, %get3A_451 : vector<16xi32>
        %swap3A_453 = arith.constant 96 : index
        %swap3A_454 = tpu.vector_load %arg8[%swap3A_453] {strides = array<i32>} : memref<128xi32, #tpu.memory_space<vmem>>, vector<16xi32>,
        %swap3A_455 = vector.shape_cast %swap3A_454 : vector<16xi32> to vector<16xi32>
        %swap3A_456 = vector.shape_cast %add3A_452 : vector<16xi32> to vector<16xi32>
        tpu.vector_store %arg8[%swap3A_453], %swap3A_456 {strides = array<i32>} : memref<128xi32, #tpu.memory_space<vmem>>, vector<16xi32>,
        %get3A_457 = arith.constant 112 : index
        %get3A_458 = tpu.vector_load %arg6[%get3A_457] {strides = array<i32>} : memref<128xi32, #tpu.memory_space<vmem>>, vector<16xi32>,
        %get3A_459 = vector.shape_cast %get3A_458 : vector<16xi32> to vector<16xi32>
        %mul3A_460 = arith.constant 17 : i32
        %mul3A_461 = vector.broadcast %mul3A_460 : i32 to vector<16xi32>
        %mul3A_462 = arith.muli %get3A_459, %mul3A_461 : vector<16xi32>
        %get3A_463 = arith.constant 112 : index
        %get3A_464 = tpu.vector_load %arg7[%get3A_463] {strides = array<i32>} : memref<128xi32, #tpu.memory_space<vmem>>, vector<16xi32>,
        %get3A_465 = vector.shape_cast %get3A_464 : vector<16xi32> to vector<16xi32>
        %add3A_466 = arith.addi %mul3A_462, %get3A_465 : vector<16xi32>
        %swap3A_467 = arith.constant 112 : index
        %swap3A_468 = tpu.vector_load %arg8[%swap3A_467] {strides = array<i32>} : memref<128xi32, #tpu.memory_space<vmem>>, vector<16xi32>,
        %swap3A_469 = vector.shape_cast %swap3A_468 : vector<16xi32> to vector<16xi32>
        %swap3A_470 = vector.shape_cast %add3A_466 : vector<16xi32> to vector<16xi32>
        tpu.vector_store %arg8[%swap3A_467], %swap3A_470 {strides = array<i32>} : memref<128xi32, #tpu.memory_space<vmem>>, vector<16xi32>,
      } else {
      }
      %dma_wait3A_347 = arith.constant 0 : i32
      %dma_wait3A_348 = arith.constant 0 : i32
      %dma_wait3A_349 = tpu.memref_slice %arg4[%dma_wait3A_347, %dma_wait3A_348] : memref<170000x128xf32, #tpu.memory_space<hbm>> -> memref<170000x128xf32, #tpu.memory_space<hbm>>
      tpu.wait_indirect_dma semaphore(%arg16 : memref<!tpu.dma_semaphore, #tpu.memory_space<semaphore_mem>>) src(%dma_wait3A_349 : memref<170000x128xf32, #tpu.memory_space<hbm>>) dst(%arg13 : memref<128x128xf32, #tpu.memory_space<vmem>>)
      %convert_element_type3A_350 = arith.extui %lt3A : i1 to i32
      %cond3A_351 = arith.constant 0 : i32
      %cond3A_352 = arith.cmpi ne, %convert_element_type3A_350, %cond3A_351 : i32
      scf.if %cond3A_352 {
        %dma_start3A_353 = arith.constant 0 : i32
        %dma_start3A_354 = arith.constant 0 : i32
        %dma_start3A_355 = tpu.memref_slice %arg4[%dma_start3A_353, %dma_start3A_354] : memref<170000x128xf32, #tpu.memory_space<hbm>> -> memref<170000x128xf32, #tpu.memory_space<hbm>>
        tpu.enqueue_indirect_dma source(%dma_start3A_355 : memref<170000x128xf32, #tpu.memory_space<hbm>>) target(%arg10 : memref<128x128xf32, #tpu.memory_space<vmem>>) offsets(%arg8 : memref<128xi32, #tpu.memory_space<vmem>>) semaphore(%arg15 : memref<!tpu.dma_semaphore, #tpu.memory_space<semaphore_mem>>)
      } else {
      }
      "tpu.region"() ({
        %run_scoped3A_353 = tpu.sem_alloc : memref<!tpu.dma_semaphore, #tpu.memory_space<semaphore_mem>>
        %dma_start3A_354 = arith.constant 0 : i32
        %dma_start3A_355 = arith.constant 0 : i32
        %dma_start3A_356 = tpu.memref_slice %arg14[%dma_start3A_354, %dma_start3A_355] : memref<10240x128xf32, #tpu.memory_space<vmem_shared>> -> memref<10240x128xf32, #tpu.memory_space<vmem_shared>>
        tpu.enqueue_indirect_dma source(%arg13 : memref<128x128xf32, #tpu.memory_space<vmem>>) target(%dma_start3A_356 : memref<10240x128xf32, #tpu.memory_space<vmem_shared>>) offsets(%arg12 : memref<128xi32, #tpu.memory_space<vmem>>) semaphore(%run_scoped3A_353 : memref<!tpu.dma_semaphore, #tpu.memory_space<semaphore_mem>>) {add = true}
        %dma_wait3A_357 = arith.constant 0 : i32
        %dma_wait3A_358 = arith.constant 0 : i32
        %dma_wait3A_359 = tpu.memref_slice %arg14[%dma_wait3A_357, %dma_wait3A_358] : memref<10240x128xf32, #tpu.memory_space<vmem_shared>> -> memref<10240x128xf32, #tpu.memory_space<vmem_shared>>
        tpu.wait_indirect_dma semaphore(%run_scoped3A_353 : memref<!tpu.dma_semaphore, #tpu.memory_space<semaphore_mem>>) src(%arg13 : memref<128x128xf32, #tpu.memory_space<vmem>>) dst(%dma_wait3A_359 : memref<10240x128xf32, #tpu.memory_space<vmem_shared>>)
        tpu.yield
      }) : () -> ()
    }
    %while3A_196 = arith.constant 1 : i32
    scf.for %while3A_218 = %while3A_194 to %while3A_190 step %while3A_196  : i32 {
      %mul3A_219 = arith.constant 2 : i32
      %mul3A_220 = arith.muli %mul3A_219, %while3A_218 : i32
      %add3A_221 = arith.constant 1 : i32
      %add3A_222 = arith.addi %mul3A_220, %add3A_221 : i32
      %mul3A_223 = arith.constant 128 : i32
      %mul3A_224 = arith.muli %add3A_222, %mul3A_223 : i32
      %run_scoped3A_225 = arith.constant 0 : i32
      "tpu.region"() ({
        %run_scoped3A_353 = tpu.sem_alloc : memref<!tpu.dma_semaphore, #tpu.memory_space<semaphore_mem>>
        %dma_start3A_354 = tpu.memref_slice %arg2[%run_scoped3A_225, %mul3A_224] : memref<2x320000xi32, #tpu.memory_space<hbm>> -> memref<1x128xi32, #tpu.memory_space<hbm>>
        %dma_start3A_355 = tpu.memref_squeeze %dma_start3A_354 : memref<1x128xi32, #tpu.memory_space<hbm>> -> memref<128xi32, #tpu.memory_space<hbm>>
        %dma_start3A_356 = tpu.memref_slice %arg2[%run_scoped3A_225, %mul3A_224] : memref<2x320000xi32, #tpu.memory_space<hbm>> -> memref<1x128xi32, #tpu.memory_space<hbm>>
        %dma_start3A_357 = tpu.memref_squeeze %dma_start3A_356 : memref<1x128xi32, #tpu.memory_space<hbm>> -> memref<128xi32, #tpu.memory_space<hbm>>
        tpu.enqueue_dma source(%dma_start3A_357 : memref<128xi32, #tpu.memory_space<hbm>>) target(%arg6 : memref<128xi32, #tpu.memory_space<vmem>>) target_semaphore(%run_scoped3A_353 : memref<!tpu.dma_semaphore, #tpu.memory_space<semaphore_mem>>)
        %dma_wait3A_358 = tpu.memref_slice %arg2[%run_scoped3A_225, %mul3A_224] : memref<2x320000xi32, #tpu.memory_space<hbm>> -> memref<1x128xi32, #tpu.memory_space<hbm>>
        %dma_wait3A_359 = tpu.memref_squeeze %dma_wait3A_358 : memref<1x128xi32, #tpu.memory_space<hbm>> -> memref<128xi32, #tpu.memory_space<hbm>>
        %dma_wait3A_360 = tpu.memref_slice %arg2[%run_scoped3A_225, %mul3A_224] : memref<2x320000xi32, #tpu.memory_space<hbm>> -> memref<1x128xi32, #tpu.memory_space<hbm>>
        %dma_wait3A_361 = tpu.memref_squeeze %dma_wait3A_360 : memref<1x128xi32, #tpu.memory_space<hbm>> -> memref<128xi32, #tpu.memory_space<hbm>>
        tpu.wait_dma2 semaphore(%run_scoped3A_353 : memref<!tpu.dma_semaphore, #tpu.memory_space<semaphore_mem>>) src(%dma_wait3A_361 : memref<128xi32, #tpu.memory_space<hbm>>) dst(%arg6 : memref<128xi32, #tpu.memory_space<vmem>>)
        tpu.yield
      }) : () -> ()
      %run_scoped3A_226 = arith.constant 1 : i32
      "tpu.region"() ({
        %run_scoped3A_353 = tpu.sem_alloc : memref<!tpu.dma_semaphore, #tpu.memory_space<semaphore_mem>>
        %dma_start3A_354 = tpu.memref_slice %arg2[%run_scoped3A_226, %mul3A_224] : memref<2x320000xi32, #tpu.memory_space<hbm>> -> memref<1x128xi32, #tpu.memory_space<hbm>>
        %dma_start3A_355 = tpu.memref_squeeze %dma_start3A_354 : memref<1x128xi32, #tpu.memory_space<hbm>> -> memref<128xi32, #tpu.memory_space<hbm>>
        %dma_start3A_356 = tpu.memref_slice %arg2[%run_scoped3A_226, %mul3A_224] : memref<2x320000xi32, #tpu.memory_space<hbm>> -> memref<1x128xi32, #tpu.memory_space<hbm>>
        %dma_start3A_357 = tpu.memref_squeeze %dma_start3A_356 : memref<1x128xi32, #tpu.memory_space<hbm>> -> memref<128xi32, #tpu.memory_space<hbm>>
        tpu.enqueue_dma source(%dma_start3A_357 : memref<128xi32, #tpu.memory_space<hbm>>) target(%arg12 : memref<128xi32, #tpu.memory_space<vmem>>) target_semaphore(%run_scoped3A_353 : memref<!tpu.dma_semaphore, #tpu.memory_space<semaphore_mem>>)
        %dma_wait3A_358 = tpu.memref_slice %arg2[%run_scoped3A_226, %mul3A_224] : memref<2x320000xi32, #tpu.memory_space<hbm>> -> memref<1x128xi32, #tpu.memory_space<hbm>>
        %dma_wait3A_359 = tpu.memref_squeeze %dma_wait3A_358 : memref<1x128xi32, #tpu.memory_space<hbm>> -> memref<128xi32, #tpu.memory_space<hbm>>
        %dma_wait3A_360 = tpu.memref_slice %arg2[%run_scoped3A_226, %mul3A_224] : memref<2x320000xi32, #tpu.memory_space<hbm>> -> memref<1x128xi32, #tpu.memory_space<hbm>>
        %dma_wait3A_361 = tpu.memref_squeeze %dma_wait3A_360 : memref<1x128xi32, #tpu.memory_space<hbm>> -> memref<128xi32, #tpu.memory_space<hbm>>
        tpu.wait_dma2 semaphore(%run_scoped3A_353 : memref<!tpu.dma_semaphore, #tpu.memory_space<semaphore_mem>>) src(%dma_wait3A_361 : memref<128xi32, #tpu.memory_space<hbm>>) dst(%arg12 : memref<128xi32, #tpu.memory_space<vmem>>)
        tpu.yield
      }) : () -> ()
      "tpu.region"() ({
        %run_scoped3A_353 = tpu.sem_alloc : memref<!tpu.dma_semaphore, #tpu.memory_space<semaphore_mem>>
        %dma_start3A_354 = tpu.memref_slice %arg3[%mul3A_224] : memref<320000xi32, #tpu.memory_space<hbm>> -> memref<128xi32, #tpu.memory_space<hbm>>
        %dma_start3A_355 = tpu.memref_slice %arg3[%mul3A_224] : memref<320000xi32, #tpu.memory_space<hbm>> -> memref<128xi32, #tpu.memory_space<hbm>>
        tpu.enqueue_dma source(%dma_start3A_355 : memref<128xi32, #tpu.memory_space<hbm>>) target(%arg7 : memref<128xi32, #tpu.memory_space<vmem>>) target_semaphore(%run_scoped3A_353 : memref<!tpu.dma_semaphore, #tpu.memory_space<semaphore_mem>>)
        %dma_wait3A_356 = tpu.memref_slice %arg3[%mul3A_224] : memref<320000xi32, #tpu.memory_space<hbm>> -> memref<128xi32, #tpu.memory_space<hbm>>
        %dma_wait3A_357 = tpu.memref_slice %arg3[%mul3A_224] : memref<320000xi32, #tpu.memory_space<hbm>> -> memref<128xi32, #tpu.memory_space<hbm>>
        tpu.wait_dma2 semaphore(%run_scoped3A_353 : memref<!tpu.dma_semaphore, #tpu.memory_space<semaphore_mem>>) src(%dma_wait3A_357 : memref<128xi32, #tpu.memory_space<hbm>>) dst(%arg7 : memref<128xi32, #tpu.memory_space<vmem>>)
        tpu.yield
      }) : () -> ()
      %get3A_227 = arith.constant 0 : index
      %get3A_228 = tpu.vector_load %arg6[%get3A_227] {strides = array<i32>} : memref<128xi32, #tpu.memory_space<vmem>>, vector<16xi32>,
      %get3A_229 = vector.shape_cast %get3A_228 : vector<16xi32> to vector<16xi32>
      %mul3A_230 = arith.constant 17 : i32
      %mul3A_231 = vector.broadcast %mul3A_230 : i32 to vector<16xi32>
      %mul3A_232 = arith.muli %get3A_229, %mul3A_231 : vector<16xi32>
      %get3A_233 = arith.constant 0 : index
      %get3A_234 = tpu.vector_load %arg7[%get3A_233] {strides = array<i32>} : memref<128xi32, #tpu.memory_space<vmem>>, vector<16xi32>,
      %get3A_235 = vector.shape_cast %get3A_234 : vector<16xi32> to vector<16xi32>
      %add3A_236 = arith.addi %mul3A_232, %get3A_235 : vector<16xi32>
      %swap3A_237 = arith.constant 0 : index
      %swap3A_238 = tpu.vector_load %arg11[%swap3A_237] {strides = array<i32>} : memref<128xi32, #tpu.memory_space<vmem>>, vector<16xi32>,
      %swap3A_239 = vector.shape_cast %swap3A_238 : vector<16xi32> to vector<16xi32>
      %swap3A_240 = vector.shape_cast %add3A_236 : vector<16xi32> to vector<16xi32>
      tpu.vector_store %arg11[%swap3A_237], %swap3A_240 {strides = array<i32>} : memref<128xi32, #tpu.memory_space<vmem>>, vector<16xi32>,
      %get3A_241 = arith.constant 16 : index
      %get3A_242 = tpu.vector_load %arg6[%get3A_241] {strides = array<i32>} : memref<128xi32, #tpu.memory_space<vmem>>, vector<16xi32>,
      %get3A_243 = vector.shape_cast %get3A_242 : vector<16xi32> to vector<16xi32>
      %mul3A_244 = arith.constant 17 : i32
      %mul3A_245 = vector.broadcast %mul3A_244 : i32 to vector<16xi32>
      %mul3A_246 = arith.muli %get3A_243, %mul3A_245 : vector<16xi32>
      %get3A_247 = arith.constant 16 : index
      %get3A_248 = tpu.vector_load %arg7[%get3A_247] {strides = array<i32>} : memref<128xi32, #tpu.memory_space<vmem>>, vector<16xi32>,
      %get3A_249 = vector.shape_cast %get3A_248 : vector<16xi32> to vector<16xi32>
      %add3A_250 = arith.addi %mul3A_246, %get3A_249 : vector<16xi32>
      %swap3A_251 = arith.constant 16 : index
      %swap3A_252 = tpu.vector_load %arg11[%swap3A_251] {strides = array<i32>} : memref<128xi32, #tpu.memory_space<vmem>>, vector<16xi32>,
      %swap3A_253 = vector.shape_cast %swap3A_252 : vector<16xi32> to vector<16xi32>
      %swap3A_254 = vector.shape_cast %add3A_250 : vector<16xi32> to vector<16xi32>
      tpu.vector_store %arg11[%swap3A_251], %swap3A_254 {strides = array<i32>} : memref<128xi32, #tpu.memory_space<vmem>>, vector<16xi32>,
      %get3A_255 = arith.constant 32 : index
      %get3A_256 = tpu.vector_load %arg6[%get3A_255] {strides = array<i32>} : memref<128xi32, #tpu.memory_space<vmem>>, vector<16xi32>,
      %get3A_257 = vector.shape_cast %get3A_256 : vector<16xi32> to vector<16xi32>
      %mul3A_258 = arith.constant 17 : i32
      %mul3A_259 = vector.broadcast %mul3A_258 : i32 to vector<16xi32>
      %mul3A_260 = arith.muli %get3A_257, %mul3A_259 : vector<16xi32>
      %get3A_261 = arith.constant 32 : index
      %get3A_262 = tpu.vector_load %arg7[%get3A_261] {strides = array<i32>} : memref<128xi32, #tpu.memory_space<vmem>>, vector<16xi32>,
      %get3A_263 = vector.shape_cast %get3A_262 : vector<16xi32> to vector<16xi32>
      %add3A_264 = arith.addi %mul3A_260, %get3A_263 : vector<16xi32>
      %swap3A_265 = arith.constant 32 : index
      %swap3A_266 = tpu.vector_load %arg11[%swap3A_265] {strides = array<i32>} : memref<128xi32, #tpu.memory_space<vmem>>, vector<16xi32>,
      %swap3A_267 = vector.shape_cast %swap3A_266 : vector<16xi32> to vector<16xi32>
      %swap3A_268 = vector.shape_cast %add3A_264 : vector<16xi32> to vector<16xi32>
      tpu.vector_store %arg11[%swap3A_265], %swap3A_268 {strides = array<i32>} : memref<128xi32, #tpu.memory_space<vmem>>, vector<16xi32>,
      %get3A_269 = arith.constant 48 : index
      %get3A_270 = tpu.vector_load %arg6[%get3A_269] {strides = array<i32>} : memref<128xi32, #tpu.memory_space<vmem>>, vector<16xi32>,
      %get3A_271 = vector.shape_cast %get3A_270 : vector<16xi32> to vector<16xi32>
      %mul3A_272 = arith.constant 17 : i32
      %mul3A_273 = vector.broadcast %mul3A_272 : i32 to vector<16xi32>
      %mul3A_274 = arith.muli %get3A_271, %mul3A_273 : vector<16xi32>
      %get3A_275 = arith.constant 48 : index
      %get3A_276 = tpu.vector_load %arg7[%get3A_275] {strides = array<i32>} : memref<128xi32, #tpu.memory_space<vmem>>, vector<16xi32>,
      %get3A_277 = vector.shape_cast %get3A_276 : vector<16xi32> to vector<16xi32>
      %add3A_278 = arith.addi %mul3A_274, %get3A_277 : vector<16xi32>
      %swap3A_279 = arith.constant 48 : index
      %swap3A_280 = tpu.vector_load %arg11[%swap3A_279] {strides = array<i32>} : memref<128xi32, #tpu.memory_space<vmem>>, vector<16xi32>,
      %swap3A_281 = vector.shape_cast %swap3A_280 : vector<16xi32> to vector<16xi32>
      %swap3A_282 = vector.shape_cast %add3A_278 : vector<16xi32> to vector<16xi32>
      tpu.vector_store %arg11[%swap3A_279], %swap3A_282 {strides = array<i32>} : memref<128xi32, #tpu.memory_space<vmem>>, vector<16xi32>,
      %get3A_283 = arith.constant 64 : index
      %get3A_284 = tpu.vector_load %arg6[%get3A_283] {strides = array<i32>} : memref<128xi32, #tpu.memory_space<vmem>>, vector<16xi32>,
      %get3A_285 = vector.shape_cast %get3A_284 : vector<16xi32> to vector<16xi32>
      %mul3A_286 = arith.constant 17 : i32
      %mul3A_287 = vector.broadcast %mul3A_286 : i32 to vector<16xi32>
      %mul3A_288 = arith.muli %get3A_285, %mul3A_287 : vector<16xi32>
      %get3A_289 = arith.constant 64 : index
      %get3A_290 = tpu.vector_load %arg7[%get3A_289] {strides = array<i32>} : memref<128xi32, #tpu.memory_space<vmem>>, vector<16xi32>,
      %get3A_291 = vector.shape_cast %get3A_290 : vector<16xi32> to vector<16xi32>
      %add3A_292 = arith.addi %mul3A_288, %get3A_291 : vector<16xi32>
      %swap3A_293 = arith.constant 64 : index
      %swap3A_294 = tpu.vector_load %arg11[%swap3A_293] {strides = array<i32>} : memref<128xi32, #tpu.memory_space<vmem>>, vector<16xi32>,
      %swap3A_295 = vector.shape_cast %swap3A_294 : vector<16xi32> to vector<16xi32>
      %swap3A_296 = vector.shape_cast %add3A_292 : vector<16xi32> to vector<16xi32>
      tpu.vector_store %arg11[%swap3A_293], %swap3A_296 {strides = array<i32>} : memref<128xi32, #tpu.memory_space<vmem>>, vector<16xi32>,
      %get3A_297 = arith.constant 80 : index
      %get3A_298 = tpu.vector_load %arg6[%get3A_297] {strides = array<i32>} : memref<128xi32, #tpu.memory_space<vmem>>, vector<16xi32>,
      %get3A_299 = vector.shape_cast %get3A_298 : vector<16xi32> to vector<16xi32>
      %mul3A_300 = arith.constant 17 : i32
      %mul3A_301 = vector.broadcast %mul3A_300 : i32 to vector<16xi32>
      %mul3A_302 = arith.muli %get3A_299, %mul3A_301 : vector<16xi32>
      %get3A_303 = arith.constant 80 : index
      %get3A_304 = tpu.vector_load %arg7[%get3A_303] {strides = array<i32>} : memref<128xi32, #tpu.memory_space<vmem>>, vector<16xi32>,
      %get3A_305 = vector.shape_cast %get3A_304 : vector<16xi32> to vector<16xi32>
      %add3A_306 = arith.addi %mul3A_302, %get3A_305 : vector<16xi32>
      %swap3A_307 = arith.constant 80 : index
      %swap3A_308 = tpu.vector_load %arg11[%swap3A_307] {strides = array<i32>} : memref<128xi32, #tpu.memory_space<vmem>>, vector<16xi32>,
      %swap3A_309 = vector.shape_cast %swap3A_308 : vector<16xi32> to vector<16xi32>
      %swap3A_310 = vector.shape_cast %add3A_306 : vector<16xi32> to vector<16xi32>
      tpu.vector_store %arg11[%swap3A_307], %swap3A_310 {strides = array<i32>} : memref<128xi32, #tpu.memory_space<vmem>>, vector<16xi32>,
      %get3A_311 = arith.constant 96 : index
      %get3A_312 = tpu.vector_load %arg6[%get3A_311] {strides = array<i32>} : memref<128xi32, #tpu.memory_space<vmem>>, vector<16xi32>,
      %get3A_313 = vector.shape_cast %get3A_312 : vector<16xi32> to vector<16xi32>
      %mul3A_314 = arith.constant 17 : i32
      %mul3A_315 = vector.broadcast %mul3A_314 : i32 to vector<16xi32>
      %mul3A_316 = arith.muli %get3A_313, %mul3A_315 : vector<16xi32>
      %get3A_317 = arith.constant 96 : index
      %get3A_318 = tpu.vector_load %arg7[%get3A_317] {strides = array<i32>} : memref<128xi32, #tpu.memory_space<vmem>>, vector<16xi32>,
      %get3A_319 = vector.shape_cast %get3A_318 : vector<16xi32> to vector<16xi32>
      %add3A_320 = arith.addi %mul3A_316, %get3A_319 : vector<16xi32>
      %swap3A_321 = arith.constant 96 : index
      %swap3A_322 = tpu.vector_load %arg11[%swap3A_321] {strides = array<i32>} : memref<128xi32, #tpu.memory_space<vmem>>, vector<16xi32>,
      %swap3A_323 = vector.shape_cast %swap3A_322 : vector<16xi32> to vector<16xi32>
      %swap3A_324 = vector.shape_cast %add3A_320 : vector<16xi32> to vector<16xi32>
      tpu.vector_store %arg11[%swap3A_321], %swap3A_324 {strides = array<i32>} : memref<128xi32, #tpu.memory_space<vmem>>, vector<16xi32>,
      %get3A_325 = arith.constant 112 : index
      %get3A_326 = tpu.vector_load %arg6[%get3A_325] {strides = array<i32>} : memref<128xi32, #tpu.memory_space<vmem>>, vector<16xi32>,
      %get3A_327 = vector.shape_cast %get3A_326 : vector<16xi32> to vector<16xi32>
      %mul3A_328 = arith.constant 17 : i32
      %mul3A_329 = vector.broadcast %mul3A_328 : i32 to vector<16xi32>
      %mul3A_330 = arith.muli %get3A_327, %mul3A_329 : vector<16xi32>
      %get3A_331 = arith.constant 112 : index
      %get3A_332 = tpu.vector_load %arg7[%get3A_331] {strides = array<i32>} : memref<128xi32, #tpu.memory_space<vmem>>, vector<16xi32>,
      %get3A_333 = vector.shape_cast %get3A_332 : vector<16xi32> to vector<16xi32>
      %add3A_334 = arith.addi %mul3A_330, %get3A_333 : vector<16xi32>
      %swap3A_335 = arith.constant 112 : index
      %swap3A_336 = tpu.vector_load %arg11[%swap3A_335] {strides = array<i32>} : memref<128xi32, #tpu.memory_space<vmem>>, vector<16xi32>,
      %swap3A_337 = vector.shape_cast %swap3A_336 : vector<16xi32> to vector<16xi32>
      %swap3A_338 = vector.shape_cast %add3A_334 : vector<16xi32> to vector<16xi32>
      tpu.vector_store %arg11[%swap3A_335], %swap3A_338 {strides = array<i32>} : memref<128xi32, #tpu.memory_space<vmem>>, vector<16xi32>,
      %dma_wait3A = arith.constant 0 : i32
      %dma_wait3A_339 = arith.constant 0 : i32
      %dma_wait3A_340 = tpu.memref_slice %arg4[%dma_wait3A, %dma_wait3A_339] : memref<170000x128xf32, #tpu.memory_space<hbm>> -> memref<170000x128xf32, #tpu.memory_space<hbm>>
      tpu.wait_indirect_dma semaphore(%arg15 : memref<!tpu.dma_semaphore, #tpu.memory_space<semaphore_mem>>) src(%dma_wait3A_340 : memref<170000x128xf32, #tpu.memory_space<hbm>>) dst(%arg10 : memref<128x128xf32, #tpu.memory_space<vmem>>)
      %dma_start3A_341 = arith.constant 0 : i32
      %dma_start3A_342 = arith.constant 0 : i32
      %dma_start3A_343 = tpu.memref_slice %arg4[%dma_start3A_341, %dma_start3A_342] : memref<170000x128xf32, #tpu.memory_space<hbm>> -> memref<170000x128xf32, #tpu.memory_space<hbm>>
      tpu.enqueue_indirect_dma source(%dma_start3A_343 : memref<170000x128xf32, #tpu.memory_space<hbm>>) target(%arg13 : memref<128x128xf32, #tpu.memory_space<vmem>>) offsets(%arg11 : memref<128xi32, #tpu.memory_space<vmem>>) semaphore(%arg16 : memref<!tpu.dma_semaphore, #tpu.memory_space<semaphore_mem>>)
      "tpu.region"() ({
        %run_scoped3A_353 = tpu.sem_alloc : memref<!tpu.dma_semaphore, #tpu.memory_space<semaphore_mem>>
        %dma_start3A_354 = arith.constant 0 : i32
        %dma_start3A_355 = arith.constant 0 : i32
        %dma_start3A_356 = tpu.memref_slice %arg14[%dma_start3A_354, %dma_start3A_355] : memref<10240x128xf32, #tpu.memory_space<vmem_shared>> -> memref<10240x128xf32, #tpu.memory_space<vmem_shared>>
        tpu.enqueue_indirect_dma source(%arg10 : memref<128x128xf32, #tpu.memory_space<vmem>>) target(%dma_start3A_356 : memref<10240x128xf32, #tpu.memory_space<vmem_shared>>) offsets(%arg9 : memref<128xi32, #tpu.memory_space<vmem>>) semaphore(%run_scoped3A_353 : memref<!tpu.dma_semaphore, #tpu.memory_space<semaphore_mem>>) {add = true}
        %dma_wait3A_357 = arith.constant 0 : i32
        %dma_wait3A_358 = arith.constant 0 : i32
        %dma_wait3A_359 = tpu.memref_slice %arg14[%dma_wait3A_357, %dma_wait3A_358] : memref<10240x128xf32, #tpu.memory_space<vmem_shared>> -> memref<10240x128xf32, #tpu.memory_space<vmem_shared>>
        tpu.wait_indirect_dma semaphore(%run_scoped3A_353 : memref<!tpu.dma_semaphore, #tpu.memory_space<semaphore_mem>>) src(%arg10 : memref<128x128xf32, #tpu.memory_space<vmem>>) dst(%dma_wait3A_359 : memref<10240x128xf32, #tpu.memory_space<vmem_shared>>)
        tpu.yield
      }) : () -> ()
      %add3A_344 = arith.constant 1 : i32
      %add3A_345 = arith.addi %while3A_218, %add3A_344 : i32
      %lt3A = arith.cmpi slt, %add3A_345, %select_n3A_71 : i32
      %convert_element_type3A = arith.extui %lt3A : i1 to i32
      %cond3A = arith.constant 0 : i32
      %cond3A_346 = arith.cmpi ne, %convert_element_type3A, %cond3A : i32
      scf.if %cond3A_346 {
        %add3A_353 = arith.constant 2 : i32
        %add3A_354 = arith.addi %mul3A_220, %add3A_353 : i32
        %mul3A_355 = arith.constant 128 : i32
        %mul3A_356 = arith.muli %add3A_354, %mul3A_355 : i32
        %run_scoped3A_357 = arith.constant 0 : i32
        "tpu.region"() ({
          %run_scoped3A_471 = tpu.sem_alloc : memref<!tpu.dma_semaphore, #tpu.memory_space<semaphore_mem>>
          %dma_start3A_472 = tpu.memref_slice %arg2[%run_scoped3A_357, %mul3A_356] : memref<2x320000xi32, #tpu.memory_space<hbm>> -> memref<1x128xi32, #tpu.memory_space<hbm>>
          %dma_start3A_473 = tpu.memref_squeeze %dma_start3A_472 : memref<1x128xi32, #tpu.memory_space<hbm>> -> memref<128xi32, #tpu.memory_space<hbm>>
          %dma_start3A_474 = tpu.memref_slice %arg2[%run_scoped3A_357, %mul3A_356] : memref<2x320000xi32, #tpu.memory_space<hbm>> -> memref<1x128xi32, #tpu.memory_space<hbm>>
          %dma_start3A_475 = tpu.memref_squeeze %dma_start3A_474 : memref<1x128xi32, #tpu.memory_space<hbm>> -> memref<128xi32, #tpu.memory_space<hbm>>
          tpu.enqueue_dma source(%dma_start3A_475 : memref<128xi32, #tpu.memory_space<hbm>>) target(%arg6 : memref<128xi32, #tpu.memory_space<vmem>>) target_semaphore(%run_scoped3A_471 : memref<!tpu.dma_semaphore, #tpu.memory_space<semaphore_mem>>)
          %dma_wait3A_476 = tpu.memref_slice %arg2[%run_scoped3A_357, %mul3A_356] : memref<2x320000xi32, #tpu.memory_space<hbm>> -> memref<1x128xi32, #tpu.memory_space<hbm>>
          %dma_wait3A_477 = tpu.memref_squeeze %dma_wait3A_476 : memref<1x128xi32, #tpu.memory_space<hbm>> -> memref<128xi32, #tpu.memory_space<hbm>>
          %dma_wait3A_478 = tpu.memref_slice %arg2[%run_scoped3A_357, %mul3A_356] : memref<2x320000xi32, #tpu.memory_space<hbm>> -> memref<1x128xi32, #tpu.memory_space<hbm>>
          %dma_wait3A_479 = tpu.memref_squeeze %dma_wait3A_478 : memref<1x128xi32, #tpu.memory_space<hbm>> -> memref<128xi32, #tpu.memory_space<hbm>>
          tpu.wait_dma2 semaphore(%run_scoped3A_471 : memref<!tpu.dma_semaphore, #tpu.memory_space<semaphore_mem>>) src(%dma_wait3A_479 : memref<128xi32, #tpu.memory_space<hbm>>) dst(%arg6 : memref<128xi32, #tpu.memory_space<vmem>>)
          tpu.yield
        }) : () -> ()
        %run_scoped3A_358 = arith.constant 1 : i32
        "tpu.region"() ({
          %run_scoped3A_471 = tpu.sem_alloc : memref<!tpu.dma_semaphore, #tpu.memory_space<semaphore_mem>>
          %dma_start3A_472 = tpu.memref_slice %arg2[%run_scoped3A_358, %mul3A_356] : memref<2x320000xi32, #tpu.memory_space<hbm>> -> memref<1x128xi32, #tpu.memory_space<hbm>>
          %dma_start3A_473 = tpu.memref_squeeze %dma_start3A_472 : memref<1x128xi32, #tpu.memory_space<hbm>> -> memref<128xi32, #tpu.memory_space<hbm>>
          %dma_start3A_474 = tpu.memref_slice %arg2[%run_scoped3A_358, %mul3A_356] : memref<2x320000xi32, #tpu.memory_space<hbm>> -> memref<1x128xi32, #tpu.memory_space<hbm>>
          %dma_start3A_475 = tpu.memref_squeeze %dma_start3A_474 : memref<1x128xi32, #tpu.memory_space<hbm>> -> memref<128xi32, #tpu.memory_space<hbm>>
          tpu.enqueue_dma source(%dma_start3A_475 : memref<128xi32, #tpu.memory_space<hbm>>) target(%arg9 : memref<128xi32, #tpu.memory_space<vmem>>) target_semaphore(%run_scoped3A_471 : memref<!tpu.dma_semaphore, #tpu.memory_space<semaphore_mem>>)
          %dma_wait3A_476 = tpu.memref_slice %arg2[%run_scoped3A_358, %mul3A_356] : memref<2x320000xi32, #tpu.memory_space<hbm>> -> memref<1x128xi32, #tpu.memory_space<hbm>>
          %dma_wait3A_477 = tpu.memref_squeeze %dma_wait3A_476 : memref<1x128xi32, #tpu.memory_space<hbm>> -> memref<128xi32, #tpu.memory_space<hbm>>
          %dma_wait3A_478 = tpu.memref_slice %arg2[%run_scoped3A_358, %mul3A_356] : memref<2x320000xi32, #tpu.memory_space<hbm>> -> memref<1x128xi32, #tpu.memory_space<hbm>>
          %dma_wait3A_479 = tpu.memref_squeeze %dma_wait3A_478 : memref<1x128xi32, #tpu.memory_space<hbm>> -> memref<128xi32, #tpu.memory_space<hbm>>
          tpu.wait_dma2 semaphore(%run_scoped3A_471 : memref<!tpu.dma_semaphore, #tpu.memory_space<semaphore_mem>>) src(%dma_wait3A_479 : memref<128xi32, #tpu.memory_space<hbm>>) dst(%arg9 : memref<128xi32, #tpu.memory_space<vmem>>)
          tpu.yield
        }) : () -> ()
        "tpu.region"() ({
          %run_scoped3A_471 = tpu.sem_alloc : memref<!tpu.dma_semaphore, #tpu.memory_space<semaphore_mem>>
          %dma_start3A_472 = tpu.memref_slice %arg3[%mul3A_356] : memref<320000xi32, #tpu.memory_space<hbm>> -> memref<128xi32, #tpu.memory_space<hbm>>
          %dma_start3A_473 = tpu.memref_slice %arg3[%mul3A_356] : memref<320000xi32, #tpu.memory_space<hbm>> -> memref<128xi32, #tpu.memory_space<hbm>>
          tpu.enqueue_dma source(%dma_start3A_473 : memref<128xi32, #tpu.memory_space<hbm>>) target(%arg7 : memref<128xi32, #tpu.memory_space<vmem>>) target_semaphore(%run_scoped3A_471 : memref<!tpu.dma_semaphore, #tpu.memory_space<semaphore_mem>>)
          %dma_wait3A_474 = tpu.memref_slice %arg3[%mul3A_356] : memref<320000xi32, #tpu.memory_space<hbm>> -> memref<128xi32, #tpu.memory_space<hbm>>
          %dma_wait3A_475 = tpu.memref_slice %arg3[%mul3A_356] : memref<320000xi32, #tpu.memory_space<hbm>> -> memref<128xi32, #tpu.memory_space<hbm>>
          tpu.wait_dma2 semaphore(%run_scoped3A_471 : memref<!tpu.dma_semaphore, #tpu.memory_space<semaphore_mem>>) src(%dma_wait3A_475 : memref<128xi32, #tpu.memory_space<hbm>>) dst(%arg7 : memref<128xi32, #tpu.memory_space<vmem>>)
          tpu.yield
        }) : () -> ()
        %get3A_359 = arith.constant 0 : index
        %get3A_360 = tpu.vector_load %arg6[%get3A_359] {strides = array<i32>} : memref<128xi32, #tpu.memory_space<vmem>>, vector<16xi32>,
        %get3A_361 = vector.shape_cast %get3A_360 : vector<16xi32> to vector<16xi32>
        %mul3A_362 = arith.constant 17 : i32
        %mul3A_363 = vector.broadcast %mul3A_362 : i32 to vector<16xi32>
        %mul3A_364 = arith.muli %get3A_361, %mul3A_363 : vector<16xi32>
        %get3A_365 = arith.constant 0 : index
        %get3A_366 = tpu.vector_load %arg7[%get3A_365] {strides = array<i32>} : memref<128xi32, #tpu.memory_space<vmem>>, vector<16xi32>,
        %get3A_367 = vector.shape_cast %get3A_366 : vector<16xi32> to vector<16xi32>
        %add3A_368 = arith.addi %mul3A_364, %get3A_367 : vector<16xi32>
        %swap3A_369 = arith.constant 0 : index
        %swap3A_370 = tpu.vector_load %arg8[%swap3A_369] {strides = array<i32>} : memref<128xi32, #tpu.memory_space<vmem>>, vector<16xi32>,
        %swap3A_371 = vector.shape_cast %swap3A_370 : vector<16xi32> to vector<16xi32>
        %swap3A_372 = vector.shape_cast %add3A_368 : vector<16xi32> to vector<16xi32>
        tpu.vector_store %arg8[%swap3A_369], %swap3A_372 {strides = array<i32>} : memref<128xi32, #tpu.memory_space<vmem>>, vector<16xi32>,
        %get3A_373 = arith.constant 16 : index
        %get3A_374 = tpu.vector_load %arg6[%get3A_373] {strides = array<i32>} : memref<128xi32, #tpu.memory_space<vmem>>, vector<16xi32>,
        %get3A_375 = vector.shape_cast %get3A_374 : vector<16xi32> to vector<16xi32>
        %mul3A_376 = arith.constant 17 : i32
        %mul3A_377 = vector.broadcast %mul3A_376 : i32 to vector<16xi32>
        %mul3A_378 = arith.muli %get3A_375, %mul3A_377 : vector<16xi32>
        %get3A_379 = arith.constant 16 : index
        %get3A_380 = tpu.vector_load %arg7[%get3A_379] {strides = array<i32>} : memref<128xi32, #tpu.memory_space<vmem>>, vector<16xi32>,
        %get3A_381 = vector.shape_cast %get3A_380 : vector<16xi32> to vector<16xi32>
        %add3A_382 = arith.addi %mul3A_378, %get3A_381 : vector<16xi32>
        %swap3A_383 = arith.constant 16 : index
        %swap3A_384 = tpu.vector_load %arg8[%swap3A_383] {strides = array<i32>} : memref<128xi32, #tpu.memory_space<vmem>>, vector<16xi32>,
        %swap3A_385 = vector.shape_cast %swap3A_384 : vector<16xi32> to vector<16xi32>
        %swap3A_386 = vector.shape_cast %add3A_382 : vector<16xi32> to vector<16xi32>
        tpu.vector_store %arg8[%swap3A_383], %swap3A_386 {strides = array<i32>} : memref<128xi32, #tpu.memory_space<vmem>>, vector<16xi32>,
        %get3A_387 = arith.constant 32 : index
        %get3A_388 = tpu.vector_load %arg6[%get3A_387] {strides = array<i32>} : memref<128xi32, #tpu.memory_space<vmem>>, vector<16xi32>,
        %get3A_389 = vector.shape_cast %get3A_388 : vector<16xi32> to vector<16xi32>
        %mul3A_390 = arith.constant 17 : i32
        %mul3A_391 = vector.broadcast %mul3A_390 : i32 to vector<16xi32>
        %mul3A_392 = arith.muli %get3A_389, %mul3A_391 : vector<16xi32>
        %get3A_393 = arith.constant 32 : index
        %get3A_394 = tpu.vector_load %arg7[%get3A_393] {strides = array<i32>} : memref<128xi32, #tpu.memory_space<vmem>>, vector<16xi32>,
        %get3A_395 = vector.shape_cast %get3A_394 : vector<16xi32> to vector<16xi32>
        %add3A_396 = arith.addi %mul3A_392, %get3A_395 : vector<16xi32>
        %swap3A_397 = arith.constant 32 : index
        %swap3A_398 = tpu.vector_load %arg8[%swap3A_397] {strides = array<i32>} : memref<128xi32, #tpu.memory_space<vmem>>, vector<16xi32>,
        %swap3A_399 = vector.shape_cast %swap3A_398 : vector<16xi32> to vector<16xi32>
        %swap3A_400 = vector.shape_cast %add3A_396 : vector<16xi32> to vector<16xi32>
        tpu.vector_store %arg8[%swap3A_397], %swap3A_400 {strides = array<i32>} : memref<128xi32, #tpu.memory_space<vmem>>, vector<16xi32>,
        %get3A_401 = arith.constant 48 : index
        %get3A_402 = tpu.vector_load %arg6[%get3A_401] {strides = array<i32>} : memref<128xi32, #tpu.memory_space<vmem>>, vector<16xi32>,
        %get3A_403 = vector.shape_cast %get3A_402 : vector<16xi32> to vector<16xi32>
        %mul3A_404 = arith.constant 17 : i32
        %mul3A_405 = vector.broadcast %mul3A_404 : i32 to vector<16xi32>
        %mul3A_406 = arith.muli %get3A_403, %mul3A_405 : vector<16xi32>
        %get3A_407 = arith.constant 48 : index
        %get3A_408 = tpu.vector_load %arg7[%get3A_407] {strides = array<i32>} : memref<128xi32, #tpu.memory_space<vmem>>, vector<16xi32>,
        %get3A_409 = vector.shape_cast %get3A_408 : vector<16xi32> to vector<16xi32>
        %add3A_410 = arith.addi %mul3A_406, %get3A_409 : vector<16xi32>
        %swap3A_411 = arith.constant 48 : index
        %swap3A_412 = tpu.vector_load %arg8[%swap3A_411] {strides = array<i32>} : memref<128xi32, #tpu.memory_space<vmem>>, vector<16xi32>,
        %swap3A_413 = vector.shape_cast %swap3A_412 : vector<16xi32> to vector<16xi32>
        %swap3A_414 = vector.shape_cast %add3A_410 : vector<16xi32> to vector<16xi32>
        tpu.vector_store %arg8[%swap3A_411], %swap3A_414 {strides = array<i32>} : memref<128xi32, #tpu.memory_space<vmem>>, vector<16xi32>,
        %get3A_415 = arith.constant 64 : index
        %get3A_416 = tpu.vector_load %arg6[%get3A_415] {strides = array<i32>} : memref<128xi32, #tpu.memory_space<vmem>>, vector<16xi32>,
        %get3A_417 = vector.shape_cast %get3A_416 : vector<16xi32> to vector<16xi32>
        %mul3A_418 = arith.constant 17 : i32
        %mul3A_419 = vector.broadcast %mul3A_418 : i32 to vector<16xi32>
        %mul3A_420 = arith.muli %get3A_417, %mul3A_419 : vector<16xi32>
        %get3A_421 = arith.constant 64 : index
        %get3A_422 = tpu.vector_load %arg7[%get3A_421] {strides = array<i32>} : memref<128xi32, #tpu.memory_space<vmem>>, vector<16xi32>,
        %get3A_423 = vector.shape_cast %get3A_422 : vector<16xi32> to vector<16xi32>
        %add3A_424 = arith.addi %mul3A_420, %get3A_423 : vector<16xi32>
        %swap3A_425 = arith.constant 64 : index
        %swap3A_426 = tpu.vector_load %arg8[%swap3A_425] {strides = array<i32>} : memref<128xi32, #tpu.memory_space<vmem>>, vector<16xi32>,
        %swap3A_427 = vector.shape_cast %swap3A_426 : vector<16xi32> to vector<16xi32>
        %swap3A_428 = vector.shape_cast %add3A_424 : vector<16xi32> to vector<16xi32>
        tpu.vector_store %arg8[%swap3A_425], %swap3A_428 {strides = array<i32>} : memref<128xi32, #tpu.memory_space<vmem>>, vector<16xi32>,
        %get3A_429 = arith.constant 80 : index
        %get3A_430 = tpu.vector_load %arg6[%get3A_429] {strides = array<i32>} : memref<128xi32, #tpu.memory_space<vmem>>, vector<16xi32>,
        %get3A_431 = vector.shape_cast %get3A_430 : vector<16xi32> to vector<16xi32>
        %mul3A_432 = arith.constant 17 : i32
        %mul3A_433 = vector.broadcast %mul3A_432 : i32 to vector<16xi32>
        %mul3A_434 = arith.muli %get3A_431, %mul3A_433 : vector<16xi32>
        %get3A_435 = arith.constant 80 : index
        %get3A_436 = tpu.vector_load %arg7[%get3A_435] {strides = array<i32>} : memref<128xi32, #tpu.memory_space<vmem>>, vector<16xi32>,
        %get3A_437 = vector.shape_cast %get3A_436 : vector<16xi32> to vector<16xi32>
        %add3A_438 = arith.addi %mul3A_434, %get3A_437 : vector<16xi32>
        %swap3A_439 = arith.constant 80 : index
        %swap3A_440 = tpu.vector_load %arg8[%swap3A_439] {strides = array<i32>} : memref<128xi32, #tpu.memory_space<vmem>>, vector<16xi32>,
        %swap3A_441 = vector.shape_cast %swap3A_440 : vector<16xi32> to vector<16xi32>
        %swap3A_442 = vector.shape_cast %add3A_438 : vector<16xi32> to vector<16xi32>
        tpu.vector_store %arg8[%swap3A_439], %swap3A_442 {strides = array<i32>} : memref<128xi32, #tpu.memory_space<vmem>>, vector<16xi32>,
        %get3A_443 = arith.constant 96 : index
        %get3A_444 = tpu.vector_load %arg6[%get3A_443] {strides = array<i32>} : memref<128xi32, #tpu.memory_space<vmem>>, vector<16xi32>,
        %get3A_445 = vector.shape_cast %get3A_444 : vector<16xi32> to vector<16xi32>
        %mul3A_446 = arith.constant 17 : i32
        %mul3A_447 = vector.broadcast %mul3A_446 : i32 to vector<16xi32>
        %mul3A_448 = arith.muli %get3A_445, %mul3A_447 : vector<16xi32>
        %get3A_449 = arith.constant 96 : index
        %get3A_450 = tpu.vector_load %arg7[%get3A_449] {strides = array<i32>} : memref<128xi32, #tpu.memory_space<vmem>>, vector<16xi32>,
        %get3A_451 = vector.shape_cast %get3A_450 : vector<16xi32> to vector<16xi32>
        %add3A_452 = arith.addi %mul3A_448, %get3A_451 : vector<16xi32>
        %swap3A_453 = arith.constant 96 : index
        %swap3A_454 = tpu.vector_load %arg8[%swap3A_453] {strides = array<i32>} : memref<128xi32, #tpu.memory_space<vmem>>, vector<16xi32>,
        %swap3A_455 = vector.shape_cast %swap3A_454 : vector<16xi32> to vector<16xi32>
        %swap3A_456 = vector.shape_cast %add3A_452 : vector<16xi32> to vector<16xi32>
        tpu.vector_store %arg8[%swap3A_453], %swap3A_456 {strides = array<i32>} : memref<128xi32, #tpu.memory_space<vmem>>, vector<16xi32>,
        %get3A_457 = arith.constant 112 : index
        %get3A_458 = tpu.vector_load %arg6[%get3A_457] {strides = array<i32>} : memref<128xi32, #tpu.memory_space<vmem>>, vector<16xi32>,
        %get3A_459 = vector.shape_cast %get3A_458 : vector<16xi32> to vector<16xi32>
        %mul3A_460 = arith.constant 17 : i32
        %mul3A_461 = vector.broadcast %mul3A_460 : i32 to vector<16xi32>
        %mul3A_462 = arith.muli %get3A_459, %mul3A_461 : vector<16xi32>
        %get3A_463 = arith.constant 112 : index
        %get3A_464 = tpu.vector_load %arg7[%get3A_463] {strides = array<i32>} : memref<128xi32, #tpu.memory_space<vmem>>, vector<16xi32>,
        %get3A_465 = vector.shape_cast %get3A_464 : vector<16xi32> to vector<16xi32>
        %add3A_466 = arith.addi %mul3A_462, %get3A_465 : vector<16xi32>
        %swap3A_467 = arith.constant 112 : index
        %swap3A_468 = tpu.vector_load %arg8[%swap3A_467] {strides = array<i32>} : memref<128xi32, #tpu.memory_space<vmem>>, vector<16xi32>,
        %swap3A_469 = vector.shape_cast %swap3A_468 : vector<16xi32> to vector<16xi32>
        %swap3A_470 = vector.shape_cast %add3A_466 : vector<16xi32> to vector<16xi32>
        tpu.vector_store %arg8[%swap3A_467], %swap3A_470 {strides = array<i32>} : memref<128xi32, #tpu.memory_space<vmem>>, vector<16xi32>,
      } else {
      }
      %dma_wait3A_347 = arith.constant 0 : i32
      %dma_wait3A_348 = arith.constant 0 : i32
      %dma_wait3A_349 = tpu.memref_slice %arg4[%dma_wait3A_347, %dma_wait3A_348] : memref<170000x128xf32, #tpu.memory_space<hbm>> -> memref<170000x128xf32, #tpu.memory_space<hbm>>
      tpu.wait_indirect_dma semaphore(%arg16 : memref<!tpu.dma_semaphore, #tpu.memory_space<semaphore_mem>>) src(%dma_wait3A_349 : memref<170000x128xf32, #tpu.memory_space<hbm>>) dst(%arg13 : memref<128x128xf32, #tpu.memory_space<vmem>>)
      %convert_element_type3A_350 = arith.extui %lt3A : i1 to i32
      %cond3A_351 = arith.constant 0 : i32
      %cond3A_352 = arith.cmpi ne, %convert_element_type3A_350, %cond3A_351 : i32
      scf.if %cond3A_352 {
        %dma_start3A_353 = arith.constant 0 : i32
        %dma_start3A_354 = arith.constant 0 : i32
        %dma_start3A_355 = tpu.memref_slice %arg4[%dma_start3A_353, %dma_start3A_354] : memref<170000x128xf32, #tpu.memory_space<hbm>> -> memref<170000x128xf32, #tpu.memory_space<hbm>>
        tpu.enqueue_indirect_dma source(%dma_start3A_355 : memref<170000x128xf32, #tpu.memory_space<hbm>>) target(%arg10 : memref<128x128xf32, #tpu.memory_space<vmem>>) offsets(%arg8 : memref<128xi32, #tpu.memory_space<vmem>>) semaphore(%arg15 : memref<!tpu.dma_semaphore, #tpu.memory_space<semaphore_mem>>)
      } else {
      }
      "tpu.region"() ({
        %run_scoped3A_353 = tpu.sem_alloc : memref<!tpu.dma_semaphore, #tpu.memory_space<semaphore_mem>>
        %dma_start3A_354 = arith.constant 0 : i32
        %dma_start3A_355 = arith.constant 0 : i32
        %dma_start3A_356 = tpu.memref_slice %arg14[%dma_start3A_354, %dma_start3A_355] : memref<10240x128xf32, #tpu.memory_space<vmem_shared>> -> memref<10240x128xf32, #tpu.memory_space<vmem_shared>>
        tpu.enqueue_indirect_dma source(%arg13 : memref<128x128xf32, #tpu.memory_space<vmem>>) target(%dma_start3A_356 : memref<10240x128xf32, #tpu.memory_space<vmem_shared>>) offsets(%arg12 : memref<128xi32, #tpu.memory_space<vmem>>) semaphore(%run_scoped3A_353 : memref<!tpu.dma_semaphore, #tpu.memory_space<semaphore_mem>>) {add = true}
        %dma_wait3A_357 = arith.constant 0 : i32
        %dma_wait3A_358 = arith.constant 0 : i32
        %dma_wait3A_359 = tpu.memref_slice %arg14[%dma_wait3A_357, %dma_wait3A_358] : memref<10240x128xf32, #tpu.memory_space<vmem_shared>> -> memref<10240x128xf32, #tpu.memory_space<vmem_shared>>
        tpu.wait_indirect_dma semaphore(%run_scoped3A_353 : memref<!tpu.dma_semaphore, #tpu.memory_space<semaphore_mem>>) src(%arg13 : memref<128x128xf32, #tpu.memory_space<vmem>>) dst(%dma_wait3A_359 : memref<10240x128xf32, #tpu.memory_space<vmem_shared>>)
        tpu.yield
      }) : () -> ()
    }
    %barrier3A_197 = arith.constant 0 : index
    tpu.barrier barrier_id(%barrier3A_197)
    %mul3A_198 = arith.constant 640 : i32
    %mul3A_199 = arith.muli %arg1, %mul3A_198 : i32
    %add3A_200 = arith.constant 0 : i32
    %add3A_201 = arith.addi %mul3A_199, %add3A_200 : i32
    "tpu.region"() ({
      %run_scoped3A_218 = tpu.sem_alloc : memref<!tpu.dma_semaphore, #tpu.memory_space<semaphore_mem>>
      %dma_start3A_219 = arith.constant 0 : i32
      %dma_start3A_220 = tpu.memref_slice %arg14[%add3A_201, %dma_start3A_219] : memref<10240x128xf32, #tpu.memory_space<vmem_shared>> -> memref<128x128xf32, #tpu.memory_space<vmem_shared>>
      %dma_start3A_221 = arith.constant 0 : i32
      %dma_start3A_222 = tpu.memref_slice %arg14[%add3A_201, %dma_start3A_221] : memref<10240x128xf32, #tpu.memory_space<vmem_shared>> -> memref<128x128xf32, #tpu.memory_space<vmem_shared>>
      tpu.enqueue_dma source(%dma_start3A_222 : memref<128x128xf32, #tpu.memory_space<vmem_shared>>) target(%arg10 : memref<128x128xf32, #tpu.memory_space<vmem>>) target_semaphore(%run_scoped3A_218 : memref<!tpu.dma_semaphore, #tpu.memory_space<semaphore_mem>>)
      %dma_wait3A = arith.constant 0 : i32
      %dma_wait3A_223 = tpu.memref_slice %arg14[%add3A_201, %dma_wait3A] : memref<10240x128xf32, #tpu.memory_space<vmem_shared>> -> memref<128x128xf32, #tpu.memory_space<vmem_shared>>
      %dma_wait3A_224 = arith.constant 0 : i32
      %dma_wait3A_225 = tpu.memref_slice %arg14[%add3A_201, %dma_wait3A_224] : memref<10240x128xf32, #tpu.memory_space<vmem_shared>> -> memref<128x128xf32, #tpu.memory_space<vmem_shared>>
      tpu.wait_dma2 semaphore(%run_scoped3A_218 : memref<!tpu.dma_semaphore, #tpu.memory_space<semaphore_mem>>) src(%dma_wait3A_225 : memref<128x128xf32, #tpu.memory_space<vmem_shared>>) dst(%arg10 : memref<128x128xf32, #tpu.memory_space<vmem>>)
      tpu.yield
    }) : () -> ()
    "tpu.region"() ({
      %run_scoped3A_218 = tpu.sem_alloc : memref<!tpu.dma_semaphore, #tpu.memory_space<semaphore_mem>>
      %dma_start3A_219 = arith.constant 0 : i32
      %dma_start3A_220 = tpu.memref_slice %arg5[%arg0, %add3A_201, %dma_start3A_219] : memref<2x10240x128xf32, #tpu.memory_space<hbm>> -> memref<1x128x128xf32, #tpu.memory_space<hbm>>
      %dma_start3A_221 = tpu.memref_squeeze %dma_start3A_220 : memref<1x128x128xf32, #tpu.memory_space<hbm>> -> memref<128x128xf32, #tpu.memory_space<hbm>>
      %dma_start3A_222 = arith.constant 0 : i32
      %dma_start3A_223 = tpu.memref_slice %arg5[%arg0, %add3A_201, %dma_start3A_222] : memref<2x10240x128xf32, #tpu.memory_space<hbm>> -> memref<1x128x128xf32, #tpu.memory_space<hbm>>
      %dma_start3A_224 = tpu.memref_squeeze %dma_start3A_223 : memref<1x128x128xf32, #tpu.memory_space<hbm>> -> memref<128x128xf32, #tpu.memory_space<hbm>>
      tpu.enqueue_dma source(%arg10 : memref<128x128xf32, #tpu.memory_space<vmem>>) target(%dma_start3A_224 : memref<128x128xf32, #tpu.memory_space<hbm>>) target_semaphore(%run_scoped3A_218 : memref<!tpu.dma_semaphore, #tpu.memory_space<semaphore_mem>>)
      %dma_wait3A = arith.constant 0 : i32
      %dma_wait3A_225 = tpu.memref_slice %arg5[%arg0, %add3A_201, %dma_wait3A] : memref<2x10240x128xf32, #tpu.memory_space<hbm>> -> memref<1x128x128xf32, #tpu.memory_space<hbm>>
      %dma_wait3A_226 = tpu.memref_squeeze %dma_wait3A_225 : memref<1x128x128xf32, #tpu.memory_space<hbm>> -> memref<128x128xf32, #tpu.memory_space<hbm>>
      %dma_wait3A_227 = arith.constant 0 : i32
      %dma_wait3A_228 = tpu.memref_slice %arg5[%arg0, %add3A_201, %dma_wait3A_227] : memref<2x10240x128xf32, #tpu.memory_space<hbm>> -> memref<1x128x128xf32, #tpu.memory_space<hbm>>
      %dma_wait3A_229 = tpu.memref_squeeze %dma_wait3A_228 : memref<1x128x128xf32, #tpu.memory_space<hbm>> -> memref<128x128xf32, #tpu.memory_space<hbm>>
      tpu.wait_dma2 semaphore(%run_scoped3A_218 : memref<!tpu.dma_semaphore, #tpu.memory_space<semaphore_mem>>) src(%arg10 : memref<128x128xf32, #tpu.memory_space<vmem>>) dst(%dma_wait3A_229 : memref<128x128xf32, #tpu.memory_space<hbm>>)
      tpu.yield
    }) : () -> ()
    %mul3A_202 = arith.constant 640 : i32
    %mul3A_203 = arith.muli %arg1, %mul3A_202 : i32
    %add3A_204 = arith.constant 128 : i32
    %add3A_205 = arith.addi %mul3A_203, %add3A_204 : i32
    "tpu.region"() ({
      %run_scoped3A_218 = tpu.sem_alloc : memref<!tpu.dma_semaphore, #tpu.memory_space<semaphore_mem>>
      %dma_start3A_219 = arith.constant 0 : i32
      %dma_start3A_220 = tpu.memref_slice %arg14[%add3A_205, %dma_start3A_219] : memref<10240x128xf32, #tpu.memory_space<vmem_shared>> -> memref<128x128xf32, #tpu.memory_space<vmem_shared>>
      %dma_start3A_221 = arith.constant 0 : i32
      %dma_start3A_222 = tpu.memref_slice %arg14[%add3A_205, %dma_start3A_221] : memref<10240x128xf32, #tpu.memory_space<vmem_shared>> -> memref<128x128xf32, #tpu.memory_space<vmem_shared>>
      tpu.enqueue_dma source(%dma_start3A_222 : memref<128x128xf32, #tpu.memory_space<vmem_shared>>) target(%arg10 : memref<128x128xf32, #tpu.memory_space<vmem>>) target_semaphore(%run_scoped3A_218 : memref<!tpu.dma_semaphore, #tpu.memory_space<semaphore_mem>>)
      %dma_wait3A = arith.constant 0 : i32
      %dma_wait3A_223 = tpu.memref_slice %arg14[%add3A_205, %dma_wait3A] : memref<10240x128xf32, #tpu.memory_space<vmem_shared>> -> memref<128x128xf32, #tpu.memory_space<vmem_shared>>
      %dma_wait3A_224 = arith.constant 0 : i32
      %dma_wait3A_225 = tpu.memref_slice %arg14[%add3A_205, %dma_wait3A_224] : memref<10240x128xf32, #tpu.memory_space<vmem_shared>> -> memref<128x128xf32, #tpu.memory_space<vmem_shared>>
      tpu.wait_dma2 semaphore(%run_scoped3A_218 : memref<!tpu.dma_semaphore, #tpu.memory_space<semaphore_mem>>) src(%dma_wait3A_225 : memref<128x128xf32, #tpu.memory_space<vmem_shared>>) dst(%arg10 : memref<128x128xf32, #tpu.memory_space<vmem>>)
      tpu.yield
    }) : () -> ()
    "tpu.region"() ({
      %run_scoped3A_218 = tpu.sem_alloc : memref<!tpu.dma_semaphore, #tpu.memory_space<semaphore_mem>>
      %dma_start3A_219 = arith.constant 0 : i32
      %dma_start3A_220 = tpu.memref_slice %arg5[%arg0, %add3A_205, %dma_start3A_219] : memref<2x10240x128xf32, #tpu.memory_space<hbm>> -> memref<1x128x128xf32, #tpu.memory_space<hbm>>
      %dma_start3A_221 = tpu.memref_squeeze %dma_start3A_220 : memref<1x128x128xf32, #tpu.memory_space<hbm>> -> memref<128x128xf32, #tpu.memory_space<hbm>>
      %dma_start3A_222 = arith.constant 0 : i32
      %dma_start3A_223 = tpu.memref_slice %arg5[%arg0, %add3A_205, %dma_start3A_222] : memref<2x10240x128xf32, #tpu.memory_space<hbm>> -> memref<1x128x128xf32, #tpu.memory_space<hbm>>
      %dma_start3A_224 = tpu.memref_squeeze %dma_start3A_223 : memref<1x128x128xf32, #tpu.memory_space<hbm>> -> memref<128x128xf32, #tpu.memory_space<hbm>>
      tpu.enqueue_dma source(%arg10 : memref<128x128xf32, #tpu.memory_space<vmem>>) target(%dma_start3A_224 : memref<128x128xf32, #tpu.memory_space<hbm>>) target_semaphore(%run_scoped3A_218 : memref<!tpu.dma_semaphore, #tpu.memory_space<semaphore_mem>>)
      %dma_wait3A = arith.constant 0 : i32
      %dma_wait3A_225 = tpu.memref_slice %arg5[%arg0, %add3A_205, %dma_wait3A] : memref<2x10240x128xf32, #tpu.memory_space<hbm>> -> memref<1x128x128xf32, #tpu.memory_space<hbm>>
      %dma_wait3A_226 = tpu.memref_squeeze %dma_wait3A_225 : memref<1x128x128xf32, #tpu.memory_space<hbm>> -> memref<128x128xf32, #tpu.memory_space<hbm>>
      %dma_wait3A_227 = arith.constant 0 : i32
      %dma_wait3A_228 = tpu.memref_slice %arg5[%arg0, %add3A_205, %dma_wait3A_227] : memref<2x10240x128xf32, #tpu.memory_space<hbm>> -> memref<1x128x128xf32, #tpu.memory_space<hbm>>
      %dma_wait3A_229 = tpu.memref_squeeze %dma_wait3A_228 : memref<1x128x128xf32, #tpu.memory_space<hbm>> -> memref<128x128xf32, #tpu.memory_space<hbm>>
      tpu.wait_dma2 semaphore(%run_scoped3A_218 : memref<!tpu.dma_semaphore, #tpu.memory_space<semaphore_mem>>) src(%arg10 : memref<128x128xf32, #tpu.memory_space<vmem>>) dst(%dma_wait3A_229 : memref<128x128xf32, #tpu.memory_space<hbm>>)
      tpu.yield
    }) : () -> ()
    %mul3A_206 = arith.constant 640 : i32
    %mul3A_207 = arith.muli %arg1, %mul3A_206 : i32
    %add3A_208 = arith.constant 256 : i32
    %add3A_209 = arith.addi %mul3A_207, %add3A_208 : i32
    "tpu.region"() ({
      %run_scoped3A_218 = tpu.sem_alloc : memref<!tpu.dma_semaphore, #tpu.memory_space<semaphore_mem>>
      %dma_start3A_219 = arith.constant 0 : i32
      %dma_start3A_220 = tpu.memref_slice %arg14[%add3A_209, %dma_start3A_219] : memref<10240x128xf32, #tpu.memory_space<vmem_shared>> -> memref<128x128xf32, #tpu.memory_space<vmem_shared>>
      %dma_start3A_221 = arith.constant 0 : i32
      %dma_start3A_222 = tpu.memref_slice %arg14[%add3A_209, %dma_start3A_221] : memref<10240x128xf32, #tpu.memory_space<vmem_shared>> -> memref<128x128xf32, #tpu.memory_space<vmem_shared>>
      tpu.enqueue_dma source(%dma_start3A_222 : memref<128x128xf32, #tpu.memory_space<vmem_shared>>) target(%arg10 : memref<128x128xf32, #tpu.memory_space<vmem>>) target_semaphore(%run_scoped3A_218 : memref<!tpu.dma_semaphore, #tpu.memory_space<semaphore_mem>>)
      %dma_wait3A = arith.constant 0 : i32
      %dma_wait3A_223 = tpu.memref_slice %arg14[%add3A_209, %dma_wait3A] : memref<10240x128xf32, #tpu.memory_space<vmem_shared>> -> memref<128x128xf32, #tpu.memory_space<vmem_shared>>
      %dma_wait3A_224 = arith.constant 0 : i32
      %dma_wait3A_225 = tpu.memref_slice %arg14[%add3A_209, %dma_wait3A_224] : memref<10240x128xf32, #tpu.memory_space<vmem_shared>> -> memref<128x128xf32, #tpu.memory_space<vmem_shared>>
      tpu.wait_dma2 semaphore(%run_scoped3A_218 : memref<!tpu.dma_semaphore, #tpu.memory_space<semaphore_mem>>) src(%dma_wait3A_225 : memref<128x128xf32, #tpu.memory_space<vmem_shared>>) dst(%arg10 : memref<128x128xf32, #tpu.memory_space<vmem>>)
      tpu.yield
    }) : () -> ()
    "tpu.region"() ({
      %run_scoped3A_218 = tpu.sem_alloc : memref<!tpu.dma_semaphore, #tpu.memory_space<semaphore_mem>>
      %dma_start3A_219 = arith.constant 0 : i32
      %dma_start3A_220 = tpu.memref_slice %arg5[%arg0, %add3A_209, %dma_start3A_219] : memref<2x10240x128xf32, #tpu.memory_space<hbm>> -> memref<1x128x128xf32, #tpu.memory_space<hbm>>
      %dma_start3A_221 = tpu.memref_squeeze %dma_start3A_220 : memref<1x128x128xf32, #tpu.memory_space<hbm>> -> memref<128x128xf32, #tpu.memory_space<hbm>>
      %dma_start3A_222 = arith.constant 0 : i32
      %dma_start3A_223 = tpu.memref_slice %arg5[%arg0, %add3A_209, %dma_start3A_222] : memref<2x10240x128xf32, #tpu.memory_space<hbm>> -> memref<1x128x128xf32, #tpu.memory_space<hbm>>
      %dma_start3A_224 = tpu.memref_squeeze %dma_start3A_223 : memref<1x128x128xf32, #tpu.memory_space<hbm>> -> memref<128x128xf32, #tpu.memory_space<hbm>>
      tpu.enqueue_dma source(%arg10 : memref<128x128xf32, #tpu.memory_space<vmem>>) target(%dma_start3A_224 : memref<128x128xf32, #tpu.memory_space<hbm>>) target_semaphore(%run_scoped3A_218 : memref<!tpu.dma_semaphore, #tpu.memory_space<semaphore_mem>>)
      %dma_wait3A = arith.constant 0 : i32
      %dma_wait3A_225 = tpu.memref_slice %arg5[%arg0, %add3A_209, %dma_wait3A] : memref<2x10240x128xf32, #tpu.memory_space<hbm>> -> memref<1x128x128xf32, #tpu.memory_space<hbm>>
      %dma_wait3A_226 = tpu.memref_squeeze %dma_wait3A_225 : memref<1x128x128xf32, #tpu.memory_space<hbm>> -> memref<128x128xf32, #tpu.memory_space<hbm>>
      %dma_wait3A_227 = arith.constant 0 : i32
      %dma_wait3A_228 = tpu.memref_slice %arg5[%arg0, %add3A_209, %dma_wait3A_227] : memref<2x10240x128xf32, #tpu.memory_space<hbm>> -> memref<1x128x128xf32, #tpu.memory_space<hbm>>
      %dma_wait3A_229 = tpu.memref_squeeze %dma_wait3A_228 : memref<1x128x128xf32, #tpu.memory_space<hbm>> -> memref<128x128xf32, #tpu.memory_space<hbm>>
      tpu.wait_dma2 semaphore(%run_scoped3A_218 : memref<!tpu.dma_semaphore, #tpu.memory_space<semaphore_mem>>) src(%arg10 : memref<128x128xf32, #tpu.memory_space<vmem>>) dst(%dma_wait3A_229 : memref<128x128xf32, #tpu.memory_space<hbm>>)
      tpu.yield
    }) : () -> ()
    %mul3A_210 = arith.constant 640 : i32
    %mul3A_211 = arith.muli %arg1, %mul3A_210 : i32
    %add3A_212 = arith.constant 384 : i32
    %add3A_213 = arith.addi %mul3A_211, %add3A_212 : i32
    "tpu.region"() ({
      %run_scoped3A_218 = tpu.sem_alloc : memref<!tpu.dma_semaphore, #tpu.memory_space<semaphore_mem>>
      %dma_start3A_219 = arith.constant 0 : i32
      %dma_start3A_220 = tpu.memref_slice %arg14[%add3A_213, %dma_start3A_219] : memref<10240x128xf32, #tpu.memory_space<vmem_shared>> -> memref<128x128xf32, #tpu.memory_space<vmem_shared>>
      %dma_start3A_221 = arith.constant 0 : i32
      %dma_start3A_222 = tpu.memref_slice %arg14[%add3A_213, %dma_start3A_221] : memref<10240x128xf32, #tpu.memory_space<vmem_shared>> -> memref<128x128xf32, #tpu.memory_space<vmem_shared>>
      tpu.enqueue_dma source(%dma_start3A_222 : memref<128x128xf32, #tpu.memory_space<vmem_shared>>) target(%arg10 : memref<128x128xf32, #tpu.memory_space<vmem>>) target_semaphore(%run_scoped3A_218 : memref<!tpu.dma_semaphore, #tpu.memory_space<semaphore_mem>>)
      %dma_wait3A = arith.constant 0 : i32
      %dma_wait3A_223 = tpu.memref_slice %arg14[%add3A_213, %dma_wait3A] : memref<10240x128xf32, #tpu.memory_space<vmem_shared>> -> memref<128x128xf32, #tpu.memory_space<vmem_shared>>
      %dma_wait3A_224 = arith.constant 0 : i32
      %dma_wait3A_225 = tpu.memref_slice %arg14[%add3A_213, %dma_wait3A_224] : memref<10240x128xf32, #tpu.memory_space<vmem_shared>> -> memref<128x128xf32, #tpu.memory_space<vmem_shared>>
      tpu.wait_dma2 semaphore(%run_scoped3A_218 : memref<!tpu.dma_semaphore, #tpu.memory_space<semaphore_mem>>) src(%dma_wait3A_225 : memref<128x128xf32, #tpu.memory_space<vmem_shared>>) dst(%arg10 : memref<128x128xf32, #tpu.memory_space<vmem>>)
      tpu.yield
    }) : () -> ()
    "tpu.region"() ({
      %run_scoped3A_218 = tpu.sem_alloc : memref<!tpu.dma_semaphore, #tpu.memory_space<semaphore_mem>>
      %dma_start3A_219 = arith.constant 0 : i32
      %dma_start3A_220 = tpu.memref_slice %arg5[%arg0, %add3A_213, %dma_start3A_219] : memref<2x10240x128xf32, #tpu.memory_space<hbm>> -> memref<1x128x128xf32, #tpu.memory_space<hbm>>
      %dma_start3A_221 = tpu.memref_squeeze %dma_start3A_220 : memref<1x128x128xf32, #tpu.memory_space<hbm>> -> memref<128x128xf32, #tpu.memory_space<hbm>>
      %dma_start3A_222 = arith.constant 0 : i32
      %dma_start3A_223 = tpu.memref_slice %arg5[%arg0, %add3A_213, %dma_start3A_222] : memref<2x10240x128xf32, #tpu.memory_space<hbm>> -> memref<1x128x128xf32, #tpu.memory_space<hbm>>
      %dma_start3A_224 = tpu.memref_squeeze %dma_start3A_223 : memref<1x128x128xf32, #tpu.memory_space<hbm>> -> memref<128x128xf32, #tpu.memory_space<hbm>>
      tpu.enqueue_dma source(%arg10 : memref<128x128xf32, #tpu.memory_space<vmem>>) target(%dma_start3A_224 : memref<128x128xf32, #tpu.memory_space<hbm>>) target_semaphore(%run_scoped3A_218 : memref<!tpu.dma_semaphore, #tpu.memory_space<semaphore_mem>>)
      %dma_wait3A = arith.constant 0 : i32
      %dma_wait3A_225 = tpu.memref_slice %arg5[%arg0, %add3A_213, %dma_wait3A] : memref<2x10240x128xf32, #tpu.memory_space<hbm>> -> memref<1x128x128xf32, #tpu.memory_space<hbm>>
      %dma_wait3A_226 = tpu.memref_squeeze %dma_wait3A_225 : memref<1x128x128xf32, #tpu.memory_space<hbm>> -> memref<128x128xf32, #tpu.memory_space<hbm>>
      %dma_wait3A_227 = arith.constant 0 : i32
      %dma_wait3A_228 = tpu.memref_slice %arg5[%arg0, %add3A_213, %dma_wait3A_227] : memref<2x10240x128xf32, #tpu.memory_space<hbm>> -> memref<1x128x128xf32, #tpu.memory_space<hbm>>
      %dma_wait3A_229 = tpu.memref_squeeze %dma_wait3A_228 : memref<1x128x128xf32, #tpu.memory_space<hbm>> -> memref<128x128xf32, #tpu.memory_space<hbm>>
      tpu.wait_dma2 semaphore(%run_scoped3A_218 : memref<!tpu.dma_semaphore, #tpu.memory_space<semaphore_mem>>) src(%arg10 : memref<128x128xf32, #tpu.memory_space<vmem>>) dst(%dma_wait3A_229 : memref<128x128xf32, #tpu.memory_space<hbm>>)
      tpu.yield
    }) : () -> ()
    %mul3A_214 = arith.constant 640 : i32
    %mul3A_215 = arith.muli %arg1, %mul3A_214 : i32
    %add3A_216 = arith.constant 512 : i32
    %add3A_217 = arith.addi %mul3A_215, %add3A_216 : i32
    "tpu.region"() ({
      %run_scoped3A_218 = tpu.sem_alloc : memref<!tpu.dma_semaphore, #tpu.memory_space<semaphore_mem>>
      %dma_start3A_219 = arith.constant 0 : i32
      %dma_start3A_220 = tpu.memref_slice %arg14[%add3A_217, %dma_start3A_219] : memref<10240x128xf32, #tpu.memory_space<vmem_shared>> -> memref<128x128xf32, #tpu.memory_space<vmem_shared>>
      %dma_start3A_221 = arith.constant 0 : i32
      %dma_start3A_222 = tpu.memref_slice %arg14[%add3A_217, %dma_start3A_221] : memref<10240x128xf32, #tpu.memory_space<vmem_shared>> -> memref<128x128xf32, #tpu.memory_space<vmem_shared>>
      tpu.enqueue_dma source(%dma_start3A_222 : memref<128x128xf32, #tpu.memory_space<vmem_shared>>) target(%arg10 : memref<128x128xf32, #tpu.memory_space<vmem>>) target_semaphore(%run_scoped3A_218 : memref<!tpu.dma_semaphore, #tpu.memory_space<semaphore_mem>>)
      %dma_wait3A = arith.constant 0 : i32
      %dma_wait3A_223 = tpu.memref_slice %arg14[%add3A_217, %dma_wait3A] : memref<10240x128xf32, #tpu.memory_space<vmem_shared>> -> memref<128x128xf32, #tpu.memory_space<vmem_shared>>
      %dma_wait3A_224 = arith.constant 0 : i32
      %dma_wait3A_225 = tpu.memref_slice %arg14[%add3A_217, %dma_wait3A_224] : memref<10240x128xf32, #tpu.memory_space<vmem_shared>> -> memref<128x128xf32, #tpu.memory_space<vmem_shared>>
      tpu.wait_dma2 semaphore(%run_scoped3A_218 : memref<!tpu.dma_semaphore, #tpu.memory_space<semaphore_mem>>) src(%dma_wait3A_225 : memref<128x128xf32, #tpu.memory_space<vmem_shared>>) dst(%arg10 : memref<128x128xf32, #tpu.memory_space<vmem>>)
      tpu.yield
    }) : () -> ()
    "tpu.region"() ({
      %run_scoped3A_218 = tpu.sem_alloc : memref<!tpu.dma_semaphore, #tpu.memory_space<semaphore_mem>>
      %dma_start3A_219 = arith.constant 0 : i32
      %dma_start3A_220 = tpu.memref_slice %arg5[%arg0, %add3A_217, %dma_start3A_219] : memref<2x10240x128xf32, #tpu.memory_space<hbm>> -> memref<1x128x128xf32, #tpu.memory_space<hbm>>
      %dma_start3A_221 = tpu.memref_squeeze %dma_start3A_220 : memref<1x128x128xf32, #tpu.memory_space<hbm>> -> memref<128x128xf32, #tpu.memory_space<hbm>>
      %dma_start3A_222 = arith.constant 0 : i32
      %dma_start3A_223 = tpu.memref_slice %arg5[%arg0, %add3A_217, %dma_start3A_222] : memref<2x10240x128xf32, #tpu.memory_space<hbm>> -> memref<1x128x128xf32, #tpu.memory_space<hbm>>
      %dma_start3A_224 = tpu.memref_squeeze %dma_start3A_223 : memref<1x128x128xf32, #tpu.memory_space<hbm>> -> memref<128x128xf32, #tpu.memory_space<hbm>>
      tpu.enqueue_dma source(%arg10 : memref<128x128xf32, #tpu.memory_space<vmem>>) target(%dma_start3A_224 : memref<128x128xf32, #tpu.memory_space<hbm>>) target_semaphore(%run_scoped3A_218 : memref<!tpu.dma_semaphore, #tpu.memory_space<semaphore_mem>>)
      %dma_wait3A = arith.constant 0 : i32
      %dma_wait3A_225 = tpu.memref_slice %arg5[%arg0, %add3A_217, %dma_wait3A] : memref<2x10240x128xf32, #tpu.memory_space<hbm>> -> memref<1x128x128xf32, #tpu.memory_space<hbm>>
      %dma_wait3A_226 = tpu.memref_squeeze %dma_wait3A_225 : memref<1x128x128xf32, #tpu.memory_space<hbm>> -> memref<128x128xf32, #tpu.memory_space<hbm>>
      %dma_wait3A_227 = arith.constant 0 : i32
      %dma_wait3A_228 = tpu.memref_slice %arg5[%arg0, %add3A_217, %dma_wait3A_227] : memref<2x10240x128xf32, #tpu.memory_space<hbm>> -> memref<1x128x128xf32, #tpu.memory_space<hbm>>
      %dma_wait3A_229 = tpu.memref_squeeze %dma_wait3A_228 : memref<1x128x128xf32, #tpu.memory_space<hbm>> -> memref<128x128xf32, #tpu.memory_space<hbm>>
      tpu.wait_dma2 semaphore(%run_scoped3A_218 : memref<!tpu.dma_semaphore, #tpu.memory_space<semaphore_mem>>) src(%arg10 : memref<128x128xf32, #tpu.memory_space<vmem>>) dst(%dma_wait3A_229 : memref<128x128xf32, #tpu.memory_space<hbm>>)
      tpu.yield
    }) : () -> ()
    return
  }
}

#map = affine_map<(d0, d1) -> (0, 0)>
#map1 = affine_map<(d0, d1) -> (0)>
#map2 = affine_map<(d0, d1) -> (0, 0, 0)>
module attributes {stable_mosaic.version = 14 : i64} {
  func.func @_sc_edges_body(%arg0: i32, %arg1: i32, %arg2: memref<2x320000xi32, #tpu.memory_space<hbm>>, %arg3: memref<320000xi32, #tpu.memory_space<hbm>>, %arg4: memref<170000x128xf32, #tpu.memory_space<hbm>>, %arg5: memref<2x10240x128xf32, #tpu.memory_space<hbm>>, %arg6: memref<128xi32, #tpu.memory_space<vmem>>, %arg7: memref<128xi32, #tpu.memory_space<vmem>>, %arg8: memref<128xi32, #tpu.memory_space<vmem>>, %arg9: memref<128xi32, #tpu.memory_space<vmem>>, %arg10: memref<128x128xf32, #tpu.memory_space<vmem>>, %arg11: memref<128xi32, #tpu.memory_space<vmem>>, %arg12: memref<128xi32, #tpu.memory_space<vmem>>, %arg13: memref<128x128xf32, #tpu.memory_space<vmem>>, %arg14: memref<10240x128xf32, #tpu.memory_space<vmem_shared>>, %arg15: memref<!tpu.dma_semaphore, #tpu.memory_space<semaphore_mem>>, %arg16: memref<!tpu.dma_semaphore, #tpu.memory_space<semaphore_mem>>) attributes {dimension_semantics = [#tpu.dimension_semantics<core_parallel>, #tpu.dimension_semantics<subcore_parallel>], iteration_bounds = array<i64: 2, 16>, scalar_prefetch = 0 : i64, scratch_operands = 11 : i64, tpu.core_type = #tpu.core_type<sc_vector_subcore>, window_params = [{transform_indices = #map}, {transform_indices = #map1}, {transform_indices = #map}, {transform_indices = #map2}]} {
    %mul3A = arith.constant 16 : i32
    %mul3A_0 = arith.muli %arg0, %mul3A : i32
    %add3A = arith.addi %mul3A_0, %arg1 : i32
    %scan3A = arith.constant 0 : i32
    %scan3A_1 = arith.constant 0 : i32
    %scan3A_2 = arith.constant 128 : i32
    %scan3A_3 = arith.addi %scan3A_1, %scan3A_2 : i32
    %scan3A_4 = arith.constant 1 : i32
    scf.for %scan3A_218 = %scan3A_1 to %scan3A_3 step %scan3A_4  : i32 {
      %broadcast_in_dim3A = arith.constant 0.000000e+00 : f32
      %broadcast_in_dim3A_219 = vector.broadcast %broadcast_in_dim3A : f32 to vector<16xf32>
      %swap3A_220 = arith.index_cast %scan3A_218 : i32 to index
      %swap3A_221 = arith.constant 0 : index
      %swap3A_222 = tpu.vector_load %arg10[%swap3A_220, %swap3A_221] {strides = array<i32>} : memref<128x128xf32, #tpu.memory_space<vmem>>, vector<1x16xf32>,
      %swap3A_223 = vector.shape_cast %swap3A_222 : vector<1x16xf32> to vector<16xf32>
      %swap3A_224 = vector.shape_cast %broadcast_in_dim3A_219 : vector<16xf32> to vector<1x16xf32>
      tpu.vector_store %arg10[%swap3A_220, %swap3A_221], %swap3A_224 {strides = array<i32>} : memref<128x128xf32, #tpu.memory_space<vmem>>, vector<1x16xf32>,
      %broadcast_in_dim3A_225 = arith.constant 0.000000e+00 : f32
      %broadcast_in_dim3A_226 = vector.broadcast %broadcast_in_dim3A_225 : f32 to vector<16xf32>
      %swap3A_227 = arith.index_cast %scan3A_218 : i32 to index
      %swap3A_228 = arith.constant 16 : index
      %swap3A_229 = tpu.vector_load %arg10[%swap3A_227, %swap3A_228] {strides = array<i32>} : memref<128x128xf32, #tpu.memory_space<vmem>>, vector<1x16xf32>,
      %swap3A_230 = vector.shape_cast %swap3A_229 : vector<1x16xf32> to vector<16xf32>
      %swap3A_231 = vector.shape_cast %broadcast_in_dim3A_226 : vector<16xf32> to vector<1x16xf32>
      tpu.vector_store %arg10[%swap3A_227, %swap3A_228], %swap3A_231 {strides = array<i32>} : memref<128x128xf32, #tpu.memory_space<vmem>>, vector<1x16xf32>,
      %broadcast_in_dim3A_232 = arith.constant 0.000000e+00 : f32
      %broadcast_in_dim3A_233 = vector.broadcast %broadcast_in_dim3A_232 : f32 to vector<16xf32>
      %swap3A_234 = arith.index_cast %scan3A_218 : i32 to index
      %swap3A_235 = arith.constant 32 : index
      %swap3A_236 = tpu.vector_load %arg10[%swap3A_234, %swap3A_235] {strides = array<i32>} : memref<128x128xf32, #tpu.memory_space<vmem>>, vector<1x16xf32>,
      %swap3A_237 = vector.shape_cast %swap3A_236 : vector<1x16xf32> to vector<16xf32>
      %swap3A_238 = vector.shape_cast %broadcast_in_dim3A_233 : vector<16xf32> to vector<1x16xf32>
      tpu.vector_store %arg10[%swap3A_234, %swap3A_235], %swap3A_238 {strides = array<i32>} : memref<128x128xf32, #tpu.memory_space<vmem>>, vector<1x16xf32>,
      %broadcast_in_dim3A_239 = arith.constant 0.000000e+00 : f32
      %broadcast_in_dim3A_240 = vector.broadcast %broadcast_in_dim3A_239 : f32 to vector<16xf32>
      %swap3A_241 = arith.index_cast %scan3A_218 : i32 to index
      %swap3A_242 = arith.constant 48 : index
      %swap3A_243 = tpu.vector_load %arg10[%swap3A_241, %swap3A_242] {strides = array<i32>} : memref<128x128xf32, #tpu.memory_space<vmem>>, vector<1x16xf32>,
      %swap3A_244 = vector.shape_cast %swap3A_243 : vector<1x16xf32> to vector<16xf32>
      %swap3A_245 = vector.shape_cast %broadcast_in_dim3A_240 : vector<16xf32> to vector<1x16xf32>
      tpu.vector_store %arg10[%swap3A_241, %swap3A_242], %swap3A_245 {strides = array<i32>} : memref<128x128xf32, #tpu.memory_space<vmem>>, vector<1x16xf32>,
      %broadcast_in_dim3A_246 = arith.constant 0.000000e+00 : f32
      %broadcast_in_dim3A_247 = vector.broadcast %broadcast_in_dim3A_246 : f32 to vector<16xf32>
      %swap3A_248 = arith.index_cast %scan3A_218 : i32 to index
      %swap3A_249 = arith.constant 64 : index
      %swap3A_250 = tpu.vector_load %arg10[%swap3A_248, %swap3A_249] {strides = array<i32>} : memref<128x128xf32, #tpu.memory_space<vmem>>, vector<1x16xf32>,
      %swap3A_251 = vector.shape_cast %swap3A_250 : vector<1x16xf32> to vector<16xf32>
      %swap3A_252 = vector.shape_cast %broadcast_in_dim3A_247 : vector<16xf32> to vector<1x16xf32>
      tpu.vector_store %arg10[%swap3A_248, %swap3A_249], %swap3A_252 {strides = array<i32>} : memref<128x128xf32, #tpu.memory_space<vmem>>, vector<1x16xf32>,
      %broadcast_in_dim3A_253 = arith.constant 0.000000e+00 : f32
      %broadcast_in_dim3A_254 = vector.broadcast %broadcast_in_dim3A_253 : f32 to vector<16xf32>
      %swap3A_255 = arith.index_cast %scan3A_218 : i32 to index
      %swap3A_256 = arith.constant 80 : index
      %swap3A_257 = tpu.vector_load %arg10[%swap3A_255, %swap3A_256] {strides = array<i32>} : memref<128x128xf32, #tpu.memory_space<vmem>>, vector<1x16xf32>,
      %swap3A_258 = vector.shape_cast %swap3A_257 : vector<1x16xf32> to vector<16xf32>
      %swap3A_259 = vector.shape_cast %broadcast_in_dim3A_254 : vector<16xf32> to vector<1x16xf32>
      tpu.vector_store %arg10[%swap3A_255, %swap3A_256], %swap3A_259 {strides = array<i32>} : memref<128x128xf32, #tpu.memory_space<vmem>>, vector<1x16xf32>,
      %broadcast_in_dim3A_260 = arith.constant 0.000000e+00 : f32
      %broadcast_in_dim3A_261 = vector.broadcast %broadcast_in_dim3A_260 : f32 to vector<16xf32>
      %swap3A_262 = arith.index_cast %scan3A_218 : i32 to index
      %swap3A_263 = arith.constant 96 : index
      %swap3A_264 = tpu.vector_load %arg10[%swap3A_262, %swap3A_263] {strides = array<i32>} : memref<128x128xf32, #tpu.memory_space<vmem>>, vector<1x16xf32>,
      %swap3A_265 = vector.shape_cast %swap3A_264 : vector<1x16xf32> to vector<16xf32>
      %swap3A_266 = vector.shape_cast %broadcast_in_dim3A_261 : vector<16xf32> to vector<1x16xf32>
      tpu.vector_store %arg10[%swap3A_262, %swap3A_263], %swap3A_266 {strides = array<i32>} : memref<128x128xf32, #tpu.memory_space<vmem>>, vector<1x16xf32>,
      %broadcast_in_dim3A_267 = arith.constant 0.000000e+00 : f32
      %broadcast_in_dim3A_268 = vector.broadcast %broadcast_in_dim3A_267 : f32 to vector<16xf32>
      %swap3A_269 = arith.index_cast %scan3A_218 : i32 to index
      %swap3A_270 = arith.constant 112 : index
      %swap3A_271 = tpu.vector_load %arg10[%swap3A_269, %swap3A_270] {strides = array<i32>} : memref<128x128xf32, #tpu.memory_space<vmem>>, vector<1x16xf32>,
      %swap3A_272 = vector.shape_cast %swap3A_271 : vector<1x16xf32> to vector<16xf32>
      %swap3A_273 = vector.shape_cast %broadcast_in_dim3A_268 : vector<16xf32> to vector<1x16xf32>
      tpu.vector_store %arg10[%swap3A_269, %swap3A_270], %swap3A_273 {strides = array<i32>} : memref<128x128xf32, #tpu.memory_space<vmem>>, vector<1x16xf32>,
    }
    %scan3A_5 = arith.constant 128 : i32
    %mul3A_6 = arith.constant 640 : i32
    %mul3A_7 = arith.muli %arg1, %mul3A_6 : i32
    %add3A_8 = arith.constant 0 : i32
    %add3A_9 = arith.addi %mul3A_7, %add3A_8 : i32
    "tpu.region"() ({
      %run_scoped3A_218 = tpu.sem_alloc : memref<!tpu.dma_semaphore, #tpu.memory_space<semaphore_mem>>
      %dma_start3A_219 = arith.constant 0 : i32
      %dma_start3A_220 = tpu.memref_slice %arg14[%add3A_9, %dma_start3A_219] : memref<10240x128xf32, #tpu.memory_space<vmem_shared>> -> memref<128x128xf32, #tpu.memory_space<vmem_shared>>
      %dma_start3A_221 = arith.constant 0 : i32
      %dma_start3A_222 = tpu.memref_slice %arg14[%add3A_9, %dma_start3A_221] : memref<10240x128xf32, #tpu.memory_space<vmem_shared>> -> memref<128x128xf32, #tpu.memory_space<vmem_shared>>
      tpu.enqueue_dma source(%arg10 : memref<128x128xf32, #tpu.memory_space<vmem>>) target(%dma_start3A_222 : memref<128x128xf32, #tpu.memory_space<vmem_shared>>) target_semaphore(%run_scoped3A_218 : memref<!tpu.dma_semaphore, #tpu.memory_space<semaphore_mem>>)
      %dma_wait3A = arith.constant 0 : i32
      %dma_wait3A_223 = tpu.memref_slice %arg14[%add3A_9, %dma_wait3A] : memref<10240x128xf32, #tpu.memory_space<vmem_shared>> -> memref<128x128xf32, #tpu.memory_space<vmem_shared>>
      %dma_wait3A_224 = arith.constant 0 : i32
      %dma_wait3A_225 = tpu.memref_slice %arg14[%add3A_9, %dma_wait3A_224] : memref<10240x128xf32, #tpu.memory_space<vmem_shared>> -> memref<128x128xf32, #tpu.memory_space<vmem_shared>>
      tpu.wait_dma2 semaphore(%run_scoped3A_218 : memref<!tpu.dma_semaphore, #tpu.memory_space<semaphore_mem>>) src(%arg10 : memref<128x128xf32, #tpu.memory_space<vmem>>) dst(%dma_wait3A_225 : memref<128x128xf32, #tpu.memory_space<vmem_shared>>)
      tpu.yield
    }) : () -> ()
    %mul3A_10 = arith.constant 640 : i32
    %mul3A_11 = arith.muli %arg1, %mul3A_10 : i32
    %add3A_12 = arith.constant 128 : i32
    %add3A_13 = arith.addi %mul3A_11, %add3A_12 : i32
    "tpu.region"() ({
      %run_scoped3A_218 = tpu.sem_alloc : memref<!tpu.dma_semaphore, #tpu.memory_space<semaphore_mem>>
      %dma_start3A_219 = arith.constant 0 : i32
      %dma_start3A_220 = tpu.memref_slice %arg14[%add3A_13, %dma_start3A_219] : memref<10240x128xf32, #tpu.memory_space<vmem_shared>> -> memref<128x128xf32, #tpu.memory_space<vmem_shared>>
      %dma_start3A_221 = arith.constant 0 : i32
      %dma_start3A_222 = tpu.memref_slice %arg14[%add3A_13, %dma_start3A_221] : memref<10240x128xf32, #tpu.memory_space<vmem_shared>> -> memref<128x128xf32, #tpu.memory_space<vmem_shared>>
      tpu.enqueue_dma source(%arg10 : memref<128x128xf32, #tpu.memory_space<vmem>>) target(%dma_start3A_222 : memref<128x128xf32, #tpu.memory_space<vmem_shared>>) target_semaphore(%run_scoped3A_218 : memref<!tpu.dma_semaphore, #tpu.memory_space<semaphore_mem>>)
      %dma_wait3A = arith.constant 0 : i32
      %dma_wait3A_223 = tpu.memref_slice %arg14[%add3A_13, %dma_wait3A] : memref<10240x128xf32, #tpu.memory_space<vmem_shared>> -> memref<128x128xf32, #tpu.memory_space<vmem_shared>>
      %dma_wait3A_224 = arith.constant 0 : i32
      %dma_wait3A_225 = tpu.memref_slice %arg14[%add3A_13, %dma_wait3A_224] : memref<10240x128xf32, #tpu.memory_space<vmem_shared>> -> memref<128x128xf32, #tpu.memory_space<vmem_shared>>
      tpu.wait_dma2 semaphore(%run_scoped3A_218 : memref<!tpu.dma_semaphore, #tpu.memory_space<semaphore_mem>>) src(%arg10 : memref<128x128xf32, #tpu.memory_space<vmem>>) dst(%dma_wait3A_225 : memref<128x128xf32, #tpu.memory_space<vmem_shared>>)
      tpu.yield
    }) : () -> ()
    %mul3A_14 = arith.constant 640 : i32
    %mul3A_15 = arith.muli %arg1, %mul3A_14 : i32
    %add3A_16 = arith.constant 256 : i32
    %add3A_17 = arith.addi %mul3A_15, %add3A_16 : i32
    "tpu.region"() ({
      %run_scoped3A_218 = tpu.sem_alloc : memref<!tpu.dma_semaphore, #tpu.memory_space<semaphore_mem>>
      %dma_start3A_219 = arith.constant 0 : i32
      %dma_start3A_220 = tpu.memref_slice %arg14[%add3A_17, %dma_start3A_219] : memref<10240x128xf32, #tpu.memory_space<vmem_shared>> -> memref<128x128xf32, #tpu.memory_space<vmem_shared>>
      %dma_start3A_221 = arith.constant 0 : i32
      %dma_start3A_222 = tpu.memref_slice %arg14[%add3A_17, %dma_start3A_221] : memref<10240x128xf32, #tpu.memory_space<vmem_shared>> -> memref<128x128xf32, #tpu.memory_space<vmem_shared>>
      tpu.enqueue_dma source(%arg10 : memref<128x128xf32, #tpu.memory_space<vmem>>) target(%dma_start3A_222 : memref<128x128xf32, #tpu.memory_space<vmem_shared>>) target_semaphore(%run_scoped3A_218 : memref<!tpu.dma_semaphore, #tpu.memory_space<semaphore_mem>>)
      %dma_wait3A = arith.constant 0 : i32
      %dma_wait3A_223 = tpu.memref_slice %arg14[%add3A_17, %dma_wait3A] : memref<10240x128xf32, #tpu.memory_space<vmem_shared>> -> memref<128x128xf32, #tpu.memory_space<vmem_shared>>
      %dma_wait3A_224 = arith.constant 0 : i32
      %dma_wait3A_225 = tpu.memref_slice %arg14[%add3A_17, %dma_wait3A_224] : memref<10240x128xf32, #tpu.memory_space<vmem_shared>> -> memref<128x128xf32, #tpu.memory_space<vmem_shared>>
      tpu.wait_dma2 semaphore(%run_scoped3A_218 : memref<!tpu.dma_semaphore, #tpu.memory_space<semaphore_mem>>) src(%arg10 : memref<128x128xf32, #tpu.memory_space<vmem>>) dst(%dma_wait3A_225 : memref<128x128xf32, #tpu.memory_space<vmem_shared>>)
      tpu.yield
    }) : () -> ()
    %mul3A_18 = arith.constant 640 : i32
    %mul3A_19 = arith.muli %arg1, %mul3A_18 : i32
    %add3A_20 = arith.constant 384 : i32
    %add3A_21 = arith.addi %mul3A_19, %add3A_20 : i32
    "tpu.region"() ({
      %run_scoped3A_218 = tpu.sem_alloc : memref<!tpu.dma_semaphore, #tpu.memory_space<semaphore_mem>>
      %dma_start3A_219 = arith.constant 0 : i32
      %dma_start3A_220 = tpu.memref_slice %arg14[%add3A_21, %dma_start3A_219] : memref<10240x128xf32, #tpu.memory_space<vmem_shared>> -> memref<128x128xf32, #tpu.memory_space<vmem_shared>>
      %dma_start3A_221 = arith.constant 0 : i32
      %dma_start3A_222 = tpu.memref_slice %arg14[%add3A_21, %dma_start3A_221] : memref<10240x128xf32, #tpu.memory_space<vmem_shared>> -> memref<128x128xf32, #tpu.memory_space<vmem_shared>>
      tpu.enqueue_dma source(%arg10 : memref<128x128xf32, #tpu.memory_space<vmem>>) target(%dma_start3A_222 : memref<128x128xf32, #tpu.memory_space<vmem_shared>>) target_semaphore(%run_scoped3A_218 : memref<!tpu.dma_semaphore, #tpu.memory_space<semaphore_mem>>)
      %dma_wait3A = arith.constant 0 : i32
      %dma_wait3A_223 = tpu.memref_slice %arg14[%add3A_21, %dma_wait3A] : memref<10240x128xf32, #tpu.memory_space<vmem_shared>> -> memref<128x128xf32, #tpu.memory_space<vmem_shared>>
      %dma_wait3A_224 = arith.constant 0 : i32
      %dma_wait3A_225 = tpu.memref_slice %arg14[%add3A_21, %dma_wait3A_224] : memref<10240x128xf32, #tpu.memory_space<vmem_shared>> -> memref<128x128xf32, #tpu.memory_space<vmem_shared>>
      tpu.wait_dma2 semaphore(%run_scoped3A_218 : memref<!tpu.dma_semaphore, #tpu.memory_space<semaphore_mem>>) src(%arg10 : memref<128x128xf32, #tpu.memory_space<vmem>>) dst(%dma_wait3A_225 : memref<128x128xf32, #tpu.memory_space<vmem_shared>>)
      tpu.yield
    }) : () -> ()
    %mul3A_22 = arith.constant 640 : i32
    %mul3A_23 = arith.muli %arg1, %mul3A_22 : i32
    %add3A_24 = arith.constant 512 : i32
    %add3A_25 = arith.addi %mul3A_23, %add3A_24 : i32
    "tpu.region"() ({
      %run_scoped3A_218 = tpu.sem_alloc : memref<!tpu.dma_semaphore, #tpu.memory_space<semaphore_mem>>
      %dma_start3A_219 = arith.constant 0 : i32
      %dma_start3A_220 = tpu.memref_slice %arg14[%add3A_25, %dma_start3A_219] : memref<10240x128xf32, #tpu.memory_space<vmem_shared>> -> memref<128x128xf32, #tpu.memory_space<vmem_shared>>
      %dma_start3A_221 = arith.constant 0 : i32
      %dma_start3A_222 = tpu.memref_slice %arg14[%add3A_25, %dma_start3A_221] : memref<10240x128xf32, #tpu.memory_space<vmem_shared>> -> memref<128x128xf32, #tpu.memory_space<vmem_shared>>
      tpu.enqueue_dma source(%arg10 : memref<128x128xf32, #tpu.memory_space<vmem>>) target(%dma_start3A_222 : memref<128x128xf32, #tpu.memory_space<vmem_shared>>) target_semaphore(%run_scoped3A_218 : memref<!tpu.dma_semaphore, #tpu.memory_space<semaphore_mem>>)
      %dma_wait3A = arith.constant 0 : i32
      %dma_wait3A_223 = tpu.memref_slice %arg14[%add3A_25, %dma_wait3A] : memref<10240x128xf32, #tpu.memory_space<vmem_shared>> -> memref<128x128xf32, #tpu.memory_space<vmem_shared>>
      %dma_wait3A_224 = arith.constant 0 : i32
      %dma_wait3A_225 = tpu.memref_slice %arg14[%add3A_25, %dma_wait3A_224] : memref<10240x128xf32, #tpu.memory_space<vmem_shared>> -> memref<128x128xf32, #tpu.memory_space<vmem_shared>>
      tpu.wait_dma2 semaphore(%run_scoped3A_218 : memref<!tpu.dma_semaphore, #tpu.memory_space<semaphore_mem>>) src(%arg10 : memref<128x128xf32, #tpu.memory_space<vmem>>) dst(%dma_wait3A_225 : memref<128x128xf32, #tpu.memory_space<vmem_shared>>)
      tpu.yield
    }) : () -> ()
    %barrier3A = arith.constant 0 : index
    tpu.barrier barrier_id(%barrier3A)
    %mul3A_26 = arith.constant 1250 : i32
    %mul3A_27 = arith.muli %add3A, %mul3A_26 : i32
    %jit3A = arith.constant 32 : i32
    %div3A = arith.divsi %mul3A_27, %jit3A : i32
    %sign3A = arith.constant 0 : i32
    %sign3A_28 = arith.cmpi sgt, %mul3A_27, %sign3A : i32
    %sign3A_29 = arith.extui %sign3A_28 : i1 to i32
    %sign3A_30 = arith.constant 0 : i32
    %sign3A_31 = arith.cmpi slt, %mul3A_27, %sign3A_30 : i32
    %sign3A_32 = arith.extui %sign3A_31 : i1 to i32
    %sign3A_33 = arith.subi %sign3A_29, %sign3A_32 : i32
    %sign3A_34 = arith.constant 0 : i32
    %sign3A_35 = arith.cmpi sgt, %jit3A, %sign3A_34 : i32
    %sign3A_36 = arith.extui %sign3A_35 : i1 to i32
    %sign3A_37 = arith.constant 0 : i32
    %sign3A_38 = arith.cmpi slt, %jit3A, %sign3A_37 : i32
    %sign3A_39 = arith.extui %sign3A_38 : i1 to i32
    %sign3A_40 = arith.subi %sign3A_36, %sign3A_39 : i32
    %ne3A = arith.cmpi ne, %sign3A_33, %sign3A_40 : i32
    %rem3A = arith.remsi %mul3A_27, %jit3A : i32
    %ne3A_41 = arith.constant 0 : i32
    %ne3A_42 = arith.cmpi ne, %rem3A, %ne3A_41 : i32
    %and3A = arith.andi %ne3A, %ne3A_42 : i1
    %sub3A = arith.constant 1 : i32
    %sub3A_43 = arith.subi %div3A, %sub3A : i32
    %select_n3A = arith.select %and3A, %sub3A_43, %div3A : i32
    %add3A_44 = arith.constant 1 : i32
    %add3A_45 = arith.addi %add3A, %add3A_44 : i32
    %mul3A_46 = arith.constant 1250 : i32
    %mul3A_47 = arith.muli %add3A_45, %mul3A_46 : i32
    %jit3A_48 = arith.constant 32 : i32
    %div3A_49 = arith.divsi %mul3A_47, %jit3A_48 : i32
    %sign3A_50 = arith.constant 0 : i32
    %sign3A_51 = arith.cmpi sgt, %mul3A_47, %sign3A_50 : i32
    %sign3A_52 = arith.extui %sign3A_51 : i1 to i32
    %sign3A_53 = arith.constant 0 : i32
    %sign3A_54 = arith.cmpi slt, %mul3A_47, %sign3A_53 : i32
    %sign3A_55 = arith.extui %sign3A_54 : i1 to i32
    %sign3A_56 = arith.subi %sign3A_52, %sign3A_55 : i32
    %sign3A_57 = arith.constant 0 : i32
    %sign3A_58 = arith.cmpi sgt, %jit3A_48, %sign3A_57 : i32
    %sign3A_59 = arith.extui %sign3A_58 : i1 to i32
    %sign3A_60 = arith.constant 0 : i32
    %sign3A_61 = arith.cmpi slt, %jit3A_48, %sign3A_60 : i32
    %sign3A_62 = arith.extui %sign3A_61 : i1 to i32
    %sign3A_63 = arith.subi %sign3A_59, %sign3A_62 : i32
    %ne3A_64 = arith.cmpi ne, %sign3A_56, %sign3A_63 : i32
    %rem3A_65 = arith.remsi %mul3A_47, %jit3A_48 : i32
    %ne3A_66 = arith.constant 0 : i32
    %ne3A_67 = arith.cmpi ne, %rem3A_65, %ne3A_66 : i32
    %and3A_68 = arith.andi %ne3A_64, %ne3A_67 : i1
    %sub3A_69 = arith.constant 1 : i32
    %sub3A_70 = arith.subi %div3A_49, %sub3A_69 : i32
    %select_n3A_71 = arith.select %and3A_68, %sub3A_70, %div3A_49 : i32
    %mul3A_72 = arith.constant 2 : i32
    %mul3A_73 = arith.muli %mul3A_72, %select_n3A : i32
    %mul3A_74 = arith.constant 128 : i32
    %mul3A_75 = arith.muli %mul3A_73, %mul3A_74 : i32
    %run_scoped3A = arith.constant 0 : i32
    "tpu.region"() ({
      %run_scoped3A_218 = tpu.sem_alloc : memref<!tpu.dma_semaphore, #tpu.memory_space<semaphore_mem>>
      %dma_start3A_219 = tpu.memref_slice %arg2[%run_scoped3A, %mul3A_75] : memref<2x320000xi32, #tpu.memory_space<hbm>> -> memref<1x128xi32, #tpu.memory_space<hbm>>
      %dma_start3A_220 = tpu.memref_squeeze %dma_start3A_219 : memref<1x128xi32, #tpu.memory_space<hbm>> -> memref<128xi32, #tpu.memory_space<hbm>>
      %dma_start3A_221 = tpu.memref_slice %arg2[%run_scoped3A, %mul3A_75] : memref<2x320000xi32, #tpu.memory_space<hbm>> -> memref<1x128xi32, #tpu.memory_space<hbm>>
      %dma_start3A_222 = tpu.memref_squeeze %dma_start3A_221 : memref<1x128xi32, #tpu.memory_space<hbm>> -> memref<128xi32, #tpu.memory_space<hbm>>
      tpu.enqueue_dma source(%dma_start3A_222 : memref<128xi32, #tpu.memory_space<hbm>>) target(%arg6 : memref<128xi32, #tpu.memory_space<vmem>>) target_semaphore(%run_scoped3A_218 : memref<!tpu.dma_semaphore, #tpu.memory_space<semaphore_mem>>)
      %dma_wait3A = tpu.memref_slice %arg2[%run_scoped3A, %mul3A_75] : memref<2x320000xi32, #tpu.memory_space<hbm>> -> memref<1x128xi32, #tpu.memory_space<hbm>>
      %dma_wait3A_223 = tpu.memref_squeeze %dma_wait3A : memref<1x128xi32, #tpu.memory_space<hbm>> -> memref<128xi32, #tpu.memory_space<hbm>>
      %dma_wait3A_224 = tpu.memref_slice %arg2[%run_scoped3A, %mul3A_75] : memref<2x320000xi32, #tpu.memory_space<hbm>> -> memref<1x128xi32, #tpu.memory_space<hbm>>
      %dma_wait3A_225 = tpu.memref_squeeze %dma_wait3A_224 : memref<1x128xi32, #tpu.memory_space<hbm>> -> memref<128xi32, #tpu.memory_space<hbm>>
      tpu.wait_dma2 semaphore(%run_scoped3A_218 : memref<!tpu.dma_semaphore, #tpu.memory_space<semaphore_mem>>) src(%dma_wait3A_225 : memref<128xi32, #tpu.memory_space<hbm>>) dst(%arg6 : memref<128xi32, #tpu.memory_space<vmem>>)
      tpu.yield
    }) : () -> ()
    %run_scoped3A_76 = arith.constant 1 : i32
    "tpu.region"() ({
      %run_scoped3A_218 = tpu.sem_alloc : memref<!tpu.dma_semaphore, #tpu.memory_space<semaphore_mem>>
      %dma_start3A_219 = tpu.memref_slice %arg2[%run_scoped3A_76, %mul3A_75] : memref<2x320000xi32, #tpu.memory_space<hbm>> -> memref<1x128xi32, #tpu.memory_space<hbm>>
      %dma_start3A_220 = tpu.memref_squeeze %dma_start3A_219 : memref<1x128xi32, #tpu.memory_space<hbm>> -> memref<128xi32, #tpu.memory_space<hbm>>
      %dma_start3A_221 = tpu.memref_slice %arg2[%run_scoped3A_76, %mul3A_75] : memref<2x320000xi32, #tpu.memory_space<hbm>> -> memref<1x128xi32, #tpu.memory_space<hbm>>
      %dma_start3A_222 = tpu.memref_squeeze %dma_start3A_221 : memref<1x128xi32, #tpu.memory_space<hbm>> -> memref<128xi32, #tpu.memory_space<hbm>>
      tpu.enqueue_dma source(%dma_start3A_222 : memref<128xi32, #tpu.memory_space<hbm>>) target(%arg9 : memref<128xi32, #tpu.memory_space<vmem>>) target_semaphore(%run_scoped3A_218 : memref<!tpu.dma_semaphore, #tpu.memory_space<semaphore_mem>>)
      %dma_wait3A = tpu.memref_slice %arg2[%run_scoped3A_76, %mul3A_75] : memref<2x320000xi32, #tpu.memory_space<hbm>> -> memref<1x128xi32, #tpu.memory_space<hbm>>
      %dma_wait3A_223 = tpu.memref_squeeze %dma_wait3A : memref<1x128xi32, #tpu.memory_space<hbm>> -> memref<128xi32, #tpu.memory_space<hbm>>
      %dma_wait3A_224 = tpu.memref_slice %arg2[%run_scoped3A_76, %mul3A_75] : memref<2x320000xi32, #tpu.memory_space<hbm>> -> memref<1x128xi32, #tpu.memory_space<hbm>>
      %dma_wait3A_225 = tpu.memref_squeeze %dma_wait3A_224 : memref<1x128xi32, #tpu.memory_space<hbm>> -> memref<128xi32, #tpu.memory_space<hbm>>
      tpu.wait_dma2 semaphore(%run_scoped3A_218 : memref<!tpu.dma_semaphore, #tpu.memory_space<semaphore_mem>>) src(%dma_wait3A_225 : memref<128xi32, #tpu.memory_space<hbm>>) dst(%arg9 : memref<128xi32, #tpu.memory_space<vmem>>)
      tpu.yield
    }) : () -> ()
    "tpu.region"() ({
      %run_scoped3A_218 = tpu.sem_alloc : memref<!tpu.dma_semaphore, #tpu.memory_space<semaphore_mem>>
      %dma_start3A_219 = tpu.memref_slice %arg3[%mul3A_75] : memref<320000xi32, #tpu.memory_space<hbm>> -> memref<128xi32, #tpu.memory_space<hbm>>
      %dma_start3A_220 = tpu.memref_slice %arg3[%mul3A_75] : memref<320000xi32, #tpu.memory_space<hbm>> -> memref<128xi32, #tpu.memory_space<hbm>>
      tpu.enqueue_dma source(%dma_start3A_220 : memref<128xi32, #tpu.memory_space<hbm>>) target(%arg7 : memref<128xi32, #tpu.memory_space<vmem>>) target_semaphore(%run_scoped3A_218 : memref<!tpu.dma_semaphore, #tpu.memory_space<semaphore_mem>>)
      %dma_wait3A = tpu.memref_slice %arg3[%mul3A_75] : memref<320000xi32, #tpu.memory_space<hbm>> -> memref<128xi32, #tpu.memory_space<hbm>>
      %dma_wait3A_221 = tpu.memref_slice %arg3[%mul3A_75] : memref<320000xi32, #tpu.memory_space<hbm>> -> memref<128xi32, #tpu.memory_space<hbm>>
      tpu.wait_dma2 semaphore(%run_scoped3A_218 : memref<!tpu.dma_semaphore, #tpu.memory_space<semaphore_mem>>) src(%dma_wait3A_221 : memref<128xi32, #tpu.memory_space<hbm>>) dst(%arg7 : memref<128xi32, #tpu.memory_space<vmem>>)
      tpu.yield
    }) : () -> ()
    %get3A = arith.constant 0 : index
    %get3A_77 = tpu.vector_load %arg6[%get3A] {strides = array<i32>} : memref<128xi32, #tpu.memory_space<vmem>>, vector<16xi32>,
    %get3A_78 = vector.shape_cast %get3A_77 : vector<16xi32> to vector<16xi32>
    %mul3A_79 = arith.constant 17 : i32
    %mul3A_80 = vector.broadcast %mul3A_79 : i32 to vector<16xi32>
    %mul3A_81 = arith.muli %get3A_78, %mul3A_80 : vector<16xi32>
    %get3A_82 = arith.constant 0 : index
    %get3A_83 = tpu.vector_load %arg7[%get3A_82] {strides = array<i32>} : memref<128xi32, #tpu.memory_space<vmem>>, vector<16xi32>,
    %get3A_84 = vector.shape_cast %get3A_83 : vector<16xi32> to vector<16xi32>
    %add3A_85 = arith.addi %mul3A_81, %get3A_84 : vector<16xi32>
    %swap3A = arith.constant 0 : index
    %swap3A_86 = tpu.vector_load %arg8[%swap3A] {strides = array<i32>} : memref<128xi32, #tpu.memory_space<vmem>>, vector<16xi32>,
    %swap3A_87 = vector.shape_cast %swap3A_86 : vector<16xi32> to vector<16xi32>
    %swap3A_88 = vector.shape_cast %add3A_85 : vector<16xi32> to vector<16xi32>
    tpu.vector_store %arg8[%swap3A], %swap3A_88 {strides = array<i32>} : memref<128xi32, #tpu.memory_space<vmem>>, vector<16xi32>,
    %get3A_89 = arith.constant 16 : index
    %get3A_90 = tpu.vector_load %arg6[%get3A_89] {strides = array<i32>} : memref<128xi32, #tpu.memory_space<vmem>>, vector<16xi32>,
    %get3A_91 = vector.shape_cast %get3A_90 : vector<16xi32> to vector<16xi32>
    %mul3A_92 = arith.constant 17 : i32
    %mul3A_93 = vector.broadcast %mul3A_92 : i32 to vector<16xi32>
    %mul3A_94 = arith.muli %get3A_91, %mul3A_93 : vector<16xi32>
    %get3A_95 = arith.constant 16 : index
    %get3A_96 = tpu.vector_load %arg7[%get3A_95] {strides = array<i32>} : memref<128xi32, #tpu.memory_space<vmem>>, vector<16xi32>,
    %get3A_97 = vector.shape_cast %get3A_96 : vector<16xi32> to vector<16xi32>
    %add3A_98 = arith.addi %mul3A_94, %get3A_97 : vector<16xi32>
    %swap3A_99 = arith.constant 16 : index
    %swap3A_100 = tpu.vector_load %arg8[%swap3A_99] {strides = array<i32>} : memref<128xi32, #tpu.memory_space<vmem>>, vector<16xi32>,
    %swap3A_101 = vector.shape_cast %swap3A_100 : vector<16xi32> to vector<16xi32>
    %swap3A_102 = vector.shape_cast %add3A_98 : vector<16xi32> to vector<16xi32>
    tpu.vector_store %arg8[%swap3A_99], %swap3A_102 {strides = array<i32>} : memref<128xi32, #tpu.memory_space<vmem>>, vector<16xi32>,
    %get3A_103 = arith.constant 32 : index
    %get3A_104 = tpu.vector_load %arg6[%get3A_103] {strides = array<i32>} : memref<128xi32, #tpu.memory_space<vmem>>, vector<16xi32>,
    %get3A_105 = vector.shape_cast %get3A_104 : vector<16xi32> to vector<16xi32>
    %mul3A_106 = arith.constant 17 : i32
    %mul3A_107 = vector.broadcast %mul3A_106 : i32 to vector<16xi32>
    %mul3A_108 = arith.muli %get3A_105, %mul3A_107 : vector<16xi32>
    %get3A_109 = arith.constant 32 : index
    %get3A_110 = tpu.vector_load %arg7[%get3A_109] {strides = array<i32>} : memref<128xi32, #tpu.memory_space<vmem>>, vector<16xi32>,
    %get3A_111 = vector.shape_cast %get3A_110 : vector<16xi32> to vector<16xi32>
    %add3A_112 = arith.addi %mul3A_108, %get3A_111 : vector<16xi32>
    %swap3A_113 = arith.constant 32 : index
    %swap3A_114 = tpu.vector_load %arg8[%swap3A_113] {strides = array<i32>} : memref<128xi32, #tpu.memory_space<vmem>>, vector<16xi32>,
    %swap3A_115 = vector.shape_cast %swap3A_114 : vector<16xi32> to vector<16xi32>
    %swap3A_116 = vector.shape_cast %add3A_112 : vector<16xi32> to vector<16xi32>
    tpu.vector_store %arg8[%swap3A_113], %swap3A_116 {strides = array<i32>} : memref<128xi32, #tpu.memory_space<vmem>>, vector<16xi32>,
    %get3A_117 = arith.constant 48 : index
    %get3A_118 = tpu.vector_load %arg6[%get3A_117] {strides = array<i32>} : memref<128xi32, #tpu.memory_space<vmem>>, vector<16xi32>,
    %get3A_119 = vector.shape_cast %get3A_118 : vector<16xi32> to vector<16xi32>
    %mul3A_120 = arith.constant 17 : i32
    %mul3A_121 = vector.broadcast %mul3A_120 : i32 to vector<16xi32>
    %mul3A_122 = arith.muli %get3A_119, %mul3A_121 : vector<16xi32>
    %get3A_123 = arith.constant 48 : index
    %get3A_124 = tpu.vector_load %arg7[%get3A_123] {strides = array<i32>} : memref<128xi32, #tpu.memory_space<vmem>>, vector<16xi32>,
    %get3A_125 = vector.shape_cast %get3A_124 : vector<16xi32> to vector<16xi32>
    %add3A_126 = arith.addi %mul3A_122, %get3A_125 : vector<16xi32>
    %swap3A_127 = arith.constant 48 : index
    %swap3A_128 = tpu.vector_load %arg8[%swap3A_127] {strides = array<i32>} : memref<128xi32, #tpu.memory_space<vmem>>, vector<16xi32>,
    %swap3A_129 = vector.shape_cast %swap3A_128 : vector<16xi32> to vector<16xi32>
    %swap3A_130 = vector.shape_cast %add3A_126 : vector<16xi32> to vector<16xi32>
    tpu.vector_store %arg8[%swap3A_127], %swap3A_130 {strides = array<i32>} : memref<128xi32, #tpu.memory_space<vmem>>, vector<16xi32>,
    %get3A_131 = arith.constant 64 : index
    %get3A_132 = tpu.vector_load %arg6[%get3A_131] {strides = array<i32>} : memref<128xi32, #tpu.memory_space<vmem>>, vector<16xi32>,
    %get3A_133 = vector.shape_cast %get3A_132 : vector<16xi32> to vector<16xi32>
    %mul3A_134 = arith.constant 17 : i32
    %mul3A_135 = vector.broadcast %mul3A_134 : i32 to vector<16xi32>
    %mul3A_136 = arith.muli %get3A_133, %mul3A_135 : vector<16xi32>
    %get3A_137 = arith.constant 64 : index
    %get3A_138 = tpu.vector_load %arg7[%get3A_137] {strides = array<i32>} : memref<128xi32, #tpu.memory_space<vmem>>, vector<16xi32>,
    %get3A_139 = vector.shape_cast %get3A_138 : vector<16xi32> to vector<16xi32>
    %add3A_140 = arith.addi %mul3A_136, %get3A_139 : vector<16xi32>
    %swap3A_141 = arith.constant 64 : index
    %swap3A_142 = tpu.vector_load %arg8[%swap3A_141] {strides = array<i32>} : memref<128xi32, #tpu.memory_space<vmem>>, vector<16xi32>,
    %swap3A_143 = vector.shape_cast %swap3A_142 : vector<16xi32> to vector<16xi32>
    %swap3A_144 = vector.shape_cast %add3A_140 : vector<16xi32> to vector<16xi32>
    tpu.vector_store %arg8[%swap3A_141], %swap3A_144 {strides = array<i32>} : memref<128xi32, #tpu.memory_space<vmem>>, vector<16xi32>,
    %get3A_145 = arith.constant 80 : index
    %get3A_146 = tpu.vector_load %arg6[%get3A_145] {strides = array<i32>} : memref<128xi32, #tpu.memory_space<vmem>>, vector<16xi32>,
    %get3A_147 = vector.shape_cast %get3A_146 : vector<16xi32> to vector<16xi32>
    %mul3A_148 = arith.constant 17 : i32
    %mul3A_149 = vector.broadcast %mul3A_148 : i32 to vector<16xi32>
    %mul3A_150 = arith.muli %get3A_147, %mul3A_149 : vector<16xi32>
    %get3A_151 = arith.constant 80 : index
    %get3A_152 = tpu.vector_load %arg7[%get3A_151] {strides = array<i32>} : memref<128xi32, #tpu.memory_space<vmem>>, vector<16xi32>,
    %get3A_153 = vector.shape_cast %get3A_152 : vector<16xi32> to vector<16xi32>
    %add3A_154 = arith.addi %mul3A_150, %get3A_153 : vector<16xi32>
    %swap3A_155 = arith.constant 80 : index
    %swap3A_156 = tpu.vector_load %arg8[%swap3A_155] {strides = array<i32>} : memref<128xi32, #tpu.memory_space<vmem>>, vector<16xi32>,
    %swap3A_157 = vector.shape_cast %swap3A_156 : vector<16xi32> to vector<16xi32>
    %swap3A_158 = vector.shape_cast %add3A_154 : vector<16xi32> to vector<16xi32>
    tpu.vector_store %arg8[%swap3A_155], %swap3A_158 {strides = array<i32>} : memref<128xi32, #tpu.memory_space<vmem>>, vector<16xi32>,
    %get3A_159 = arith.constant 96 : index
    %get3A_160 = tpu.vector_load %arg6[%get3A_159] {strides = array<i32>} : memref<128xi32, #tpu.memory_space<vmem>>, vector<16xi32>,
    %get3A_161 = vector.shape_cast %get3A_160 : vector<16xi32> to vector<16xi32>
    %mul3A_162 = arith.constant 17 : i32
    %mul3A_163 = vector.broadcast %mul3A_162 : i32 to vector<16xi32>
    %mul3A_164 = arith.muli %get3A_161, %mul3A_163 : vector<16xi32>
    %get3A_165 = arith.constant 96 : index
    %get3A_166 = tpu.vector_load %arg7[%get3A_165] {strides = array<i32>} : memref<128xi32, #tpu.memory_space<vmem>>, vector<16xi32>,
    %get3A_167 = vector.shape_cast %get3A_166 : vector<16xi32> to vector<16xi32>
    %add3A_168 = arith.addi %mul3A_164, %get3A_167 : vector<16xi32>
    %swap3A_169 = arith.constant 96 : index
    %swap3A_170 = tpu.vector_load %arg8[%swap3A_169] {strides = array<i32>} : memref<128xi32, #tpu.memory_space<vmem>>, vector<16xi32>,
    %swap3A_171 = vector.shape_cast %swap3A_170 : vector<16xi32> to vector<16xi32>
    %swap3A_172 = vector.shape_cast %add3A_168 : vector<16xi32> to vector<16xi32>
    tpu.vector_store %arg8[%swap3A_169], %swap3A_172 {strides = array<i32>} : memref<128xi32, #tpu.memory_space<vmem>>, vector<16xi32>,
    %get3A_173 = arith.constant 112 : index
    %get3A_174 = tpu.vector_load %arg6[%get3A_173] {strides = array<i32>} : memref<128xi32, #tpu.memory_space<vmem>>, vector<16xi32>,
    %get3A_175 = vector.shape_cast %get3A_174 : vector<16xi32> to vector<16xi32>
    %mul3A_176 = arith.constant 17 : i32
    %mul3A_177 = vector.broadcast %mul3A_176 : i32 to vector<16xi32>
    %mul3A_178 = arith.muli %get3A_175, %mul3A_177 : vector<16xi32>
    %get3A_179 = arith.constant 112 : index
    %get3A_180 = tpu.vector_load %arg7[%get3A_179] {strides = array<i32>} : memref<128xi32, #tpu.memory_space<vmem>>, vector<16xi32>,
    %get3A_181 = vector.shape_cast %get3A_180 : vector<16xi32> to vector<16xi32>
    %add3A_182 = arith.addi %mul3A_178, %get3A_181 : vector<16xi32>
    %swap3A_183 = arith.constant 112 : index
    %swap3A_184 = tpu.vector_load %arg8[%swap3A_183] {strides = array<i32>} : memref<128xi32, #tpu.memory_space<vmem>>, vector<16xi32>,
    %swap3A_185 = vector.shape_cast %swap3A_184 : vector<16xi32> to vector<16xi32>
    %swap3A_186 = vector.shape_cast %add3A_182 : vector<16xi32> to vector<16xi32>
    tpu.vector_store %arg8[%swap3A_183], %swap3A_186 {strides = array<i32>} : memref<128xi32, #tpu.memory_space<vmem>>, vector<16xi32>,
    %dma_start3A = arith.constant 0 : i32
    %dma_start3A_187 = arith.constant 0 : i32
    %dma_start3A_188 = tpu.memref_slice %arg4[%dma_start3A, %dma_start3A_187] : memref<170000x128xf32, #tpu.memory_space<hbm>> -> memref<170000x128xf32, #tpu.memory_space<hbm>>
    tpu.enqueue_indirect_dma source(%dma_start3A_188 : memref<170000x128xf32, #tpu.memory_space<hbm>>) target(%arg10 : memref<128x128xf32, #tpu.memory_space<vmem>>) offsets(%arg8 : memref<128xi32, #tpu.memory_space<vmem>>) semaphore(%arg15 : memref<!tpu.dma_semaphore, #tpu.memory_space<semaphore_mem>>)
    %while3A = arith.constant 0 : i32
    %while3A_189 = arith.subi %select_n3A_71, %select_n3A : i32
    %while3A_190 = arith.addi %select_n3A, %while3A_189 : i32
    %while3A_191 = arith.constant 1 : i32
    %while3A_192 = arith.divsi %while3A_189, %while3A_191 : i32
    %while3A_193 = arith.muli %while3A_192, %while3A_191 : i32
    %while3A_194 = arith.addi %select_n3A, %while3A_193 : i32
    %while3A_195 = arith.constant 1 : i32
    scf.for %while3A_218 = %select_n3A to %while3A_194 step %while3A_195  : i32 {
      %mul3A_219 = arith.constant 2 : i32
      %mul3A_220 = arith.muli %mul3A_219, %while3A_218 : i32
      %add3A_221 = arith.constant 1 : i32
      %add3A_222 = arith.addi %mul3A_220, %add3A_221 : i32
      %mul3A_223 = arith.constant 128 : i32
      %mul3A_224 = arith.muli %add3A_222, %mul3A_223 : i32
      %run_scoped3A_225 = arith.constant 0 : i32
      "tpu.region"() ({
        %run_scoped3A_353 = tpu.sem_alloc : memref<!tpu.dma_semaphore, #tpu.memory_space<semaphore_mem>>
        %dma_start3A_354 = tpu.memref_slice %arg2[%run_scoped3A_225, %mul3A_224] : memref<2x320000xi32, #tpu.memory_space<hbm>> -> memref<1x128xi32, #tpu.memory_space<hbm>>
        %dma_start3A_355 = tpu.memref_squeeze %dma_start3A_354 : memref<1x128xi32, #tpu.memory_space<hbm>> -> memref<128xi32, #tpu.memory_space<hbm>>
        %dma_start3A_356 = tpu.memref_slice %arg2[%run_scoped3A_225, %mul3A_224] : memref<2x320000xi32, #tpu.memory_space<hbm>> -> memref<1x128xi32, #tpu.memory_space<hbm>>
        %dma_start3A_357 = tpu.memref_squeeze %dma_start3A_356 : memref<1x128xi32, #tpu.memory_space<hbm>> -> memref<128xi32, #tpu.memory_space<hbm>>
        tpu.enqueue_dma source(%dma_start3A_357 : memref<128xi32, #tpu.memory_space<hbm>>) target(%arg6 : memref<128xi32, #tpu.memory_space<vmem>>) target_semaphore(%run_scoped3A_353 : memref<!tpu.dma_semaphore, #tpu.memory_space<semaphore_mem>>)
        %dma_wait3A_358 = tpu.memref_slice %arg2[%run_scoped3A_225, %mul3A_224] : memref<2x320000xi32, #tpu.memory_space<hbm>> -> memref<1x128xi32, #tpu.memory_space<hbm>>
        %dma_wait3A_359 = tpu.memref_squeeze %dma_wait3A_358 : memref<1x128xi32, #tpu.memory_space<hbm>> -> memref<128xi32, #tpu.memory_space<hbm>>
        %dma_wait3A_360 = tpu.memref_slice %arg2[%run_scoped3A_225, %mul3A_224] : memref<2x320000xi32, #tpu.memory_space<hbm>> -> memref<1x128xi32, #tpu.memory_space<hbm>>
        %dma_wait3A_361 = tpu.memref_squeeze %dma_wait3A_360 : memref<1x128xi32, #tpu.memory_space<hbm>> -> memref<128xi32, #tpu.memory_space<hbm>>
        tpu.wait_dma2 semaphore(%run_scoped3A_353 : memref<!tpu.dma_semaphore, #tpu.memory_space<semaphore_mem>>) src(%dma_wait3A_361 : memref<128xi32, #tpu.memory_space<hbm>>) dst(%arg6 : memref<128xi32, #tpu.memory_space<vmem>>)
        tpu.yield
      }) : () -> ()
      %run_scoped3A_226 = arith.constant 1 : i32
      "tpu.region"() ({
        %run_scoped3A_353 = tpu.sem_alloc : memref<!tpu.dma_semaphore, #tpu.memory_space<semaphore_mem>>
        %dma_start3A_354 = tpu.memref_slice %arg2[%run_scoped3A_226, %mul3A_224] : memref<2x320000xi32, #tpu.memory_space<hbm>> -> memref<1x128xi32, #tpu.memory_space<hbm>>
        %dma_start3A_355 = tpu.memref_squeeze %dma_start3A_354 : memref<1x128xi32, #tpu.memory_space<hbm>> -> memref<128xi32, #tpu.memory_space<hbm>>
        %dma_start3A_356 = tpu.memref_slice %arg2[%run_scoped3A_226, %mul3A_224] : memref<2x320000xi32, #tpu.memory_space<hbm>> -> memref<1x128xi32, #tpu.memory_space<hbm>>
        %dma_start3A_357 = tpu.memref_squeeze %dma_start3A_356 : memref<1x128xi32, #tpu.memory_space<hbm>> -> memref<128xi32, #tpu.memory_space<hbm>>
        tpu.enqueue_dma source(%dma_start3A_357 : memref<128xi32, #tpu.memory_space<hbm>>) target(%arg12 : memref<128xi32, #tpu.memory_space<vmem>>) target_semaphore(%run_scoped3A_353 : memref<!tpu.dma_semaphore, #tpu.memory_space<semaphore_mem>>)
        %dma_wait3A_358 = tpu.memref_slice %arg2[%run_scoped3A_226, %mul3A_224] : memref<2x320000xi32, #tpu.memory_space<hbm>> -> memref<1x128xi32, #tpu.memory_space<hbm>>
        %dma_wait3A_359 = tpu.memref_squeeze %dma_wait3A_358 : memref<1x128xi32, #tpu.memory_space<hbm>> -> memref<128xi32, #tpu.memory_space<hbm>>
        %dma_wait3A_360 = tpu.memref_slice %arg2[%run_scoped3A_226, %mul3A_224] : memref<2x320000xi32, #tpu.memory_space<hbm>> -> memref<1x128xi32, #tpu.memory_space<hbm>>
        %dma_wait3A_361 = tpu.memref_squeeze %dma_wait3A_360 : memref<1x128xi32, #tpu.memory_space<hbm>> -> memref<128xi32, #tpu.memory_space<hbm>>
        tpu.wait_dma2 semaphore(%run_scoped3A_353 : memref<!tpu.dma_semaphore, #tpu.memory_space<semaphore_mem>>) src(%dma_wait3A_361 : memref<128xi32, #tpu.memory_space<hbm>>) dst(%arg12 : memref<128xi32, #tpu.memory_space<vmem>>)
        tpu.yield
      }) : () -> ()
      "tpu.region"() ({
        %run_scoped3A_353 = tpu.sem_alloc : memref<!tpu.dma_semaphore, #tpu.memory_space<semaphore_mem>>
        %dma_start3A_354 = tpu.memref_slice %arg3[%mul3A_224] : memref<320000xi32, #tpu.memory_space<hbm>> -> memref<128xi32, #tpu.memory_space<hbm>>
        %dma_start3A_355 = tpu.memref_slice %arg3[%mul3A_224] : memref<320000xi32, #tpu.memory_space<hbm>> -> memref<128xi32, #tpu.memory_space<hbm>>
        tpu.enqueue_dma source(%dma_start3A_355 : memref<128xi32, #tpu.memory_space<hbm>>) target(%arg7 : memref<128xi32, #tpu.memory_space<vmem>>) target_semaphore(%run_scoped3A_353 : memref<!tpu.dma_semaphore, #tpu.memory_space<semaphore_mem>>)
        %dma_wait3A_356 = tpu.memref_slice %arg3[%mul3A_224] : memref<320000xi32, #tpu.memory_space<hbm>> -> memref<128xi32, #tpu.memory_space<hbm>>
        %dma_wait3A_357 = tpu.memref_slice %arg3[%mul3A_224] : memref<320000xi32, #tpu.memory_space<hbm>> -> memref<128xi32, #tpu.memory_space<hbm>>
        tpu.wait_dma2 semaphore(%run_scoped3A_353 : memref<!tpu.dma_semaphore, #tpu.memory_space<semaphore_mem>>) src(%dma_wait3A_357 : memref<128xi32, #tpu.memory_space<hbm>>) dst(%arg7 : memref<128xi32, #tpu.memory_space<vmem>>)
        tpu.yield
      }) : () -> ()
      %get3A_227 = arith.constant 0 : index
      %get3A_228 = tpu.vector_load %arg6[%get3A_227] {strides = array<i32>} : memref<128xi32, #tpu.memory_space<vmem>>, vector<16xi32>,
      %get3A_229 = vector.shape_cast %get3A_228 : vector<16xi32> to vector<16xi32>
      %mul3A_230 = arith.constant 17 : i32
      %mul3A_231 = vector.broadcast %mul3A_230 : i32 to vector<16xi32>
      %mul3A_232 = arith.muli %get3A_229, %mul3A_231 : vector<16xi32>
      %get3A_233 = arith.constant 0 : index
      %get3A_234 = tpu.vector_load %arg7[%get3A_233] {strides = array<i32>} : memref<128xi32, #tpu.memory_space<vmem>>, vector<16xi32>,
      %get3A_235 = vector.shape_cast %get3A_234 : vector<16xi32> to vector<16xi32>
      %add3A_236 = arith.addi %mul3A_232, %get3A_235 : vector<16xi32>
      %swap3A_237 = arith.constant 0 : index
      %swap3A_238 = tpu.vector_load %arg11[%swap3A_237] {strides = array<i32>} : memref<128xi32, #tpu.memory_space<vmem>>, vector<16xi32>,
      %swap3A_239 = vector.shape_cast %swap3A_238 : vector<16xi32> to vector<16xi32>
      %swap3A_240 = vector.shape_cast %add3A_236 : vector<16xi32> to vector<16xi32>
      tpu.vector_store %arg11[%swap3A_237], %swap3A_240 {strides = array<i32>} : memref<128xi32, #tpu.memory_space<vmem>>, vector<16xi32>,
      %get3A_241 = arith.constant 16 : index
      %get3A_242 = tpu.vector_load %arg6[%get3A_241] {strides = array<i32>} : memref<128xi32, #tpu.memory_space<vmem>>, vector<16xi32>,
      %get3A_243 = vector.shape_cast %get3A_242 : vector<16xi32> to vector<16xi32>
      %mul3A_244 = arith.constant 17 : i32
      %mul3A_245 = vector.broadcast %mul3A_244 : i32 to vector<16xi32>
      %mul3A_246 = arith.muli %get3A_243, %mul3A_245 : vector<16xi32>
      %get3A_247 = arith.constant 16 : index
      %get3A_248 = tpu.vector_load %arg7[%get3A_247] {strides = array<i32>} : memref<128xi32, #tpu.memory_space<vmem>>, vector<16xi32>,
      %get3A_249 = vector.shape_cast %get3A_248 : vector<16xi32> to vector<16xi32>
      %add3A_250 = arith.addi %mul3A_246, %get3A_249 : vector<16xi32>
      %swap3A_251 = arith.constant 16 : index
      %swap3A_252 = tpu.vector_load %arg11[%swap3A_251] {strides = array<i32>} : memref<128xi32, #tpu.memory_space<vmem>>, vector<16xi32>,
      %swap3A_253 = vector.shape_cast %swap3A_252 : vector<16xi32> to vector<16xi32>
      %swap3A_254 = vector.shape_cast %add3A_250 : vector<16xi32> to vector<16xi32>
      tpu.vector_store %arg11[%swap3A_251], %swap3A_254 {strides = array<i32>} : memref<128xi32, #tpu.memory_space<vmem>>, vector<16xi32>,
      %get3A_255 = arith.constant 32 : index
      %get3A_256 = tpu.vector_load %arg6[%get3A_255] {strides = array<i32>} : memref<128xi32, #tpu.memory_space<vmem>>, vector<16xi32>,
      %get3A_257 = vector.shape_cast %get3A_256 : vector<16xi32> to vector<16xi32>
      %mul3A_258 = arith.constant 17 : i32
      %mul3A_259 = vector.broadcast %mul3A_258 : i32 to vector<16xi32>
      %mul3A_260 = arith.muli %get3A_257, %mul3A_259 : vector<16xi32>
      %get3A_261 = arith.constant 32 : index
      %get3A_262 = tpu.vector_load %arg7[%get3A_261] {strides = array<i32>} : memref<128xi32, #tpu.memory_space<vmem>>, vector<16xi32>,
      %get3A_263 = vector.shape_cast %get3A_262 : vector<16xi32> to vector<16xi32>
      %add3A_264 = arith.addi %mul3A_260, %get3A_263 : vector<16xi32>
      %swap3A_265 = arith.constant 32 : index
      %swap3A_266 = tpu.vector_load %arg11[%swap3A_265] {strides = array<i32>} : memref<128xi32, #tpu.memory_space<vmem>>, vector<16xi32>,
      %swap3A_267 = vector.shape_cast %swap3A_266 : vector<16xi32> to vector<16xi32>
      %swap3A_268 = vector.shape_cast %add3A_264 : vector<16xi32> to vector<16xi32>
      tpu.vector_store %arg11[%swap3A_265], %swap3A_268 {strides = array<i32>} : memref<128xi32, #tpu.memory_space<vmem>>, vector<16xi32>,
      %get3A_269 = arith.constant 48 : index
      %get3A_270 = tpu.vector_load %arg6[%get3A_269] {strides = array<i32>} : memref<128xi32, #tpu.memory_space<vmem>>, vector<16xi32>,
      %get3A_271 = vector.shape_cast %get3A_270 : vector<16xi32> to vector<16xi32>
      %mul3A_272 = arith.constant 17 : i32
      %mul3A_273 = vector.broadcast %mul3A_272 : i32 to vector<16xi32>
      %mul3A_274 = arith.muli %get3A_271, %mul3A_273 : vector<16xi32>
      %get3A_275 = arith.constant 48 : index
      %get3A_276 = tpu.vector_load %arg7[%get3A_275] {strides = array<i32>} : memref<128xi32, #tpu.memory_space<vmem>>, vector<16xi32>,
      %get3A_277 = vector.shape_cast %get3A_276 : vector<16xi32> to vector<16xi32>
      %add3A_278 = arith.addi %mul3A_274, %get3A_277 : vector<16xi32>
      %swap3A_279 = arith.constant 48 : index
      %swap3A_280 = tpu.vector_load %arg11[%swap3A_279] {strides = array<i32>} : memref<128xi32, #tpu.memory_space<vmem>>, vector<16xi32>,
      %swap3A_281 = vector.shape_cast %swap3A_280 : vector<16xi32> to vector<16xi32>
      %swap3A_282 = vector.shape_cast %add3A_278 : vector<16xi32> to vector<16xi32>
      tpu.vector_store %arg11[%swap3A_279], %swap3A_282 {strides = array<i32>} : memref<128xi32, #tpu.memory_space<vmem>>, vector<16xi32>,
      %get3A_283 = arith.constant 64 : index
      %get3A_284 = tpu.vector_load %arg6[%get3A_283] {strides = array<i32>} : memref<128xi32, #tpu.memory_space<vmem>>, vector<16xi32>,
      %get3A_285 = vector.shape_cast %get3A_284 : vector<16xi32> to vector<16xi32>
      %mul3A_286 = arith.constant 17 : i32
      %mul3A_287 = vector.broadcast %mul3A_286 : i32 to vector<16xi32>
      %mul3A_288 = arith.muli %get3A_285, %mul3A_287 : vector<16xi32>
      %get3A_289 = arith.constant 64 : index
      %get3A_290 = tpu.vector_load %arg7[%get3A_289] {strides = array<i32>} : memref<128xi32, #tpu.memory_space<vmem>>, vector<16xi32>,
      %get3A_291 = vector.shape_cast %get3A_290 : vector<16xi32> to vector<16xi32>
      %add3A_292 = arith.addi %mul3A_288, %get3A_291 : vector<16xi32>
      %swap3A_293 = arith.constant 64 : index
      %swap3A_294 = tpu.vector_load %arg11[%swap3A_293] {strides = array<i32>} : memref<128xi32, #tpu.memory_space<vmem>>, vector<16xi32>,
      %swap3A_295 = vector.shape_cast %swap3A_294 : vector<16xi32> to vector<16xi32>
      %swap3A_296 = vector.shape_cast %add3A_292 : vector<16xi32> to vector<16xi32>
      tpu.vector_store %arg11[%swap3A_293], %swap3A_296 {strides = array<i32>} : memref<128xi32, #tpu.memory_space<vmem>>, vector<16xi32>,
      %get3A_297 = arith.constant 80 : index
      %get3A_298 = tpu.vector_load %arg6[%get3A_297] {strides = array<i32>} : memref<128xi32, #tpu.memory_space<vmem>>, vector<16xi32>,
      %get3A_299 = vector.shape_cast %get3A_298 : vector<16xi32> to vector<16xi32>
      %mul3A_300 = arith.constant 17 : i32
      %mul3A_301 = vector.broadcast %mul3A_300 : i32 to vector<16xi32>
      %mul3A_302 = arith.muli %get3A_299, %mul3A_301 : vector<16xi32>
      %get3A_303 = arith.constant 80 : index
      %get3A_304 = tpu.vector_load %arg7[%get3A_303] {strides = array<i32>} : memref<128xi32, #tpu.memory_space<vmem>>, vector<16xi32>,
      %get3A_305 = vector.shape_cast %get3A_304 : vector<16xi32> to vector<16xi32>
      %add3A_306 = arith.addi %mul3A_302, %get3A_305 : vector<16xi32>
      %swap3A_307 = arith.constant 80 : index
      %swap3A_308 = tpu.vector_load %arg11[%swap3A_307] {strides = array<i32>} : memref<128xi32, #tpu.memory_space<vmem>>, vector<16xi32>,
      %swap3A_309 = vector.shape_cast %swap3A_308 : vector<16xi32> to vector<16xi32>
      %swap3A_310 = vector.shape_cast %add3A_306 : vector<16xi32> to vector<16xi32>
      tpu.vector_store %arg11[%swap3A_307], %swap3A_310 {strides = array<i32>} : memref<128xi32, #tpu.memory_space<vmem>>, vector<16xi32>,
      %get3A_311 = arith.constant 96 : index
      %get3A_312 = tpu.vector_load %arg6[%get3A_311] {strides = array<i32>} : memref<128xi32, #tpu.memory_space<vmem>>, vector<16xi32>,
      %get3A_313 = vector.shape_cast %get3A_312 : vector<16xi32> to vector<16xi32>
      %mul3A_314 = arith.constant 17 : i32
      %mul3A_315 = vector.broadcast %mul3A_314 : i32 to vector<16xi32>
      %mul3A_316 = arith.muli %get3A_313, %mul3A_315 : vector<16xi32>
      %get3A_317 = arith.constant 96 : index
      %get3A_318 = tpu.vector_load %arg7[%get3A_317] {strides = array<i32>} : memref<128xi32, #tpu.memory_space<vmem>>, vector<16xi32>,
      %get3A_319 = vector.shape_cast %get3A_318 : vector<16xi32> to vector<16xi32>
      %add3A_320 = arith.addi %mul3A_316, %get3A_319 : vector<16xi32>
      %swap3A_321 = arith.constant 96 : index
      %swap3A_322 = tpu.vector_load %arg11[%swap3A_321] {strides = array<i32>} : memref<128xi32, #tpu.memory_space<vmem>>, vector<16xi32>,
      %swap3A_323 = vector.shape_cast %swap3A_322 : vector<16xi32> to vector<16xi32>
      %swap3A_324 = vector.shape_cast %add3A_320 : vector<16xi32> to vector<16xi32>
      tpu.vector_store %arg11[%swap3A_321], %swap3A_324 {strides = array<i32>} : memref<128xi32, #tpu.memory_space<vmem>>, vector<16xi32>,
      %get3A_325 = arith.constant 112 : index
      %get3A_326 = tpu.vector_load %arg6[%get3A_325] {strides = array<i32>} : memref<128xi32, #tpu.memory_space<vmem>>, vector<16xi32>,
      %get3A_327 = vector.shape_cast %get3A_326 : vector<16xi32> to vector<16xi32>
      %mul3A_328 = arith.constant 17 : i32
      %mul3A_329 = vector.broadcast %mul3A_328 : i32 to vector<16xi32>
      %mul3A_330 = arith.muli %get3A_327, %mul3A_329 : vector<16xi32>
      %get3A_331 = arith.constant 112 : index
      %get3A_332 = tpu.vector_load %arg7[%get3A_331] {strides = array<i32>} : memref<128xi32, #tpu.memory_space<vmem>>, vector<16xi32>,
      %get3A_333 = vector.shape_cast %get3A_332 : vector<16xi32> to vector<16xi32>
      %add3A_334 = arith.addi %mul3A_330, %get3A_333 : vector<16xi32>
      %swap3A_335 = arith.constant 112 : index
      %swap3A_336 = tpu.vector_load %arg11[%swap3A_335] {strides = array<i32>} : memref<128xi32, #tpu.memory_space<vmem>>, vector<16xi32>,
      %swap3A_337 = vector.shape_cast %swap3A_336 : vector<16xi32> to vector<16xi32>
      %swap3A_338 = vector.shape_cast %add3A_334 : vector<16xi32> to vector<16xi32>
      tpu.vector_store %arg11[%swap3A_335], %swap3A_338 {strides = array<i32>} : memref<128xi32, #tpu.memory_space<vmem>>, vector<16xi32>,
      %dma_wait3A = arith.constant 0 : i32
      %dma_wait3A_339 = arith.constant 0 : i32
      %dma_wait3A_340 = tpu.memref_slice %arg4[%dma_wait3A, %dma_wait3A_339] : memref<170000x128xf32, #tpu.memory_space<hbm>> -> memref<170000x128xf32, #tpu.memory_space<hbm>>
      tpu.wait_indirect_dma semaphore(%arg15 : memref<!tpu.dma_semaphore, #tpu.memory_space<semaphore_mem>>) src(%dma_wait3A_340 : memref<170000x128xf32, #tpu.memory_space<hbm>>) dst(%arg10 : memref<128x128xf32, #tpu.memory_space<vmem>>)
      %dma_start3A_341 = arith.constant 0 : i32
      %dma_start3A_342 = arith.constant 0 : i32
      %dma_start3A_343 = tpu.memref_slice %arg4[%dma_start3A_341, %dma_start3A_342] : memref<170000x128xf32, #tpu.memory_space<hbm>> -> memref<170000x128xf32, #tpu.memory_space<hbm>>
      tpu.enqueue_indirect_dma source(%dma_start3A_343 : memref<170000x128xf32, #tpu.memory_space<hbm>>) target(%arg13 : memref<128x128xf32, #tpu.memory_space<vmem>>) offsets(%arg11 : memref<128xi32, #tpu.memory_space<vmem>>) semaphore(%arg16 : memref<!tpu.dma_semaphore, #tpu.memory_space<semaphore_mem>>)
      "tpu.region"() ({
        %run_scoped3A_353 = tpu.sem_alloc : memref<!tpu.dma_semaphore, #tpu.memory_space<semaphore_mem>>
        %dma_start3A_354 = arith.constant 0 : i32
        %dma_start3A_355 = arith.constant 0 : i32
        %dma_start3A_356 = tpu.memref_slice %arg14[%dma_start3A_354, %dma_start3A_355] : memref<10240x128xf32, #tpu.memory_space<vmem_shared>> -> memref<10240x128xf32, #tpu.memory_space<vmem_shared>>
        tpu.enqueue_indirect_dma source(%arg10 : memref<128x128xf32, #tpu.memory_space<vmem>>) target(%dma_start3A_356 : memref<10240x128xf32, #tpu.memory_space<vmem_shared>>) offsets(%arg9 : memref<128xi32, #tpu.memory_space<vmem>>) semaphore(%run_scoped3A_353 : memref<!tpu.dma_semaphore, #tpu.memory_space<semaphore_mem>>) {add = true}
        %dma_wait3A_357 = arith.constant 0 : i32
        %dma_wait3A_358 = arith.constant 0 : i32
        %dma_wait3A_359 = tpu.memref_slice %arg14[%dma_wait3A_357, %dma_wait3A_358] : memref<10240x128xf32, #tpu.memory_space<vmem_shared>> -> memref<10240x128xf32, #tpu.memory_space<vmem_shared>>
        tpu.wait_indirect_dma semaphore(%run_scoped3A_353 : memref<!tpu.dma_semaphore, #tpu.memory_space<semaphore_mem>>) src(%arg10 : memref<128x128xf32, #tpu.memory_space<vmem>>) dst(%dma_wait3A_359 : memref<10240x128xf32, #tpu.memory_space<vmem_shared>>)
        tpu.yield
      }) : () -> ()
      %add3A_344 = arith.constant 1 : i32
      %add3A_345 = arith.addi %while3A_218, %add3A_344 : i32
      %lt3A = arith.cmpi slt, %add3A_345, %select_n3A_71 : i32
      %convert_element_type3A = arith.extui %lt3A : i1 to i32
      %cond3A = arith.constant 0 : i32
      %cond3A_346 = arith.cmpi ne, %convert_element_type3A, %cond3A : i32
      scf.if %cond3A_346 {
        %add3A_353 = arith.constant 2 : i32
        %add3A_354 = arith.addi %mul3A_220, %add3A_353 : i32
        %mul3A_355 = arith.constant 128 : i32
        %mul3A_356 = arith.muli %add3A_354, %mul3A_355 : i32
        %run_scoped3A_357 = arith.constant 0 : i32
        "tpu.region"() ({
          %run_scoped3A_471 = tpu.sem_alloc : memref<!tpu.dma_semaphore, #tpu.memory_space<semaphore_mem>>
          %dma_start3A_472 = tpu.memref_slice %arg2[%run_scoped3A_357, %mul3A_356] : memref<2x320000xi32, #tpu.memory_space<hbm>> -> memref<1x128xi32, #tpu.memory_space<hbm>>
          %dma_start3A_473 = tpu.memref_squeeze %dma_start3A_472 : memref<1x128xi32, #tpu.memory_space<hbm>> -> memref<128xi32, #tpu.memory_space<hbm>>
          %dma_start3A_474 = tpu.memref_slice %arg2[%run_scoped3A_357, %mul3A_356] : memref<2x320000xi32, #tpu.memory_space<hbm>> -> memref<1x128xi32, #tpu.memory_space<hbm>>
          %dma_start3A_475 = tpu.memref_squeeze %dma_start3A_474 : memref<1x128xi32, #tpu.memory_space<hbm>> -> memref<128xi32, #tpu.memory_space<hbm>>
          tpu.enqueue_dma source(%dma_start3A_475 : memref<128xi32, #tpu.memory_space<hbm>>) target(%arg6 : memref<128xi32, #tpu.memory_space<vmem>>) target_semaphore(%run_scoped3A_471 : memref<!tpu.dma_semaphore, #tpu.memory_space<semaphore_mem>>)
          %dma_wait3A_476 = tpu.memref_slice %arg2[%run_scoped3A_357, %mul3A_356] : memref<2x320000xi32, #tpu.memory_space<hbm>> -> memref<1x128xi32, #tpu.memory_space<hbm>>
          %dma_wait3A_477 = tpu.memref_squeeze %dma_wait3A_476 : memref<1x128xi32, #tpu.memory_space<hbm>> -> memref<128xi32, #tpu.memory_space<hbm>>
          %dma_wait3A_478 = tpu.memref_slice %arg2[%run_scoped3A_357, %mul3A_356] : memref<2x320000xi32, #tpu.memory_space<hbm>> -> memref<1x128xi32, #tpu.memory_space<hbm>>
          %dma_wait3A_479 = tpu.memref_squeeze %dma_wait3A_478 : memref<1x128xi32, #tpu.memory_space<hbm>> -> memref<128xi32, #tpu.memory_space<hbm>>
          tpu.wait_dma2 semaphore(%run_scoped3A_471 : memref<!tpu.dma_semaphore, #tpu.memory_space<semaphore_mem>>) src(%dma_wait3A_479 : memref<128xi32, #tpu.memory_space<hbm>>) dst(%arg6 : memref<128xi32, #tpu.memory_space<vmem>>)
          tpu.yield
        }) : () -> ()
        %run_scoped3A_358 = arith.constant 1 : i32
        "tpu.region"() ({
          %run_scoped3A_471 = tpu.sem_alloc : memref<!tpu.dma_semaphore, #tpu.memory_space<semaphore_mem>>
          %dma_start3A_472 = tpu.memref_slice %arg2[%run_scoped3A_358, %mul3A_356] : memref<2x320000xi32, #tpu.memory_space<hbm>> -> memref<1x128xi32, #tpu.memory_space<hbm>>
          %dma_start3A_473 = tpu.memref_squeeze %dma_start3A_472 : memref<1x128xi32, #tpu.memory_space<hbm>> -> memref<128xi32, #tpu.memory_space<hbm>>
          %dma_start3A_474 = tpu.memref_slice %arg2[%run_scoped3A_358, %mul3A_356] : memref<2x320000xi32, #tpu.memory_space<hbm>> -> memref<1x128xi32, #tpu.memory_space<hbm>>
          %dma_start3A_475 = tpu.memref_squeeze %dma_start3A_474 : memref<1x128xi32, #tpu.memory_space<hbm>> -> memref<128xi32, #tpu.memory_space<hbm>>
          tpu.enqueue_dma source(%dma_start3A_475 : memref<128xi32, #tpu.memory_space<hbm>>) target(%arg9 : memref<128xi32, #tpu.memory_space<vmem>>) target_semaphore(%run_scoped3A_471 : memref<!tpu.dma_semaphore, #tpu.memory_space<semaphore_mem>>)
          %dma_wait3A_476 = tpu.memref_slice %arg2[%run_scoped3A_358, %mul3A_356] : memref<2x320000xi32, #tpu.memory_space<hbm>> -> memref<1x128xi32, #tpu.memory_space<hbm>>
          %dma_wait3A_477 = tpu.memref_squeeze %dma_wait3A_476 : memref<1x128xi32, #tpu.memory_space<hbm>> -> memref<128xi32, #tpu.memory_space<hbm>>
          %dma_wait3A_478 = tpu.memref_slice %arg2[%run_scoped3A_358, %mul3A_356] : memref<2x320000xi32, #tpu.memory_space<hbm>> -> memref<1x128xi32, #tpu.memory_space<hbm>>
          %dma_wait3A_479 = tpu.memref_squeeze %dma_wait3A_478 : memref<1x128xi32, #tpu.memory_space<hbm>> -> memref<128xi32, #tpu.memory_space<hbm>>
          tpu.wait_dma2 semaphore(%run_scoped3A_471 : memref<!tpu.dma_semaphore, #tpu.memory_space<semaphore_mem>>) src(%dma_wait3A_479 : memref<128xi32, #tpu.memory_space<hbm>>) dst(%arg9 : memref<128xi32, #tpu.memory_space<vmem>>)
          tpu.yield
        }) : () -> ()
        "tpu.region"() ({
          %run_scoped3A_471 = tpu.sem_alloc : memref<!tpu.dma_semaphore, #tpu.memory_space<semaphore_mem>>
          %dma_start3A_472 = tpu.memref_slice %arg3[%mul3A_356] : memref<320000xi32, #tpu.memory_space<hbm>> -> memref<128xi32, #tpu.memory_space<hbm>>
          %dma_start3A_473 = tpu.memref_slice %arg3[%mul3A_356] : memref<320000xi32, #tpu.memory_space<hbm>> -> memref<128xi32, #tpu.memory_space<hbm>>
          tpu.enqueue_dma source(%dma_start3A_473 : memref<128xi32, #tpu.memory_space<hbm>>) target(%arg7 : memref<128xi32, #tpu.memory_space<vmem>>) target_semaphore(%run_scoped3A_471 : memref<!tpu.dma_semaphore, #tpu.memory_space<semaphore_mem>>)
          %dma_wait3A_474 = tpu.memref_slice %arg3[%mul3A_356] : memref<320000xi32, #tpu.memory_space<hbm>> -> memref<128xi32, #tpu.memory_space<hbm>>
          %dma_wait3A_475 = tpu.memref_slice %arg3[%mul3A_356] : memref<320000xi32, #tpu.memory_space<hbm>> -> memref<128xi32, #tpu.memory_space<hbm>>
          tpu.wait_dma2 semaphore(%run_scoped3A_471 : memref<!tpu.dma_semaphore, #tpu.memory_space<semaphore_mem>>) src(%dma_wait3A_475 : memref<128xi32, #tpu.memory_space<hbm>>) dst(%arg7 : memref<128xi32, #tpu.memory_space<vmem>>)
          tpu.yield
        }) : () -> ()
        %get3A_359 = arith.constant 0 : index
        %get3A_360 = tpu.vector_load %arg6[%get3A_359] {strides = array<i32>} : memref<128xi32, #tpu.memory_space<vmem>>, vector<16xi32>,
        %get3A_361 = vector.shape_cast %get3A_360 : vector<16xi32> to vector<16xi32>
        %mul3A_362 = arith.constant 17 : i32
        %mul3A_363 = vector.broadcast %mul3A_362 : i32 to vector<16xi32>
        %mul3A_364 = arith.muli %get3A_361, %mul3A_363 : vector<16xi32>
        %get3A_365 = arith.constant 0 : index
        %get3A_366 = tpu.vector_load %arg7[%get3A_365] {strides = array<i32>} : memref<128xi32, #tpu.memory_space<vmem>>, vector<16xi32>,
        %get3A_367 = vector.shape_cast %get3A_366 : vector<16xi32> to vector<16xi32>
        %add3A_368 = arith.addi %mul3A_364, %get3A_367 : vector<16xi32>
        %swap3A_369 = arith.constant 0 : index
        %swap3A_370 = tpu.vector_load %arg8[%swap3A_369] {strides = array<i32>} : memref<128xi32, #tpu.memory_space<vmem>>, vector<16xi32>,
        %swap3A_371 = vector.shape_cast %swap3A_370 : vector<16xi32> to vector<16xi32>
        %swap3A_372 = vector.shape_cast %add3A_368 : vector<16xi32> to vector<16xi32>
        tpu.vector_store %arg8[%swap3A_369], %swap3A_372 {strides = array<i32>} : memref<128xi32, #tpu.memory_space<vmem>>, vector<16xi32>,
        %get3A_373 = arith.constant 16 : index
        %get3A_374 = tpu.vector_load %arg6[%get3A_373] {strides = array<i32>} : memref<128xi32, #tpu.memory_space<vmem>>, vector<16xi32>,
        %get3A_375 = vector.shape_cast %get3A_374 : vector<16xi32> to vector<16xi32>
        %mul3A_376 = arith.constant 17 : i32
        %mul3A_377 = vector.broadcast %mul3A_376 : i32 to vector<16xi32>
        %mul3A_378 = arith.muli %get3A_375, %mul3A_377 : vector<16xi32>
        %get3A_379 = arith.constant 16 : index
        %get3A_380 = tpu.vector_load %arg7[%get3A_379] {strides = array<i32>} : memref<128xi32, #tpu.memory_space<vmem>>, vector<16xi32>,
        %get3A_381 = vector.shape_cast %get3A_380 : vector<16xi32> to vector<16xi32>
        %add3A_382 = arith.addi %mul3A_378, %get3A_381 : vector<16xi32>
        %swap3A_383 = arith.constant 16 : index
        %swap3A_384 = tpu.vector_load %arg8[%swap3A_383] {strides = array<i32>} : memref<128xi32, #tpu.memory_space<vmem>>, vector<16xi32>,
        %swap3A_385 = vector.shape_cast %swap3A_384 : vector<16xi32> to vector<16xi32>
        %swap3A_386 = vector.shape_cast %add3A_382 : vector<16xi32> to vector<16xi32>
        tpu.vector_store %arg8[%swap3A_383], %swap3A_386 {strides = array<i32>} : memref<128xi32, #tpu.memory_space<vmem>>, vector<16xi32>,
        %get3A_387 = arith.constant 32 : index
        %get3A_388 = tpu.vector_load %arg6[%get3A_387] {strides = array<i32>} : memref<128xi32, #tpu.memory_space<vmem>>, vector<16xi32>,
        %get3A_389 = vector.shape_cast %get3A_388 : vector<16xi32> to vector<16xi32>
        %mul3A_390 = arith.constant 17 : i32
        %mul3A_391 = vector.broadcast %mul3A_390 : i32 to vector<16xi32>
        %mul3A_392 = arith.muli %get3A_389, %mul3A_391 : vector<16xi32>
        %get3A_393 = arith.constant 32 : index
        %get3A_394 = tpu.vector_load %arg7[%get3A_393] {strides = array<i32>} : memref<128xi32, #tpu.memory_space<vmem>>, vector<16xi32>,
        %get3A_395 = vector.shape_cast %get3A_394 : vector<16xi32> to vector<16xi32>
        %add3A_396 = arith.addi %mul3A_392, %get3A_395 : vector<16xi32>
        %swap3A_397 = arith.constant 32 : index
        %swap3A_398 = tpu.vector_load %arg8[%swap3A_397] {strides = array<i32>} : memref<128xi32, #tpu.memory_space<vmem>>, vector<16xi32>,
        %swap3A_399 = vector.shape_cast %swap3A_398 : vector<16xi32> to vector<16xi32>
        %swap3A_400 = vector.shape_cast %add3A_396 : vector<16xi32> to vector<16xi32>
        tpu.vector_store %arg8[%swap3A_397], %swap3A_400 {strides = array<i32>} : memref<128xi32, #tpu.memory_space<vmem>>, vector<16xi32>,
        %get3A_401 = arith.constant 48 : index
        %get3A_402 = tpu.vector_load %arg6[%get3A_401] {strides = array<i32>} : memref<128xi32, #tpu.memory_space<vmem>>, vector<16xi32>,
        %get3A_403 = vector.shape_cast %get3A_402 : vector<16xi32> to vector<16xi32>
        %mul3A_404 = arith.constant 17 : i32
        %mul3A_405 = vector.broadcast %mul3A_404 : i32 to vector<16xi32>
        %mul3A_406 = arith.muli %get3A_403, %mul3A_405 : vector<16xi32>
        %get3A_407 = arith.constant 48 : index
        %get3A_408 = tpu.vector_load %arg7[%get3A_407] {strides = array<i32>} : memref<128xi32, #tpu.memory_space<vmem>>, vector<16xi32>,
        %get3A_409 = vector.shape_cast %get3A_408 : vector<16xi32> to vector<16xi32>
        %add3A_410 = arith.addi %mul3A_406, %get3A_409 : vector<16xi32>
        %swap3A_411 = arith.constant 48 : index
        %swap3A_412 = tpu.vector_load %arg8[%swap3A_411] {strides = array<i32>} : memref<128xi32, #tpu.memory_space<vmem>>, vector<16xi32>,
        %swap3A_413 = vector.shape_cast %swap3A_412 : vector<16xi32> to vector<16xi32>
        %swap3A_414 = vector.shape_cast %add3A_410 : vector<16xi32> to vector<16xi32>
        tpu.vector_store %arg8[%swap3A_411], %swap3A_414 {strides = array<i32>} : memref<128xi32, #tpu.memory_space<vmem>>, vector<16xi32>,
        %get3A_415 = arith.constant 64 : index
        %get3A_416 = tpu.vector_load %arg6[%get3A_415] {strides = array<i32>} : memref<128xi32, #tpu.memory_space<vmem>>, vector<16xi32>,
        %get3A_417 = vector.shape_cast %get3A_416 : vector<16xi32> to vector<16xi32>
        %mul3A_418 = arith.constant 17 : i32
        %mul3A_419 = vector.broadcast %mul3A_418 : i32 to vector<16xi32>
        %mul3A_420 = arith.muli %get3A_417, %mul3A_419 : vector<16xi32>
        %get3A_421 = arith.constant 64 : index
        %get3A_422 = tpu.vector_load %arg7[%get3A_421] {strides = array<i32>} : memref<128xi32, #tpu.memory_space<vmem>>, vector<16xi32>,
        %get3A_423 = vector.shape_cast %get3A_422 : vector<16xi32> to vector<16xi32>
        %add3A_424 = arith.addi %mul3A_420, %get3A_423 : vector<16xi32>
        %swap3A_425 = arith.constant 64 : index
        %swap3A_426 = tpu.vector_load %arg8[%swap3A_425] {strides = array<i32>} : memref<128xi32, #tpu.memory_space<vmem>>, vector<16xi32>,
        %swap3A_427 = vector.shape_cast %swap3A_426 : vector<16xi32> to vector<16xi32>
        %swap3A_428 = vector.shape_cast %add3A_424 : vector<16xi32> to vector<16xi32>
        tpu.vector_store %arg8[%swap3A_425], %swap3A_428 {strides = array<i32>} : memref<128xi32, #tpu.memory_space<vmem>>, vector<16xi32>,
        %get3A_429 = arith.constant 80 : index
        %get3A_430 = tpu.vector_load %arg6[%get3A_429] {strides = array<i32>} : memref<128xi32, #tpu.memory_space<vmem>>, vector<16xi32>,
        %get3A_431 = vector.shape_cast %get3A_430 : vector<16xi32> to vector<16xi32>
        %mul3A_432 = arith.constant 17 : i32
        %mul3A_433 = vector.broadcast %mul3A_432 : i32 to vector<16xi32>
        %mul3A_434 = arith.muli %get3A_431, %mul3A_433 : vector<16xi32>
        %get3A_435 = arith.constant 80 : index
        %get3A_436 = tpu.vector_load %arg7[%get3A_435] {strides = array<i32>} : memref<128xi32, #tpu.memory_space<vmem>>, vector<16xi32>,
        %get3A_437 = vector.shape_cast %get3A_436 : vector<16xi32> to vector<16xi32>
        %add3A_438 = arith.addi %mul3A_434, %get3A_437 : vector<16xi32>
        %swap3A_439 = arith.constant 80 : index
        %swap3A_440 = tpu.vector_load %arg8[%swap3A_439] {strides = array<i32>} : memref<128xi32, #tpu.memory_space<vmem>>, vector<16xi32>,
        %swap3A_441 = vector.shape_cast %swap3A_440 : vector<16xi32> to vector<16xi32>
        %swap3A_442 = vector.shape_cast %add3A_438 : vector<16xi32> to vector<16xi32>
        tpu.vector_store %arg8[%swap3A_439], %swap3A_442 {strides = array<i32>} : memref<128xi32, #tpu.memory_space<vmem>>, vector<16xi32>,
        %get3A_443 = arith.constant 96 : index
        %get3A_444 = tpu.vector_load %arg6[%get3A_443] {strides = array<i32>} : memref<128xi32, #tpu.memory_space<vmem>>, vector<16xi32>,
        %get3A_445 = vector.shape_cast %get3A_444 : vector<16xi32> to vector<16xi32>
        %mul3A_446 = arith.constant 17 : i32
        %mul3A_447 = vector.broadcast %mul3A_446 : i32 to vector<16xi32>
        %mul3A_448 = arith.muli %get3A_445, %mul3A_447 : vector<16xi32>
        %get3A_449 = arith.constant 96 : index
        %get3A_450 = tpu.vector_load %arg7[%get3A_449] {strides = array<i32>} : memref<128xi32, #tpu.memory_space<vmem>>, vector<16xi32>,
        %get3A_451 = vector.shape_cast %get3A_450 : vector<16xi32> to vector<16xi32>
        %add3A_452 = arith.addi %mul3A_448, %get3A_451 : vector<16xi32>
        %swap3A_453 = arith.constant 96 : index
        %swap3A_454 = tpu.vector_load %arg8[%swap3A_453] {strides = array<i32>} : memref<128xi32, #tpu.memory_space<vmem>>, vector<16xi32>,
        %swap3A_455 = vector.shape_cast %swap3A_454 : vector<16xi32> to vector<16xi32>
        %swap3A_456 = vector.shape_cast %add3A_452 : vector<16xi32> to vector<16xi32>
        tpu.vector_store %arg8[%swap3A_453], %swap3A_456 {strides = array<i32>} : memref<128xi32, #tpu.memory_space<vmem>>, vector<16xi32>,
        %get3A_457 = arith.constant 112 : index
        %get3A_458 = tpu.vector_load %arg6[%get3A_457] {strides = array<i32>} : memref<128xi32, #tpu.memory_space<vmem>>, vector<16xi32>,
        %get3A_459 = vector.shape_cast %get3A_458 : vector<16xi32> to vector<16xi32>
        %mul3A_460 = arith.constant 17 : i32
        %mul3A_461 = vector.broadcast %mul3A_460 : i32 to vector<16xi32>
        %mul3A_462 = arith.muli %get3A_459, %mul3A_461 : vector<16xi32>
        %get3A_463 = arith.constant 112 : index
        %get3A_464 = tpu.vector_load %arg7[%get3A_463] {strides = array<i32>} : memref<128xi32, #tpu.memory_space<vmem>>, vector<16xi32>,
        %get3A_465 = vector.shape_cast %get3A_464 : vector<16xi32> to vector<16xi32>
        %add3A_466 = arith.addi %mul3A_462, %get3A_465 : vector<16xi32>
        %swap3A_467 = arith.constant 112 : index
        %swap3A_468 = tpu.vector_load %arg8[%swap3A_467] {strides = array<i32>} : memref<128xi32, #tpu.memory_space<vmem>>, vector<16xi32>,
        %swap3A_469 = vector.shape_cast %swap3A_468 : vector<16xi32> to vector<16xi32>
        %swap3A_470 = vector.shape_cast %add3A_466 : vector<16xi32> to vector<16xi32>
        tpu.vector_store %arg8[%swap3A_467], %swap3A_470 {strides = array<i32>} : memref<128xi32, #tpu.memory_space<vmem>>, vector<16xi32>,
      } else {
      }
      %dma_wait3A_347 = arith.constant 0 : i32
      %dma_wait3A_348 = arith.constant 0 : i32
      %dma_wait3A_349 = tpu.memref_slice %arg4[%dma_wait3A_347, %dma_wait3A_348] : memref<170000x128xf32, #tpu.memory_space<hbm>> -> memref<170000x128xf32, #tpu.memory_space<hbm>>
      tpu.wait_indirect_dma semaphore(%arg16 : memref<!tpu.dma_semaphore, #tpu.memory_space<semaphore_mem>>) src(%dma_wait3A_349 : memref<170000x128xf32, #tpu.memory_space<hbm>>) dst(%arg13 : memref<128x128xf32, #tpu.memory_space<vmem>>)
      %convert_element_type3A_350 = arith.extui %lt3A : i1 to i32
      %cond3A_351 = arith.constant 0 : i32
      %cond3A_352 = arith.cmpi ne, %convert_element_type3A_350, %cond3A_351 : i32
      scf.if %cond3A_352 {
        %dma_start3A_353 = arith.constant 0 : i32
        %dma_start3A_354 = arith.constant 0 : i32
        %dma_start3A_355 = tpu.memref_slice %arg4[%dma_start3A_353, %dma_start3A_354] : memref<170000x128xf32, #tpu.memory_space<hbm>> -> memref<170000x128xf32, #tpu.memory_space<hbm>>
        tpu.enqueue_indirect_dma source(%dma_start3A_355 : memref<170000x128xf32, #tpu.memory_space<hbm>>) target(%arg10 : memref<128x128xf32, #tpu.memory_space<vmem>>) offsets(%arg8 : memref<128xi32, #tpu.memory_space<vmem>>) semaphore(%arg15 : memref<!tpu.dma_semaphore, #tpu.memory_space<semaphore_mem>>)
      } else {
      }
      "tpu.region"() ({
        %run_scoped3A_353 = tpu.sem_alloc : memref<!tpu.dma_semaphore, #tpu.memory_space<semaphore_mem>>
        %dma_start3A_354 = arith.constant 0 : i32
        %dma_start3A_355 = arith.constant 0 : i32
        %dma_start3A_356 = tpu.memref_slice %arg14[%dma_start3A_354, %dma_start3A_355] : memref<10240x128xf32, #tpu.memory_space<vmem_shared>> -> memref<10240x128xf32, #tpu.memory_space<vmem_shared>>
        tpu.enqueue_indirect_dma source(%arg13 : memref<128x128xf32, #tpu.memory_space<vmem>>) target(%dma_start3A_356 : memref<10240x128xf32, #tpu.memory_space<vmem_shared>>) offsets(%arg12 : memref<128xi32, #tpu.memory_space<vmem>>) semaphore(%run_scoped3A_353 : memref<!tpu.dma_semaphore, #tpu.memory_space<semaphore_mem>>) {add = true}
        %dma_wait3A_357 = arith.constant 0 : i32
        %dma_wait3A_358 = arith.constant 0 : i32
        %dma_wait3A_359 = tpu.memref_slice %arg14[%dma_wait3A_357, %dma_wait3A_358] : memref<10240x128xf32, #tpu.memory_space<vmem_shared>> -> memref<10240x128xf32, #tpu.memory_space<vmem_shared>>
        tpu.wait_indirect_dma semaphore(%run_scoped3A_353 : memref<!tpu.dma_semaphore, #tpu.memory_space<semaphore_mem>>) src(%arg13 : memref<128x128xf32, #tpu.memory_space<vmem>>) dst(%dma_wait3A_359 : memref<10240x128xf32, #tpu.memory_space<vmem_shared>>)
        tpu.yield
      }) : () -> ()
    }
    %while3A_196 = arith.constant 1 : i32
    scf.for %while3A_218 = %while3A_194 to %while3A_190 step %while3A_196  : i32 {
      %mul3A_219 = arith.constant 2 : i32
      %mul3A_220 = arith.muli %mul3A_219, %while3A_218 : i32
      %add3A_221 = arith.constant 1 : i32
      %add3A_222 = arith.addi %mul3A_220, %add3A_221 : i32
      %mul3A_223 = arith.constant 128 : i32
      %mul3A_224 = arith.muli %add3A_222, %mul3A_223 : i32
      %run_scoped3A_225 = arith.constant 0 : i32
      "tpu.region"() ({
        %run_scoped3A_353 = tpu.sem_alloc : memref<!tpu.dma_semaphore, #tpu.memory_space<semaphore_mem>>
        %dma_start3A_354 = tpu.memref_slice %arg2[%run_scoped3A_225, %mul3A_224] : memref<2x320000xi32, #tpu.memory_space<hbm>> -> memref<1x128xi32, #tpu.memory_space<hbm>>
        %dma_start3A_355 = tpu.memref_squeeze %dma_start3A_354 : memref<1x128xi32, #tpu.memory_space<hbm>> -> memref<128xi32, #tpu.memory_space<hbm>>
        %dma_start3A_356 = tpu.memref_slice %arg2[%run_scoped3A_225, %mul3A_224] : memref<2x320000xi32, #tpu.memory_space<hbm>> -> memref<1x128xi32, #tpu.memory_space<hbm>>
        %dma_start3A_357 = tpu.memref_squeeze %dma_start3A_356 : memref<1x128xi32, #tpu.memory_space<hbm>> -> memref<128xi32, #tpu.memory_space<hbm>>
        tpu.enqueue_dma source(%dma_start3A_357 : memref<128xi32, #tpu.memory_space<hbm>>) target(%arg6 : memref<128xi32, #tpu.memory_space<vmem>>) target_semaphore(%run_scoped3A_353 : memref<!tpu.dma_semaphore, #tpu.memory_space<semaphore_mem>>)
        %dma_wait3A_358 = tpu.memref_slice %arg2[%run_scoped3A_225, %mul3A_224] : memref<2x320000xi32, #tpu.memory_space<hbm>> -> memref<1x128xi32, #tpu.memory_space<hbm>>
        %dma_wait3A_359 = tpu.memref_squeeze %dma_wait3A_358 : memref<1x128xi32, #tpu.memory_space<hbm>> -> memref<128xi32, #tpu.memory_space<hbm>>
        %dma_wait3A_360 = tpu.memref_slice %arg2[%run_scoped3A_225, %mul3A_224] : memref<2x320000xi32, #tpu.memory_space<hbm>> -> memref<1x128xi32, #tpu.memory_space<hbm>>
        %dma_wait3A_361 = tpu.memref_squeeze %dma_wait3A_360 : memref<1x128xi32, #tpu.memory_space<hbm>> -> memref<128xi32, #tpu.memory_space<hbm>>
        tpu.wait_dma2 semaphore(%run_scoped3A_353 : memref<!tpu.dma_semaphore, #tpu.memory_space<semaphore_mem>>) src(%dma_wait3A_361 : memref<128xi32, #tpu.memory_space<hbm>>) dst(%arg6 : memref<128xi32, #tpu.memory_space<vmem>>)
        tpu.yield
      }) : () -> ()
      %run_scoped3A_226 = arith.constant 1 : i32
      "tpu.region"() ({
        %run_scoped3A_353 = tpu.sem_alloc : memref<!tpu.dma_semaphore, #tpu.memory_space<semaphore_mem>>
        %dma_start3A_354 = tpu.memref_slice %arg2[%run_scoped3A_226, %mul3A_224] : memref<2x320000xi32, #tpu.memory_space<hbm>> -> memref<1x128xi32, #tpu.memory_space<hbm>>
        %dma_start3A_355 = tpu.memref_squeeze %dma_start3A_354 : memref<1x128xi32, #tpu.memory_space<hbm>> -> memref<128xi32, #tpu.memory_space<hbm>>
        %dma_start3A_356 = tpu.memref_slice %arg2[%run_scoped3A_226, %mul3A_224] : memref<2x320000xi32, #tpu.memory_space<hbm>> -> memref<1x128xi32, #tpu.memory_space<hbm>>
        %dma_start3A_357 = tpu.memref_squeeze %dma_start3A_356 : memref<1x128xi32, #tpu.memory_space<hbm>> -> memref<128xi32, #tpu.memory_space<hbm>>
        tpu.enqueue_dma source(%dma_start3A_357 : memref<128xi32, #tpu.memory_space<hbm>>) target(%arg12 : memref<128xi32, #tpu.memory_space<vmem>>) target_semaphore(%run_scoped3A_353 : memref<!tpu.dma_semaphore, #tpu.memory_space<semaphore_mem>>)
        %dma_wait3A_358 = tpu.memref_slice %arg2[%run_scoped3A_226, %mul3A_224] : memref<2x320000xi32, #tpu.memory_space<hbm>> -> memref<1x128xi32, #tpu.memory_space<hbm>>
        %dma_wait3A_359 = tpu.memref_squeeze %dma_wait3A_358 : memref<1x128xi32, #tpu.memory_space<hbm>> -> memref<128xi32, #tpu.memory_space<hbm>>
        %dma_wait3A_360 = tpu.memref_slice %arg2[%run_scoped3A_226, %mul3A_224] : memref<2x320000xi32, #tpu.memory_space<hbm>> -> memref<1x128xi32, #tpu.memory_space<hbm>>
        %dma_wait3A_361 = tpu.memref_squeeze %dma_wait3A_360 : memref<1x128xi32, #tpu.memory_space<hbm>> -> memref<128xi32, #tpu.memory_space<hbm>>
        tpu.wait_dma2 semaphore(%run_scoped3A_353 : memref<!tpu.dma_semaphore, #tpu.memory_space<semaphore_mem>>) src(%dma_wait3A_361 : memref<128xi32, #tpu.memory_space<hbm>>) dst(%arg12 : memref<128xi32, #tpu.memory_space<vmem>>)
        tpu.yield
      }) : () -> ()
      "tpu.region"() ({
        %run_scoped3A_353 = tpu.sem_alloc : memref<!tpu.dma_semaphore, #tpu.memory_space<semaphore_mem>>
        %dma_start3A_354 = tpu.memref_slice %arg3[%mul3A_224] : memref<320000xi32, #tpu.memory_space<hbm>> -> memref<128xi32, #tpu.memory_space<hbm>>
        %dma_start3A_355 = tpu.memref_slice %arg3[%mul3A_224] : memref<320000xi32, #tpu.memory_space<hbm>> -> memref<128xi32, #tpu.memory_space<hbm>>
        tpu.enqueue_dma source(%dma_start3A_355 : memref<128xi32, #tpu.memory_space<hbm>>) target(%arg7 : memref<128xi32, #tpu.memory_space<vmem>>) target_semaphore(%run_scoped3A_353 : memref<!tpu.dma_semaphore, #tpu.memory_space<semaphore_mem>>)
        %dma_wait3A_356 = tpu.memref_slice %arg3[%mul3A_224] : memref<320000xi32, #tpu.memory_space<hbm>> -> memref<128xi32, #tpu.memory_space<hbm>>
        %dma_wait3A_357 = tpu.memref_slice %arg3[%mul3A_224] : memref<320000xi32, #tpu.memory_space<hbm>> -> memref<128xi32, #tpu.memory_space<hbm>>
        tpu.wait_dma2 semaphore(%run_scoped3A_353 : memref<!tpu.dma_semaphore, #tpu.memory_space<semaphore_mem>>) src(%dma_wait3A_357 : memref<128xi32, #tpu.memory_space<hbm>>) dst(%arg7 : memref<128xi32, #tpu.memory_space<vmem>>)
        tpu.yield
      }) : () -> ()
      %get3A_227 = arith.constant 0 : index
      %get3A_228 = tpu.vector_load %arg6[%get3A_227] {strides = array<i32>} : memref<128xi32, #tpu.memory_space<vmem>>, vector<16xi32>,
      %get3A_229 = vector.shape_cast %get3A_228 : vector<16xi32> to vector<16xi32>
      %mul3A_230 = arith.constant 17 : i32
      %mul3A_231 = vector.broadcast %mul3A_230 : i32 to vector<16xi32>
      %mul3A_232 = arith.muli %get3A_229, %mul3A_231 : vector<16xi32>
      %get3A_233 = arith.constant 0 : index
      %get3A_234 = tpu.vector_load %arg7[%get3A_233] {strides = array<i32>} : memref<128xi32, #tpu.memory_space<vmem>>, vector<16xi32>,
      %get3A_235 = vector.shape_cast %get3A_234 : vector<16xi32> to vector<16xi32>
      %add3A_236 = arith.addi %mul3A_232, %get3A_235 : vector<16xi32>
      %swap3A_237 = arith.constant 0 : index
      %swap3A_238 = tpu.vector_load %arg11[%swap3A_237] {strides = array<i32>} : memref<128xi32, #tpu.memory_space<vmem>>, vector<16xi32>,
      %swap3A_239 = vector.shape_cast %swap3A_238 : vector<16xi32> to vector<16xi32>
      %swap3A_240 = vector.shape_cast %add3A_236 : vector<16xi32> to vector<16xi32>
      tpu.vector_store %arg11[%swap3A_237], %swap3A_240 {strides = array<i32>} : memref<128xi32, #tpu.memory_space<vmem>>, vector<16xi32>,
      %get3A_241 = arith.constant 16 : index
      %get3A_242 = tpu.vector_load %arg6[%get3A_241] {strides = array<i32>} : memref<128xi32, #tpu.memory_space<vmem>>, vector<16xi32>,
      %get3A_243 = vector.shape_cast %get3A_242 : vector<16xi32> to vector<16xi32>
      %mul3A_244 = arith.constant 17 : i32
      %mul3A_245 = vector.broadcast %mul3A_244 : i32 to vector<16xi32>
      %mul3A_246 = arith.muli %get3A_243, %mul3A_245 : vector<16xi32>
      %get3A_247 = arith.constant 16 : index
      %get3A_248 = tpu.vector_load %arg7[%get3A_247] {strides = array<i32>} : memref<128xi32, #tpu.memory_space<vmem>>, vector<16xi32>,
      %get3A_249 = vector.shape_cast %get3A_248 : vector<16xi32> to vector<16xi32>
      %add3A_250 = arith.addi %mul3A_246, %get3A_249 : vector<16xi32>
      %swap3A_251 = arith.constant 16 : index
      %swap3A_252 = tpu.vector_load %arg11[%swap3A_251] {strides = array<i32>} : memref<128xi32, #tpu.memory_space<vmem>>, vector<16xi32>,
      %swap3A_253 = vector.shape_cast %swap3A_252 : vector<16xi32> to vector<16xi32>
      %swap3A_254 = vector.shape_cast %add3A_250 : vector<16xi32> to vector<16xi32>
      tpu.vector_store %arg11[%swap3A_251], %swap3A_254 {strides = array<i32>} : memref<128xi32, #tpu.memory_space<vmem>>, vector<16xi32>,
      %get3A_255 = arith.constant 32 : index
      %get3A_256 = tpu.vector_load %arg6[%get3A_255] {strides = array<i32>} : memref<128xi32, #tpu.memory_space<vmem>>, vector<16xi32>,
      %get3A_257 = vector.shape_cast %get3A_256 : vector<16xi32> to vector<16xi32>
      %mul3A_258 = arith.constant 17 : i32
      %mul3A_259 = vector.broadcast %mul3A_258 : i32 to vector<16xi32>
      %mul3A_260 = arith.muli %get3A_257, %mul3A_259 : vector<16xi32>
      %get3A_261 = arith.constant 32 : index
      %get3A_262 = tpu.vector_load %arg7[%get3A_261] {strides = array<i32>} : memref<128xi32, #tpu.memory_space<vmem>>, vector<16xi32>,
      %get3A_263 = vector.shape_cast %get3A_262 : vector<16xi32> to vector<16xi32>
      %add3A_264 = arith.addi %mul3A_260, %get3A_263 : vector<16xi32>
      %swap3A_265 = arith.constant 32 : index
      %swap3A_266 = tpu.vector_load %arg11[%swap3A_265] {strides = array<i32>} : memref<128xi32, #tpu.memory_space<vmem>>, vector<16xi32>,
      %swap3A_267 = vector.shape_cast %swap3A_266 : vector<16xi32> to vector<16xi32>
      %swap3A_268 = vector.shape_cast %add3A_264 : vector<16xi32> to vector<16xi32>
      tpu.vector_store %arg11[%swap3A_265], %swap3A_268 {strides = array<i32>} : memref<128xi32, #tpu.memory_space<vmem>>, vector<16xi32>,
      %get3A_269 = arith.constant 48 : index
      %get3A_270 = tpu.vector_load %arg6[%get3A_269] {strides = array<i32>} : memref<128xi32, #tpu.memory_space<vmem>>, vector<16xi32>,
      %get3A_271 = vector.shape_cast %get3A_270 : vector<16xi32> to vector<16xi32>
      %mul3A_272 = arith.constant 17 : i32
      %mul3A_273 = vector.broadcast %mul3A_272 : i32 to vector<16xi32>
      %mul3A_274 = arith.muli %get3A_271, %mul3A_273 : vector<16xi32>
      %get3A_275 = arith.constant 48 : index
      %get3A_276 = tpu.vector_load %arg7[%get3A_275] {strides = array<i32>} : memref<128xi32, #tpu.memory_space<vmem>>, vector<16xi32>,
      %get3A_277 = vector.shape_cast %get3A_276 : vector<16xi32> to vector<16xi32>
      %add3A_278 = arith.addi %mul3A_274, %get3A_277 : vector<16xi32>
      %swap3A_279 = arith.constant 48 : index
      %swap3A_280 = tpu.vector_load %arg11[%swap3A_279] {strides = array<i32>} : memref<128xi32, #tpu.memory_space<vmem>>, vector<16xi32>,
      %swap3A_281 = vector.shape_cast %swap3A_280 : vector<16xi32> to vector<16xi32>
      %swap3A_282 = vector.shape_cast %add3A_278 : vector<16xi32> to vector<16xi32>
      tpu.vector_store %arg11[%swap3A_279], %swap3A_282 {strides = array<i32>} : memref<128xi32, #tpu.memory_space<vmem>>, vector<16xi32>,
      %get3A_283 = arith.constant 64 : index
      %get3A_284 = tpu.vector_load %arg6[%get3A_283] {strides = array<i32>} : memref<128xi32, #tpu.memory_space<vmem>>, vector<16xi32>,
      %get3A_285 = vector.shape_cast %get3A_284 : vector<16xi32> to vector<16xi32>
      %mul3A_286 = arith.constant 17 : i32
      %mul3A_287 = vector.broadcast %mul3A_286 : i32 to vector<16xi32>
      %mul3A_288 = arith.muli %get3A_285, %mul3A_287 : vector<16xi32>
      %get3A_289 = arith.constant 64 : index
      %get3A_290 = tpu.vector_load %arg7[%get3A_289] {strides = array<i32>} : memref<128xi32, #tpu.memory_space<vmem>>, vector<16xi32>,
      %get3A_291 = vector.shape_cast %get3A_290 : vector<16xi32> to vector<16xi32>
      %add3A_292 = arith.addi %mul3A_288, %get3A_291 : vector<16xi32>
      %swap3A_293 = arith.constant 64 : index
      %swap3A_294 = tpu.vector_load %arg11[%swap3A_293] {strides = array<i32>} : memref<128xi32, #tpu.memory_space<vmem>>, vector<16xi32>,
      %swap3A_295 = vector.shape_cast %swap3A_294 : vector<16xi32> to vector<16xi32>
      %swap3A_296 = vector.shape_cast %add3A_292 : vector<16xi32> to vector<16xi32>
      tpu.vector_store %arg11[%swap3A_293], %swap3A_296 {strides = array<i32>} : memref<128xi32, #tpu.memory_space<vmem>>, vector<16xi32>,
      %get3A_297 = arith.constant 80 : index
      %get3A_298 = tpu.vector_load %arg6[%get3A_297] {strides = array<i32>} : memref<128xi32, #tpu.memory_space<vmem>>, vector<16xi32>,
      %get3A_299 = vector.shape_cast %get3A_298 : vector<16xi32> to vector<16xi32>
      %mul3A_300 = arith.constant 17 : i32
      %mul3A_301 = vector.broadcast %mul3A_300 : i32 to vector<16xi32>
      %mul3A_302 = arith.muli %get3A_299, %mul3A_301 : vector<16xi32>
      %get3A_303 = arith.constant 80 : index
      %get3A_304 = tpu.vector_load %arg7[%get3A_303] {strides = array<i32>} : memref<128xi32, #tpu.memory_space<vmem>>, vector<16xi32>,
      %get3A_305 = vector.shape_cast %get3A_304 : vector<16xi32> to vector<16xi32>
      %add3A_306 = arith.addi %mul3A_302, %get3A_305 : vector<16xi32>
      %swap3A_307 = arith.constant 80 : index
      %swap3A_308 = tpu.vector_load %arg11[%swap3A_307] {strides = array<i32>} : memref<128xi32, #tpu.memory_space<vmem>>, vector<16xi32>,
      %swap3A_309 = vector.shape_cast %swap3A_308 : vector<16xi32> to vector<16xi32>
      %swap3A_310 = vector.shape_cast %add3A_306 : vector<16xi32> to vector<16xi32>
      tpu.vector_store %arg11[%swap3A_307], %swap3A_310 {strides = array<i32>} : memref<128xi32, #tpu.memory_space<vmem>>, vector<16xi32>,
      %get3A_311 = arith.constant 96 : index
      %get3A_312 = tpu.vector_load %arg6[%get3A_311] {strides = array<i32>} : memref<128xi32, #tpu.memory_space<vmem>>, vector<16xi32>,
      %get3A_313 = vector.shape_cast %get3A_312 : vector<16xi32> to vector<16xi32>
      %mul3A_314 = arith.constant 17 : i32
      %mul3A_315 = vector.broadcast %mul3A_314 : i32 to vector<16xi32>
      %mul3A_316 = arith.muli %get3A_313, %mul3A_315 : vector<16xi32>
      %get3A_317 = arith.constant 96 : index
      %get3A_318 = tpu.vector_load %arg7[%get3A_317] {strides = array<i32>} : memref<128xi32, #tpu.memory_space<vmem>>, vector<16xi32>,
      %get3A_319 = vector.shape_cast %get3A_318 : vector<16xi32> to vector<16xi32>
      %add3A_320 = arith.addi %mul3A_316, %get3A_319 : vector<16xi32>
      %swap3A_321 = arith.constant 96 : index
      %swap3A_322 = tpu.vector_load %arg11[%swap3A_321] {strides = array<i32>} : memref<128xi32, #tpu.memory_space<vmem>>, vector<16xi32>,
      %swap3A_323 = vector.shape_cast %swap3A_322 : vector<16xi32> to vector<16xi32>
      %swap3A_324 = vector.shape_cast %add3A_320 : vector<16xi32> to vector<16xi32>
      tpu.vector_store %arg11[%swap3A_321], %swap3A_324 {strides = array<i32>} : memref<128xi32, #tpu.memory_space<vmem>>, vector<16xi32>,
      %get3A_325 = arith.constant 112 : index
      %get3A_326 = tpu.vector_load %arg6[%get3A_325] {strides = array<i32>} : memref<128xi32, #tpu.memory_space<vmem>>, vector<16xi32>,
      %get3A_327 = vector.shape_cast %get3A_326 : vector<16xi32> to vector<16xi32>
      %mul3A_328 = arith.constant 17 : i32
      %mul3A_329 = vector.broadcast %mul3A_328 : i32 to vector<16xi32>
      %mul3A_330 = arith.muli %get3A_327, %mul3A_329 : vector<16xi32>
      %get3A_331 = arith.constant 112 : index
      %get3A_332 = tpu.vector_load %arg7[%get3A_331] {strides = array<i32>} : memref<128xi32, #tpu.memory_space<vmem>>, vector<16xi32>,
      %get3A_333 = vector.shape_cast %get3A_332 : vector<16xi32> to vector<16xi32>
      %add3A_334 = arith.addi %mul3A_330, %get3A_333 : vector<16xi32>
      %swap3A_335 = arith.constant 112 : index
      %swap3A_336 = tpu.vector_load %arg11[%swap3A_335] {strides = array<i32>} : memref<128xi32, #tpu.memory_space<vmem>>, vector<16xi32>,
      %swap3A_337 = vector.shape_cast %swap3A_336 : vector<16xi32> to vector<16xi32>
      %swap3A_338 = vector.shape_cast %add3A_334 : vector<16xi32> to vector<16xi32>
      tpu.vector_store %arg11[%swap3A_335], %swap3A_338 {strides = array<i32>} : memref<128xi32, #tpu.memory_space<vmem>>, vector<16xi32>,
      %dma_wait3A = arith.constant 0 : i32
      %dma_wait3A_339 = arith.constant 0 : i32
      %dma_wait3A_340 = tpu.memref_slice %arg4[%dma_wait3A, %dma_wait3A_339] : memref<170000x128xf32, #tpu.memory_space<hbm>> -> memref<170000x128xf32, #tpu.memory_space<hbm>>
      tpu.wait_indirect_dma semaphore(%arg15 : memref<!tpu.dma_semaphore, #tpu.memory_space<semaphore_mem>>) src(%dma_wait3A_340 : memref<170000x128xf32, #tpu.memory_space<hbm>>) dst(%arg10 : memref<128x128xf32, #tpu.memory_space<vmem>>)
      %dma_start3A_341 = arith.constant 0 : i32
      %dma_start3A_342 = arith.constant 0 : i32
      %dma_start3A_343 = tpu.memref_slice %arg4[%dma_start3A_341, %dma_start3A_342] : memref<170000x128xf32, #tpu.memory_space<hbm>> -> memref<170000x128xf32, #tpu.memory_space<hbm>>
      tpu.enqueue_indirect_dma source(%dma_start3A_343 : memref<170000x128xf32, #tpu.memory_space<hbm>>) target(%arg13 : memref<128x128xf32, #tpu.memory_space<vmem>>) offsets(%arg11 : memref<128xi32, #tpu.memory_space<vmem>>) semaphore(%arg16 : memref<!tpu.dma_semaphore, #tpu.memory_space<semaphore_mem>>)
      "tpu.region"() ({
        %run_scoped3A_353 = tpu.sem_alloc : memref<!tpu.dma_semaphore, #tpu.memory_space<semaphore_mem>>
        %dma_start3A_354 = arith.constant 0 : i32
        %dma_start3A_355 = arith.constant 0 : i32
        %dma_start3A_356 = tpu.memref_slice %arg14[%dma_start3A_354, %dma_start3A_355] : memref<10240x128xf32, #tpu.memory_space<vmem_shared>> -> memref<10240x128xf32, #tpu.memory_space<vmem_shared>>
        tpu.enqueue_indirect_dma source(%arg10 : memref<128x128xf32, #tpu.memory_space<vmem>>) target(%dma_start3A_356 : memref<10240x128xf32, #tpu.memory_space<vmem_shared>>) offsets(%arg9 : memref<128xi32, #tpu.memory_space<vmem>>) semaphore(%run_scoped3A_353 : memref<!tpu.dma_semaphore, #tpu.memory_space<semaphore_mem>>) {add = true}
        %dma_wait3A_357 = arith.constant 0 : i32
        %dma_wait3A_358 = arith.constant 0 : i32
        %dma_wait3A_359 = tpu.memref_slice %arg14[%dma_wait3A_357, %dma_wait3A_358] : memref<10240x128xf32, #tpu.memory_space<vmem_shared>> -> memref<10240x128xf32, #tpu.memory_space<vmem_shared>>
        tpu.wait_indirect_dma semaphore(%run_scoped3A_353 : memref<!tpu.dma_semaphore, #tpu.memory_space<semaphore_mem>>) src(%arg10 : memref<128x128xf32, #tpu.memory_space<vmem>>) dst(%dma_wait3A_359 : memref<10240x128xf32, #tpu.memory_space<vmem_shared>>)
        tpu.yield
      }) : () -> ()
      %add3A_344 = arith.constant 1 : i32
      %add3A_345 = arith.addi %while3A_218, %add3A_344 : i32
      %lt3A = arith.cmpi slt, %add3A_345, %select_n3A_71 : i32
      %convert_element_type3A = arith.extui %lt3A : i1 to i32
      %cond3A = arith.constant 0 : i32
      %cond3A_346 = arith.cmpi ne, %convert_element_type3A, %cond3A : i32
      scf.if %cond3A_346 {
        %add3A_353 = arith.constant 2 : i32
        %add3A_354 = arith.addi %mul3A_220, %add3A_353 : i32
        %mul3A_355 = arith.constant 128 : i32
        %mul3A_356 = arith.muli %add3A_354, %mul3A_355 : i32
        %run_scoped3A_357 = arith.constant 0 : i32
        "tpu.region"() ({
          %run_scoped3A_471 = tpu.sem_alloc : memref<!tpu.dma_semaphore, #tpu.memory_space<semaphore_mem>>
          %dma_start3A_472 = tpu.memref_slice %arg2[%run_scoped3A_357, %mul3A_356] : memref<2x320000xi32, #tpu.memory_space<hbm>> -> memref<1x128xi32, #tpu.memory_space<hbm>>
          %dma_start3A_473 = tpu.memref_squeeze %dma_start3A_472 : memref<1x128xi32, #tpu.memory_space<hbm>> -> memref<128xi32, #tpu.memory_space<hbm>>
          %dma_start3A_474 = tpu.memref_slice %arg2[%run_scoped3A_357, %mul3A_356] : memref<2x320000xi32, #tpu.memory_space<hbm>> -> memref<1x128xi32, #tpu.memory_space<hbm>>
          %dma_start3A_475 = tpu.memref_squeeze %dma_start3A_474 : memref<1x128xi32, #tpu.memory_space<hbm>> -> memref<128xi32, #tpu.memory_space<hbm>>
          tpu.enqueue_dma source(%dma_start3A_475 : memref<128xi32, #tpu.memory_space<hbm>>) target(%arg6 : memref<128xi32, #tpu.memory_space<vmem>>) target_semaphore(%run_scoped3A_471 : memref<!tpu.dma_semaphore, #tpu.memory_space<semaphore_mem>>)
          %dma_wait3A_476 = tpu.memref_slice %arg2[%run_scoped3A_357, %mul3A_356] : memref<2x320000xi32, #tpu.memory_space<hbm>> -> memref<1x128xi32, #tpu.memory_space<hbm>>
          %dma_wait3A_477 = tpu.memref_squeeze %dma_wait3A_476 : memref<1x128xi32, #tpu.memory_space<hbm>> -> memref<128xi32, #tpu.memory_space<hbm>>
          %dma_wait3A_478 = tpu.memref_slice %arg2[%run_scoped3A_357, %mul3A_356] : memref<2x320000xi32, #tpu.memory_space<hbm>> -> memref<1x128xi32, #tpu.memory_space<hbm>>
          %dma_wait3A_479 = tpu.memref_squeeze %dma_wait3A_478 : memref<1x128xi32, #tpu.memory_space<hbm>> -> memref<128xi32, #tpu.memory_space<hbm>>
          tpu.wait_dma2 semaphore(%run_scoped3A_471 : memref<!tpu.dma_semaphore, #tpu.memory_space<semaphore_mem>>) src(%dma_wait3A_479 : memref<128xi32, #tpu.memory_space<hbm>>) dst(%arg6 : memref<128xi32, #tpu.memory_space<vmem>>)
          tpu.yield
        }) : () -> ()
        %run_scoped3A_358 = arith.constant 1 : i32
        "tpu.region"() ({
          %run_scoped3A_471 = tpu.sem_alloc : memref<!tpu.dma_semaphore, #tpu.memory_space<semaphore_mem>>
          %dma_start3A_472 = tpu.memref_slice %arg2[%run_scoped3A_358, %mul3A_356] : memref<2x320000xi32, #tpu.memory_space<hbm>> -> memref<1x128xi32, #tpu.memory_space<hbm>>
          %dma_start3A_473 = tpu.memref_squeeze %dma_start3A_472 : memref<1x128xi32, #tpu.memory_space<hbm>> -> memref<128xi32, #tpu.memory_space<hbm>>
          %dma_start3A_474 = tpu.memref_slice %arg2[%run_scoped3A_358, %mul3A_356] : memref<2x320000xi32, #tpu.memory_space<hbm>> -> memref<1x128xi32, #tpu.memory_space<hbm>>
          %dma_start3A_475 = tpu.memref_squeeze %dma_start3A_474 : memref<1x128xi32, #tpu.memory_space<hbm>> -> memref<128xi32, #tpu.memory_space<hbm>>
          tpu.enqueue_dma source(%dma_start3A_475 : memref<128xi32, #tpu.memory_space<hbm>>) target(%arg9 : memref<128xi32, #tpu.memory_space<vmem>>) target_semaphore(%run_scoped3A_471 : memref<!tpu.dma_semaphore, #tpu.memory_space<semaphore_mem>>)
          %dma_wait3A_476 = tpu.memref_slice %arg2[%run_scoped3A_358, %mul3A_356] : memref<2x320000xi32, #tpu.memory_space<hbm>> -> memref<1x128xi32, #tpu.memory_space<hbm>>
          %dma_wait3A_477 = tpu.memref_squeeze %dma_wait3A_476 : memref<1x128xi32, #tpu.memory_space<hbm>> -> memref<128xi32, #tpu.memory_space<hbm>>
          %dma_wait3A_478 = tpu.memref_slice %arg2[%run_scoped3A_358, %mul3A_356] : memref<2x320000xi32, #tpu.memory_space<hbm>> -> memref<1x128xi32, #tpu.memory_space<hbm>>
          %dma_wait3A_479 = tpu.memref_squeeze %dma_wait3A_478 : memref<1x128xi32, #tpu.memory_space<hbm>> -> memref<128xi32, #tpu.memory_space<hbm>>
          tpu.wait_dma2 semaphore(%run_scoped3A_471 : memref<!tpu.dma_semaphore, #tpu.memory_space<semaphore_mem>>) src(%dma_wait3A_479 : memref<128xi32, #tpu.memory_space<hbm>>) dst(%arg9 : memref<128xi32, #tpu.memory_space<vmem>>)
          tpu.yield
        }) : () -> ()
        "tpu.region"() ({
          %run_scoped3A_471 = tpu.sem_alloc : memref<!tpu.dma_semaphore, #tpu.memory_space<semaphore_mem>>
          %dma_start3A_472 = tpu.memref_slice %arg3[%mul3A_356] : memref<320000xi32, #tpu.memory_space<hbm>> -> memref<128xi32, #tpu.memory_space<hbm>>
          %dma_start3A_473 = tpu.memref_slice %arg3[%mul3A_356] : memref<320000xi32, #tpu.memory_space<hbm>> -> memref<128xi32, #tpu.memory_space<hbm>>
          tpu.enqueue_dma source(%dma_start3A_473 : memref<128xi32, #tpu.memory_space<hbm>>) target(%arg7 : memref<128xi32, #tpu.memory_space<vmem>>) target_semaphore(%run_scoped3A_471 : memref<!tpu.dma_semaphore, #tpu.memory_space<semaphore_mem>>)
          %dma_wait3A_474 = tpu.memref_slice %arg3[%mul3A_356] : memref<320000xi32, #tpu.memory_space<hbm>> -> memref<128xi32, #tpu.memory_space<hbm>>
          %dma_wait3A_475 = tpu.memref_slice %arg3[%mul3A_356] : memref<320000xi32, #tpu.memory_space<hbm>> -> memref<128xi32, #tpu.memory_space<hbm>>
          tpu.wait_dma2 semaphore(%run_scoped3A_471 : memref<!tpu.dma_semaphore, #tpu.memory_space<semaphore_mem>>) src(%dma_wait3A_475 : memref<128xi32, #tpu.memory_space<hbm>>) dst(%arg7 : memref<128xi32, #tpu.memory_space<vmem>>)
          tpu.yield
        }) : () -> ()
        %get3A_359 = arith.constant 0 : index
        %get3A_360 = tpu.vector_load %arg6[%get3A_359] {strides = array<i32>} : memref<128xi32, #tpu.memory_space<vmem>>, vector<16xi32>,
        %get3A_361 = vector.shape_cast %get3A_360 : vector<16xi32> to vector<16xi32>
        %mul3A_362 = arith.constant 17 : i32
        %mul3A_363 = vector.broadcast %mul3A_362 : i32 to vector<16xi32>
        %mul3A_364 = arith.muli %get3A_361, %mul3A_363 : vector<16xi32>
        %get3A_365 = arith.constant 0 : index
        %get3A_366 = tpu.vector_load %arg7[%get3A_365] {strides = array<i32>} : memref<128xi32, #tpu.memory_space<vmem>>, vector<16xi32>,
        %get3A_367 = vector.shape_cast %get3A_366 : vector<16xi32> to vector<16xi32>
        %add3A_368 = arith.addi %mul3A_364, %get3A_367 : vector<16xi32>
        %swap3A_369 = arith.constant 0 : index
        %swap3A_370 = tpu.vector_load %arg8[%swap3A_369] {strides = array<i32>} : memref<128xi32, #tpu.memory_space<vmem>>, vector<16xi32>,
        %swap3A_371 = vector.shape_cast %swap3A_370 : vector<16xi32> to vector<16xi32>
        %swap3A_372 = vector.shape_cast %add3A_368 : vector<16xi32> to vector<16xi32>
        tpu.vector_store %arg8[%swap3A_369], %swap3A_372 {strides = array<i32>} : memref<128xi32, #tpu.memory_space<vmem>>, vector<16xi32>,
        %get3A_373 = arith.constant 16 : index
        %get3A_374 = tpu.vector_load %arg6[%get3A_373] {strides = array<i32>} : memref<128xi32, #tpu.memory_space<vmem>>, vector<16xi32>,
        %get3A_375 = vector.shape_cast %get3A_374 : vector<16xi32> to vector<16xi32>
        %mul3A_376 = arith.constant 17 : i32
        %mul3A_377 = vector.broadcast %mul3A_376 : i32 to vector<16xi32>
        %mul3A_378 = arith.muli %get3A_375, %mul3A_377 : vector<16xi32>
        %get3A_379 = arith.constant 16 : index
        %get3A_380 = tpu.vector_load %arg7[%get3A_379] {strides = array<i32>} : memref<128xi32, #tpu.memory_space<vmem>>, vector<16xi32>,
        %get3A_381 = vector.shape_cast %get3A_380 : vector<16xi32> to vector<16xi32>
        %add3A_382 = arith.addi %mul3A_378, %get3A_381 : vector<16xi32>
        %swap3A_383 = arith.constant 16 : index
        %swap3A_384 = tpu.vector_load %arg8[%swap3A_383] {strides = array<i32>} : memref<128xi32, #tpu.memory_space<vmem>>, vector<16xi32>,
        %swap3A_385 = vector.shape_cast %swap3A_384 : vector<16xi32> to vector<16xi32>
        %swap3A_386 = vector.shape_cast %add3A_382 : vector<16xi32> to vector<16xi32>
        tpu.vector_store %arg8[%swap3A_383], %swap3A_386 {strides = array<i32>} : memref<128xi32, #tpu.memory_space<vmem>>, vector<16xi32>,
        %get3A_387 = arith.constant 32 : index
        %get3A_388 = tpu.vector_load %arg6[%get3A_387] {strides = array<i32>} : memref<128xi32, #tpu.memory_space<vmem>>, vector<16xi32>,
        %get3A_389 = vector.shape_cast %get3A_388 : vector<16xi32> to vector<16xi32>
        %mul3A_390 = arith.constant 17 : i32
        %mul3A_391 = vector.broadcast %mul3A_390 : i32 to vector<16xi32>
        %mul3A_392 = arith.muli %get3A_389, %mul3A_391 : vector<16xi32>
        %get3A_393 = arith.constant 32 : index
        %get3A_394 = tpu.vector_load %arg7[%get3A_393] {strides = array<i32>} : memref<128xi32, #tpu.memory_space<vmem>>, vector<16xi32>,
        %get3A_395 = vector.shape_cast %get3A_394 : vector<16xi32> to vector<16xi32>
        %add3A_396 = arith.addi %mul3A_392, %get3A_395 : vector<16xi32>
        %swap3A_397 = arith.constant 32 : index
        %swap3A_398 = tpu.vector_load %arg8[%swap3A_397] {strides = array<i32>} : memref<128xi32, #tpu.memory_space<vmem>>, vector<16xi32>,
        %swap3A_399 = vector.shape_cast %swap3A_398 : vector<16xi32> to vector<16xi32>
        %swap3A_400 = vector.shape_cast %add3A_396 : vector<16xi32> to vector<16xi32>
        tpu.vector_store %arg8[%swap3A_397], %swap3A_400 {strides = array<i32>} : memref<128xi32, #tpu.memory_space<vmem>>, vector<16xi32>,
        %get3A_401 = arith.constant 48 : index
        %get3A_402 = tpu.vector_load %arg6[%get3A_401] {strides = array<i32>} : memref<128xi32, #tpu.memory_space<vmem>>, vector<16xi32>,
        %get3A_403 = vector.shape_cast %get3A_402 : vector<16xi32> to vector<16xi32>
        %mul3A_404 = arith.constant 17 : i32
        %mul3A_405 = vector.broadcast %mul3A_404 : i32 to vector<16xi32>
        %mul3A_406 = arith.muli %get3A_403, %mul3A_405 : vector<16xi32>
        %get3A_407 = arith.constant 48 : index
        %get3A_408 = tpu.vector_load %arg7[%get3A_407] {strides = array<i32>} : memref<128xi32, #tpu.memory_space<vmem>>, vector<16xi32>,
        %get3A_409 = vector.shape_cast %get3A_408 : vector<16xi32> to vector<16xi32>
        %add3A_410 = arith.addi %mul3A_406, %get3A_409 : vector<16xi32>
        %swap3A_411 = arith.constant 48 : index
        %swap3A_412 = tpu.vector_load %arg8[%swap3A_411] {strides = array<i32>} : memref<128xi32, #tpu.memory_space<vmem>>, vector<16xi32>,
        %swap3A_413 = vector.shape_cast %swap3A_412 : vector<16xi32> to vector<16xi32>
        %swap3A_414 = vector.shape_cast %add3A_410 : vector<16xi32> to vector<16xi32>
        tpu.vector_store %arg8[%swap3A_411], %swap3A_414 {strides = array<i32>} : memref<128xi32, #tpu.memory_space<vmem>>, vector<16xi32>,
        %get3A_415 = arith.constant 64 : index
        %get3A_416 = tpu.vector_load %arg6[%get3A_415] {strides = array<i32>} : memref<128xi32, #tpu.memory_space<vmem>>, vector<16xi32>,
        %get3A_417 = vector.shape_cast %get3A_416 : vector<16xi32> to vector<16xi32>
        %mul3A_418 = arith.constant 17 : i32
        %mul3A_419 = vector.broadcast %mul3A_418 : i32 to vector<16xi32>
        %mul3A_420 = arith.muli %get3A_417, %mul3A_419 : vector<16xi32>
        %get3A_421 = arith.constant 64 : index
        %get3A_422 = tpu.vector_load %arg7[%get3A_421] {strides = array<i32>} : memref<128xi32, #tpu.memory_space<vmem>>, vector<16xi32>,
        %get3A_423 = vector.shape_cast %get3A_422 : vector<16xi32> to vector<16xi32>
        %add3A_424 = arith.addi %mul3A_420, %get3A_423 : vector<16xi32>
        %swap3A_425 = arith.constant 64 : index
        %swap3A_426 = tpu.vector_load %arg8[%swap3A_425] {strides = array<i32>} : memref<128xi32, #tpu.memory_space<vmem>>, vector<16xi32>,
        %swap3A_427 = vector.shape_cast %swap3A_426 : vector<16xi32> to vector<16xi32>
        %swap3A_428 = vector.shape_cast %add3A_424 : vector<16xi32> to vector<16xi32>
        tpu.vector_store %arg8[%swap3A_425], %swap3A_428 {strides = array<i32>} : memref<128xi32, #tpu.memory_space<vmem>>, vector<16xi32>,
        %get3A_429 = arith.constant 80 : index
        %get3A_430 = tpu.vector_load %arg6[%get3A_429] {strides = array<i32>} : memref<128xi32, #tpu.memory_space<vmem>>, vector<16xi32>,
        %get3A_431 = vector.shape_cast %get3A_430 : vector<16xi32> to vector<16xi32>
        %mul3A_432 = arith.constant 17 : i32
        %mul3A_433 = vector.broadcast %mul3A_432 : i32 to vector<16xi32>
        %mul3A_434 = arith.muli %get3A_431, %mul3A_433 : vector<16xi32>
        %get3A_435 = arith.constant 80 : index
        %get3A_436 = tpu.vector_load %arg7[%get3A_435] {strides = array<i32>} : memref<128xi32, #tpu.memory_space<vmem>>, vector<16xi32>,
        %get3A_437 = vector.shape_cast %get3A_436 : vector<16xi32> to vector<16xi32>
        %add3A_438 = arith.addi %mul3A_434, %get3A_437 : vector<16xi32>
        %swap3A_439 = arith.constant 80 : index
        %swap3A_440 = tpu.vector_load %arg8[%swap3A_439] {strides = array<i32>} : memref<128xi32, #tpu.memory_space<vmem>>, vector<16xi32>,
        %swap3A_441 = vector.shape_cast %swap3A_440 : vector<16xi32> to vector<16xi32>
        %swap3A_442 = vector.shape_cast %add3A_438 : vector<16xi32> to vector<16xi32>
        tpu.vector_store %arg8[%swap3A_439], %swap3A_442 {strides = array<i32>} : memref<128xi32, #tpu.memory_space<vmem>>, vector<16xi32>,
        %get3A_443 = arith.constant 96 : index
        %get3A_444 = tpu.vector_load %arg6[%get3A_443] {strides = array<i32>} : memref<128xi32, #tpu.memory_space<vmem>>, vector<16xi32>,
        %get3A_445 = vector.shape_cast %get3A_444 : vector<16xi32> to vector<16xi32>
        %mul3A_446 = arith.constant 17 : i32
        %mul3A_447 = vector.broadcast %mul3A_446 : i32 to vector<16xi32>
        %mul3A_448 = arith.muli %get3A_445, %mul3A_447 : vector<16xi32>
        %get3A_449 = arith.constant 96 : index
        %get3A_450 = tpu.vector_load %arg7[%get3A_449] {strides = array<i32>} : memref<128xi32, #tpu.memory_space<vmem>>, vector<16xi32>,
        %get3A_451 = vector.shape_cast %get3A_450 : vector<16xi32> to vector<16xi32>
        %add3A_452 = arith.addi %mul3A_448, %get3A_451 : vector<16xi32>
        %swap3A_453 = arith.constant 96 : index
        %swap3A_454 = tpu.vector_load %arg8[%swap3A_453] {strides = array<i32>} : memref<128xi32, #tpu.memory_space<vmem>>, vector<16xi32>,
        %swap3A_455 = vector.shape_cast %swap3A_454 : vector<16xi32> to vector<16xi32>
        %swap3A_456 = vector.shape_cast %add3A_452 : vector<16xi32> to vector<16xi32>
        tpu.vector_store %arg8[%swap3A_453], %swap3A_456 {strides = array<i32>} : memref<128xi32, #tpu.memory_space<vmem>>, vector<16xi32>,
        %get3A_457 = arith.constant 112 : index
        %get3A_458 = tpu.vector_load %arg6[%get3A_457] {strides = array<i32>} : memref<128xi32, #tpu.memory_space<vmem>>, vector<16xi32>,
        %get3A_459 = vector.shape_cast %get3A_458 : vector<16xi32> to vector<16xi32>
        %mul3A_460 = arith.constant 17 : i32
        %mul3A_461 = vector.broadcast %mul3A_460 : i32 to vector<16xi32>
        %mul3A_462 = arith.muli %get3A_459, %mul3A_461 : vector<16xi32>
        %get3A_463 = arith.constant 112 : index
        %get3A_464 = tpu.vector_load %arg7[%get3A_463] {strides = array<i32>} : memref<128xi32, #tpu.memory_space<vmem>>, vector<16xi32>,
        %get3A_465 = vector.shape_cast %get3A_464 : vector<16xi32> to vector<16xi32>
        %add3A_466 = arith.addi %mul3A_462, %get3A_465 : vector<16xi32>
        %swap3A_467 = arith.constant 112 : index
        %swap3A_468 = tpu.vector_load %arg8[%swap3A_467] {strides = array<i32>} : memref<128xi32, #tpu.memory_space<vmem>>, vector<16xi32>,
        %swap3A_469 = vector.shape_cast %swap3A_468 : vector<16xi32> to vector<16xi32>
        %swap3A_470 = vector.shape_cast %add3A_466 : vector<16xi32> to vector<16xi32>
        tpu.vector_store %arg8[%swap3A_467], %swap3A_470 {strides = array<i32>} : memref<128xi32, #tpu.memory_space<vmem>>, vector<16xi32>,
      } else {
      }
      %dma_wait3A_347 = arith.constant 0 : i32
      %dma_wait3A_348 = arith.constant 0 : i32
      %dma_wait3A_349 = tpu.memref_slice %arg4[%dma_wait3A_347, %dma_wait3A_348] : memref<170000x128xf32, #tpu.memory_space<hbm>> -> memref<170000x128xf32, #tpu.memory_space<hbm>>
      tpu.wait_indirect_dma semaphore(%arg16 : memref<!tpu.dma_semaphore, #tpu.memory_space<semaphore_mem>>) src(%dma_wait3A_349 : memref<170000x128xf32, #tpu.memory_space<hbm>>) dst(%arg13 : memref<128x128xf32, #tpu.memory_space<vmem>>)
      %convert_element_type3A_350 = arith.extui %lt3A : i1 to i32
      %cond3A_351 = arith.constant 0 : i32
      %cond3A_352 = arith.cmpi ne, %convert_element_type3A_350, %cond3A_351 : i32
      scf.if %cond3A_352 {
        %dma_start3A_353 = arith.constant 0 : i32
        %dma_start3A_354 = arith.constant 0 : i32
        %dma_start3A_355 = tpu.memref_slice %arg4[%dma_start3A_353, %dma_start3A_354] : memref<170000x128xf32, #tpu.memory_space<hbm>> -> memref<170000x128xf32, #tpu.memory_space<hbm>>
        tpu.enqueue_indirect_dma source(%dma_start3A_355 : memref<170000x128xf32, #tpu.memory_space<hbm>>) target(%arg10 : memref<128x128xf32, #tpu.memory_space<vmem>>) offsets(%arg8 : memref<128xi32, #tpu.memory_space<vmem>>) semaphore(%arg15 : memref<!tpu.dma_semaphore, #tpu.memory_space<semaphore_mem>>)
      } else {
      }
      "tpu.region"() ({
        %run_scoped3A_353 = tpu.sem_alloc : memref<!tpu.dma_semaphore, #tpu.memory_space<semaphore_mem>>
        %dma_start3A_354 = arith.constant 0 : i32
        %dma_start3A_355 = arith.constant 0 : i32
        %dma_start3A_356 = tpu.memref_slice %arg14[%dma_start3A_354, %dma_start3A_355] : memref<10240x128xf32, #tpu.memory_space<vmem_shared>> -> memref<10240x128xf32, #tpu.memory_space<vmem_shared>>
        tpu.enqueue_indirect_dma source(%arg13 : memref<128x128xf32, #tpu.memory_space<vmem>>) target(%dma_start3A_356 : memref<10240x128xf32, #tpu.memory_space<vmem_shared>>) offsets(%arg12 : memref<128xi32, #tpu.memory_space<vmem>>) semaphore(%run_scoped3A_353 : memref<!tpu.dma_semaphore, #tpu.memory_space<semaphore_mem>>) {add = true}
        %dma_wait3A_357 = arith.constant 0 : i32
        %dma_wait3A_358 = arith.constant 0 : i32
        %dma_wait3A_359 = tpu.memref_slice %arg14[%dma_wait3A_357, %dma_wait3A_358] : memref<10240x128xf32, #tpu.memory_space<vmem_shared>> -> memref<10240x128xf32, #tpu.memory_space<vmem_shared>>
        tpu.wait_indirect_dma semaphore(%run_scoped3A_353 : memref<!tpu.dma_semaphore, #tpu.memory_space<semaphore_mem>>) src(%arg13 : memref<128x128xf32, #tpu.memory_space<vmem>>) dst(%dma_wait3A_359 : memref<10240x128xf32, #tpu.memory_space<vmem_shared>>)
        tpu.yield
      }) : () -> ()
    }
    %barrier3A_197 = arith.constant 0 : index
    tpu.barrier barrier_id(%barrier3A_197)
    %mul3A_198 = arith.constant 640 : i32
    %mul3A_199 = arith.muli %arg1, %mul3A_198 : i32
    %add3A_200 = arith.constant 0 : i32
    %add3A_201 = arith.addi %mul3A_199, %add3A_200 : i32
    "tpu.region"() ({
      %run_scoped3A_218 = tpu.sem_alloc : memref<!tpu.dma_semaphore, #tpu.memory_space<semaphore_mem>>
      %dma_start3A_219 = arith.constant 0 : i32
      %dma_start3A_220 = tpu.memref_slice %arg14[%add3A_201, %dma_start3A_219] : memref<10240x128xf32, #tpu.memory_space<vmem_shared>> -> memref<128x128xf32, #tpu.memory_space<vmem_shared>>
      %dma_start3A_221 = arith.constant 0 : i32
      %dma_start3A_222 = tpu.memref_slice %arg14[%add3A_201, %dma_start3A_221] : memref<10240x128xf32, #tpu.memory_space<vmem_shared>> -> memref<128x128xf32, #tpu.memory_space<vmem_shared>>
      tpu.enqueue_dma source(%dma_start3A_222 : memref<128x128xf32, #tpu.memory_space<vmem_shared>>) target(%arg10 : memref<128x128xf32, #tpu.memory_space<vmem>>) target_semaphore(%run_scoped3A_218 : memref<!tpu.dma_semaphore, #tpu.memory_space<semaphore_mem>>)
      %dma_wait3A = arith.constant 0 : i32
      %dma_wait3A_223 = tpu.memref_slice %arg14[%add3A_201, %dma_wait3A] : memref<10240x128xf32, #tpu.memory_space<vmem_shared>> -> memref<128x128xf32, #tpu.memory_space<vmem_shared>>
      %dma_wait3A_224 = arith.constant 0 : i32
      %dma_wait3A_225 = tpu.memref_slice %arg14[%add3A_201, %dma_wait3A_224] : memref<10240x128xf32, #tpu.memory_space<vmem_shared>> -> memref<128x128xf32, #tpu.memory_space<vmem_shared>>
      tpu.wait_dma2 semaphore(%run_scoped3A_218 : memref<!tpu.dma_semaphore, #tpu.memory_space<semaphore_mem>>) src(%dma_wait3A_225 : memref<128x128xf32, #tpu.memory_space<vmem_shared>>) dst(%arg10 : memref<128x128xf32, #tpu.memory_space<vmem>>)
      tpu.yield
    }) : () -> ()
    "tpu.region"() ({
      %run_scoped3A_218 = tpu.sem_alloc : memref<!tpu.dma_semaphore, #tpu.memory_space<semaphore_mem>>
      %dma_start3A_219 = arith.constant 0 : i32
      %dma_start3A_220 = tpu.memref_slice %arg5[%arg0, %add3A_201, %dma_start3A_219] : memref<2x10240x128xf32, #tpu.memory_space<hbm>> -> memref<1x128x128xf32, #tpu.memory_space<hbm>>
      %dma_start3A_221 = tpu.memref_squeeze %dma_start3A_220 : memref<1x128x128xf32, #tpu.memory_space<hbm>> -> memref<128x128xf32, #tpu.memory_space<hbm>>
      %dma_start3A_222 = arith.constant 0 : i32
      %dma_start3A_223 = tpu.memref_slice %arg5[%arg0, %add3A_201, %dma_start3A_222] : memref<2x10240x128xf32, #tpu.memory_space<hbm>> -> memref<1x128x128xf32, #tpu.memory_space<hbm>>
      %dma_start3A_224 = tpu.memref_squeeze %dma_start3A_223 : memref<1x128x128xf32, #tpu.memory_space<hbm>> -> memref<128x128xf32, #tpu.memory_space<hbm>>
      tpu.enqueue_dma source(%arg10 : memref<128x128xf32, #tpu.memory_space<vmem>>) target(%dma_start3A_224 : memref<128x128xf32, #tpu.memory_space<hbm>>) target_semaphore(%run_scoped3A_218 : memref<!tpu.dma_semaphore, #tpu.memory_space<semaphore_mem>>)
      %dma_wait3A = arith.constant 0 : i32
      %dma_wait3A_225 = tpu.memref_slice %arg5[%arg0, %add3A_201, %dma_wait3A] : memref<2x10240x128xf32, #tpu.memory_space<hbm>> -> memref<1x128x128xf32, #tpu.memory_space<hbm>>
      %dma_wait3A_226 = tpu.memref_squeeze %dma_wait3A_225 : memref<1x128x128xf32, #tpu.memory_space<hbm>> -> memref<128x128xf32, #tpu.memory_space<hbm>>
      %dma_wait3A_227 = arith.constant 0 : i32
      %dma_wait3A_228 = tpu.memref_slice %arg5[%arg0, %add3A_201, %dma_wait3A_227] : memref<2x10240x128xf32, #tpu.memory_space<hbm>> -> memref<1x128x128xf32, #tpu.memory_space<hbm>>
      %dma_wait3A_229 = tpu.memref_squeeze %dma_wait3A_228 : memref<1x128x128xf32, #tpu.memory_space<hbm>> -> memref<128x128xf32, #tpu.memory_space<hbm>>
      tpu.wait_dma2 semaphore(%run_scoped3A_218 : memref<!tpu.dma_semaphore, #tpu.memory_space<semaphore_mem>>) src(%arg10 : memref<128x128xf32, #tpu.memory_space<vmem>>) dst(%dma_wait3A_229 : memref<128x128xf32, #tpu.memory_space<hbm>>)
      tpu.yield
    }) : () -> ()
    %mul3A_202 = arith.constant 640 : i32
    %mul3A_203 = arith.muli %arg1, %mul3A_202 : i32
    %add3A_204 = arith.constant 128 : i32
    %add3A_205 = arith.addi %mul3A_203, %add3A_204 : i32
    "tpu.region"() ({
      %run_scoped3A_218 = tpu.sem_alloc : memref<!tpu.dma_semaphore, #tpu.memory_space<semaphore_mem>>
      %dma_start3A_219 = arith.constant 0 : i32
      %dma_start3A_220 = tpu.memref_slice %arg14[%add3A_205, %dma_start3A_219] : memref<10240x128xf32, #tpu.memory_space<vmem_shared>> -> memref<128x128xf32, #tpu.memory_space<vmem_shared>>
      %dma_start3A_221 = arith.constant 0 : i32
      %dma_start3A_222 = tpu.memref_slice %arg14[%add3A_205, %dma_start3A_221] : memref<10240x128xf32, #tpu.memory_space<vmem_shared>> -> memref<128x128xf32, #tpu.memory_space<vmem_shared>>
      tpu.enqueue_dma source(%dma_start3A_222 : memref<128x128xf32, #tpu.memory_space<vmem_shared>>) target(%arg10 : memref<128x128xf32, #tpu.memory_space<vmem>>) target_semaphore(%run_scoped3A_218 : memref<!tpu.dma_semaphore, #tpu.memory_space<semaphore_mem>>)
      %dma_wait3A = arith.constant 0 : i32
      %dma_wait3A_223 = tpu.memref_slice %arg14[%add3A_205, %dma_wait3A] : memref<10240x128xf32, #tpu.memory_space<vmem_shared>> -> memref<128x128xf32, #tpu.memory_space<vmem_shared>>
      %dma_wait3A_224 = arith.constant 0 : i32
      %dma_wait3A_225 = tpu.memref_slice %arg14[%add3A_205, %dma_wait3A_224] : memref<10240x128xf32, #tpu.memory_space<vmem_shared>> -> memref<128x128xf32, #tpu.memory_space<vmem_shared>>
      tpu.wait_dma2 semaphore(%run_scoped3A_218 : memref<!tpu.dma_semaphore, #tpu.memory_space<semaphore_mem>>) src(%dma_wait3A_225 : memref<128x128xf32, #tpu.memory_space<vmem_shared>>) dst(%arg10 : memref<128x128xf32, #tpu.memory_space<vmem>>)
      tpu.yield
    }) : () -> ()
    "tpu.region"() ({
      %run_scoped3A_218 = tpu.sem_alloc : memref<!tpu.dma_semaphore, #tpu.memory_space<semaphore_mem>>
      %dma_start3A_219 = arith.constant 0 : i32
      %dma_start3A_220 = tpu.memref_slice %arg5[%arg0, %add3A_205, %dma_start3A_219] : memref<2x10240x128xf32, #tpu.memory_space<hbm>> -> memref<1x128x128xf32, #tpu.memory_space<hbm>>
      %dma_start3A_221 = tpu.memref_squeeze %dma_start3A_220 : memref<1x128x128xf32, #tpu.memory_space<hbm>> -> memref<128x128xf32, #tpu.memory_space<hbm>>
      %dma_start3A_222 = arith.constant 0 : i32
      %dma_start3A_223 = tpu.memref_slice %arg5[%arg0, %add3A_205, %dma_start3A_222] : memref<2x10240x128xf32, #tpu.memory_space<hbm>> -> memref<1x128x128xf32, #tpu.memory_space<hbm>>
      %dma_start3A_224 = tpu.memref_squeeze %dma_start3A_223 : memref<1x128x128xf32, #tpu.memory_space<hbm>> -> memref<128x128xf32, #tpu.memory_space<hbm>>
      tpu.enqueue_dma source(%arg10 : memref<128x128xf32, #tpu.memory_space<vmem>>) target(%dma_start3A_224 : memref<128x128xf32, #tpu.memory_space<hbm>>) target_semaphore(%run_scoped3A_218 : memref<!tpu.dma_semaphore, #tpu.memory_space<semaphore_mem>>)
      %dma_wait3A = arith.constant 0 : i32
      %dma_wait3A_225 = tpu.memref_slice %arg5[%arg0, %add3A_205, %dma_wait3A] : memref<2x10240x128xf32, #tpu.memory_space<hbm>> -> memref<1x128x128xf32, #tpu.memory_space<hbm>>
      %dma_wait3A_226 = tpu.memref_squeeze %dma_wait3A_225 : memref<1x128x128xf32, #tpu.memory_space<hbm>> -> memref<128x128xf32, #tpu.memory_space<hbm>>
      %dma_wait3A_227 = arith.constant 0 : i32
      %dma_wait3A_228 = tpu.memref_slice %arg5[%arg0, %add3A_205, %dma_wait3A_227] : memref<2x10240x128xf32, #tpu.memory_space<hbm>> -> memref<1x128x128xf32, #tpu.memory_space<hbm>>
      %dma_wait3A_229 = tpu.memref_squeeze %dma_wait3A_228 : memref<1x128x128xf32, #tpu.memory_space<hbm>> -> memref<128x128xf32, #tpu.memory_space<hbm>>
      tpu.wait_dma2 semaphore(%run_scoped3A_218 : memref<!tpu.dma_semaphore, #tpu.memory_space<semaphore_mem>>) src(%arg10 : memref<128x128xf32, #tpu.memory_space<vmem>>) dst(%dma_wait3A_229 : memref<128x128xf32, #tpu.memory_space<hbm>>)
      tpu.yield
    }) : () -> ()
    %mul3A_206 = arith.constant 640 : i32
    %mul3A_207 = arith.muli %arg1, %mul3A_206 : i32
    %add3A_208 = arith.constant 256 : i32
    %add3A_209 = arith.addi %mul3A_207, %add3A_208 : i32
    "tpu.region"() ({
      %run_scoped3A_218 = tpu.sem_alloc : memref<!tpu.dma_semaphore, #tpu.memory_space<semaphore_mem>>
      %dma_start3A_219 = arith.constant 0 : i32
      %dma_start3A_220 = tpu.memref_slice %arg14[%add3A_209, %dma_start3A_219] : memref<10240x128xf32, #tpu.memory_space<vmem_shared>> -> memref<128x128xf32, #tpu.memory_space<vmem_shared>>
      %dma_start3A_221 = arith.constant 0 : i32
      %dma_start3A_222 = tpu.memref_slice %arg14[%add3A_209, %dma_start3A_221] : memref<10240x128xf32, #tpu.memory_space<vmem_shared>> -> memref<128x128xf32, #tpu.memory_space<vmem_shared>>
      tpu.enqueue_dma source(%dma_start3A_222 : memref<128x128xf32, #tpu.memory_space<vmem_shared>>) target(%arg10 : memref<128x128xf32, #tpu.memory_space<vmem>>) target_semaphore(%run_scoped3A_218 : memref<!tpu.dma_semaphore, #tpu.memory_space<semaphore_mem>>)
      %dma_wait3A = arith.constant 0 : i32
      %dma_wait3A_223 = tpu.memref_slice %arg14[%add3A_209, %dma_wait3A] : memref<10240x128xf32, #tpu.memory_space<vmem_shared>> -> memref<128x128xf32, #tpu.memory_space<vmem_shared>>
      %dma_wait3A_224 = arith.constant 0 : i32
      %dma_wait3A_225 = tpu.memref_slice %arg14[%add3A_209, %dma_wait3A_224] : memref<10240x128xf32, #tpu.memory_space<vmem_shared>> -> memref<128x128xf32, #tpu.memory_space<vmem_shared>>
      tpu.wait_dma2 semaphore(%run_scoped3A_218 : memref<!tpu.dma_semaphore, #tpu.memory_space<semaphore_mem>>) src(%dma_wait3A_225 : memref<128x128xf32, #tpu.memory_space<vmem_shared>>) dst(%arg10 : memref<128x128xf32, #tpu.memory_space<vmem>>)
      tpu.yield
    }) : () -> ()
    "tpu.region"() ({
      %run_scoped3A_218 = tpu.sem_alloc : memref<!tpu.dma_semaphore, #tpu.memory_space<semaphore_mem>>
      %dma_start3A_219 = arith.constant 0 : i32
      %dma_start3A_220 = tpu.memref_slice %arg5[%arg0, %add3A_209, %dma_start3A_219] : memref<2x10240x128xf32, #tpu.memory_space<hbm>> -> memref<1x128x128xf32, #tpu.memory_space<hbm>>
      %dma_start3A_221 = tpu.memref_squeeze %dma_start3A_220 : memref<1x128x128xf32, #tpu.memory_space<hbm>> -> memref<128x128xf32, #tpu.memory_space<hbm>>
      %dma_start3A_222 = arith.constant 0 : i32
      %dma_start3A_223 = tpu.memref_slice %arg5[%arg0, %add3A_209, %dma_start3A_222] : memref<2x10240x128xf32, #tpu.memory_space<hbm>> -> memref<1x128x128xf32, #tpu.memory_space<hbm>>
      %dma_start3A_224 = tpu.memref_squeeze %dma_start3A_223 : memref<1x128x128xf32, #tpu.memory_space<hbm>> -> memref<128x128xf32, #tpu.memory_space<hbm>>
      tpu.enqueue_dma source(%arg10 : memref<128x128xf32, #tpu.memory_space<vmem>>) target(%dma_start3A_224 : memref<128x128xf32, #tpu.memory_space<hbm>>) target_semaphore(%run_scoped3A_218 : memref<!tpu.dma_semaphore, #tpu.memory_space<semaphore_mem>>)
      %dma_wait3A = arith.constant 0 : i32
      %dma_wait3A_225 = tpu.memref_slice %arg5[%arg0, %add3A_209, %dma_wait3A] : memref<2x10240x128xf32, #tpu.memory_space<hbm>> -> memref<1x128x128xf32, #tpu.memory_space<hbm>>
      %dma_wait3A_226 = tpu.memref_squeeze %dma_wait3A_225 : memref<1x128x128xf32, #tpu.memory_space<hbm>> -> memref<128x128xf32, #tpu.memory_space<hbm>>
      %dma_wait3A_227 = arith.constant 0 : i32
      %dma_wait3A_228 = tpu.memref_slice %arg5[%arg0, %add3A_209, %dma_wait3A_227] : memref<2x10240x128xf32, #tpu.memory_space<hbm>> -> memref<1x128x128xf32, #tpu.memory_space<hbm>>
      %dma_wait3A_229 = tpu.memref_squeeze %dma_wait3A_228 : memref<1x128x128xf32, #tpu.memory_space<hbm>> -> memref<128x128xf32, #tpu.memory_space<hbm>>
      tpu.wait_dma2 semaphore(%run_scoped3A_218 : memref<!tpu.dma_semaphore, #tpu.memory_space<semaphore_mem>>) src(%arg10 : memref<128x128xf32, #tpu.memory_space<vmem>>) dst(%dma_wait3A_229 : memref<128x128xf32, #tpu.memory_space<hbm>>)
      tpu.yield
    }) : () -> ()
    %mul3A_210 = arith.constant 640 : i32
    %mul3A_211 = arith.muli %arg1, %mul3A_210 : i32
    %add3A_212 = arith.constant 384 : i32
    %add3A_213 = arith.addi %mul3A_211, %add3A_212 : i32
    "tpu.region"() ({
      %run_scoped3A_218 = tpu.sem_alloc : memref<!tpu.dma_semaphore, #tpu.memory_space<semaphore_mem>>
      %dma_start3A_219 = arith.constant 0 : i32
      %dma_start3A_220 = tpu.memref_slice %arg14[%add3A_213, %dma_start3A_219] : memref<10240x128xf32, #tpu.memory_space<vmem_shared>> -> memref<128x128xf32, #tpu.memory_space<vmem_shared>>
      %dma_start3A_221 = arith.constant 0 : i32
      %dma_start3A_222 = tpu.memref_slice %arg14[%add3A_213, %dma_start3A_221] : memref<10240x128xf32, #tpu.memory_space<vmem_shared>> -> memref<128x128xf32, #tpu.memory_space<vmem_shared>>
      tpu.enqueue_dma source(%dma_start3A_222 : memref<128x128xf32, #tpu.memory_space<vmem_shared>>) target(%arg10 : memref<128x128xf32, #tpu.memory_space<vmem>>) target_semaphore(%run_scoped3A_218 : memref<!tpu.dma_semaphore, #tpu.memory_space<semaphore_mem>>)
      %dma_wait3A = arith.constant 0 : i32
      %dma_wait3A_223 = tpu.memref_slice %arg14[%add3A_213, %dma_wait3A] : memref<10240x128xf32, #tpu.memory_space<vmem_shared>> -> memref<128x128xf32, #tpu.memory_space<vmem_shared>>
      %dma_wait3A_224 = arith.constant 0 : i32
      %dma_wait3A_225 = tpu.memref_slice %arg14[%add3A_213, %dma_wait3A_224] : memref<10240x128xf32, #tpu.memory_space<vmem_shared>> -> memref<128x128xf32, #tpu.memory_space<vmem_shared>>
      tpu.wait_dma2 semaphore(%run_scoped3A_218 : memref<!tpu.dma_semaphore, #tpu.memory_space<semaphore_mem>>) src(%dma_wait3A_225 : memref<128x128xf32, #tpu.memory_space<vmem_shared>>) dst(%arg10 : memref<128x128xf32, #tpu.memory_space<vmem>>)
      tpu.yield
    }) : () -> ()
    "tpu.region"() ({
      %run_scoped3A_218 = tpu.sem_alloc : memref<!tpu.dma_semaphore, #tpu.memory_space<semaphore_mem>>
      %dma_start3A_219 = arith.constant 0 : i32
      %dma_start3A_220 = tpu.memref_slice %arg5[%arg0, %add3A_213, %dma_start3A_219] : memref<2x10240x128xf32, #tpu.memory_space<hbm>> -> memref<1x128x128xf32, #tpu.memory_space<hbm>>
      %dma_start3A_221 = tpu.memref_squeeze %dma_start3A_220 : memref<1x128x128xf32, #tpu.memory_space<hbm>> -> memref<128x128xf32, #tpu.memory_space<hbm>>
      %dma_start3A_222 = arith.constant 0 : i32
      %dma_start3A_223 = tpu.memref_slice %arg5[%arg0, %add3A_213, %dma_start3A_222] : memref<2x10240x128xf32, #tpu.memory_space<hbm>> -> memref<1x128x128xf32, #tpu.memory_space<hbm>>
      %dma_start3A_224 = tpu.memref_squeeze %dma_start3A_223 : memref<1x128x128xf32, #tpu.memory_space<hbm>> -> memref<128x128xf32, #tpu.memory_space<hbm>>
      tpu.enqueue_dma source(%arg10 : memref<128x128xf32, #tpu.memory_space<vmem>>) target(%dma_start3A_224 : memref<128x128xf32, #tpu.memory_space<hbm>>) target_semaphore(%run_scoped3A_218 : memref<!tpu.dma_semaphore, #tpu.memory_space<semaphore_mem>>)
      %dma_wait3A = arith.constant 0 : i32
      %dma_wait3A_225 = tpu.memref_slice %arg5[%arg0, %add3A_213, %dma_wait3A] : memref<2x10240x128xf32, #tpu.memory_space<hbm>> -> memref<1x128x128xf32, #tpu.memory_space<hbm>>
      %dma_wait3A_226 = tpu.memref_squeeze %dma_wait3A_225 : memref<1x128x128xf32, #tpu.memory_space<hbm>> -> memref<128x128xf32, #tpu.memory_space<hbm>>
      %dma_wait3A_227 = arith.constant 0 : i32
      %dma_wait3A_228 = tpu.memref_slice %arg5[%arg0, %add3A_213, %dma_wait3A_227] : memref<2x10240x128xf32, #tpu.memory_space<hbm>> -> memref<1x128x128xf32, #tpu.memory_space<hbm>>
      %dma_wait3A_229 = tpu.memref_squeeze %dma_wait3A_228 : memref<1x128x128xf32, #tpu.memory_space<hbm>> -> memref<128x128xf32, #tpu.memory_space<hbm>>
      tpu.wait_dma2 semaphore(%run_scoped3A_218 : memref<!tpu.dma_semaphore, #tpu.memory_space<semaphore_mem>>) src(%arg10 : memref<128x128xf32, #tpu.memory_space<vmem>>) dst(%dma_wait3A_229 : memref<128x128xf32, #tpu.memory_space<hbm>>)
      tpu.yield
    }) : () -> ()
    %mul3A_214 = arith.constant 640 : i32
    %mul3A_215 = arith.muli %arg1, %mul3A_214 : i32
    %add3A_216 = arith.constant 512 : i32
    %add3A_217 = arith.addi %mul3A_215, %add3A_216 : i32
    "tpu.region"() ({
      %run_scoped3A_218 = tpu.sem_alloc : memref<!tpu.dma_semaphore, #tpu.memory_space<semaphore_mem>>
      %dma_start3A_219 = arith.constant 0 : i32
      %dma_start3A_220 = tpu.memref_slice %arg14[%add3A_217, %dma_start3A_219] : memref<10240x128xf32, #tpu.memory_space<vmem_shared>> -> memref<128x128xf32, #tpu.memory_space<vmem_shared>>
      %dma_start3A_221 = arith.constant 0 : i32
      %dma_start3A_222 = tpu.memref_slice %arg14[%add3A_217, %dma_start3A_221] : memref<10240x128xf32, #tpu.memory_space<vmem_shared>> -> memref<128x128xf32, #tpu.memory_space<vmem_shared>>
      tpu.enqueue_dma source(%dma_start3A_222 : memref<128x128xf32, #tpu.memory_space<vmem_shared>>) target(%arg10 : memref<128x128xf32, #tpu.memory_space<vmem>>) target_semaphore(%run_scoped3A_218 : memref<!tpu.dma_semaphore, #tpu.memory_space<semaphore_mem>>)
      %dma_wait3A = arith.constant 0 : i32
      %dma_wait3A_223 = tpu.memref_slice %arg14[%add3A_217, %dma_wait3A] : memref<10240x128xf32, #tpu.memory_space<vmem_shared>> -> memref<128x128xf32, #tpu.memory_space<vmem_shared>>
      %dma_wait3A_224 = arith.constant 0 : i32
      %dma_wait3A_225 = tpu.memref_slice %arg14[%add3A_217, %dma_wait3A_224] : memref<10240x128xf32, #tpu.memory_space<vmem_shared>> -> memref<128x128xf32, #tpu.memory_space<vmem_shared>>
      tpu.wait_dma2 semaphore(%run_scoped3A_218 : memref<!tpu.dma_semaphore, #tpu.memory_space<semaphore_mem>>) src(%dma_wait3A_225 : memref<128x128xf32, #tpu.memory_space<vmem_shared>>) dst(%arg10 : memref<128x128xf32, #tpu.memory_space<vmem>>)
      tpu.yield
    }) : () -> ()
    "tpu.region"() ({
      %run_scoped3A_218 = tpu.sem_alloc : memref<!tpu.dma_semaphore, #tpu.memory_space<semaphore_mem>>
      %dma_start3A_219 = arith.constant 0 : i32
      %dma_start3A_220 = tpu.memref_slice %arg5[%arg0, %add3A_217, %dma_start3A_219] : memref<2x10240x128xf32, #tpu.memory_space<hbm>> -> memref<1x128x128xf32, #tpu.memory_space<hbm>>
      %dma_start3A_221 = tpu.memref_squeeze %dma_start3A_220 : memref<1x128x128xf32, #tpu.memory_space<hbm>> -> memref<128x128xf32, #tpu.memory_space<hbm>>
      %dma_start3A_222 = arith.constant 0 : i32
      %dma_start3A_223 = tpu.memref_slice %arg5[%arg0, %add3A_217, %dma_start3A_222] : memref<2x10240x128xf32, #tpu.memory_space<hbm>> -> memref<1x128x128xf32, #tpu.memory_space<hbm>>
      %dma_start3A_224 = tpu.memref_squeeze %dma_start3A_223 : memref<1x128x128xf32, #tpu.memory_space<hbm>> -> memref<128x128xf32, #tpu.memory_space<hbm>>
      tpu.enqueue_dma source(%arg10 : memref<128x128xf32, #tpu.memory_space<vmem>>) target(%dma_start3A_224 : memref<128x128xf32, #tpu.memory_space<hbm>>) target_semaphore(%run_scoped3A_218 : memref<!tpu.dma_semaphore, #tpu.memory_space<semaphore_mem>>)
      %dma_wait3A = arith.constant 0 : i32
      %dma_wait3A_225 = tpu.memref_slice %arg5[%arg0, %add3A_217, %dma_wait3A] : memref<2x10240x128xf32, #tpu.memory_space<hbm>> -> memref<1x128x128xf32, #tpu.memory_space<hbm>>
      %dma_wait3A_226 = tpu.memref_squeeze %dma_wait3A_225 : memref<1x128x128xf32, #tpu.memory_space<hbm>> -> memref<128x128xf32, #tpu.memory_space<hbm>>
      %dma_wait3A_227 = arith.constant 0 : i32
      %dma_wait3A_228 = tpu.memref_slice %arg5[%arg0, %add3A_217, %dma_wait3A_227] : memref<2x10240x128xf32, #tpu.memory_space<hbm>> -> memref<1x128x128xf32, #tpu.memory_space<hbm>>
      %dma_wait3A_229 = tpu.memref_squeeze %dma_wait3A_228 : memref<1x128x128xf32, #tpu.memory_space<hbm>> -> memref<128x128xf32, #tpu.memory_space<hbm>>
      tpu.wait_dma2 semaphore(%run_scoped3A_218 : memref<!tpu.dma_semaphore, #tpu.memory_space<semaphore_mem>>) src(%arg10 : memref<128x128xf32, #tpu.memory_space<vmem>>) dst(%dma_wait3A_229 : memref<128x128xf32, #tpu.memory_space<hbm>>)
      tpu.yield
    }) : () -> ()
    return
  }
}

#map = affine_map<(d0, d1) -> (0)>
#map1 = affine_map<(d0, d1) -> (0, 0)>
module attributes {stable_mosaic.version = 14 : i64} {
  func.func @_sc_gather_body(%arg0: i32, %arg1: i32, %arg2: memref<10000xi32, #tpu.memory_space<hbm>>, %arg3: memref<10000x128xf32, #tpu.memory_space<hbm>>, %arg4: memref<10000x128xf32, #tpu.memory_space<hbm>>, %arg5: memref<64xi32, #tpu.memory_space<vmem>>, %arg6: memref<64x128xf32, #tpu.memory_space<vmem>>, %arg7: memref<!tpu.dma_semaphore, #tpu.memory_space<semaphore_mem>>) attributes {dimension_semantics = [#tpu.dimension_semantics<core_parallel>, #tpu.dimension_semantics<subcore_parallel>], iteration_bounds = array<i64: 2, 16>, scalar_prefetch = 0 : i64, scratch_operands = 3 : i64, tpu.core_type = #tpu.core_type<sc_vector_subcore>, window_params = [{transform_indices = #map}, {transform_indices = #map1}, {transform_indices = #map1}]} {
    %mul3A = arith.constant 16 : i32
    %mul3A_0 = arith.muli %arg0, %mul3A : i32
    %add3A = arith.addi %mul3A_0, %arg1 : i32
    %mul3A_1 = arith.constant 320 : i32
    %mul3A_2 = arith.muli %add3A, %mul3A_1 : i32
    %min3A = arith.constant 9680 : i32
    %min3A_3 = arith.minsi %mul3A_2, %min3A : i32
    %add3A_4 = arith.constant 0 : i32
    %add3A_5 = arith.addi %min3A_3, %add3A_4 : i32
    "tpu.region"() ({
      %run_scoped3A = tpu.sem_alloc : memref<!tpu.dma_semaphore, #tpu.memory_space<semaphore_mem>>
      %dma_start3A_52 = tpu.memref_slice %arg2[%add3A_5] : memref<10000xi32, #tpu.memory_space<hbm>> -> memref<64xi32, #tpu.memory_space<hbm>>
      %dma_start3A_53 = tpu.memref_slice %arg2[%add3A_5] : memref<10000xi32, #tpu.memory_space<hbm>> -> memref<64xi32, #tpu.memory_space<hbm>>
      tpu.enqueue_dma source(%dma_start3A_53 : memref<64xi32, #tpu.memory_space<hbm>>) target(%arg5 : memref<64xi32, #tpu.memory_space<vmem>>) target_semaphore(%run_scoped3A : memref<!tpu.dma_semaphore, #tpu.memory_space<semaphore_mem>>)
      %dma_wait3A_54 = tpu.memref_slice %arg2[%add3A_5] : memref<10000xi32, #tpu.memory_space<hbm>> -> memref<64xi32, #tpu.memory_space<hbm>>
      %dma_wait3A_55 = tpu.memref_slice %arg2[%add3A_5] : memref<10000xi32, #tpu.memory_space<hbm>> -> memref<64xi32, #tpu.memory_space<hbm>>
      tpu.wait_dma2 semaphore(%run_scoped3A : memref<!tpu.dma_semaphore, #tpu.memory_space<semaphore_mem>>) src(%dma_wait3A_55 : memref<64xi32, #tpu.memory_space<hbm>>) dst(%arg5 : memref<64xi32, #tpu.memory_space<vmem>>)
      tpu.yield
    }) : () -> ()
    %dma_start3A = arith.constant 0 : i32
    %dma_start3A_6 = arith.constant 0 : i32
    %dma_start3A_7 = tpu.memref_slice %arg3[%dma_start3A, %dma_start3A_6] : memref<10000x128xf32, #tpu.memory_space<hbm>> -> memref<10000x128xf32, #tpu.memory_space<hbm>>
    tpu.enqueue_indirect_dma source(%dma_start3A_7 : memref<10000x128xf32, #tpu.memory_space<hbm>>) target(%arg6 : memref<64x128xf32, #tpu.memory_space<vmem>>) offsets(%arg5 : memref<64xi32, #tpu.memory_space<vmem>>) semaphore(%arg7 : memref<!tpu.dma_semaphore, #tpu.memory_space<semaphore_mem>>)
    %dma_wait3A = arith.constant 0 : i32
    %dma_wait3A_8 = arith.constant 0 : i32
    %dma_wait3A_9 = tpu.memref_slice %arg3[%dma_wait3A, %dma_wait3A_8] : memref<10000x128xf32, #tpu.memory_space<hbm>> -> memref<10000x128xf32, #tpu.memory_space<hbm>>
    tpu.wait_indirect_dma semaphore(%arg7 : memref<!tpu.dma_semaphore, #tpu.memory_space<semaphore_mem>>) src(%dma_wait3A_9 : memref<10000x128xf32, #tpu.memory_space<hbm>>) dst(%arg6 : memref<64x128xf32, #tpu.memory_space<vmem>>)
    %add3A_10 = arith.constant 0 : i32
    %add3A_11 = arith.addi %min3A_3, %add3A_10 : i32
    "tpu.region"() ({
      %run_scoped3A = tpu.sem_alloc : memref<!tpu.dma_semaphore, #tpu.memory_space<semaphore_mem>>
      %dma_start3A_52 = arith.constant 0 : i32
      %dma_start3A_53 = tpu.memref_slice %arg4[%add3A_11, %dma_start3A_52] : memref<10000x128xf32, #tpu.memory_space<hbm>> -> memref<64x128xf32, #tpu.memory_space<hbm>>
      %dma_start3A_54 = arith.constant 0 : i32
      %dma_start3A_55 = tpu.memref_slice %arg4[%add3A_11, %dma_start3A_54] : memref<10000x128xf32, #tpu.memory_space<hbm>> -> memref<64x128xf32, #tpu.memory_space<hbm>>
      tpu.enqueue_dma source(%arg6 : memref<64x128xf32, #tpu.memory_space<vmem>>) target(%dma_start3A_55 : memref<64x128xf32, #tpu.memory_space<hbm>>) target_semaphore(%run_scoped3A : memref<!tpu.dma_semaphore, #tpu.memory_space<semaphore_mem>>)
      %dma_wait3A_56 = arith.constant 0 : i32
      %dma_wait3A_57 = tpu.memref_slice %arg4[%add3A_11, %dma_wait3A_56] : memref<10000x128xf32, #tpu.memory_space<hbm>> -> memref<64x128xf32, #tpu.memory_space<hbm>>
      %dma_wait3A_58 = arith.constant 0 : i32
      %dma_wait3A_59 = tpu.memref_slice %arg4[%add3A_11, %dma_wait3A_58] : memref<10000x128xf32, #tpu.memory_space<hbm>> -> memref<64x128xf32, #tpu.memory_space<hbm>>
      tpu.wait_dma2 semaphore(%run_scoped3A : memref<!tpu.dma_semaphore, #tpu.memory_space<semaphore_mem>>) src(%arg6 : memref<64x128xf32, #tpu.memory_space<vmem>>) dst(%dma_wait3A_59 : memref<64x128xf32, #tpu.memory_space<hbm>>)
      tpu.yield
    }) : () -> ()
    %add3A_12 = arith.constant 64 : i32
    %add3A_13 = arith.addi %min3A_3, %add3A_12 : i32
    "tpu.region"() ({
      %run_scoped3A = tpu.sem_alloc : memref<!tpu.dma_semaphore, #tpu.memory_space<semaphore_mem>>
      %dma_start3A_52 = tpu.memref_slice %arg2[%add3A_13] : memref<10000xi32, #tpu.memory_space<hbm>> -> memref<64xi32, #tpu.memory_space<hbm>>
      %dma_start3A_53 = tpu.memref_slice %arg2[%add3A_13] : memref<10000xi32, #tpu.memory_space<hbm>> -> memref<64xi32, #tpu.memory_space<hbm>>
      tpu.enqueue_dma source(%dma_start3A_53 : memref<64xi32, #tpu.memory_space<hbm>>) target(%arg5 : memref<64xi32, #tpu.memory_space<vmem>>) target_semaphore(%run_scoped3A : memref<!tpu.dma_semaphore, #tpu.memory_space<semaphore_mem>>)
      %dma_wait3A_54 = tpu.memref_slice %arg2[%add3A_13] : memref<10000xi32, #tpu.memory_space<hbm>> -> memref<64xi32, #tpu.memory_space<hbm>>
      %dma_wait3A_55 = tpu.memref_slice %arg2[%add3A_13] : memref<10000xi32, #tpu.memory_space<hbm>> -> memref<64xi32, #tpu.memory_space<hbm>>
      tpu.wait_dma2 semaphore(%run_scoped3A : memref<!tpu.dma_semaphore, #tpu.memory_space<semaphore_mem>>) src(%dma_wait3A_55 : memref<64xi32, #tpu.memory_space<hbm>>) dst(%arg5 : memref<64xi32, #tpu.memory_space<vmem>>)
      tpu.yield
    }) : () -> ()
    %dma_start3A_14 = arith.constant 0 : i32
    %dma_start3A_15 = arith.constant 0 : i32
    %dma_start3A_16 = tpu.memref_slice %arg3[%dma_start3A_14, %dma_start3A_15] : memref<10000x128xf32, #tpu.memory_space<hbm>> -> memref<10000x128xf32, #tpu.memory_space<hbm>>
    tpu.enqueue_indirect_dma source(%dma_start3A_16 : memref<10000x128xf32, #tpu.memory_space<hbm>>) target(%arg6 : memref<64x128xf32, #tpu.memory_space<vmem>>) offsets(%arg5 : memref<64xi32, #tpu.memory_space<vmem>>) semaphore(%arg7 : memref<!tpu.dma_semaphore, #tpu.memory_space<semaphore_mem>>)
    %dma_wait3A_17 = arith.constant 0 : i32
    %dma_wait3A_18 = arith.constant 0 : i32
    %dma_wait3A_19 = tpu.memref_slice %arg3[%dma_wait3A_17, %dma_wait3A_18] : memref<10000x128xf32, #tpu.memory_space<hbm>> -> memref<10000x128xf32, #tpu.memory_space<hbm>>
    tpu.wait_indirect_dma semaphore(%arg7 : memref<!tpu.dma_semaphore, #tpu.memory_space<semaphore_mem>>) src(%dma_wait3A_19 : memref<10000x128xf32, #tpu.memory_space<hbm>>) dst(%arg6 : memref<64x128xf32, #tpu.memory_space<vmem>>)
    %add3A_20 = arith.constant 64 : i32
    %add3A_21 = arith.addi %min3A_3, %add3A_20 : i32
    "tpu.region"() ({
      %run_scoped3A = tpu.sem_alloc : memref<!tpu.dma_semaphore, #tpu.memory_space<semaphore_mem>>
      %dma_start3A_52 = arith.constant 0 : i32
      %dma_start3A_53 = tpu.memref_slice %arg4[%add3A_21, %dma_start3A_52] : memref<10000x128xf32, #tpu.memory_space<hbm>> -> memref<64x128xf32, #tpu.memory_space<hbm>>
      %dma_start3A_54 = arith.constant 0 : i32
      %dma_start3A_55 = tpu.memref_slice %arg4[%add3A_21, %dma_start3A_54] : memref<10000x128xf32, #tpu.memory_space<hbm>> -> memref<64x128xf32, #tpu.memory_space<hbm>>
      tpu.enqueue_dma source(%arg6 : memref<64x128xf32, #tpu.memory_space<vmem>>) target(%dma_start3A_55 : memref<64x128xf32, #tpu.memory_space<hbm>>) target_semaphore(%run_scoped3A : memref<!tpu.dma_semaphore, #tpu.memory_space<semaphore_mem>>)
      %dma_wait3A_56 = arith.constant 0 : i32
      %dma_wait3A_57 = tpu.memref_slice %arg4[%add3A_21, %dma_wait3A_56] : memref<10000x128xf32, #tpu.memory_space<hbm>> -> memref<64x128xf32, #tpu.memory_space<hbm>>
      %dma_wait3A_58 = arith.constant 0 : i32
      %dma_wait3A_59 = tpu.memref_slice %arg4[%add3A_21, %dma_wait3A_58] : memref<10000x128xf32, #tpu.memory_space<hbm>> -> memref<64x128xf32, #tpu.memory_space<hbm>>
      tpu.wait_dma2 semaphore(%run_scoped3A : memref<!tpu.dma_semaphore, #tpu.memory_space<semaphore_mem>>) src(%arg6 : memref<64x128xf32, #tpu.memory_space<vmem>>) dst(%dma_wait3A_59 : memref<64x128xf32, #tpu.memory_space<hbm>>)
      tpu.yield
    }) : () -> ()
    %add3A_22 = arith.constant 128 : i32
    %add3A_23 = arith.addi %min3A_3, %add3A_22 : i32
    "tpu.region"() ({
      %run_scoped3A = tpu.sem_alloc : memref<!tpu.dma_semaphore, #tpu.memory_space<semaphore_mem>>
      %dma_start3A_52 = tpu.memref_slice %arg2[%add3A_23] : memref<10000xi32, #tpu.memory_space<hbm>> -> memref<64xi32, #tpu.memory_space<hbm>>
      %dma_start3A_53 = tpu.memref_slice %arg2[%add3A_23] : memref<10000xi32, #tpu.memory_space<hbm>> -> memref<64xi32, #tpu.memory_space<hbm>>
      tpu.enqueue_dma source(%dma_start3A_53 : memref<64xi32, #tpu.memory_space<hbm>>) target(%arg5 : memref<64xi32, #tpu.memory_space<vmem>>) target_semaphore(%run_scoped3A : memref<!tpu.dma_semaphore, #tpu.memory_space<semaphore_mem>>)
      %dma_wait3A_54 = tpu.memref_slice %arg2[%add3A_23] : memref<10000xi32, #tpu.memory_space<hbm>> -> memref<64xi32, #tpu.memory_space<hbm>>
      %dma_wait3A_55 = tpu.memref_slice %arg2[%add3A_23] : memref<10000xi32, #tpu.memory_space<hbm>> -> memref<64xi32, #tpu.memory_space<hbm>>
      tpu.wait_dma2 semaphore(%run_scoped3A : memref<!tpu.dma_semaphore, #tpu.memory_space<semaphore_mem>>) src(%dma_wait3A_55 : memref<64xi32, #tpu.memory_space<hbm>>) dst(%arg5 : memref<64xi32, #tpu.memory_space<vmem>>)
      tpu.yield
    }) : () -> ()
    %dma_start3A_24 = arith.constant 0 : i32
    %dma_start3A_25 = arith.constant 0 : i32
    %dma_start3A_26 = tpu.memref_slice %arg3[%dma_start3A_24, %dma_start3A_25] : memref<10000x128xf32, #tpu.memory_space<hbm>> -> memref<10000x128xf32, #tpu.memory_space<hbm>>
    tpu.enqueue_indirect_dma source(%dma_start3A_26 : memref<10000x128xf32, #tpu.memory_space<hbm>>) target(%arg6 : memref<64x128xf32, #tpu.memory_space<vmem>>) offsets(%arg5 : memref<64xi32, #tpu.memory_space<vmem>>) semaphore(%arg7 : memref<!tpu.dma_semaphore, #tpu.memory_space<semaphore_mem>>)
    %dma_wait3A_27 = arith.constant 0 : i32
    %dma_wait3A_28 = arith.constant 0 : i32
    %dma_wait3A_29 = tpu.memref_slice %arg3[%dma_wait3A_27, %dma_wait3A_28] : memref<10000x128xf32, #tpu.memory_space<hbm>> -> memref<10000x128xf32, #tpu.memory_space<hbm>>
    tpu.wait_indirect_dma semaphore(%arg7 : memref<!tpu.dma_semaphore, #tpu.memory_space<semaphore_mem>>) src(%dma_wait3A_29 : memref<10000x128xf32, #tpu.memory_space<hbm>>) dst(%arg6 : memref<64x128xf32, #tpu.memory_space<vmem>>)
    %add3A_30 = arith.constant 128 : i32
    %add3A_31 = arith.addi %min3A_3, %add3A_30 : i32
    "tpu.region"() ({
      %run_scoped3A = tpu.sem_alloc : memref<!tpu.dma_semaphore, #tpu.memory_space<semaphore_mem>>
      %dma_start3A_52 = arith.constant 0 : i32
      %dma_start3A_53 = tpu.memref_slice %arg4[%add3A_31, %dma_start3A_52] : memref<10000x128xf32, #tpu.memory_space<hbm>> -> memref<64x128xf32, #tpu.memory_space<hbm>>
      %dma_start3A_54 = arith.constant 0 : i32
      %dma_start3A_55 = tpu.memref_slice %arg4[%add3A_31, %dma_start3A_54] : memref<10000x128xf32, #tpu.memory_space<hbm>> -> memref<64x128xf32, #tpu.memory_space<hbm>>
      tpu.enqueue_dma source(%arg6 : memref<64x128xf32, #tpu.memory_space<vmem>>) target(%dma_start3A_55 : memref<64x128xf32, #tpu.memory_space<hbm>>) target_semaphore(%run_scoped3A : memref<!tpu.dma_semaphore, #tpu.memory_space<semaphore_mem>>)
      %dma_wait3A_56 = arith.constant 0 : i32
      %dma_wait3A_57 = tpu.memref_slice %arg4[%add3A_31, %dma_wait3A_56] : memref<10000x128xf32, #tpu.memory_space<hbm>> -> memref<64x128xf32, #tpu.memory_space<hbm>>
      %dma_wait3A_58 = arith.constant 0 : i32
      %dma_wait3A_59 = tpu.memref_slice %arg4[%add3A_31, %dma_wait3A_58] : memref<10000x128xf32, #tpu.memory_space<hbm>> -> memref<64x128xf32, #tpu.memory_space<hbm>>
      tpu.wait_dma2 semaphore(%run_scoped3A : memref<!tpu.dma_semaphore, #tpu.memory_space<semaphore_mem>>) src(%arg6 : memref<64x128xf32, #tpu.memory_space<vmem>>) dst(%dma_wait3A_59 : memref<64x128xf32, #tpu.memory_space<hbm>>)
      tpu.yield
    }) : () -> ()
    %add3A_32 = arith.constant 192 : i32
    %add3A_33 = arith.addi %min3A_3, %add3A_32 : i32
    "tpu.region"() ({
      %run_scoped3A = tpu.sem_alloc : memref<!tpu.dma_semaphore, #tpu.memory_space<semaphore_mem>>
      %dma_start3A_52 = tpu.memref_slice %arg2[%add3A_33] : memref<10000xi32, #tpu.memory_space<hbm>> -> memref<64xi32, #tpu.memory_space<hbm>>
      %dma_start3A_53 = tpu.memref_slice %arg2[%add3A_33] : memref<10000xi32, #tpu.memory_space<hbm>> -> memref<64xi32, #tpu.memory_space<hbm>>
      tpu.enqueue_dma source(%dma_start3A_53 : memref<64xi32, #tpu.memory_space<hbm>>) target(%arg5 : memref<64xi32, #tpu.memory_space<vmem>>) target_semaphore(%run_scoped3A : memref<!tpu.dma_semaphore, #tpu.memory_space<semaphore_mem>>)
      %dma_wait3A_54 = tpu.memref_slice %arg2[%add3A_33] : memref<10000xi32, #tpu.memory_space<hbm>> -> memref<64xi32, #tpu.memory_space<hbm>>
      %dma_wait3A_55 = tpu.memref_slice %arg2[%add3A_33] : memref<10000xi32, #tpu.memory_space<hbm>> -> memref<64xi32, #tpu.memory_space<hbm>>
      tpu.wait_dma2 semaphore(%run_scoped3A : memref<!tpu.dma_semaphore, #tpu.memory_space<semaphore_mem>>) src(%dma_wait3A_55 : memref<64xi32, #tpu.memory_space<hbm>>) dst(%arg5 : memref<64xi32, #tpu.memory_space<vmem>>)
      tpu.yield
    }) : () -> ()
    %dma_start3A_34 = arith.constant 0 : i32
    %dma_start3A_35 = arith.constant 0 : i32
    %dma_start3A_36 = tpu.memref_slice %arg3[%dma_start3A_34, %dma_start3A_35] : memref<10000x128xf32, #tpu.memory_space<hbm>> -> memref<10000x128xf32, #tpu.memory_space<hbm>>
    tpu.enqueue_indirect_dma source(%dma_start3A_36 : memref<10000x128xf32, #tpu.memory_space<hbm>>) target(%arg6 : memref<64x128xf32, #tpu.memory_space<vmem>>) offsets(%arg5 : memref<64xi32, #tpu.memory_space<vmem>>) semaphore(%arg7 : memref<!tpu.dma_semaphore, #tpu.memory_space<semaphore_mem>>)
    %dma_wait3A_37 = arith.constant 0 : i32
    %dma_wait3A_38 = arith.constant 0 : i32
    %dma_wait3A_39 = tpu.memref_slice %arg3[%dma_wait3A_37, %dma_wait3A_38] : memref<10000x128xf32, #tpu.memory_space<hbm>> -> memref<10000x128xf32, #tpu.memory_space<hbm>>
    tpu.wait_indirect_dma semaphore(%arg7 : memref<!tpu.dma_semaphore, #tpu.memory_space<semaphore_mem>>) src(%dma_wait3A_39 : memref<10000x128xf32, #tpu.memory_space<hbm>>) dst(%arg6 : memref<64x128xf32, #tpu.memory_space<vmem>>)
    %add3A_40 = arith.constant 192 : i32
    %add3A_41 = arith.addi %min3A_3, %add3A_40 : i32
    "tpu.region"() ({
      %run_scoped3A = tpu.sem_alloc : memref<!tpu.dma_semaphore, #tpu.memory_space<semaphore_mem>>
      %dma_start3A_52 = arith.constant 0 : i32
      %dma_start3A_53 = tpu.memref_slice %arg4[%add3A_41, %dma_start3A_52] : memref<10000x128xf32, #tpu.memory_space<hbm>> -> memref<64x128xf32, #tpu.memory_space<hbm>>
      %dma_start3A_54 = arith.constant 0 : i32
      %dma_start3A_55 = tpu.memref_slice %arg4[%add3A_41, %dma_start3A_54] : memref<10000x128xf32, #tpu.memory_space<hbm>> -> memref<64x128xf32, #tpu.memory_space<hbm>>
      tpu.enqueue_dma source(%arg6 : memref<64x128xf32, #tpu.memory_space<vmem>>) target(%dma_start3A_55 : memref<64x128xf32, #tpu.memory_space<hbm>>) target_semaphore(%run_scoped3A : memref<!tpu.dma_semaphore, #tpu.memory_space<semaphore_mem>>)
      %dma_wait3A_56 = arith.constant 0 : i32
      %dma_wait3A_57 = tpu.memref_slice %arg4[%add3A_41, %dma_wait3A_56] : memref<10000x128xf32, #tpu.memory_space<hbm>> -> memref<64x128xf32, #tpu.memory_space<hbm>>
      %dma_wait3A_58 = arith.constant 0 : i32
      %dma_wait3A_59 = tpu.memref_slice %arg4[%add3A_41, %dma_wait3A_58] : memref<10000x128xf32, #tpu.memory_space<hbm>> -> memref<64x128xf32, #tpu.memory_space<hbm>>
      tpu.wait_dma2 semaphore(%run_scoped3A : memref<!tpu.dma_semaphore, #tpu.memory_space<semaphore_mem>>) src(%arg6 : memref<64x128xf32, #tpu.memory_space<vmem>>) dst(%dma_wait3A_59 : memref<64x128xf32, #tpu.memory_space<hbm>>)
      tpu.yield
    }) : () -> ()
    %add3A_42 = arith.constant 256 : i32
    %add3A_43 = arith.addi %min3A_3, %add3A_42 : i32
    "tpu.region"() ({
      %run_scoped3A = tpu.sem_alloc : memref<!tpu.dma_semaphore, #tpu.memory_space<semaphore_mem>>
      %dma_start3A_52 = tpu.memref_slice %arg2[%add3A_43] : memref<10000xi32, #tpu.memory_space<hbm>> -> memref<64xi32, #tpu.memory_space<hbm>>
      %dma_start3A_53 = tpu.memref_slice %arg2[%add3A_43] : memref<10000xi32, #tpu.memory_space<hbm>> -> memref<64xi32, #tpu.memory_space<hbm>>
      tpu.enqueue_dma source(%dma_start3A_53 : memref<64xi32, #tpu.memory_space<hbm>>) target(%arg5 : memref<64xi32, #tpu.memory_space<vmem>>) target_semaphore(%run_scoped3A : memref<!tpu.dma_semaphore, #tpu.memory_space<semaphore_mem>>)
      %dma_wait3A_54 = tpu.memref_slice %arg2[%add3A_43] : memref<10000xi32, #tpu.memory_space<hbm>> -> memref<64xi32, #tpu.memory_space<hbm>>
      %dma_wait3A_55 = tpu.memref_slice %arg2[%add3A_43] : memref<10000xi32, #tpu.memory_space<hbm>> -> memref<64xi32, #tpu.memory_space<hbm>>
      tpu.wait_dma2 semaphore(%run_scoped3A : memref<!tpu.dma_semaphore, #tpu.memory_space<semaphore_mem>>) src(%dma_wait3A_55 : memref<64xi32, #tpu.memory_space<hbm>>) dst(%arg5 : memref<64xi32, #tpu.memory_space<vmem>>)
      tpu.yield
    }) : () -> ()
    %dma_start3A_44 = arith.constant 0 : i32
    %dma_start3A_45 = arith.constant 0 : i32
    %dma_start3A_46 = tpu.memref_slice %arg3[%dma_start3A_44, %dma_start3A_45] : memref<10000x128xf32, #tpu.memory_space<hbm>> -> memref<10000x128xf32, #tpu.memory_space<hbm>>
    tpu.enqueue_indirect_dma source(%dma_start3A_46 : memref<10000x128xf32, #tpu.memory_space<hbm>>) target(%arg6 : memref<64x128xf32, #tpu.memory_space<vmem>>) offsets(%arg5 : memref<64xi32, #tpu.memory_space<vmem>>) semaphore(%arg7 : memref<!tpu.dma_semaphore, #tpu.memory_space<semaphore_mem>>)
    %dma_wait3A_47 = arith.constant 0 : i32
    %dma_wait3A_48 = arith.constant 0 : i32
    %dma_wait3A_49 = tpu.memref_slice %arg3[%dma_wait3A_47, %dma_wait3A_48] : memref<10000x128xf32, #tpu.memory_space<hbm>> -> memref<10000x128xf32, #tpu.memory_space<hbm>>
    tpu.wait_indirect_dma semaphore(%arg7 : memref<!tpu.dma_semaphore, #tpu.memory_space<semaphore_mem>>) src(%dma_wait3A_49 : memref<10000x128xf32, #tpu.memory_space<hbm>>) dst(%arg6 : memref<64x128xf32, #tpu.memory_space<vmem>>)
    %add3A_50 = arith.constant 256 : i32
    %add3A_51 = arith.addi %min3A_3, %add3A_50 : i32
    "tpu.region"() ({
      %run_scoped3A = tpu.sem_alloc : memref<!tpu.dma_semaphore, #tpu.memory_space<semaphore_mem>>
      %dma_start3A_52 = arith.constant 0 : i32
      %dma_start3A_53 = tpu.memref_slice %arg4[%add3A_51, %dma_start3A_52] : memref<10000x128xf32, #tpu.memory_space<hbm>> -> memref<64x128xf32, #tpu.memory_space<hbm>>
      %dma_start3A_54 = arith.constant 0 : i32
      %dma_start3A_55 = tpu.memref_slice %arg4[%add3A_51, %dma_start3A_54] : memref<10000x128xf32, #tpu.memory_space<hbm>> -> memref<64x128xf32, #tpu.memory_space<hbm>>
      tpu.enqueue_dma source(%arg6 : memref<64x128xf32, #tpu.memory_space<vmem>>) target(%dma_start3A_55 : memref<64x128xf32, #tpu.memory_space<hbm>>) target_semaphore(%run_scoped3A : memref<!tpu.dma_semaphore, #tpu.memory_space<semaphore_mem>>)
      %dma_wait3A_56 = arith.constant 0 : i32
      %dma_wait3A_57 = tpu.memref_slice %arg4[%add3A_51, %dma_wait3A_56] : memref<10000x128xf32, #tpu.memory_space<hbm>> -> memref<64x128xf32, #tpu.memory_space<hbm>>
      %dma_wait3A_58 = arith.constant 0 : i32
      %dma_wait3A_59 = tpu.memref_slice %arg4[%add3A_51, %dma_wait3A_58] : memref<10000x128xf32, #tpu.memory_space<hbm>> -> memref<64x128xf32, #tpu.memory_space<hbm>>
      tpu.wait_dma2 semaphore(%run_scoped3A : memref<!tpu.dma_semaphore, #tpu.memory_space<semaphore_mem>>) src(%arg6 : memref<64x128xf32, #tpu.memory_space<vmem>>) dst(%dma_wait3A_59 : memref<64x128xf32, #tpu.memory_space<hbm>>)
      tpu.yield
    }) : () -> ()
    return
  }
}

module attributes {stable_mosaic.version = 14 : i64} {
  func.func @_hw_body(%arg0: i32, %arg1: memref<128x2176xbf16, #tpu.memory_space<vmem>>, %arg2: memref<1000x128xf32, #tpu.memory_space<vmem>>, %arg3: memref<17000x128xf32, #tpu.memory_space<vmem>>, %arg4: memref<1000x128xf32, #tpu.memory_space<vmem>>) attributes {dimension_semantics = [#tpu.dimension_semantics<arbitrary>], iteration_bounds = array<i64: 10>, scalar_prefetch = 0 : i64, scratch_operands = 0 : i64, tpu.core_type = #tpu.core_type<tc>, window_params = [{pipeline_mode = #tpu.pipeline_mode<synchronous>, transform_indices = @transform_0, window_bounds = array<i64: 128, 2176>}, {transform_indices = @transform_1, window_bounds = array<i64: 1000, 128>}, {transform_indices = @transform_2, window_bounds = array<i64: 17000, 128>}, {transform_indices = @transform_3, window_bounds = array<i64: 1000, 128>}]} {
    %get3A = arith.constant 0 : index
    %get3A_0 = arith.constant 0 : index
    %get3A_1 = vector.load %arg2[%get3A, %get3A_0] : memref<1000x128xf32, #tpu.memory_space<vmem>>, vector<1000x128xf32>
    %convert_element_type3A = arith.truncf %get3A_1 : vector<1000x128xf32> to vector<1000x128xbf16>
    %get3A_2 = arith.constant 0 : index
    %get3A_3 = arith.constant 0 : index
    %get3A_4 = vector.load %arg1[%get3A_2, %get3A_3] : memref<128x2176xbf16, #tpu.memory_space<vmem>>, vector<128x2176xbf16>
    %dot_general3A = arith.constant dense<0.000000e+00> : vector<1000x2176xf32>
    %dot_general3A_5 = tpu.matmul %convert_element_type3A, %get3A_4, %dot_general3A {dimension_numbers = #tpu.dot_dimension_numbers<[1], [0], [0], [1], [0, 0, 1, 1], [], []>, transpose_lhs_hint = false} : vector<1000x128xbf16>, vector<128x2176xbf16>, vector<1000x2176xf32> -> vector<1000x2176xf32>
    %reshape3A = vector.shape_cast %dot_general3A_5 : vector<1000x2176xf32> to vector<17000x128xf32>
    %swap3A = arith.constant 0 : index
    %swap3A_6 = arith.constant 0 : index
    %swap3A_7 = vector.load %arg3[%swap3A, %swap3A_6] : memref<17000x128xf32, #tpu.memory_space<vmem>>, vector<17000x128xf32>
    tpu.vector_store %arg3[%swap3A, %swap3A_6], %reshape3A {strides = array<i32>} : memref<17000x128xf32, #tpu.memory_space<vmem>>, vector<17000x128xf32>,
    %slice3A = vector.extract_strided_slice %dot_general3A_5 {offsets = [0, 2048], sizes = [1000, 128], strides = [1, 1]} : vector<1000x2176xf32> to vector<1000x128xf32>
    %swap3A_8 = arith.constant 0 : index
    %swap3A_9 = arith.constant 0 : index
    %swap3A_10 = vector.load %arg4[%swap3A_8, %swap3A_9] : memref<1000x128xf32, #tpu.memory_space<vmem>>, vector<1000x128xf32>
    tpu.vector_store %arg4[%swap3A_8, %swap3A_9], %slice3A {strides = array<i32>} : memref<1000x128xf32, #tpu.memory_space<vmem>>, vector<1000x128xf32>,
    return
  }
  func.func @transform_0(%arg0: i32) -> (i32, i32) {
    %c0_i32 = arith.constant 0 : i32
    %c0_i32_0 = arith.constant 0 : i32
    %c0_i32_1 = arith.constant 0 : i32
    return %c0_i32, %c0_i32_0 : i32, i32
  }
  func.func @transform_1(%arg0: i32) -> (i32, i32) {
    %c0_i32 = arith.constant 0 : i32
    %c0_i32_0 = arith.constant 0 : i32
    return %arg0, %c0_i32 : i32, i32
  }
  func.func @transform_2(%arg0: i32) -> (i32, i32) {
    %c0_i32 = arith.constant 0 : i32
    %c0_i32_0 = arith.constant 0 : i32
    return %arg0, %c0_i32 : i32, i32
  }
  func.func @transform_3(%arg0: i32) -> (i32, i32) {
    %c0_i32 = arith.constant 0 : i32
    %c0_i32_0 = arith.constant 0 : i32
    return %arg0, %c0_i32 : i32, i32
  }
}

module attributes {stable_mosaic.version = 14 : i64} {
  func.func @_combine_body(%arg0: i32, %arg1: memref<2x1000x128xf32, #tpu.memory_space<vmem>>, %arg2: memref<1000x128xf32, #tpu.memory_space<vmem>>, %arg3: memref<1x128xf32, #tpu.memory_space<vmem>>, %arg4: memref<1x128xf32, #tpu.memory_space<vmem>>, %arg5: memref<1x128xf32, #tpu.memory_space<vmem>>, %arg6: memref<1000x128xf32, #tpu.memory_space<vmem>>) attributes {dimension_semantics = [#tpu.dimension_semantics<arbitrary>], iteration_bounds = array<i64: 10>, scalar_prefetch = 0 : i64, scratch_operands = 0 : i64, tpu.core_type = #tpu.core_type<tc>, window_params = [{transform_indices = @transform_0, window_bounds = array<i64: 2, 1000, 128>}, {transform_indices = @transform_1, window_bounds = array<i64: 1000, 128>}, {pipeline_mode = #tpu.pipeline_mode<synchronous>, transform_indices = @transform_2, window_bounds = array<i64: 1, 128>}, {pipeline_mode = #tpu.pipeline_mode<synchronous>, transform_indices = @transform_3, window_bounds = array<i64: 1, 128>}, {pipeline_mode = #tpu.pipeline_mode<synchronous>, transform_indices = @transform_4, window_bounds = array<i64: 1, 128>}, {transform_indices = @transform_5, window_bounds = array<i64: 1000, 128>}]} {
    %get3A = arith.constant 0 : index
    %get3A_0 = arith.constant 0 : index
    %get3A_1 = arith.constant 0 : index
    %get3A_2 = vector.load %arg1[%get3A, %get3A_0, %get3A_1] : memref<2x1000x128xf32, #tpu.memory_space<vmem>>, vector<1x1000x128xf32>
    %get3A_3 = vector.shape_cast %get3A_2 : vector<1x1000x128xf32> to vector<1000x128xf32>
    %get3A_4 = arith.constant 1 : index
    %get3A_5 = arith.constant 0 : index
    %get3A_6 = arith.constant 0 : index
    %get3A_7 = vector.load %arg1[%get3A_4, %get3A_5, %get3A_6] : memref<2x1000x128xf32, #tpu.memory_space<vmem>>, vector<1x1000x128xf32>
    %get3A_8 = vector.shape_cast %get3A_7 : vector<1x1000x128xf32> to vector<1000x128xf32>
    %add3A = arith.addf %get3A_3, %get3A_8 : vector<1000x128xf32>
    %get3A_9 = arith.constant 0 : index
    %get3A_10 = arith.constant 0 : index
    %get3A_11 = vector.load %arg2[%get3A_9, %get3A_10] : memref<1000x128xf32, #tpu.memory_space<vmem>>, vector<1000x128xf32>
    %add3A_12 = arith.addf %add3A, %get3A_11 : vector<1000x128xf32>
    %get3A_13 = arith.constant 0 : index
    %get3A_14 = arith.constant 0 : index
    %get3A_15 = vector.load %arg3[%get3A_13, %get3A_14] : memref<1x128xf32, #tpu.memory_space<vmem>>, vector<1x128xf32>
    %add3A_16 = vector.broadcast %get3A_15 : vector<1x128xf32> to vector<1000x128xf32>
    %add3A_17 = arith.addf %add3A_12, %add3A_16 : vector<1000x128xf32>
    %reduce_sum3A = arith.constant dense<0.000000e+00> : vector<1000xf32>
    %reduce_sum3A_18 = vector.multi_reduction <add>, %add3A_17, %reduce_sum3A [1] : vector<1000x128xf32> to vector<1000xf32>
    %broadcast_in_dim3A = vector.shape_cast %reduce_sum3A_18 : vector<1000xf32> to vector<1000x1xf32>
    %div3A = arith.constant 1.280000e+02 : f32
    %div3A_19 = vector.broadcast %div3A : f32 to vector<1000x1xf32>
    %div3A_20 = arith.divf %broadcast_in_dim3A, %div3A_19 : vector<1000x1xf32>
    %sub3A = vector.broadcast %div3A_20 : vector<1000x1xf32> to vector<1000x128xf32>
    %sub3A_21 = arith.subf %add3A_17, %sub3A : vector<1000x128xf32>
    %mul3A = arith.mulf %sub3A_21, %sub3A_21 : vector<1000x128xf32>
    %reduce_sum3A_22 = arith.constant dense<0.000000e+00> : vector<1000xf32>
    %reduce_sum3A_23 = vector.multi_reduction <add>, %mul3A, %reduce_sum3A_22 [1] : vector<1000x128xf32> to vector<1000xf32>
    %broadcast_in_dim3A_24 = vector.shape_cast %reduce_sum3A_23 : vector<1000xf32> to vector<1000x1xf32>
    %div3A_25 = arith.constant 1.280000e+02 : f32
    %div3A_26 = vector.broadcast %div3A_25 : f32 to vector<1000x1xf32>
    %div3A_27 = arith.divf %broadcast_in_dim3A_24, %div3A_26 : vector<1000x1xf32>
    %get3A_28 = arith.constant 0 : index
    %get3A_29 = arith.constant 0 : index
    %get3A_30 = vector.load %arg4[%get3A_28, %get3A_29] : memref<1x128xf32, #tpu.memory_space<vmem>>, vector<1x128xf32>
    %add3A_31 = arith.constant 9.99999974E-6 : f32
    %add3A_32 = vector.broadcast %add3A_31 : f32 to vector<1000x1xf32>
    %add3A_33 = arith.addf %div3A_27, %add3A_32 : vector<1000x1xf32>
    %rsqrt3A = math.rsqrt %add3A_33 : vector<1000x1xf32>
    %mul3A_34 = vector.broadcast %rsqrt3A : vector<1000x1xf32> to vector<1000x128xf32>
    %mul3A_35 = arith.mulf %sub3A_21, %mul3A_34 : vector<1000x128xf32>
    %mul3A_36 = vector.broadcast %get3A_30 : vector<1x128xf32> to vector<1000x128xf32>
    %mul3A_37 = arith.mulf %mul3A_36, %mul3A_35 : vector<1000x128xf32>
    %get3A_38 = arith.constant 0 : index
    %get3A_39 = arith.constant 0 : index
    %get3A_40 = vector.load %arg5[%get3A_38, %get3A_39] : memref<1x128xf32, #tpu.memory_space<vmem>>, vector<1x128xf32>
    %add3A_41 = vector.broadcast %get3A_40 : vector<1x128xf32> to vector<1000x128xf32>
    %add3A_42 = arith.addf %mul3A_37, %add3A_41 : vector<1000x128xf32>
    %max3A = arith.constant 0.000000e+00 : f32
    %max3A_43 = vector.broadcast %max3A : f32 to vector<1000x128xf32>
    %max3A_44 = arith.maximumf %add3A_42, %max3A_43 : vector<1000x128xf32>
    %swap3A = arith.constant 0 : index
    %swap3A_45 = arith.constant 0 : index
    %swap3A_46 = vector.load %arg6[%swap3A, %swap3A_45] : memref<1000x128xf32, #tpu.memory_space<vmem>>, vector<1000x128xf32>
    tpu.vector_store %arg6[%swap3A, %swap3A_45], %max3A_44 {strides = array<i32>} : memref<1000x128xf32, #tpu.memory_space<vmem>>, vector<1000x128xf32>,
    return
  }
  func.func @transform_0(%arg0: i32) -> (i32, i32, i32) {
    %c0_i32 = arith.constant 0 : i32
    %c0_i32_0 = arith.constant 0 : i32
    %c0_i32_1 = arith.constant 0 : i32
    return %c0_i32, %arg0, %c0_i32_0 : i32, i32, i32
  }
  func.func @transform_1(%arg0: i32) -> (i32, i32) {
    %c0_i32 = arith.constant 0 : i32
    %c0_i32_0 = arith.constant 0 : i32
    return %arg0, %c0_i32 : i32, i32
  }
  func.func @transform_2(%arg0: i32) -> (i32, i32) {
    %c0_i32 = arith.constant 0 : i32
    %c0_i32_0 = arith.constant 0 : i32
    %c0_i32_1 = arith.constant 0 : i32
    return %c0_i32, %c0_i32_0 : i32, i32
  }
  func.func @transform_3(%arg0: i32) -> (i32, i32) {
    %c0_i32 = arith.constant 0 : i32
    %c0_i32_0 = arith.constant 0 : i32
    %c0_i32_1 = arith.constant 0 : i32
    return %c0_i32, %c0_i32_0 : i32, i32
  }
  func.func @transform_4(%arg0: i32) -> (i32, i32) {
    %c0_i32 = arith.constant 0 : i32
    %c0_i32_0 = arith.constant 0 : i32
    %c0_i32_1 = arith.constant 0 : i32
    return %c0_i32, %c0_i32_0 : i32, i32
  }
  func.func @transform_5(%arg0: i32) -> (i32, i32) {
    %c0_i32 = arith.constant 0 : i32
    %c0_i32_0 = arith.constant 0 : i32
    return %arg0, %c0_i32 : i32, i32
  }
}

module attributes {stable_mosaic.version = 14 : i64} {
  func.func @_combine_body(%arg0: i32, %arg1: memref<2x1000x128xf32, #tpu.memory_space<vmem>>, %arg2: memref<1000x128xf32, #tpu.memory_space<vmem>>, %arg3: memref<1x128xf32, #tpu.memory_space<vmem>>, %arg4: memref<1x128xf32, #tpu.memory_space<vmem>>, %arg5: memref<1x128xf32, #tpu.memory_space<vmem>>, %arg6: memref<1000x128xf32, #tpu.memory_space<vmem>>) attributes {dimension_semantics = [#tpu.dimension_semantics<arbitrary>], iteration_bounds = array<i64: 10>, scalar_prefetch = 0 : i64, scratch_operands = 0 : i64, tpu.core_type = #tpu.core_type<tc>, window_params = [{transform_indices = @transform_0, window_bounds = array<i64: 2, 1000, 128>}, {transform_indices = @transform_1, window_bounds = array<i64: 1000, 128>}, {pipeline_mode = #tpu.pipeline_mode<synchronous>, transform_indices = @transform_2, window_bounds = array<i64: 1, 128>}, {pipeline_mode = #tpu.pipeline_mode<synchronous>, transform_indices = @transform_3, window_bounds = array<i64: 1, 128>}, {pipeline_mode = #tpu.pipeline_mode<synchronous>, transform_indices = @transform_4, window_bounds = array<i64: 1, 128>}, {transform_indices = @transform_5, window_bounds = array<i64: 1000, 128>}]} {
    %get3A = arith.constant 0 : index
    %get3A_0 = arith.constant 0 : index
    %get3A_1 = arith.constant 0 : index
    %get3A_2 = vector.load %arg1[%get3A, %get3A_0, %get3A_1] : memref<2x1000x128xf32, #tpu.memory_space<vmem>>, vector<1x1000x128xf32>
    %get3A_3 = vector.shape_cast %get3A_2 : vector<1x1000x128xf32> to vector<1000x128xf32>
    %get3A_4 = arith.constant 1 : index
    %get3A_5 = arith.constant 0 : index
    %get3A_6 = arith.constant 0 : index
    %get3A_7 = vector.load %arg1[%get3A_4, %get3A_5, %get3A_6] : memref<2x1000x128xf32, #tpu.memory_space<vmem>>, vector<1x1000x128xf32>
    %get3A_8 = vector.shape_cast %get3A_7 : vector<1x1000x128xf32> to vector<1000x128xf32>
    %add3A = arith.addf %get3A_3, %get3A_8 : vector<1000x128xf32>
    %get3A_9 = arith.constant 0 : index
    %get3A_10 = arith.constant 0 : index
    %get3A_11 = vector.load %arg2[%get3A_9, %get3A_10] : memref<1000x128xf32, #tpu.memory_space<vmem>>, vector<1000x128xf32>
    %add3A_12 = arith.addf %add3A, %get3A_11 : vector<1000x128xf32>
    %get3A_13 = arith.constant 0 : index
    %get3A_14 = arith.constant 0 : index
    %get3A_15 = vector.load %arg3[%get3A_13, %get3A_14] : memref<1x128xf32, #tpu.memory_space<vmem>>, vector<1x128xf32>
    %add3A_16 = vector.broadcast %get3A_15 : vector<1x128xf32> to vector<1000x128xf32>
    %add3A_17 = arith.addf %add3A_12, %add3A_16 : vector<1000x128xf32>
    %reduce_sum3A = arith.constant dense<0.000000e+00> : vector<1000xf32>
    %reduce_sum3A_18 = vector.multi_reduction <add>, %add3A_17, %reduce_sum3A [1] : vector<1000x128xf32> to vector<1000xf32>
    %broadcast_in_dim3A = vector.shape_cast %reduce_sum3A_18 : vector<1000xf32> to vector<1000x1xf32>
    %div3A = arith.constant 1.280000e+02 : f32
    %div3A_19 = vector.broadcast %div3A : f32 to vector<1000x1xf32>
    %div3A_20 = arith.divf %broadcast_in_dim3A, %div3A_19 : vector<1000x1xf32>
    %sub3A = vector.broadcast %div3A_20 : vector<1000x1xf32> to vector<1000x128xf32>
    %sub3A_21 = arith.subf %add3A_17, %sub3A : vector<1000x128xf32>
    %mul3A = arith.mulf %sub3A_21, %sub3A_21 : vector<1000x128xf32>
    %reduce_sum3A_22 = arith.constant dense<0.000000e+00> : vector<1000xf32>
    %reduce_sum3A_23 = vector.multi_reduction <add>, %mul3A, %reduce_sum3A_22 [1] : vector<1000x128xf32> to vector<1000xf32>
    %broadcast_in_dim3A_24 = vector.shape_cast %reduce_sum3A_23 : vector<1000xf32> to vector<1000x1xf32>
    %div3A_25 = arith.constant 1.280000e+02 : f32
    %div3A_26 = vector.broadcast %div3A_25 : f32 to vector<1000x1xf32>
    %div3A_27 = arith.divf %broadcast_in_dim3A_24, %div3A_26 : vector<1000x1xf32>
    %get3A_28 = arith.constant 0 : index
    %get3A_29 = arith.constant 0 : index
    %get3A_30 = vector.load %arg4[%get3A_28, %get3A_29] : memref<1x128xf32, #tpu.memory_space<vmem>>, vector<1x128xf32>
    %add3A_31 = arith.constant 9.99999974E-6 : f32
    %add3A_32 = vector.broadcast %add3A_31 : f32 to vector<1000x1xf32>
    %add3A_33 = arith.addf %div3A_27, %add3A_32 : vector<1000x1xf32>
    %rsqrt3A = math.rsqrt %add3A_33 : vector<1000x1xf32>
    %mul3A_34 = vector.broadcast %rsqrt3A : vector<1000x1xf32> to vector<1000x128xf32>
    %mul3A_35 = arith.mulf %sub3A_21, %mul3A_34 : vector<1000x128xf32>
    %mul3A_36 = vector.broadcast %get3A_30 : vector<1x128xf32> to vector<1000x128xf32>
    %mul3A_37 = arith.mulf %mul3A_36, %mul3A_35 : vector<1000x128xf32>
    %get3A_38 = arith.constant 0 : index
    %get3A_39 = arith.constant 0 : index
    %get3A_40 = vector.load %arg5[%get3A_38, %get3A_39] : memref<1x128xf32, #tpu.memory_space<vmem>>, vector<1x128xf32>
    %add3A_41 = vector.broadcast %get3A_40 : vector<1x128xf32> to vector<1000x128xf32>
    %add3A_42 = arith.addf %mul3A_37, %add3A_41 : vector<1000x128xf32>
    %swap3A = arith.constant 0 : index
    %swap3A_43 = arith.constant 0 : index
    %swap3A_44 = vector.load %arg6[%swap3A, %swap3A_43] : memref<1000x128xf32, #tpu.memory_space<vmem>>, vector<1000x128xf32>
    tpu.vector_store %arg6[%swap3A, %swap3A_43], %add3A_42 {strides = array<i32>} : memref<1000x128xf32, #tpu.memory_space<vmem>>, vector<1000x128xf32>,
    return
  }
  func.func @transform_0(%arg0: i32) -> (i32, i32, i32) {
    %c0_i32 = arith.constant 0 : i32
    %c0_i32_0 = arith.constant 0 : i32
    %c0_i32_1 = arith.constant 0 : i32
    return %c0_i32, %arg0, %c0_i32_0 : i32, i32, i32
  }
  func.func @transform_1(%arg0: i32) -> (i32, i32) {
    %c0_i32 = arith.constant 0 : i32
    %c0_i32_0 = arith.constant 0 : i32
    return %arg0, %c0_i32 : i32, i32
  }
  func.func @transform_2(%arg0: i32) -> (i32, i32) {
    %c0_i32 = arith.constant 0 : i32
    %c0_i32_0 = arith.constant 0 : i32
    %c0_i32_1 = arith.constant 0 : i32
    return %c0_i32, %c0_i32_0 : i32, i32
  }
  func.func @transform_3(%arg0: i32) -> (i32, i32) {
    %c0_i32 = arith.constant 0 : i32
    %c0_i32_0 = arith.constant 0 : i32
    %c0_i32_1 = arith.constant 0 : i32
    return %c0_i32, %c0_i32_0 : i32, i32
  }
  func.func @transform_4(%arg0: i32) -> (i32, i32) {
    %c0_i32 = arith.constant 0 : i32
    %c0_i32_0 = arith.constant 0 : i32
    %c0_i32_1 = arith.constant 0 : i32
    return %c0_i32, %c0_i32_0 : i32, i32
  }
  func.func @transform_5(%arg0: i32) -> (i32, i32) {
    %c0_i32 = arith.constant 0 : i32
    %c0_i32_0 = arith.constant 0 : i32
    return %arg0, %c0_i32 : i32, i32
  }
}

module attributes {stable_mosaic.version = 14 : i64} {
  func.func @_wcat_body(%arg0: memref<16x4xf32, #tpu.memory_space<smem>>, %arg1: memref<4x128x128xf32, #tpu.memory_space<vmem>>, %arg2: memref<128x128xf32, #tpu.memory_space<vmem>>, %arg3: memref<128x2176xbf16, #tpu.memory_space<vmem>>) attributes {dimension_semantics = [], scalar_prefetch = 0 : i64, scratch_operands = 0 : i64, tpu.core_type = #tpu.core_type<tc>} {
    %get3A = arith.constant 0 : index
    %get3A_0 = arith.constant 0 : index
    %get3A_1 = memref.load %arg0[%get3A, %get3A_0] : memref<16x4xf32, #tpu.memory_space<smem>>
    %get3A_2 = arith.constant 0 : index
    %get3A_3 = arith.constant 0 : index
    %get3A_4 = arith.constant 0 : index
    %get3A_5 = vector.load %arg1[%get3A_2, %get3A_3, %get3A_4] : memref<4x128x128xf32, #tpu.memory_space<vmem>>, vector<1x128x128xf32>
    %get3A_6 = vector.shape_cast %get3A_5 : vector<1x128x128xf32> to vector<128x128xf32>
    %mul3A = vector.broadcast %get3A_1 : f32 to vector<128x128xf32>
    %mul3A_7 = arith.mulf %mul3A, %get3A_6 : vector<128x128xf32>
    %get3A_8 = arith.constant 0 : index
    %get3A_9 = arith.constant 1 : index
    %get3A_10 = memref.load %arg0[%get3A_8, %get3A_9] : memref<16x4xf32, #tpu.memory_space<smem>>
    %get3A_11 = arith.constant 1 : index
    %get3A_12 = arith.constant 0 : index
    %get3A_13 = arith.constant 0 : index
    %get3A_14 = vector.load %arg1[%get3A_11, %get3A_12, %get3A_13] : memref<4x128x128xf32, #tpu.memory_space<vmem>>, vector<1x128x128xf32>
    %get3A_15 = vector.shape_cast %get3A_14 : vector<1x128x128xf32> to vector<128x128xf32>
    %mul3A_16 = vector.broadcast %get3A_10 : f32 to vector<128x128xf32>
    %mul3A_17 = arith.mulf %mul3A_16, %get3A_15 : vector<128x128xf32>
    %add3A = arith.addf %mul3A_7, %mul3A_17 : vector<128x128xf32>
    %get3A_18 = arith.constant 0 : index
    %get3A_19 = arith.constant 2 : index
    %get3A_20 = memref.load %arg0[%get3A_18, %get3A_19] : memref<16x4xf32, #tpu.memory_space<smem>>
    %get3A_21 = arith.constant 2 : index
    %get3A_22 = arith.constant 0 : index
    %get3A_23 = arith.constant 0 : index
    %get3A_24 = vector.load %arg1[%get3A_21, %get3A_22, %get3A_23] : memref<4x128x128xf32, #tpu.memory_space<vmem>>, vector<1x128x128xf32>
    %get3A_25 = vector.shape_cast %get3A_24 : vector<1x128x128xf32> to vector<128x128xf32>
    %mul3A_26 = vector.broadcast %get3A_20 : f32 to vector<128x128xf32>
    %mul3A_27 = arith.mulf %mul3A_26, %get3A_25 : vector<128x128xf32>
    %add3A_28 = arith.addf %add3A, %mul3A_27 : vector<128x128xf32>
    %get3A_29 = arith.constant 0 : index
    %get3A_30 = arith.constant 3 : index
    %get3A_31 = memref.load %arg0[%get3A_29, %get3A_30] : memref<16x4xf32, #tpu.memory_space<smem>>
    %get3A_32 = arith.constant 3 : index
    %get3A_33 = arith.constant 0 : index
    %get3A_34 = arith.constant 0 : index
    %get3A_35 = vector.load %arg1[%get3A_32, %get3A_33, %get3A_34] : memref<4x128x128xf32, #tpu.memory_space<vmem>>, vector<1x128x128xf32>
    %get3A_36 = vector.shape_cast %get3A_35 : vector<1x128x128xf32> to vector<128x128xf32>
    %mul3A_37 = vector.broadcast %get3A_31 : f32 to vector<128x128xf32>
    %mul3A_38 = arith.mulf %mul3A_37, %get3A_36 : vector<128x128xf32>
    %add3A_39 = arith.addf %add3A_28, %mul3A_38 : vector<128x128xf32>
    %get3A_40 = arith.constant 1 : index
    %get3A_41 = arith.constant 0 : index
    %get3A_42 = memref.load %arg0[%get3A_40, %get3A_41] : memref<16x4xf32, #tpu.memory_space<smem>>
    %get3A_43 = arith.constant 0 : index
    %get3A_44 = arith.constant 0 : index
    %get3A_45 = arith.constant 0 : index
    %get3A_46 = vector.load %arg1[%get3A_43, %get3A_44, %get3A_45] : memref<4x128x128xf32, #tpu.memory_space<vmem>>, vector<1x128x128xf32>
    %get3A_47 = vector.shape_cast %get3A_46 : vector<1x128x128xf32> to vector<128x128xf32>
    %mul3A_48 = vector.broadcast %get3A_42 : f32 to vector<128x128xf32>
    %mul3A_49 = arith.mulf %mul3A_48, %get3A_47 : vector<128x128xf32>
    %get3A_50 = arith.constant 1 : index
    %get3A_51 = arith.constant 1 : index
    %get3A_52 = memref.load %arg0[%get3A_50, %get3A_51] : memref<16x4xf32, #tpu.memory_space<smem>>
    %get3A_53 = arith.constant 1 : index
    %get3A_54 = arith.constant 0 : index
    %get3A_55 = arith.constant 0 : index
    %get3A_56 = vector.load %arg1[%get3A_53, %get3A_54, %get3A_55] : memref<4x128x128xf32, #tpu.memory_space<vmem>>, vector<1x128x128xf32>
    %get3A_57 = vector.shape_cast %get3A_56 : vector<1x128x128xf32> to vector<128x128xf32>
    %mul3A_58 = vector.broadcast %get3A_52 : f32 to vector<128x128xf32>
    %mul3A_59 = arith.mulf %mul3A_58, %get3A_57 : vector<128x128xf32>
    %add3A_60 = arith.addf %mul3A_49, %mul3A_59 : vector<128x128xf32>
    %get3A_61 = arith.constant 1 : index
    %get3A_62 = arith.constant 2 : index
    %get3A_63 = memref.load %arg0[%get3A_61, %get3A_62] : memref<16x4xf32, #tpu.memory_space<smem>>
    %get3A_64 = arith.constant 2 : index
    %get3A_65 = arith.constant 0 : index
    %get3A_66 = arith.constant 0 : index
    %get3A_67 = vector.load %arg1[%get3A_64, %get3A_65, %get3A_66] : memref<4x128x128xf32, #tpu.memory_space<vmem>>, vector<1x128x128xf32>
    %get3A_68 = vector.shape_cast %get3A_67 : vector<1x128x128xf32> to vector<128x128xf32>
    %mul3A_69 = vector.broadcast %get3A_63 : f32 to vector<128x128xf32>
    %mul3A_70 = arith.mulf %mul3A_69, %get3A_68 : vector<128x128xf32>
    %add3A_71 = arith.addf %add3A_60, %mul3A_70 : vector<128x128xf32>
    %get3A_72 = arith.constant 1 : index
    %get3A_73 = arith.constant 3 : index
    %get3A_74 = memref.load %arg0[%get3A_72, %get3A_73] : memref<16x4xf32, #tpu.memory_space<smem>>
    %get3A_75 = arith.constant 3 : index
    %get3A_76 = arith.constant 0 : index
    %get3A_77 = arith.constant 0 : index
    %get3A_78 = vector.load %arg1[%get3A_75, %get3A_76, %get3A_77] : memref<4x128x128xf32, #tpu.memory_space<vmem>>, vector<1x128x128xf32>
    %get3A_79 = vector.shape_cast %get3A_78 : vector<1x128x128xf32> to vector<128x128xf32>
    %mul3A_80 = vector.broadcast %get3A_74 : f32 to vector<128x128xf32>
    %mul3A_81 = arith.mulf %mul3A_80, %get3A_79 : vector<128x128xf32>
    %add3A_82 = arith.addf %add3A_71, %mul3A_81 : vector<128x128xf32>
    %get3A_83 = arith.constant 2 : index
    %get3A_84 = arith.constant 0 : index
    %get3A_85 = memref.load %arg0[%get3A_83, %get3A_84] : memref<16x4xf32, #tpu.memory_space<smem>>
    %get3A_86 = arith.constant 0 : index
    %get3A_87 = arith.constant 0 : index
    %get3A_88 = arith.constant 0 : index
    %get3A_89 = vector.load %arg1[%get3A_86, %get3A_87, %get3A_88] : memref<4x128x128xf32, #tpu.memory_space<vmem>>, vector<1x128x128xf32>
    %get3A_90 = vector.shape_cast %get3A_89 : vector<1x128x128xf32> to vector<128x128xf32>
    %mul3A_91 = vector.broadcast %get3A_85 : f32 to vector<128x128xf32>
    %mul3A_92 = arith.mulf %mul3A_91, %get3A_90 : vector<128x128xf32>
    %get3A_93 = arith.constant 2 : index
    %get3A_94 = arith.constant 1 : index
    %get3A_95 = memref.load %arg0[%get3A_93, %get3A_94] : memref<16x4xf32, #tpu.memory_space<smem>>
    %get3A_96 = arith.constant 1 : index
    %get3A_97 = arith.constant 0 : index
    %get3A_98 = arith.constant 0 : index
    %get3A_99 = vector.load %arg1[%get3A_96, %get3A_97, %get3A_98] : memref<4x128x128xf32, #tpu.memory_space<vmem>>, vector<1x128x128xf32>
    %get3A_100 = vector.shape_cast %get3A_99 : vector<1x128x128xf32> to vector<128x128xf32>
    %mul3A_101 = vector.broadcast %get3A_95 : f32 to vector<128x128xf32>
    %mul3A_102 = arith.mulf %mul3A_101, %get3A_100 : vector<128x128xf32>
    %add3A_103 = arith.addf %mul3A_92, %mul3A_102 : vector<128x128xf32>
    %get3A_104 = arith.constant 2 : index
    %get3A_105 = arith.constant 2 : index
    %get3A_106 = memref.load %arg0[%get3A_104, %get3A_105] : memref<16x4xf32, #tpu.memory_space<smem>>
    %get3A_107 = arith.constant 2 : index
    %get3A_108 = arith.constant 0 : index
    %get3A_109 = arith.constant 0 : index
    %get3A_110 = vector.load %arg1[%get3A_107, %get3A_108, %get3A_109] : memref<4x128x128xf32, #tpu.memory_space<vmem>>, vector<1x128x128xf32>
    %get3A_111 = vector.shape_cast %get3A_110 : vector<1x128x128xf32> to vector<128x128xf32>
    %mul3A_112 = vector.broadcast %get3A_106 : f32 to vector<128x128xf32>
    %mul3A_113 = arith.mulf %mul3A_112, %get3A_111 : vector<128x128xf32>
    %add3A_114 = arith.addf %add3A_103, %mul3A_113 : vector<128x128xf32>
    %get3A_115 = arith.constant 2 : index
    %get3A_116 = arith.constant 3 : index
    %get3A_117 = memref.load %arg0[%get3A_115, %get3A_116] : memref<16x4xf32, #tpu.memory_space<smem>>
    %get3A_118 = arith.constant 3 : index
    %get3A_119 = arith.constant 0 : index
    %get3A_120 = arith.constant 0 : index
    %get3A_121 = vector.load %arg1[%get3A_118, %get3A_119, %get3A_120] : memref<4x128x128xf32, #tpu.memory_space<vmem>>, vector<1x128x128xf32>
    %get3A_122 = vector.shape_cast %get3A_121 : vector<1x128x128xf32> to vector<128x128xf32>
    %mul3A_123 = vector.broadcast %get3A_117 : f32 to vector<128x128xf32>
    %mul3A_124 = arith.mulf %mul3A_123, %get3A_122 : vector<128x128xf32>
    %add3A_125 = arith.addf %add3A_114, %mul3A_124 : vector<128x128xf32>
    %get3A_126 = arith.constant 3 : index
    %get3A_127 = arith.constant 0 : index
    %get3A_128 = memref.load %arg0[%get3A_126, %get3A_127] : memref<16x4xf32, #tpu.memory_space<smem>>
    %get3A_129 = arith.constant 0 : index
    %get3A_130 = arith.constant 0 : index
    %get3A_131 = arith.constant 0 : index
    %get3A_132 = vector.load %arg1[%get3A_129, %get3A_130, %get3A_131] : memref<4x128x128xf32, #tpu.memory_space<vmem>>, vector<1x128x128xf32>
    %get3A_133 = vector.shape_cast %get3A_132 : vector<1x128x128xf32> to vector<128x128xf32>
    %mul3A_134 = vector.broadcast %get3A_128 : f32 to vector<128x128xf32>
    %mul3A_135 = arith.mulf %mul3A_134, %get3A_133 : vector<128x128xf32>
    %get3A_136 = arith.constant 3 : index
    %get3A_137 = arith.constant 1 : index
    %get3A_138 = memref.load %arg0[%get3A_136, %get3A_137] : memref<16x4xf32, #tpu.memory_space<smem>>
    %get3A_139 = arith.constant 1 : index
    %get3A_140 = arith.constant 0 : index
    %get3A_141 = arith.constant 0 : index
    %get3A_142 = vector.load %arg1[%get3A_139, %get3A_140, %get3A_141] : memref<4x128x128xf32, #tpu.memory_space<vmem>>, vector<1x128x128xf32>
    %get3A_143 = vector.shape_cast %get3A_142 : vector<1x128x128xf32> to vector<128x128xf32>
    %mul3A_144 = vector.broadcast %get3A_138 : f32 to vector<128x128xf32>
    %mul3A_145 = arith.mulf %mul3A_144, %get3A_143 : vector<128x128xf32>
    %add3A_146 = arith.addf %mul3A_135, %mul3A_145 : vector<128x128xf32>
    %get3A_147 = arith.constant 3 : index
    %get3A_148 = arith.constant 2 : index
    %get3A_149 = memref.load %arg0[%get3A_147, %get3A_148] : memref<16x4xf32, #tpu.memory_space<smem>>
    %get3A_150 = arith.constant 2 : index
    %get3A_151 = arith.constant 0 : index
    %get3A_152 = arith.constant 0 : index
    %get3A_153 = vector.load %arg1[%get3A_150, %get3A_151, %get3A_152] : memref<4x128x128xf32, #tpu.memory_space<vmem>>, vector<1x128x128xf32>
    %get3A_154 = vector.shape_cast %get3A_153 : vector<1x128x128xf32> to vector<128x128xf32>
    %mul3A_155 = vector.broadcast %get3A_149 : f32 to vector<128x128xf32>
    %mul3A_156 = arith.mulf %mul3A_155, %get3A_154 : vector<128x128xf32>
    %add3A_157 = arith.addf %add3A_146, %mul3A_156 : vector<128x128xf32>
    %get3A_158 = arith.constant 3 : index
    %get3A_159 = arith.constant 3 : index
    %get3A_160 = memref.load %arg0[%get3A_158, %get3A_159] : memref<16x4xf32, #tpu.memory_space<smem>>
    %get3A_161 = arith.constant 3 : index
    %get3A_162 = arith.constant 0 : index
    %get3A_163 = arith.constant 0 : index
    %get3A_164 = vector.load %arg1[%get3A_161, %get3A_162, %get3A_163] : memref<4x128x128xf32, #tpu.memory_space<vmem>>, vector<1x128x128xf32>
    %get3A_165 = vector.shape_cast %get3A_164 : vector<1x128x128xf32> to vector<128x128xf32>
    %mul3A_166 = vector.broadcast %get3A_160 : f32 to vector<128x128xf32>
    %mul3A_167 = arith.mulf %mul3A_166, %get3A_165 : vector<128x128xf32>
    %add3A_168 = arith.addf %add3A_157, %mul3A_167 : vector<128x128xf32>
    %get3A_169 = arith.constant 4 : index
    %get3A_170 = arith.constant 0 : index
    %get3A_171 = memref.load %arg0[%get3A_169, %get3A_170] : memref<16x4xf32, #tpu.memory_space<smem>>
    %get3A_172 = arith.constant 0 : index
    %get3A_173 = arith.constant 0 : index
    %get3A_174 = arith.constant 0 : index
    %get3A_175 = vector.load %arg1[%get3A_172, %get3A_173, %get3A_174] : memref<4x128x128xf32, #tpu.memory_space<vmem>>, vector<1x128x128xf32>
    %get3A_176 = vector.shape_cast %get3A_175 : vector<1x128x128xf32> to vector<128x128xf32>
    %mul3A_177 = vector.broadcast %get3A_171 : f32 to vector<128x128xf32>
    %mul3A_178 = arith.mulf %mul3A_177, %get3A_176 : vector<128x128xf32>
    %get3A_179 = arith.constant 4 : index
    %get3A_180 = arith.constant 1 : index
    %get3A_181 = memref.load %arg0[%get3A_179, %get3A_180] : memref<16x4xf32, #tpu.memory_space<smem>>
    %get3A_182 = arith.constant 1 : index
    %get3A_183 = arith.constant 0 : index
    %get3A_184 = arith.constant 0 : index
    %get3A_185 = vector.load %arg1[%get3A_182, %get3A_183, %get3A_184] : memref<4x128x128xf32, #tpu.memory_space<vmem>>, vector<1x128x128xf32>
    %get3A_186 = vector.shape_cast %get3A_185 : vector<1x128x128xf32> to vector<128x128xf32>
    %mul3A_187 = vector.broadcast %get3A_181 : f32 to vector<128x128xf32>
    %mul3A_188 = arith.mulf %mul3A_187, %get3A_186 : vector<128x128xf32>
    %add3A_189 = arith.addf %mul3A_178, %mul3A_188 : vector<128x128xf32>
    %get3A_190 = arith.constant 4 : index
    %get3A_191 = arith.constant 2 : index
    %get3A_192 = memref.load %arg0[%get3A_190, %get3A_191] : memref<16x4xf32, #tpu.memory_space<smem>>
    %get3A_193 = arith.constant 2 : index
    %get3A_194 = arith.constant 0 : index
    %get3A_195 = arith.constant 0 : index
    %get3A_196 = vector.load %arg1[%get3A_193, %get3A_194, %get3A_195] : memref<4x128x128xf32, #tpu.memory_space<vmem>>, vector<1x128x128xf32>
    %get3A_197 = vector.shape_cast %get3A_196 : vector<1x128x128xf32> to vector<128x128xf32>
    %mul3A_198 = vector.broadcast %get3A_192 : f32 to vector<128x128xf32>
    %mul3A_199 = arith.mulf %mul3A_198, %get3A_197 : vector<128x128xf32>
    %add3A_200 = arith.addf %add3A_189, %mul3A_199 : vector<128x128xf32>
    %get3A_201 = arith.constant 4 : index
    %get3A_202 = arith.constant 3 : index
    %get3A_203 = memref.load %arg0[%get3A_201, %get3A_202] : memref<16x4xf32, #tpu.memory_space<smem>>
    %get3A_204 = arith.constant 3 : index
    %get3A_205 = arith.constant 0 : index
    %get3A_206 = arith.constant 0 : index
    %get3A_207 = vector.load %arg1[%get3A_204, %get3A_205, %get3A_206] : memref<4x128x128xf32, #tpu.memory_space<vmem>>, vector<1x128x128xf32>
    %get3A_208 = vector.shape_cast %get3A_207 : vector<1x128x128xf32> to vector<128x128xf32>
    %mul3A_209 = vector.broadcast %get3A_203 : f32 to vector<128x128xf32>
    %mul3A_210 = arith.mulf %mul3A_209, %get3A_208 : vector<128x128xf32>
    %add3A_211 = arith.addf %add3A_200, %mul3A_210 : vector<128x128xf32>
    %get3A_212 = arith.constant 5 : index
    %get3A_213 = arith.constant 0 : index
    %get3A_214 = memref.load %arg0[%get3A_212, %get3A_213] : memref<16x4xf32, #tpu.memory_space<smem>>
    %get3A_215 = arith.constant 0 : index
    %get3A_216 = arith.constant 0 : index
    %get3A_217 = arith.constant 0 : index
    %get3A_218 = vector.load %arg1[%get3A_215, %get3A_216, %get3A_217] : memref<4x128x128xf32, #tpu.memory_space<vmem>>, vector<1x128x128xf32>
    %get3A_219 = vector.shape_cast %get3A_218 : vector<1x128x128xf32> to vector<128x128xf32>
    %mul3A_220 = vector.broadcast %get3A_214 : f32 to vector<128x128xf32>
    %mul3A_221 = arith.mulf %mul3A_220, %get3A_219 : vector<128x128xf32>
    %get3A_222 = arith.constant 5 : index
    %get3A_223 = arith.constant 1 : index
    %get3A_224 = memref.load %arg0[%get3A_222, %get3A_223] : memref<16x4xf32, #tpu.memory_space<smem>>
    %get3A_225 = arith.constant 1 : index
    %get3A_226 = arith.constant 0 : index
    %get3A_227 = arith.constant 0 : index
    %get3A_228 = vector.load %arg1[%get3A_225, %get3A_226, %get3A_227] : memref<4x128x128xf32, #tpu.memory_space<vmem>>, vector<1x128x128xf32>
    %get3A_229 = vector.shape_cast %get3A_228 : vector<1x128x128xf32> to vector<128x128xf32>
    %mul3A_230 = vector.broadcast %get3A_224 : f32 to vector<128x128xf32>
    %mul3A_231 = arith.mulf %mul3A_230, %get3A_229 : vector<128x128xf32>
    %add3A_232 = arith.addf %mul3A_221, %mul3A_231 : vector<128x128xf32>
    %get3A_233 = arith.constant 5 : index
    %get3A_234 = arith.constant 2 : index
    %get3A_235 = memref.load %arg0[%get3A_233, %get3A_234] : memref<16x4xf32, #tpu.memory_space<smem>>
    %get3A_236 = arith.constant 2 : index
    %get3A_237 = arith.constant 0 : index
    %get3A_238 = arith.constant 0 : index
    %get3A_239 = vector.load %arg1[%get3A_236, %get3A_237, %get3A_238] : memref<4x128x128xf32, #tpu.memory_space<vmem>>, vector<1x128x128xf32>
    %get3A_240 = vector.shape_cast %get3A_239 : vector<1x128x128xf32> to vector<128x128xf32>
    %mul3A_241 = vector.broadcast %get3A_235 : f32 to vector<128x128xf32>
    %mul3A_242 = arith.mulf %mul3A_241, %get3A_240 : vector<128x128xf32>
    %add3A_243 = arith.addf %add3A_232, %mul3A_242 : vector<128x128xf32>
    %get3A_244 = arith.constant 5 : index
    %get3A_245 = arith.constant 3 : index
    %get3A_246 = memref.load %arg0[%get3A_244, %get3A_245] : memref<16x4xf32, #tpu.memory_space<smem>>
    %get3A_247 = arith.constant 3 : index
    %get3A_248 = arith.constant 0 : index
    %get3A_249 = arith.constant 0 : index
    %get3A_250 = vector.load %arg1[%get3A_247, %get3A_248, %get3A_249] : memref<4x128x128xf32, #tpu.memory_space<vmem>>, vector<1x128x128xf32>
    %get3A_251 = vector.shape_cast %get3A_250 : vector<1x128x128xf32> to vector<128x128xf32>
    %mul3A_252 = vector.broadcast %get3A_246 : f32 to vector<128x128xf32>
    %mul3A_253 = arith.mulf %mul3A_252, %get3A_251 : vector<128x128xf32>
    %add3A_254 = arith.addf %add3A_243, %mul3A_253 : vector<128x128xf32>
    %get3A_255 = arith.constant 6 : index
    %get3A_256 = arith.constant 0 : index
    %get3A_257 = memref.load %arg0[%get3A_255, %get3A_256] : memref<16x4xf32, #tpu.memory_space<smem>>
    %get3A_258 = arith.constant 0 : index
    %get3A_259 = arith.constant 0 : index
    %get3A_260 = arith.constant 0 : index
    %get3A_261 = vector.load %arg1[%get3A_258, %get3A_259, %get3A_260] : memref<4x128x128xf32, #tpu.memory_space<vmem>>, vector<1x128x128xf32>
    %get3A_262 = vector.shape_cast %get3A_261 : vector<1x128x128xf32> to vector<128x128xf32>
    %mul3A_263 = vector.broadcast %get3A_257 : f32 to vector<128x128xf32>
    %mul3A_264 = arith.mulf %mul3A_263, %get3A_262 : vector<128x128xf32>
    %get3A_265 = arith.constant 6 : index
    %get3A_266 = arith.constant 1 : index
    %get3A_267 = memref.load %arg0[%get3A_265, %get3A_266] : memref<16x4xf32, #tpu.memory_space<smem>>
    %get3A_268 = arith.constant 1 : index
    %get3A_269 = arith.constant 0 : index
    %get3A_270 = arith.constant 0 : index
    %get3A_271 = vector.load %arg1[%get3A_268, %get3A_269, %get3A_270] : memref<4x128x128xf32, #tpu.memory_space<vmem>>, vector<1x128x128xf32>
    %get3A_272 = vector.shape_cast %get3A_271 : vector<1x128x128xf32> to vector<128x128xf32>
    %mul3A_273 = vector.broadcast %get3A_267 : f32 to vector<128x128xf32>
    %mul3A_274 = arith.mulf %mul3A_273, %get3A_272 : vector<128x128xf32>
    %add3A_275 = arith.addf %mul3A_264, %mul3A_274 : vector<128x128xf32>
    %get3A_276 = arith.constant 6 : index
    %get3A_277 = arith.constant 2 : index
    %get3A_278 = memref.load %arg0[%get3A_276, %get3A_277] : memref<16x4xf32, #tpu.memory_space<smem>>
    %get3A_279 = arith.constant 2 : index
    %get3A_280 = arith.constant 0 : index
    %get3A_281 = arith.constant 0 : index
    %get3A_282 = vector.load %arg1[%get3A_279, %get3A_280, %get3A_281] : memref<4x128x128xf32, #tpu.memory_space<vmem>>, vector<1x128x128xf32>
    %get3A_283 = vector.shape_cast %get3A_282 : vector<1x128x128xf32> to vector<128x128xf32>
    %mul3A_284 = vector.broadcast %get3A_278 : f32 to vector<128x128xf32>
    %mul3A_285 = arith.mulf %mul3A_284, %get3A_283 : vector<128x128xf32>
    %add3A_286 = arith.addf %add3A_275, %mul3A_285 : vector<128x128xf32>
    %get3A_287 = arith.constant 6 : index
    %get3A_288 = arith.constant 3 : index
    %get3A_289 = memref.load %arg0[%get3A_287, %get3A_288] : memref<16x4xf32, #tpu.memory_space<smem>>
    %get3A_290 = arith.constant 3 : index
    %get3A_291 = arith.constant 0 : index
    %get3A_292 = arith.constant 0 : index
    %get3A_293 = vector.load %arg1[%get3A_290, %get3A_291, %get3A_292] : memref<4x128x128xf32, #tpu.memory_space<vmem>>, vector<1x128x128xf32>
    %get3A_294 = vector.shape_cast %get3A_293 : vector<1x128x128xf32> to vector<128x128xf32>
    %mul3A_295 = vector.broadcast %get3A_289 : f32 to vector<128x128xf32>
    %mul3A_296 = arith.mulf %mul3A_295, %get3A_294 : vector<128x128xf32>
    %add3A_297 = arith.addf %add3A_286, %mul3A_296 : vector<128x128xf32>
    %get3A_298 = arith.constant 7 : index
    %get3A_299 = arith.constant 0 : index
    %get3A_300 = memref.load %arg0[%get3A_298, %get3A_299] : memref<16x4xf32, #tpu.memory_space<smem>>
    %get3A_301 = arith.constant 0 : index
    %get3A_302 = arith.constant 0 : index
    %get3A_303 = arith.constant 0 : index
    %get3A_304 = vector.load %arg1[%get3A_301, %get3A_302, %get3A_303] : memref<4x128x128xf32, #tpu.memory_space<vmem>>, vector<1x128x128xf32>
    %get3A_305 = vector.shape_cast %get3A_304 : vector<1x128x128xf32> to vector<128x128xf32>
    %mul3A_306 = vector.broadcast %get3A_300 : f32 to vector<128x128xf32>
    %mul3A_307 = arith.mulf %mul3A_306, %get3A_305 : vector<128x128xf32>
    %get3A_308 = arith.constant 7 : index
    %get3A_309 = arith.constant 1 : index
    %get3A_310 = memref.load %arg0[%get3A_308, %get3A_309] : memref<16x4xf32, #tpu.memory_space<smem>>
    %get3A_311 = arith.constant 1 : index
    %get3A_312 = arith.constant 0 : index
    %get3A_313 = arith.constant 0 : index
    %get3A_314 = vector.load %arg1[%get3A_311, %get3A_312, %get3A_313] : memref<4x128x128xf32, #tpu.memory_space<vmem>>, vector<1x128x128xf32>
    %get3A_315 = vector.shape_cast %get3A_314 : vector<1x128x128xf32> to vector<128x128xf32>
    %mul3A_316 = vector.broadcast %get3A_310 : f32 to vector<128x128xf32>
    %mul3A_317 = arith.mulf %mul3A_316, %get3A_315 : vector<128x128xf32>
    %add3A_318 = arith.addf %mul3A_307, %mul3A_317 : vector<128x128xf32>
    %get3A_319 = arith.constant 7 : index
    %get3A_320 = arith.constant 2 : index
    %get3A_321 = memref.load %arg0[%get3A_319, %get3A_320] : memref<16x4xf32, #tpu.memory_space<smem>>
    %get3A_322 = arith.constant 2 : index
    %get3A_323 = arith.constant 0 : index
    %get3A_324 = arith.constant 0 : index
    %get3A_325 = vector.load %arg1[%get3A_322, %get3A_323, %get3A_324] : memref<4x128x128xf32, #tpu.memory_space<vmem>>, vector<1x128x128xf32>
    %get3A_326 = vector.shape_cast %get3A_325 : vector<1x128x128xf32> to vector<128x128xf32>
    %mul3A_327 = vector.broadcast %get3A_321 : f32 to vector<128x128xf32>
    %mul3A_328 = arith.mulf %mul3A_327, %get3A_326 : vector<128x128xf32>
    %add3A_329 = arith.addf %add3A_318, %mul3A_328 : vector<128x128xf32>
    %get3A_330 = arith.constant 7 : index
    %get3A_331 = arith.constant 3 : index
    %get3A_332 = memref.load %arg0[%get3A_330, %get3A_331] : memref<16x4xf32, #tpu.memory_space<smem>>
    %get3A_333 = arith.constant 3 : index
    %get3A_334 = arith.constant 0 : index
    %get3A_335 = arith.constant 0 : index
    %get3A_336 = vector.load %arg1[%get3A_333, %get3A_334, %get3A_335] : memref<4x128x128xf32, #tpu.memory_space<vmem>>, vector<1x128x128xf32>
    %get3A_337 = vector.shape_cast %get3A_336 : vector<1x128x128xf32> to vector<128x128xf32>
    %mul3A_338 = vector.broadcast %get3A_332 : f32 to vector<128x128xf32>
    %mul3A_339 = arith.mulf %mul3A_338, %get3A_337 : vector<128x128xf32>
    %add3A_340 = arith.addf %add3A_329, %mul3A_339 : vector<128x128xf32>
    %get3A_341 = arith.constant 8 : index
    %get3A_342 = arith.constant 0 : index
    %get3A_343 = memref.load %arg0[%get3A_341, %get3A_342] : memref<16x4xf32, #tpu.memory_space<smem>>
    %get3A_344 = arith.constant 0 : index
    %get3A_345 = arith.constant 0 : index
    %get3A_346 = arith.constant 0 : index
    %get3A_347 = vector.load %arg1[%get3A_344, %get3A_345, %get3A_346] : memref<4x128x128xf32, #tpu.memory_space<vmem>>, vector<1x128x128xf32>
    %get3A_348 = vector.shape_cast %get3A_347 : vector<1x128x128xf32> to vector<128x128xf32>
    %mul3A_349 = vector.broadcast %get3A_343 : f32 to vector<128x128xf32>
    %mul3A_350 = arith.mulf %mul3A_349, %get3A_348 : vector<128x128xf32>
    %get3A_351 = arith.constant 8 : index
    %get3A_352 = arith.constant 1 : index
    %get3A_353 = memref.load %arg0[%get3A_351, %get3A_352] : memref<16x4xf32, #tpu.memory_space<smem>>
    %get3A_354 = arith.constant 1 : index
    %get3A_355 = arith.constant 0 : index
    %get3A_356 = arith.constant 0 : index
    %get3A_357 = vector.load %arg1[%get3A_354, %get3A_355, %get3A_356] : memref<4x128x128xf32, #tpu.memory_space<vmem>>, vector<1x128x128xf32>
    %get3A_358 = vector.shape_cast %get3A_357 : vector<1x128x128xf32> to vector<128x128xf32>
    %mul3A_359 = vector.broadcast %get3A_353 : f32 to vector<128x128xf32>
    %mul3A_360 = arith.mulf %mul3A_359, %get3A_358 : vector<128x128xf32>
    %add3A_361 = arith.addf %mul3A_350, %mul3A_360 : vector<128x128xf32>
    %get3A_362 = arith.constant 8 : index
    %get3A_363 = arith.constant 2 : index
    %get3A_364 = memref.load %arg0[%get3A_362, %get3A_363] : memref<16x4xf32, #tpu.memory_space<smem>>
    %get3A_365 = arith.constant 2 : index
    %get3A_366 = arith.constant 0 : index
    %get3A_367 = arith.constant 0 : index
    %get3A_368 = vector.load %arg1[%get3A_365, %get3A_366, %get3A_367] : memref<4x128x128xf32, #tpu.memory_space<vmem>>, vector<1x128x128xf32>
    %get3A_369 = vector.shape_cast %get3A_368 : vector<1x128x128xf32> to vector<128x128xf32>
    %mul3A_370 = vector.broadcast %get3A_364 : f32 to vector<128x128xf32>
    %mul3A_371 = arith.mulf %mul3A_370, %get3A_369 : vector<128x128xf32>
    %add3A_372 = arith.addf %add3A_361, %mul3A_371 : vector<128x128xf32>
    %get3A_373 = arith.constant 8 : index
    %get3A_374 = arith.constant 3 : index
    %get3A_375 = memref.load %arg0[%get3A_373, %get3A_374] : memref<16x4xf32, #tpu.memory_space<smem>>
    %get3A_376 = arith.constant 3 : index
    %get3A_377 = arith.constant 0 : index
    %get3A_378 = arith.constant 0 : index
    %get3A_379 = vector.load %arg1[%get3A_376, %get3A_377, %get3A_378] : memref<4x128x128xf32, #tpu.memory_space<vmem>>, vector<1x128x128xf32>
    %get3A_380 = vector.shape_cast %get3A_379 : vector<1x128x128xf32> to vector<128x128xf32>
    %mul3A_381 = vector.broadcast %get3A_375 : f32 to vector<128x128xf32>
    %mul3A_382 = arith.mulf %mul3A_381, %get3A_380 : vector<128x128xf32>
    %add3A_383 = arith.addf %add3A_372, %mul3A_382 : vector<128x128xf32>
    %get3A_384 = arith.constant 9 : index
    %get3A_385 = arith.constant 0 : index
    %get3A_386 = memref.load %arg0[%get3A_384, %get3A_385] : memref<16x4xf32, #tpu.memory_space<smem>>
    %get3A_387 = arith.constant 0 : index
    %get3A_388 = arith.constant 0 : index
    %get3A_389 = arith.constant 0 : index
    %get3A_390 = vector.load %arg1[%get3A_387, %get3A_388, %get3A_389] : memref<4x128x128xf32, #tpu.memory_space<vmem>>, vector<1x128x128xf32>
    %get3A_391 = vector.shape_cast %get3A_390 : vector<1x128x128xf32> to vector<128x128xf32>
    %mul3A_392 = vector.broadcast %get3A_386 : f32 to vector<128x128xf32>
    %mul3A_393 = arith.mulf %mul3A_392, %get3A_391 : vector<128x128xf32>
    %get3A_394 = arith.constant 9 : index
    %get3A_395 = arith.constant 1 : index
    %get3A_396 = memref.load %arg0[%get3A_394, %get3A_395] : memref<16x4xf32, #tpu.memory_space<smem>>
    %get3A_397 = arith.constant 1 : index
    %get3A_398 = arith.constant 0 : index
    %get3A_399 = arith.constant 0 : index
    %get3A_400 = vector.load %arg1[%get3A_397, %get3A_398, %get3A_399] : memref<4x128x128xf32, #tpu.memory_space<vmem>>, vector<1x128x128xf32>
    %get3A_401 = vector.shape_cast %get3A_400 : vector<1x128x128xf32> to vector<128x128xf32>
    %mul3A_402 = vector.broadcast %get3A_396 : f32 to vector<128x128xf32>
    %mul3A_403 = arith.mulf %mul3A_402, %get3A_401 : vector<128x128xf32>
    %add3A_404 = arith.addf %mul3A_393, %mul3A_403 : vector<128x128xf32>
    %get3A_405 = arith.constant 9 : index
    %get3A_406 = arith.constant 2 : index
    %get3A_407 = memref.load %arg0[%get3A_405, %get3A_406] : memref<16x4xf32, #tpu.memory_space<smem>>
    %get3A_408 = arith.constant 2 : index
    %get3A_409 = arith.constant 0 : index
    %get3A_410 = arith.constant 0 : index
    %get3A_411 = vector.load %arg1[%get3A_408, %get3A_409, %get3A_410] : memref<4x128x128xf32, #tpu.memory_space<vmem>>, vector<1x128x128xf32>
    %get3A_412 = vector.shape_cast %get3A_411 : vector<1x128x128xf32> to vector<128x128xf32>
    %mul3A_413 = vector.broadcast %get3A_407 : f32 to vector<128x128xf32>
    %mul3A_414 = arith.mulf %mul3A_413, %get3A_412 : vector<128x128xf32>
    %add3A_415 = arith.addf %add3A_404, %mul3A_414 : vector<128x128xf32>
    %get3A_416 = arith.constant 9 : index
    %get3A_417 = arith.constant 3 : index
    %get3A_418 = memref.load %arg0[%get3A_416, %get3A_417] : memref<16x4xf32, #tpu.memory_space<smem>>
    %get3A_419 = arith.constant 3 : index
    %get3A_420 = arith.constant 0 : index
    %get3A_421 = arith.constant 0 : index
    %get3A_422 = vector.load %arg1[%get3A_419, %get3A_420, %get3A_421] : memref<4x128x128xf32, #tpu.memory_space<vmem>>, vector<1x128x128xf32>
    %get3A_423 = vector.shape_cast %get3A_422 : vector<1x128x128xf32> to vector<128x128xf32>
    %mul3A_424 = vector.broadcast %get3A_418 : f32 to vector<128x128xf32>
    %mul3A_425 = arith.mulf %mul3A_424, %get3A_423 : vector<128x128xf32>
    %add3A_426 = arith.addf %add3A_415, %mul3A_425 : vector<128x128xf32>
    %get3A_427 = arith.constant 10 : index
    %get3A_428 = arith.constant 0 : index
    %get3A_429 = memref.load %arg0[%get3A_427, %get3A_428] : memref<16x4xf32, #tpu.memory_space<smem>>
    %get3A_430 = arith.constant 0 : index
    %get3A_431 = arith.constant 0 : index
    %get3A_432 = arith.constant 0 : index
    %get3A_433 = vector.load %arg1[%get3A_430, %get3A_431, %get3A_432] : memref<4x128x128xf32, #tpu.memory_space<vmem>>, vector<1x128x128xf32>
    %get3A_434 = vector.shape_cast %get3A_433 : vector<1x128x128xf32> to vector<128x128xf32>
    %mul3A_435 = vector.broadcast %get3A_429 : f32 to vector<128x128xf32>
    %mul3A_436 = arith.mulf %mul3A_435, %get3A_434 : vector<128x128xf32>
    %get3A_437 = arith.constant 10 : index
    %get3A_438 = arith.constant 1 : index
    %get3A_439 = memref.load %arg0[%get3A_437, %get3A_438] : memref<16x4xf32, #tpu.memory_space<smem>>
    %get3A_440 = arith.constant 1 : index
    %get3A_441 = arith.constant 0 : index
    %get3A_442 = arith.constant 0 : index
    %get3A_443 = vector.load %arg1[%get3A_440, %get3A_441, %get3A_442] : memref<4x128x128xf32, #tpu.memory_space<vmem>>, vector<1x128x128xf32>
    %get3A_444 = vector.shape_cast %get3A_443 : vector<1x128x128xf32> to vector<128x128xf32>
    %mul3A_445 = vector.broadcast %get3A_439 : f32 to vector<128x128xf32>
    %mul3A_446 = arith.mulf %mul3A_445, %get3A_444 : vector<128x128xf32>
    %add3A_447 = arith.addf %mul3A_436, %mul3A_446 : vector<128x128xf32>
    %get3A_448 = arith.constant 10 : index
    %get3A_449 = arith.constant 2 : index
    %get3A_450 = memref.load %arg0[%get3A_448, %get3A_449] : memref<16x4xf32, #tpu.memory_space<smem>>
    %get3A_451 = arith.constant 2 : index
    %get3A_452 = arith.constant 0 : index
    %get3A_453 = arith.constant 0 : index
    %get3A_454 = vector.load %arg1[%get3A_451, %get3A_452, %get3A_453] : memref<4x128x128xf32, #tpu.memory_space<vmem>>, vector<1x128x128xf32>
    %get3A_455 = vector.shape_cast %get3A_454 : vector<1x128x128xf32> to vector<128x128xf32>
    %mul3A_456 = vector.broadcast %get3A_450 : f32 to vector<128x128xf32>
    %mul3A_457 = arith.mulf %mul3A_456, %get3A_455 : vector<128x128xf32>
    %add3A_458 = arith.addf %add3A_447, %mul3A_457 : vector<128x128xf32>
    %get3A_459 = arith.constant 10 : index
    %get3A_460 = arith.constant 3 : index
    %get3A_461 = memref.load %arg0[%get3A_459, %get3A_460] : memref<16x4xf32, #tpu.memory_space<smem>>
    %get3A_462 = arith.constant 3 : index
    %get3A_463 = arith.constant 0 : index
    %get3A_464 = arith.constant 0 : index
    %get3A_465 = vector.load %arg1[%get3A_462, %get3A_463, %get3A_464] : memref<4x128x128xf32, #tpu.memory_space<vmem>>, vector<1x128x128xf32>
    %get3A_466 = vector.shape_cast %get3A_465 : vector<1x128x128xf32> to vector<128x128xf32>
    %mul3A_467 = vector.broadcast %get3A_461 : f32 to vector<128x128xf32>
    %mul3A_468 = arith.mulf %mul3A_467, %get3A_466 : vector<128x128xf32>
    %add3A_469 = arith.addf %add3A_458, %mul3A_468 : vector<128x128xf32>
    %get3A_470 = arith.constant 11 : index
    %get3A_471 = arith.constant 0 : index
    %get3A_472 = memref.load %arg0[%get3A_470, %get3A_471] : memref<16x4xf32, #tpu.memory_space<smem>>
    %get3A_473 = arith.constant 0 : index
    %get3A_474 = arith.constant 0 : index
    %get3A_475 = arith.constant 0 : index
    %get3A_476 = vector.load %arg1[%get3A_473, %get3A_474, %get3A_475] : memref<4x128x128xf32, #tpu.memory_space<vmem>>, vector<1x128x128xf32>
    %get3A_477 = vector.shape_cast %get3A_476 : vector<1x128x128xf32> to vector<128x128xf32>
    %mul3A_478 = vector.broadcast %get3A_472 : f32 to vector<128x128xf32>
    %mul3A_479 = arith.mulf %mul3A_478, %get3A_477 : vector<128x128xf32>
    %get3A_480 = arith.constant 11 : index
    %get3A_481 = arith.constant 1 : index
    %get3A_482 = memref.load %arg0[%get3A_480, %get3A_481] : memref<16x4xf32, #tpu.memory_space<smem>>
    %get3A_483 = arith.constant 1 : index
    %get3A_484 = arith.constant 0 : index
    %get3A_485 = arith.constant 0 : index
    %get3A_486 = vector.load %arg1[%get3A_483, %get3A_484, %get3A_485] : memref<4x128x128xf32, #tpu.memory_space<vmem>>, vector<1x128x128xf32>
    %get3A_487 = vector.shape_cast %get3A_486 : vector<1x128x128xf32> to vector<128x128xf32>
    %mul3A_488 = vector.broadcast %get3A_482 : f32 to vector<128x128xf32>
    %mul3A_489 = arith.mulf %mul3A_488, %get3A_487 : vector<128x128xf32>
    %add3A_490 = arith.addf %mul3A_479, %mul3A_489 : vector<128x128xf32>
    %get3A_491 = arith.constant 11 : index
    %get3A_492 = arith.constant 2 : index
    %get3A_493 = memref.load %arg0[%get3A_491, %get3A_492] : memref<16x4xf32, #tpu.memory_space<smem>>
    %get3A_494 = arith.constant 2 : index
    %get3A_495 = arith.constant 0 : index
    %get3A_496 = arith.constant 0 : index
    %get3A_497 = vector.load %arg1[%get3A_494, %get3A_495, %get3A_496] : memref<4x128x128xf32, #tpu.memory_space<vmem>>, vector<1x128x128xf32>
    %get3A_498 = vector.shape_cast %get3A_497 : vector<1x128x128xf32> to vector<128x128xf32>
    %mul3A_499 = vector.broadcast %get3A_493 : f32 to vector<128x128xf32>
    %mul3A_500 = arith.mulf %mul3A_499, %get3A_498 : vector<128x128xf32>
    %add3A_501 = arith.addf %add3A_490, %mul3A_500 : vector<128x128xf32>
    %get3A_502 = arith.constant 11 : index
    %get3A_503 = arith.constant 3 : index
    %get3A_504 = memref.load %arg0[%get3A_502, %get3A_503] : memref<16x4xf32, #tpu.memory_space<smem>>
    %get3A_505 = arith.constant 3 : index
    %get3A_506 = arith.constant 0 : index
    %get3A_507 = arith.constant 0 : index
    %get3A_508 = vector.load %arg1[%get3A_505, %get3A_506, %get3A_507] : memref<4x128x128xf32, #tpu.memory_space<vmem>>, vector<1x128x128xf32>
    %get3A_509 = vector.shape_cast %get3A_508 : vector<1x128x128xf32> to vector<128x128xf32>
    %mul3A_510 = vector.broadcast %get3A_504 : f32 to vector<128x128xf32>
    %mul3A_511 = arith.mulf %mul3A_510, %get3A_509 : vector<128x128xf32>
    %add3A_512 = arith.addf %add3A_501, %mul3A_511 : vector<128x128xf32>
    %get3A_513 = arith.constant 12 : index
    %get3A_514 = arith.constant 0 : index
    %get3A_515 = memref.load %arg0[%get3A_513, %get3A_514] : memref<16x4xf32, #tpu.memory_space<smem>>
    %get3A_516 = arith.constant 0 : index
    %get3A_517 = arith.constant 0 : index
    %get3A_518 = arith.constant 0 : index
    %get3A_519 = vector.load %arg1[%get3A_516, %get3A_517, %get3A_518] : memref<4x128x128xf32, #tpu.memory_space<vmem>>, vector<1x128x128xf32>
    %get3A_520 = vector.shape_cast %get3A_519 : vector<1x128x128xf32> to vector<128x128xf32>
    %mul3A_521 = vector.broadcast %get3A_515 : f32 to vector<128x128xf32>
    %mul3A_522 = arith.mulf %mul3A_521, %get3A_520 : vector<128x128xf32>
    %get3A_523 = arith.constant 12 : index
    %get3A_524 = arith.constant 1 : index
    %get3A_525 = memref.load %arg0[%get3A_523, %get3A_524] : memref<16x4xf32, #tpu.memory_space<smem>>
    %get3A_526 = arith.constant 1 : index
    %get3A_527 = arith.constant 0 : index
    %get3A_528 = arith.constant 0 : index
    %get3A_529 = vector.load %arg1[%get3A_526, %get3A_527, %get3A_528] : memref<4x128x128xf32, #tpu.memory_space<vmem>>, vector<1x128x128xf32>
    %get3A_530 = vector.shape_cast %get3A_529 : vector<1x128x128xf32> to vector<128x128xf32>
    %mul3A_531 = vector.broadcast %get3A_525 : f32 to vector<128x128xf32>
    %mul3A_532 = arith.mulf %mul3A_531, %get3A_530 : vector<128x128xf32>
    %add3A_533 = arith.addf %mul3A_522, %mul3A_532 : vector<128x128xf32>
    %get3A_534 = arith.constant 12 : index
    %get3A_535 = arith.constant 2 : index
    %get3A_536 = memref.load %arg0[%get3A_534, %get3A_535] : memref<16x4xf32, #tpu.memory_space<smem>>
    %get3A_537 = arith.constant 2 : index
    %get3A_538 = arith.constant 0 : index
    %get3A_539 = arith.constant 0 : index
    %get3A_540 = vector.load %arg1[%get3A_537, %get3A_538, %get3A_539] : memref<4x128x128xf32, #tpu.memory_space<vmem>>, vector<1x128x128xf32>
    %get3A_541 = vector.shape_cast %get3A_540 : vector<1x128x128xf32> to vector<128x128xf32>
    %mul3A_542 = vector.broadcast %get3A_536 : f32 to vector<128x128xf32>
    %mul3A_543 = arith.mulf %mul3A_542, %get3A_541 : vector<128x128xf32>
    %add3A_544 = arith.addf %add3A_533, %mul3A_543 : vector<128x128xf32>
    %get3A_545 = arith.constant 12 : index
    %get3A_546 = arith.constant 3 : index
    %get3A_547 = memref.load %arg0[%get3A_545, %get3A_546] : memref<16x4xf32, #tpu.memory_space<smem>>
    %get3A_548 = arith.constant 3 : index
    %get3A_549 = arith.constant 0 : index
    %get3A_550 = arith.constant 0 : index
    %get3A_551 = vector.load %arg1[%get3A_548, %get3A_549, %get3A_550] : memref<4x128x128xf32, #tpu.memory_space<vmem>>, vector<1x128x128xf32>
    %get3A_552 = vector.shape_cast %get3A_551 : vector<1x128x128xf32> to vector<128x128xf32>
    %mul3A_553 = vector.broadcast %get3A_547 : f32 to vector<128x128xf32>
    %mul3A_554 = arith.mulf %mul3A_553, %get3A_552 : vector<128x128xf32>
    %add3A_555 = arith.addf %add3A_544, %mul3A_554 : vector<128x128xf32>
    %get3A_556 = arith.constant 13 : index
    %get3A_557 = arith.constant 0 : index
    %get3A_558 = memref.load %arg0[%get3A_556, %get3A_557] : memref<16x4xf32, #tpu.memory_space<smem>>
    %get3A_559 = arith.constant 0 : index
    %get3A_560 = arith.constant 0 : index
    %get3A_561 = arith.constant 0 : index
    %get3A_562 = vector.load %arg1[%get3A_559, %get3A_560, %get3A_561] : memref<4x128x128xf32, #tpu.memory_space<vmem>>, vector<1x128x128xf32>
    %get3A_563 = vector.shape_cast %get3A_562 : vector<1x128x128xf32> to vector<128x128xf32>
    %mul3A_564 = vector.broadcast %get3A_558 : f32 to vector<128x128xf32>
    %mul3A_565 = arith.mulf %mul3A_564, %get3A_563 : vector<128x128xf32>
    %get3A_566 = arith.constant 13 : index
    %get3A_567 = arith.constant 1 : index
    %get3A_568 = memref.load %arg0[%get3A_566, %get3A_567] : memref<16x4xf32, #tpu.memory_space<smem>>
    %get3A_569 = arith.constant 1 : index
    %get3A_570 = arith.constant 0 : index
    %get3A_571 = arith.constant 0 : index
    %get3A_572 = vector.load %arg1[%get3A_569, %get3A_570, %get3A_571] : memref<4x128x128xf32, #tpu.memory_space<vmem>>, vector<1x128x128xf32>
    %get3A_573 = vector.shape_cast %get3A_572 : vector<1x128x128xf32> to vector<128x128xf32>
    %mul3A_574 = vector.broadcast %get3A_568 : f32 to vector<128x128xf32>
    %mul3A_575 = arith.mulf %mul3A_574, %get3A_573 : vector<128x128xf32>
    %add3A_576 = arith.addf %mul3A_565, %mul3A_575 : vector<128x128xf32>
    %get3A_577 = arith.constant 13 : index
    %get3A_578 = arith.constant 2 : index
    %get3A_579 = memref.load %arg0[%get3A_577, %get3A_578] : memref<16x4xf32, #tpu.memory_space<smem>>
    %get3A_580 = arith.constant 2 : index
    %get3A_581 = arith.constant 0 : index
    %get3A_582 = arith.constant 0 : index
    %get3A_583 = vector.load %arg1[%get3A_580, %get3A_581, %get3A_582] : memref<4x128x128xf32, #tpu.memory_space<vmem>>, vector<1x128x128xf32>
    %get3A_584 = vector.shape_cast %get3A_583 : vector<1x128x128xf32> to vector<128x128xf32>
    %mul3A_585 = vector.broadcast %get3A_579 : f32 to vector<128x128xf32>
    %mul3A_586 = arith.mulf %mul3A_585, %get3A_584 : vector<128x128xf32>
    %add3A_587 = arith.addf %add3A_576, %mul3A_586 : vector<128x128xf32>
    %get3A_588 = arith.constant 13 : index
    %get3A_589 = arith.constant 3 : index
    %get3A_590 = memref.load %arg0[%get3A_588, %get3A_589] : memref<16x4xf32, #tpu.memory_space<smem>>
    %get3A_591 = arith.constant 3 : index
    %get3A_592 = arith.constant 0 : index
    %get3A_593 = arith.constant 0 : index
    %get3A_594 = vector.load %arg1[%get3A_591, %get3A_592, %get3A_593] : memref<4x128x128xf32, #tpu.memory_space<vmem>>, vector<1x128x128xf32>
    %get3A_595 = vector.shape_cast %get3A_594 : vector<1x128x128xf32> to vector<128x128xf32>
    %mul3A_596 = vector.broadcast %get3A_590 : f32 to vector<128x128xf32>
    %mul3A_597 = arith.mulf %mul3A_596, %get3A_595 : vector<128x128xf32>
    %add3A_598 = arith.addf %add3A_587, %mul3A_597 : vector<128x128xf32>
    %get3A_599 = arith.constant 14 : index
    %get3A_600 = arith.constant 0 : index
    %get3A_601 = memref.load %arg0[%get3A_599, %get3A_600] : memref<16x4xf32, #tpu.memory_space<smem>>
    %get3A_602 = arith.constant 0 : index
    %get3A_603 = arith.constant 0 : index
    %get3A_604 = arith.constant 0 : index
    %get3A_605 = vector.load %arg1[%get3A_602, %get3A_603, %get3A_604] : memref<4x128x128xf32, #tpu.memory_space<vmem>>, vector<1x128x128xf32>
    %get3A_606 = vector.shape_cast %get3A_605 : vector<1x128x128xf32> to vector<128x128xf32>
    %mul3A_607 = vector.broadcast %get3A_601 : f32 to vector<128x128xf32>
    %mul3A_608 = arith.mulf %mul3A_607, %get3A_606 : vector<128x128xf32>
    %get3A_609 = arith.constant 14 : index
    %get3A_610 = arith.constant 1 : index
    %get3A_611 = memref.load %arg0[%get3A_609, %get3A_610] : memref<16x4xf32, #tpu.memory_space<smem>>
    %get3A_612 = arith.constant 1 : index
    %get3A_613 = arith.constant 0 : index
    %get3A_614 = arith.constant 0 : index
    %get3A_615 = vector.load %arg1[%get3A_612, %get3A_613, %get3A_614] : memref<4x128x128xf32, #tpu.memory_space<vmem>>, vector<1x128x128xf32>
    %get3A_616 = vector.shape_cast %get3A_615 : vector<1x128x128xf32> to vector<128x128xf32>
    %mul3A_617 = vector.broadcast %get3A_611 : f32 to vector<128x128xf32>
    %mul3A_618 = arith.mulf %mul3A_617, %get3A_616 : vector<128x128xf32>
    %add3A_619 = arith.addf %mul3A_608, %mul3A_618 : vector<128x128xf32>
    %get3A_620 = arith.constant 14 : index
    %get3A_621 = arith.constant 2 : index
    %get3A_622 = memref.load %arg0[%get3A_620, %get3A_621] : memref<16x4xf32, #tpu.memory_space<smem>>
    %get3A_623 = arith.constant 2 : index
    %get3A_624 = arith.constant 0 : index
    %get3A_625 = arith.constant 0 : index
    %get3A_626 = vector.load %arg1[%get3A_623, %get3A_624, %get3A_625] : memref<4x128x128xf32, #tpu.memory_space<vmem>>, vector<1x128x128xf32>
    %get3A_627 = vector.shape_cast %get3A_626 : vector<1x128x128xf32> to vector<128x128xf32>
    %mul3A_628 = vector.broadcast %get3A_622 : f32 to vector<128x128xf32>
    %mul3A_629 = arith.mulf %mul3A_628, %get3A_627 : vector<128x128xf32>
    %add3A_630 = arith.addf %add3A_619, %mul3A_629 : vector<128x128xf32>
    %get3A_631 = arith.constant 14 : index
    %get3A_632 = arith.constant 3 : index
    %get3A_633 = memref.load %arg0[%get3A_631, %get3A_632] : memref<16x4xf32, #tpu.memory_space<smem>>
    %get3A_634 = arith.constant 3 : index
    %get3A_635 = arith.constant 0 : index
    %get3A_636 = arith.constant 0 : index
    %get3A_637 = vector.load %arg1[%get3A_634, %get3A_635, %get3A_636] : memref<4x128x128xf32, #tpu.memory_space<vmem>>, vector<1x128x128xf32>
    %get3A_638 = vector.shape_cast %get3A_637 : vector<1x128x128xf32> to vector<128x128xf32>
    %mul3A_639 = vector.broadcast %get3A_633 : f32 to vector<128x128xf32>
    %mul3A_640 = arith.mulf %mul3A_639, %get3A_638 : vector<128x128xf32>
    %add3A_641 = arith.addf %add3A_630, %mul3A_640 : vector<128x128xf32>
    %get3A_642 = arith.constant 15 : index
    %get3A_643 = arith.constant 0 : index
    %get3A_644 = memref.load %arg0[%get3A_642, %get3A_643] : memref<16x4xf32, #tpu.memory_space<smem>>
    %get3A_645 = arith.constant 0 : index
    %get3A_646 = arith.constant 0 : index
    %get3A_647 = arith.constant 0 : index
    %get3A_648 = vector.load %arg1[%get3A_645, %get3A_646, %get3A_647] : memref<4x128x128xf32, #tpu.memory_space<vmem>>, vector<1x128x128xf32>
    %get3A_649 = vector.shape_cast %get3A_648 : vector<1x128x128xf32> to vector<128x128xf32>
    %mul3A_650 = vector.broadcast %get3A_644 : f32 to vector<128x128xf32>
    %mul3A_651 = arith.mulf %mul3A_650, %get3A_649 : vector<128x128xf32>
    %get3A_652 = arith.constant 15 : index
    %get3A_653 = arith.constant 1 : index
    %get3A_654 = memref.load %arg0[%get3A_652, %get3A_653] : memref<16x4xf32, #tpu.memory_space<smem>>
    %get3A_655 = arith.constant 1 : index
    %get3A_656 = arith.constant 0 : index
    %get3A_657 = arith.constant 0 : index
    %get3A_658 = vector.load %arg1[%get3A_655, %get3A_656, %get3A_657] : memref<4x128x128xf32, #tpu.memory_space<vmem>>, vector<1x128x128xf32>
    %get3A_659 = vector.shape_cast %get3A_658 : vector<1x128x128xf32> to vector<128x128xf32>
    %mul3A_660 = vector.broadcast %get3A_654 : f32 to vector<128x128xf32>
    %mul3A_661 = arith.mulf %mul3A_660, %get3A_659 : vector<128x128xf32>
    %add3A_662 = arith.addf %mul3A_651, %mul3A_661 : vector<128x128xf32>
    %get3A_663 = arith.constant 15 : index
    %get3A_664 = arith.constant 2 : index
    %get3A_665 = memref.load %arg0[%get3A_663, %get3A_664] : memref<16x4xf32, #tpu.memory_space<smem>>
    %get3A_666 = arith.constant 2 : index
    %get3A_667 = arith.constant 0 : index
    %get3A_668 = arith.constant 0 : index
    %get3A_669 = vector.load %arg1[%get3A_666, %get3A_667, %get3A_668] : memref<4x128x128xf32, #tpu.memory_space<vmem>>, vector<1x128x128xf32>
    %get3A_670 = vector.shape_cast %get3A_669 : vector<1x128x128xf32> to vector<128x128xf32>
    %mul3A_671 = vector.broadcast %get3A_665 : f32 to vector<128x128xf32>
    %mul3A_672 = arith.mulf %mul3A_671, %get3A_670 : vector<128x128xf32>
    %add3A_673 = arith.addf %add3A_662, %mul3A_672 : vector<128x128xf32>
    %get3A_674 = arith.constant 15 : index
    %get3A_675 = arith.constant 3 : index
    %get3A_676 = memref.load %arg0[%get3A_674, %get3A_675] : memref<16x4xf32, #tpu.memory_space<smem>>
    %get3A_677 = arith.constant 3 : index
    %get3A_678 = arith.constant 0 : index
    %get3A_679 = arith.constant 0 : index
    %get3A_680 = vector.load %arg1[%get3A_677, %get3A_678, %get3A_679] : memref<4x128x128xf32, #tpu.memory_space<vmem>>, vector<1x128x128xf32>
    %get3A_681 = vector.shape_cast %get3A_680 : vector<1x128x128xf32> to vector<128x128xf32>
    %mul3A_682 = vector.broadcast %get3A_676 : f32 to vector<128x128xf32>
    %mul3A_683 = arith.mulf %mul3A_682, %get3A_681 : vector<128x128xf32>
    %add3A_684 = arith.addf %add3A_673, %mul3A_683 : vector<128x128xf32>
    %get3A_685 = arith.constant 0 : index
    %get3A_686 = arith.constant 0 : index
    %get3A_687 = vector.load %arg2[%get3A_685, %get3A_686] : memref<128x128xf32, #tpu.memory_space<vmem>>, vector<128x128xf32>
    %concatenate3A = tpu.concatenate %add3A_39, %add3A_82, %add3A_125, %add3A_168, %add3A_211, %add3A_254, %add3A_297, %add3A_340, %add3A_383, %add3A_426, %add3A_469, %add3A_512, %add3A_555, %add3A_598, %add3A_641, %add3A_684, %get3A_687 in 1 : vector<128x128xf32>, vector<128x128xf32>, vector<128x128xf32>, vector<128x128xf32>, vector<128x128xf32>, vector<128x128xf32>, vector<128x128xf32>, vector<128x128xf32>, vector<128x128xf32>, vector<128x128xf32>, vector<128x128xf32>, vector<128x128xf32>, vector<128x128xf32>, vector<128x128xf32>, vector<128x128xf32>, vector<128x128xf32>, vector<128x128xf32> -> vector<128x2176xf32>
    %convert_element_type3A = arith.truncf %concatenate3A : vector<128x2176xf32> to vector<128x2176xbf16>
    %swap3A = arith.constant 0 : index
    %swap3A_688 = arith.constant 0 : index
    %swap3A_689 = vector.load %arg3[%swap3A, %swap3A_688] : memref<128x2176xbf16, #tpu.memory_space<vmem>>, vector<128x2176xbf16>
    tpu.vector_store %arg3[%swap3A, %swap3A_688], %convert_element_type3A {strides = array<i32>} : memref<128x2176xbf16, #tpu.memory_space<vmem>>, vector<128x2176xbf16>,
    return
  }
}

</mosaic_0001>

<sc_bundles>
// kernel: kernel.11.cloned.1.call-start
scs
__scs_entry_jumppad:
0x0: {  	(pc) =	sbr.rel $0x88, $3  }
0x1: {  	(tag) =	ssettag $0x0;
	lr =	simm.s32 $0x1  }
0x2: {  	[smem:$0x3F91] =	sst lr;
	_ =	strace $0xD0000000  }
0x3: {  	_ = 	snop  }
0x4: {  	_ = 	snop  }
0x5: {  	_ = 	snop  }
0x6: {  	_ = 	snop  }
0x7: {  	_ = 	snop  }
__scs_overlays_trampoline_lowered:
0x8: {  	[smem:$0x3FA0] =	sst s0  }
0x9: {  	[smem:$0x3FA1] =	sst s1  }
0xa: {  	[smem:$0x3FA2] =	sst s2  }
0xb: {  	[smem:$0x3FA3] =	sst s3  }
0xc: {  	[smem:$0x3FA4] =	sst s4  }
0xd: {  	[smem:$0x3FA5] =	sst s5  }
0xe: {  	[smem:$0x3FA6] =	sst s6  }
0xf: {  	[smem:$0x3FA7] =	sst s7  }
0x10: {  	[smem:$0x3FA8] =	sst s8  }
0x11: {  	[smem:$0x3FA9] =	sst s9;
	s0 =	simm.s32 @!p0 $0x0  }
0x12: {  	s1 =	sld [smem:$0x3F8F];
	s0 =	simm.s32 @p0 $0x1  }
0x13: {  	[smem:$0x3FAA] =	sst s0;
	s0 =	simm.s32 @!p1 $0x0  }
0x14: {  	s2 =	sld [smem:$0x3F8E];
	s0 =	simm.s32 @p1 $0x1  }
0x15: {  	[smem:$0x3FAB] =	sst s0;
	s0 =	simm.s32 @!p2 $0x0  }
0x16: {  	s3 =	sld [smem:$0x3FDB];
	s0 =	simm.s32 @p2 $0x1  }
0x17: {  	s4 =	simm.s32 $0x1BF5;
	[smem:$0x3FAD] =	sst s0  }
0x18: {  	s0 =	sld [smem:$0x3F90];
	_ =	swait.ge [sflag:s4], $0x0  }
0x19: {  	s7 =	sld [smem:$0x3F91]  }
0x1a: {  	s8 =	sadd.s32 $0xFFFFE003, lr  }
0x1b: {  	s9 =	sadd.s32 $0xFFFFFEF7, lr;
	s5 =	simm.s32 $0xFFFFFFFF;
	p2 =	slt.u32 s8, $0xFFFFF086  }
0x1c: {  	p1 =	slt.u32 s9, $0xF7A;
	s5 =	simm.s32 @!p2 $0x0  }
0x1d: {  	s5 =	simm.s32 @p1 $0x1;
	p0 =	seq.s32 s7, s2  }
0x1e: {  	s7 =	smul.u32 @!p0 $0xF7A, s2;
	p2 =	seq.s32 @!p0 s5, $0x0  }
0x1f: {  	s9 =	smul.u32 $0xF7A, s1;
	s8 =	simm.s32 @!p0 $0x1BF5;
	p2 =	por !p2, p0  }
0x20: {  	[sflag:s8] =	ssyncset.s32 @!p0 $0xFFFFF086;
	s6 =	sadd.s32 @!p0 s3, s7;
	s7 =	simm.s32 @!p0 $0x108  }
0x21: {  	s3 =	sadd.s32 s3, s9;
	s6 =	sadd.s32 @!p0 $0x88, s6;
	s7 =	simm.s32 @p2 $0x1082  }
0x22: {  	[simem:s7], [sflag:s8] =	dma.local @!p0 [hbm:s6], $0xF7A  }
0x23: {  	s9 =	sor.u32 $0xD0000000, s2;
	s6 =	simm.s32 $0x108;
	_ =	swait.ge @!p0 [sflag:s8], $0x0  }
0x24: {  	s3 =	sadd.s32 $0x88, s3;
	s6 =	simm.s32 @!p1 $0x1082;
	[sflag:s4] =	ssyncset.s32 $0xFFFFF086  }
0x25: {  	[simem:s6], [sflag:s4] =	dma.local [hbm:s3], $0xF7A  }
0x26: {  	[smem:$0x3F91] =	sst s1;
	(tag) =	ssettag s2;
	_ =	strace s9  }
0x27: {  	s1 =	sld [smem:$0x3FA1]  }
0x28: {  	s2 =	sld [smem:$0x3FA2]  }
0x29: {  	s4 =	sld [smem:$0x3FA4]  }
0x2a: {  	p0 =	seq.s32 s5, $0x0;
	s5 =	sld [smem:$0x3FA5]  }
0x2b: {  	s6 =	sld [smem:$0x3FA6]  }
0x2c: {  	s7 =	sld [smem:$0x3FA7]  }
0x2d: {  	s3 =	simm.s32 $0x108;
	s8 =	sld [smem:$0x3FA8]  }
0x2e: {  	s3 =	simm.s32 @!p0 $0x1082;
	s9 =	sld [smem:$0x3FA9]  }
0x2f: {  	lr =	sadd.s32 s0, s3;
	s0 =	sld [smem:$0x3FA0]  }
0x30: {  	s3 =	sld [smem:$0x3FA3]  }
0x31: {  	[smem:$0x3FAC] =	sst s10  }
0x32: {  	s10 =	sld [smem:$0x3FAA];
	_ =	sdelay $0x3  }
0x33: {  	p0 =	seq.s32 s10, $0x1;
	s10 =	sld [smem:$0x3FAC];
	_ =	sdelay $0x3  }
0x34: {  	[smem:$0x3FAC] =	sst s10  }
0x35: {  	s10 =	sld [smem:$0x3FAB];
	_ =	sdelay $0x3  }
0x36: {  	p1 =	seq.s32 s10, $0x1;
	s10 =	sld [smem:$0x3FAC];
	_ =	sdelay $0x3  }
0x37: {  	[smem:$0x3FAC] =	sst s10  }
0x38: {  	s10 =	sld [smem:$0x3FAD]  }
0x39: {  	_ = 	snop;
	(pc) =	sbr.ind lr, $3  }
0x3a: {  	_ = 	snop  }
0x3b: {  	_ = 	snop  }
0x3c: {  	p2 =	seq.s32 s10, $0x1;
	s10 =	sld [smem:$0x3FAC]  }
0x3d: {  	_ =	shalt  }
0x3e: {  	_ =	shalt  }
0x3f: {  	_ =	shalt  }
0x40: {  	_ =	shalt  }
0x41: {  	_ =	shalt  }
0x42: {  	_ =	shalt  }
0x43: {  	_ =	shalt  }
0x44: {  	_ =	shalt  }
0x45: {  	_ =	shalt  }
0x46: {  	_ =	shalt  }
0x47: {  	_ =	shalt  }
0x48: {  	_ =	shalt  }
0x49: {  	_ =	shalt  }
0x4a: {  	_ =	shalt  }
0x4b: {  	_ =	shalt  }
0x4c: {  	_ =	shalt  }
0x4d: {  	_ =	shalt  }
0x4e: {  	_ =	shalt  }
0x4f: {  	_ =	shalt  }
0x50: {  	_ =	shalt  }
0x51: {  	_ =	shalt  }
0x52: {  	_ =	shalt  }
0x53: {  	_ =	shalt  }
0x54: {  	_ =	shalt  }
0x55: {  	_ =	shalt  }
0x56: {  	_ =	shalt  }
0x57: {  	_ =	shalt  }
0x58: {  	_ =	shalt  }
0x59: {  	_ =	shalt  }
0x5a: {  	_ =	shalt  }
0x5b: {  	_ =	shalt  }
0x5c: {  	_ =	shalt  }
0x5d: {  	_ =	shalt  }
0x5e: {  	_ =	shalt  }
0x5f: {  	_ =	shalt  }
0x60: {  	_ =	shalt  }
0x61: {  	_ =	shalt  }
0x62: {  	_ =	shalt  }
0x63: {  	_ =	shalt  }
0x64: {  	_ =	shalt  }
0x65: {  	_ =	shalt  }
0x66: {  	_ =	shalt  }
0x67: {  	_ =	shalt  }
0x68: {  	_ =	shalt  }
0x69: {  	_ =	shalt  }
0x6a: {  	_ =	shalt  }
0x6b: {  	_ =	shalt  }
0x6c: {  	_ =	shalt  }
0x6d: {  	_ =	shalt  }
0x6e: {  	_ =	shalt  }
0x6f: {  	_ =	shalt  }
0x70: {  	_ =	shalt  }
0x71: {  	_ =	shalt  }
0x72: {  	_ =	shalt  }
0x73: {  	_ =	shalt  }
0x74: {  	_ =	shalt  }
0x75: {  	_ =	shalt  }
0x76: {  	_ =	shalt  }
0x77: {  	_ =	shalt  }
0x78: {  	_ =	shalt  }
0x79: {  	_ =	shalt  }
0x7a: {  	_ =	shalt  }
0x7b: {  	_ =	shalt  }
0x7c: {  	_ =	shalt  }
0x7d: {  	_ =	shalt  }
0x7e: {  	_ =	shalt  }
0x7f: {  	_ =	shalt  }
0x80: {  	_ =	shalt  }
0x81: {  	_ =	shalt  }
0x82: {  	_ =	shalt  }
0x83: {  	_ =	shalt  }
0x84: {  	_ =	shalt  }
0x85: {  	_ =	shalt  }
0x86: {  	_ =	shalt  }
0x87: {  	_ =	shalt  }
.Lfunc_end0:
.L_simem_size_0:
called_computation_lowered:
.L_overlay_start_0:
0x88: {  	s2 =	sld [smem:$0x3FD9]  }
0x89: {  	s3 =	sld [smem:$0x3FFE];
	_ =	sdelay $0x1  }
0x8a: {  	s1 =	srdreg.scid  }
0x8b: {  	s0 =	sand.u32 $0x1, s1  }
0x8c: {  	s17 =	sshll.u32 s0, $0xA;
	s2 =	sadd.s32 s3, s2  }
0x8d: {  	s2 =	sadd.s32 s2, s17  }
0x8e: {  	[smem:$0x3FB8] =	sst s2  }
0x8f: {  	_ = 	snop  }
0x90: {  	s2 =	sld [smem:$0x3FC8]  }
0x91: {  	s18 =	sld [smem:$0x3FC7];
	(tm) =	ssettm $0x1  }
0x92: {  	s4 =	sld [smem:$0x3FFB];
	_ =	sdelay $0x3  }
0x93: {  	_ =	strace s4  }
0x94: {  	s4 =	sld [smem:$0x3FFC];
	_ =	sdelay $0x3  }
0x95: {  	_ =	strace s4  }
0x96: {  	s4 =	sld [smem:$0x3FFD];
	_ =	sdelay $0x3  }
0x97: {  	_ =	strace s4  }
0x98: {  	_ =	strace $0x8FFFFFFF  }
0x99: {  	s19 =	sld [smem:$0x3FDB];
	_ =	sdelay $0x1  }
0x9a: {  	s5 =	simm.s32 $_scs_section_size  }
0x9b: {  	s6 =	simm.s32 $_size__tile_overlayer_lowered;
	s7 =	simm.s32 $_tile_overlayer_lowered  }
0x9c: {  	s22 =	simm.s32 $0x1BFF;
	s21 =	sshll.u32 s7, $0x1;
	s4 =	sadd.s32 s5, s19  }
0x9d: {  	s8 =	simm.s32 $0x0;
	s20 =	sshll.u32 s6, $0x1;
	s6 =	sadd.s32 s21, s4  }
0x9e: {  	[timem:s8], [sflag:s22] =	dma.local [hbm:s6], s20  }
0x9f: {  	_ =	swait.ge [sflag:s22], s20  }
0xa0: {  	s5 =	ssub.s32 $0x0, s20;
	[sflag:s22] =	ssyncset.done $0x0  }
0xa1: {  	[sflag:s22] =	ssyncadd.s32 s5;
	_ =	sdelay $0x1  }
0xa2: {  	s23 =	simm.s32 $0x1B8B  }
0xa3: {  	_ =	swait.ge [sflag:s23], $0x1  }
0xa4: {  	[sflag:s23] =	ssyncset.done $0x0  }
0xa5: {  	s25 =	simm.s32 $0x1B8E;
	s24 =	sld [smem:$0x3FFE];
	[sflag:s23] =	ssyncadd.s32 $0xFFFFFFFF  }
0xa6: {  	s26 =	simm.s32 $execute0_lowered;
	[smem:$0x3FD2] =	sst s25  }
0xa7: {  	s6 =	sshll.u32 s26, $0x1;
	_ =	strace $0x80000046;
	[dreg:$0x1] =	wrdreg $0xFFFFFFFF  }
0xa8: {  	s28 =	simm.s32 $_size_execute0_lowered;
	s4 =	sadd.s32 s4, s6;
	[dreg:$0x0] =	wrdreg $0x0  }
0xa9: {  	s6 =	sshll.u32 s28, $0x1;
	[dreg:$0x2] =	wrdreg s4  }
0xaa: {  	[dreg:$0x3] =	wrdreg s6  }
0xab: {  	[dreg:$0x4] =	wrdreg $0xC0  }
0xac: {  	_ =	task [dreg:s8], $0x5FFFF  }
0xad: {  	[dreg:$0x1] =	wrdreg $0xFFFFFFFF  }
0xae: {  	[dreg:$0x0] =	wrdreg $0x60  }
0xaf: {  	[dreg:$0x2] =	wrdreg s2  }
0xb0: {  	[dreg:$0x3] =	wrdreg s18  }
0xb1: {  	[dreg:$0x4] =	wrdreg s24  }
0xb2: {  	[dreg:$0x5] =	wrdreg $0x83000  }
0xb3: {  	[dreg:$0x6] =	wrdreg $0x9  }
0xb4: {  	_ =	task.clear_ibuf [dreg:s8], $0x7FFFF;
	_ =	strace $0x90000046  }
0xb5: {  	s29 =	simm.s32 $0x9;
	_ =	strace $0x80000048  }
0xb6: {  	_ =	swait.ge [sflag:s29], $0x1  }
0xb7: {  	[sflag:s29] =	ssyncadd.s32 $0xFFFFFFFF  }
0xb8: {  	_ =	strace $0x90000048  }
0xb9: {  	_ =	sfence  }
0xba: {  	s30 =	sld [smem:$0x0];
	_ =	sdelay $0x2  }
0xbb: {  	s31 =	sshll.u32 s1, $0xD;
	s1 =	sshrl.u32 s1, $0x2  }
0xbc: {  	s3 =	sand.u32 $0x4000, s31;
	s1 =	sadd.s32 s1, s30  }
0xbd: {  	s0 =	sor.u32 s3, s0;
	s1 =	sshll.u32 s1, $0x11  }
0xbe: {  	s0 =	sor.u32 s1, s0  }
0xbf: {  	s0 =	sadd.s32 $0x8F2B, s0  }
0xc0: {  	[sflag:s0] =	ssyncadd.remote.s32 $0x1  }
0xc1: {  	_ =	sfence.sel $0xFFFF  }
0xc2: {  	[dreg:$0x0] =	wrdreg $0xFFFFFFFF;
	(pc) =	sbr.abs _section_cstart, $3  }
0xc3: {  	[dreg:$0x1] =	wrdreg $0xFFFFFFFF  }
0xc4: {  	_ =	task.clear_ibuf [dreg:s8], $0x2FFFF;
	_ =	strace $0x9FFFFFFF  }
0xc5: {  	(tm) =	ssettm $0x7FFFFFFF  }
tec
execute0_lowered:
.L_overlay_start_1:
0x0: {  	(tag) =	ssettag $0x1  }
0x1: {  	s0 =	rddreg [dreg:$0x0]  }
0x2: {  	s2 =	rddreg [dreg:$0x1]  }
0x3: {  	s5 =	rddreg [dreg:$0x2]  }
0x4: {  	s1 =	rddreg [dreg:$0x3];
	s3 =	simm.s32 $0x0;
	s4 =	srdreg.scid  }
0x5: {  	s23 =	stileid.u32;
	s28 =	simm.s32 $0x100;
	s29 =	simm.s32 $0x4280  }
0x6: {  	s30 =	simm.s32 $0x1;
	s31 =	simm.s32 $0x4200;
	s7 =	smul.u32 $0x50000, s23  }
0x7: {  	[smem:$0x7FF] =	sst s3;
	s11 =	sand.u32 $0x1, s4;
	s13 =	smul.u32 $0x14000, s23  }
0x8: {  	s4 =	sadd.s32 $0x2E00, s5;
	s12 =	sadd.s32 $0x29B000, s5;
	s26 =	smul.u32 $0x4E2, s23  }
0x9: {  	_ =	strace $0x80000047;
	s6 =	ssub.s32 $0x2, s11;
	s8 =	sshll.u32 s11, $0x4  }
0xa: {  	s21 =	sshrl.u32 s6, $0x1;
	s7 =	sshrl.u32 s7, $0x2;
	s22 =	sor.u32 s23, s8  }
0xb: {  	s15 =	sadd.s32 $0x4000, s13;
	s16 =	sadd.s32 $0x8000, s13;
	s18 =	sadd.s32 $0xC000, s13  }
0xc: {  	s19 =	sadd.s32 $0x10000, s13;
	s14 =	ssub.s32 s6, s21;
	s5 =	sadd.s32 s7, s1  }
0xd: {  	s17 =	smul.u32 $0x4E2, s22;
	s6 =	sadd.s32 s15, s1;
	s7 =	sadd.s32 s16, s1  }
0xe: {  	s8 =	sadd.s32 s18, s1;
	s22 =	smul.u32 $0x140000, s11;
	s9 =	sadd.s32 s19, s1  }
0xf: {  	s11 =	smul.u32 $0x4E20, s11;
	s20 =	sshrl.u32 s17, $0x5;
	s10 =	sadd.s32 $0x4E2, s17  }
0x10: {  	s17 =	sand.u32 $0xFFE0, s17;
	s13 =	sadd.s32 s13, s22;
	s15 =	sadd.s32 s22, s15  }
0x11: {  	s16 =	sadd.s32 s22, s16;
	s24 =	sadd.s32 s22, s18;
	s25 =	sadd.s32 s22, s19  }
0x12: {  	s11 =	sadd.s32 s26, s11;
	s19 =	smax.u32 s14, $0x1;
	s21 =	sshll.u32 s20, $0x6  }
0x13: {  	s10 =	sshrl.u32 s10, $0x5;
	s17 =	sadd.s32 s2, s17;
	s13 =	sshrl.u32 s13, $0x3  }
0x14: {  	s15 =	sshrl.u32 s15, $0x3;
	s22 =	sshrl.u32 s16, $0x3;
	s23 =	sshrl.u32 s24, $0x3  }
0x15: {  	s24 =	sshrl.u32 s25, $0x3;
	s25 =	sshrl.u32 s11, $0x5;
	s11 =	sand.u32 $0xFFE0, s11  }
0x16: {  	s21 =	sadd.s32 s0, s21;
	[dreg:$0x7] =	wrdreg s17;
	s13 =	sadd.s32 s12, s13  }
0x17: {  	s16 =	sadd.s32 s12, s22;
	s17 =	sadd.s32 s12, s23;
	s18 =	sadd.s32 s12, s24  }
0x18: {  	s26 =	sshll.u32 s25, $0x6;
	s2 =	sadd.s32 s11, s2;
	s14 =	sadd.s32 $0x1, s25  }
0x19: {  	p0 =	sge.u32 s20, s10;
	s23 =	simm.s32 $0x200;
	s24 =	simm.s32 $0x3  }
.Ltmp0:
0x1a: {  	s25 =	simm.s32 $0x180;
	[dreg:$0x5] =	wrdreg s21;
	(pc) =	sbr.rel .LBB2_1-.Ltmp0, $4  }
0x1b: {  	s21 =	sadd.s32 $0x10, s21;
	[dreg:$0x8] =	wrdreg s13;
	s0 =	sadd.s32 s26, s0  }
0x1c: {  	s11 =	sadd.s32 $0x10, s2;
	s26 =	simm.s32 $0x80;
	s2 =	simm.s32 $0x2  }
0x1d: {  	[dreg:$0x6] =	wrdreg s21;
	s21 =	sadd.s32 s12, s15;
	s13 =	sadd.s32 $0x30, s0  }
0x1e: {  	v0 =	vimm.f32 $0.0e+00;
	s0 =	simm.s32 $0x4300;
	s12 =	simm.s32 $0x0;
	[dreg:$0x9] =	wrdreg s21  }
.LBB2_8:
0x1f: {  	[bflag:$0x0] =	sbarrier.arrive $0xFFFF  }
0x20: {  	[tilespmem:s23], [sflag:$0x3] =	stream.linear.gather [spmem:s5], $0x4000, $0x38;
	[tilespmem:$0x1C300] =	vst v63  }
0x21: {  	_ =	swait.ge [sflag:s24], $0x4000  }
0x22: {  	[sflag:s24] =	ssyncset.done $0x0  }
0x23: {  	s15 =	rddreg [dreg:$0x8];
	[sflag:s24] =	ssyncadd.s32 $0xFFFFC000  }
0x24: {  	[hbm4b:s15+s3] =	stream.linear.scatter [tilespmem:s23], [sflag:$0x3], $0x4000, $0x38;
	[tilespmem:$0x1C300] =	vst v63  }
0x25: {  	_ =	swait.ge [sflag:s24], $0x4000  }
0x26: {  	[sflag:s24] =	ssyncset.done $0x0  }
0x27: {  	[sflag:s24] =	ssyncadd.s32 $0xFFFFC000  }
0x28: {  	[tilespmem:s23], [sflag:$0x3] =	stream.linear.gather [spmem:s6], $0x4000, $0x38;
	[tilespmem:$0x1C300] =	vst v63  }
0x29: {  	_ =	swait.ge [sflag:s24], $0x4000  }
0x2a: {  	[sflag:s24] =	ssyncset.done $0x0  }
0x2b: {  	s22 =	rddreg [dreg:$0x9];
	[sflag:s24] =	ssyncadd.s32 $0xFFFFC000  }
0x2c: {  	[hbm4b:s22+s3] =	stream.linear.scatter [tilespmem:s23], [sflag:$0x3], $0x4000, $0x38;
	[tilespmem:$0x1C300] =	vst v63  }
0x2d: {  	_ =	swait.ge [sflag:s24], $0x4000  }
0x2e: {  	[sflag:s24] =	ssyncset.done $0x0  }
0x2f: {  	[sflag:s24] =	ssyncadd.s32 $0xFFFFC000  }
0x30: {  	[tilespmem:s23], [sflag:$0x3] =	stream.linear.gather [spmem:s7], $0x4000, $0x38;
	[tilespmem:$0x1C300] =	vst v63  }
0x31: {  	_ =	swait.ge [sflag:s24], $0x4000  }
0x32: {  	[sflag:s24] =	ssyncset.done $0x0  }
0x33: {  	[sflag:s24] =	ssyncadd.s32 $0xFFFFC000  }
0x34: {  	[hbm4b:s16+s3] =	stream.linear.scatter [tilespmem:s23], [sflag:$0x3], $0x4000, $0x38;
	[tilespmem:$0x1C300] =	vst v63  }
0x35: {  	_ =	swait.ge [sflag:s24], $0x4000  }
0x36: {  	[sflag:s24] =	ssyncset.done $0x0  }
0x37: {  	[sflag:s24] =	ssyncadd.s32 $0xFFFFC000  }
0x38: {  	[tilespmem:s23], [sflag:$0x3] =	stream.linear.gather [spmem:s8], $0x4000, $0x38;
	[tilespmem:$0x1C300] =	vst v63  }
0x39: {  	_ =	swait.ge [sflag:s24], $0x4000  }
0x3a: {  	[sflag:s24] =	ssyncset.done $0x0  }
0x3b: {  	[sflag:s24] =	ssyncadd.s32 $0xFFFFC000  }
0x3c: {  	[hbm4b:s17+s3] =	stream.linear.scatter [tilespmem:s23], [sflag:$0x3], $0x4000, $0x38;
	[tilespmem:$0x1C300] =	vst v63  }
0x3d: {  	_ =	swait.ge [sflag:s24], $0x4000  }
0x3e: {  	[sflag:s24] =	ssyncset.done $0x0  }
0x3f: {  	[sflag:s24] =	ssyncadd.s32 $0xFFFFC000  }
0x40: {  	[tilespmem:s23], [sflag:$0x3] =	stream.linear.gather [spmem:s9], $0x4000, $0x38;
	[tilespmem:$0x1C300] =	vst v63  }
0x41: {  	s12 =	sadd.s32 $0x1, s12;
	_ =	swait.ge [sflag:s24], $0x4000  }
0x42: {  	p1 =	sne.s32 s12, s19;
	[sflag:s24] =	ssyncset.done $0x0  }
.Ltmp1:
0x43: {  	[sflag:s24] =	ssyncadd.s32 $0xFFFFC000;
	(pc) =	sbr.rel @!p1 .LBB2_9-.Ltmp1, $4  }
0x44: {  	[hbm4b:s18+s3] =	stream.linear.scatter [tilespmem:s23], [sflag:$0x3], $0x4000, $0x38;
	[tilespmem:$0x1C300] =	vst v63  }
0x45: {  	_ =	swait.ge [sflag:s24], $0x4000  }
0x46: {  	[sflag:s24] =	ssyncset.done $0x0  }
0x47: {  	[sflag:s24] =	ssyncadd.s32 $0xFFFFC000  }
.LBB2_1:
0x48: {  	s20 =	simm.s32 $0x0;
	s21 =	simm.s32 $0x200  }
.LBB2_2:
0x49: {  	p1 =	sne.s32 s21, $0xFE00;
	[tilespmem:s20+$0x270] =	vst v0  }
0x4a: {  	[tilespmem:s20+$0x200] =	vst v0  }
0x4b: {  	[tilespmem:s20+$0x210] =	vst v0  }
.Ltmp2:
0x4c: {  	[tilespmem:s20+$0x220] =	vst v0;
	(pc) =	sbr.rel @p1 .LBB2_2-.Ltmp2, $4  }
0x4d: {  	[tilespmem:s20+$0x230] =	vst v0  }
0x4e: {  	[tilespmem:s20+$0x240] =	vst v0  }
0x4f: {  	[tilespmem:s20+$0x250] =	vst v0  }
0x50: {  	[tilespmem:s20+$0x260] =	vst v0;
	s20 =	sshra.s32 s21, $0x2;
	s21 =	sadd.s32 $0x200, s21  }
0x51: {  	[tilespmem:s20+$0x270] =	vst v0  }
0x52: {  	[tilespmem:s20+$0x200] =	vst v0  }
0x53: {  	[tilespmem:s20+$0x210] =	vst v0  }
0x54: {  	[tilespmem:s20+$0x220] =	vst v0  }
0x55: {  	[tilespmem:s20+$0x230] =	vst v0  }
0x56: {  	[tilespmem:s20+$0x240] =	vst v0  }
0x57: {  	[tilespmem:s20+$0x250] =	vst v0  }
0x58: {  	[tilespmem:s20+$0x260] =	vst v0  }
0x59: {  	[spmem:s5] =	stream.linear.scatter [tilespmem:s23], [sflag:$0x3], $0x4000, $0x38;
	[tilespmem:$0x1C300] =	vst v63  }
0x5a: {  	_ =	swait.ge [sflag:s24], $0x4000  }
0x5b: {  	[sflag:s24] =	ssyncset.done $0x0  }
0x5c: {  	[sflag:s24] =	ssyncadd.s32 $0xFFFFC000  }
0x5d: {  	[spmem:s6] =	stream.linear.scatter [tilespmem:s23], [sflag:$0x3], $0x4000, $0x38;
	[tilespmem:$0x1C300] =	vst v63  }
0x5e: {  	_ =	swait.ge [sflag:s24], $0x4000  }
0x5f: {  	[sflag:s24] =	ssyncset.done $0x0  }
0x60: {  	[sflag:s24] =	ssyncadd.s32 $0xFFFFC000  }
0x61: {  	[spmem:s7] =	stream.linear.scatter [tilespmem:s23], [sflag:$0x3], $0x4000, $0x38;
	[tilespmem:$0x1C300] =	vst v63  }
0x62: {  	_ =	swait.ge [sflag:s24], $0x4000  }
0x63: {  	[sflag:s24] =	ssyncset.done $0x0  }
0x64: {  	[sflag:s24] =	ssyncadd.s32 $0xFFFFC000  }
0x65: {  	[spmem:s8] =	stream.linear.scatter [tilespmem:s23], [sflag:$0x3], $0x4000, $0x38;
	[tilespmem:$0x1C300] =	vst v63  }
0x66: {  	_ =	swait.ge [sflag:s24], $0x4000  }
0x67: {  	[sflag:s24] =	ssyncset.done $0x0  }
0x68: {  	[sflag:s24] =	ssyncadd.s32 $0xFFFFC000  }
0x69: {  	[spmem:s9] =	stream.linear.scatter [tilespmem:s23], [sflag:$0x3], $0x4000, $0x38;
	[tilespmem:$0x1C300] =	vst v63  }
0x6a: {  	_ =	swait.ge [sflag:s24], $0x4000  }
0x6b: {  	[sflag:s24] =	ssyncset.done $0x0  }
0x6c: {  	[sflag:s24] =	ssyncadd.s32 $0xFFFFC000  }
0x6d: {  	[bflag:$0x0] =	sbarrier.arrive $0xFFFF  }
0x6e: {  	s15 =	rddreg [dreg:$0x5]  }
0x6f: {  	[tilespmem:s3], [sflag:$0x3] =	stream.linear.gather [hbm4b:s15+s3], $0x80, $0x38;
	[tilespmem:$0x1C300] =	vst v63  }
0x70: {  	_ =	swait.ge [sflag:s24], $0x80  }
0x71: {  	[sflag:s24] =	ssyncset.done $0x0  }
0x72: {  	s21 =	rddreg [dreg:$0x6];
	[sflag:s24] =	ssyncadd.s32 $0xFFFFFF80  }
0x73: {  	[tilespmem:s25], [sflag:$0x3] =	stream.linear.gather [hbm4b:s21+s3], $0x80, $0x38;
	[tilespmem:$0x1C300] =	vst v63  }
0x74: {  	_ =	swait.ge [sflag:s24], $0x80  }
0x75: {  	[sflag:s24] =	ssyncset.done $0x0  }
0x76: {  	s22 =	rddreg [dreg:$0x7];
	[sflag:s24] =	ssyncadd.s32 $0xFFFFFF80  }
0x77: {  	[tilespmem:s26], [sflag:$0x3] =	stream.linear.gather [hbm4b:s22+s3], $0x80, $0x38;
	[tilespmem:$0x1C300] =	vst v63  }
0x78: {  	_ =	swait.ge [sflag:s24], $0x80  }
0x79: {  	[sflag:s24] =	ssyncset.done $0x0  }
0x7a: {  	[sflag:s24] =	ssyncadd.s32 $0xFFFFFF80  }
0x7b: {  	v1 =	vld [tilespmem:$0x0]  }
0x7c: {  	v2 =	vld [tilespmem:$0x80]  }
0x7d: {  	v3 =	vld [tilespmem:$0x10]  }
0x7e: {  	v4 =	vld [tilespmem:$0x90]  }
0x7f: {  	v5 =	vld [tilespmem:$0x20]  }
0x80: {  	v6 =	vld [tilespmem:$0xA0]  }
0x81: {  	v7 =	vld [tilespmem:$0x30]  }
0x82: {  	v8 =	vld [tilespmem:$0xB0]  }
0x83: {  	v9 =	vld [tilespmem:$0x40]  }
0x84: {  	v10 =	vld [tilespmem:$0xC0]  }
0x85: {  	v11 =	vld [tilespmem:$0x50]  }
0x86: {  	v12 =	vld [tilespmem:$0xD0];
	v1 =	vmul.u32 $0x11, v1  }
0x87: {  	v13 =	vld [tilespmem:$0x60];
	v3 =	vmul.u32 $0x11, v3  }
0x88: {  	v61 =	vld [tilespmem:$0x70];
	v1 =	vadd.s32 v2, v1;
	v2 =	vmul.u32 $0x11, v5  }
0x89: {  	v62 =	vld [tilespmem:$0xE0];
	[tilespmem:$0x100] =	vst v1;
	v1 =	vadd.s32 v4, v3;
	v3 =	vmul.u32 $0x11, v7  }
0x8a: {  	v63 =	vld [tilespmem:$0xF0];
	[tilespmem:$0x110] =	vst v1;
	v1 =	vadd.s32 v6, v2;
	v2 =	vmul.u32 $0x11, v9  }
0x8b: {  	[tilespmem:$0x120] =	vst v1;
	v1 =	vadd.s32 v8, v3;
	v3 =	vmul.u32 $0x11, v11  }
0x8c: {  	[tilespmem:$0x130] =	vst v1;
	v1 =	vadd.s32 v10, v2;
	v2 =	vmul.u32 $0x11, v13  }
.Ltmp3:
0x8d: {  	[tilespmem:$0x140] =	vst v1;
	v1 =	vadd.s32 v12, v3;
	v3 =	vmul.u32 $0x11, v61;
	(pc) =	sbr.rel @p0 .LBB2_8-.Ltmp3, $4  }
.Ltmp4:
0x8e: {  	[tilespmem:$0x150] =	vst v1;
	v1 =	vadd.s32 v62, v2;
	(pc) =	sbr.rel @!p0 .LBB2_4-.Ltmp4, $4  }
0x8f: {  	[tilespmem:$0x160] =	vst v1;
	v1 =	vadd.s32 v63, v3  }
0x90: {  	s20 =	smov.u32 s14;
	s21 =	smov.u32 s11;
	s22 =	smov.u32 s13;
	[tilespmem:$0x170] =	vst v1  }
0x91: {  	[tilespmem:s23], [sflag:$0x1] =	stream.indirect.gather [hbm4b:s4+s26], $0x80, s28, s26, $0xb8;
	[tilespmem:$0x1C300] =	vst v63  }
0x92: {  	_ = 	snop  }
.LBB2_6:
0x93: {  	_ =	swait.ge [sflag:s2], $0x4000  }
0x94: {  	[sflag:s2] =	ssyncset.done $0x0  }
0x95: {  	[sflag:s2] =	ssyncadd.s32 $0xFFFFC000  }
.LBB2_7:
0x96: {  	p1 =	slt.u32 s20, s10  }
.Ltmp5:
0x97: {  	_ = 	snop;
	(pc) =	sbr.rel @!p1 .LBB2_8-.Ltmp5, $4  }
0x98: {  	[spmem:s1] =	stream.indirect.scatter.add.f32 [tilespmem:s0], [sflag:$0x3], $0x80, s29, s26, $0xb8;
	[tilespmem:$0x1C300] =	vst v63  }
0x99: {  	_ =	swait.ge [sflag:s24], $0x4000  }
0x9a: {  	s15 =	sadd.s32 $0x1, s20;
	s21 =	sadd.s32 $0x20, s21;
	[sflag:s24] =	ssyncset.done $0x0  }
0x9b: {  	s22 =	sadd.s32 $0x40, s22;
	s20 =	smov.u32 s15;
	[sflag:s24] =	ssyncadd.s32 $0xFFFFC000  }
.LBB2_4:
0x9c: {  	s15 =	sadd.s32 $0xFFFFFFF0, s22  }
0x9d: {  	[tilespmem:s3], [sflag:$0x3] =	stream.linear.gather [hbm4b:s15+s3], $0x80, $0x38;
	[tilespmem:$0x1C300] =	vst v63  }
0x9e: {  	_ =	swait.ge [sflag:s24], $0x80  }
0x9f: {  	[sflag:s24] =	ssyncset.done $0x0  }
0xa0: {  	[sflag:s24] =	ssyncadd.s32 $0xFFFFFF80  }
0xa1: {  	[tilespmem:s29], [sflag:$0x3] =	stream.linear.gather [hbm4b:s22+s3], $0x80, $0x38;
	[tilespmem:$0x1C300] =	vst v63  }
0xa2: {  	_ =	swait.ge [sflag:s24], $0x80  }
0xa3: {  	[sflag:s24] =	ssyncset.done $0x0  }
0xa4: {  	[sflag:s24] =	ssyncadd.s32 $0xFFFFFF80  }
0xa5: {  	[tilespmem:s26], [sflag:$0x3] =	stream.linear.gather [hbm4b:s21+s3], $0x80, $0x38;
	[tilespmem:$0x1C300] =	vst v63  }
0xa6: {  	_ =	swait.ge [sflag:s24], $0x80  }
0xa7: {  	[sflag:s24] =	ssyncset.done $0x0  }
0xa8: {  	[sflag:s24] =	ssyncadd.s32 $0xFFFFFF80  }
0xa9: {  	v1 =	vld [tilespmem:$0x0]  }
0xaa: {  	v2 =	vld [tilespmem:$0x80]  }
0xab: {  	v3 =	vld [tilespmem:$0x10]  }
0xac: {  	v4 =	vld [tilespmem:$0x90]  }
0xad: {  	v5 =	vld [tilespmem:$0x20]  }
0xae: {  	v6 =	vld [tilespmem:$0xA0]  }
0xaf: {  	v7 =	vld [tilespmem:$0x30]  }
0xb0: {  	v8 =	vld [tilespmem:$0xB0]  }
0xb1: {  	v9 =	vld [tilespmem:$0x40]  }
0xb2: {  	v10 =	vld [tilespmem:$0xC0]  }
0xb3: {  	v11 =	vld [tilespmem:$0x50]  }
0xb4: {  	v12 =	vld [tilespmem:$0xD0];
	v1 =	vmul.u32 $0x11, v1  }
0xb5: {  	v13 =	vld [tilespmem:$0x60];
	v3 =	vmul.u32 $0x11, v3  }
0xb6: {  	v61 =	vld [tilespmem:$0x70];
	v1 =	vadd.s32 v2, v1;
	v2 =	vmul.u32 $0x11, v5  }
0xb7: {  	v62 =	vld [tilespmem:$0xE0];
	[tilespmem:$0x4200] =	vst v1;
	v1 =	vadd.s32 v4, v3;
	v3 =	vmul.u32 $0x11, v7  }
0xb8: {  	v63 =	vld [tilespmem:$0xF0];
	[tilespmem:$0x4210] =	vst v1;
	v1 =	vadd.s32 v6, v2;
	v2 =	vmul.u32 $0x11, v9  }
0xb9: {  	[tilespmem:$0x4220] =	vst v1;
	v1 =	vadd.s32 v8, v3;
	v3 =	vmul.u32 $0x11, v11  }
0xba: {  	[tilespmem:$0x4230] =	vst v1;
	v1 =	vadd.s32 v10, v2;
	v2 =	vmul.u32 $0x11, v13  }
0xbb: {  	[tilespmem:$0x4240] =	vst v1;
	v1 =	vadd.s32 v12, v3;
	v3 =	vmul.u32 $0x11, v61  }
0xbc: {  	[tilespmem:$0x4250] =	vst v1;
	v1 =	vadd.s32 v62, v2  }
0xbd: {  	[tilespmem:$0x4260] =	vst v1;
	v1 =	vadd.s32 v63, v3  }
0xbe: {  	[tilespmem:$0x4270] =	vst v1  }
0xbf: {  	_ =	swait.ge [sflag:s30], $0x4000  }
0xc0: {  	[sflag:s30] =	ssyncset.done $0x0  }
0xc1: {  	p1 =	sge.u32 s20, s10;
	[sflag:s30] =	ssyncadd.s32 $0xFFFFC000  }
0xc2: {  	[tilespmem:s0], [sflag:$0x2] =	stream.indirect.gather [hbm4b:s4+s26], $0x80, s31, s26, $0xb8;
	[tilespmem:$0x1C300] =	vst v63  }
.Ltmp6:
0xc3: {  	_ = 	snop;
	(pc) =	sbr.rel @p1 .LBB2_6-.Ltmp6, $4  }
0xc4: {  	[spmem:s1] =	stream.indirect.scatter.add.f32 [tilespmem:s23], [sflag:$0x3], $0x80, s25, s26, $0xb8;
	[tilespmem:$0x1C300] =	vst v63  }
0xc5: {  	_ =	swait.ge [sflag:s24], $0x4000  }
0xc6: {  	[sflag:s24] =	ssyncset.done $0x0  }
0xc7: {  	[sflag:s24] =	ssyncadd.s32 $0xFFFFC000  }
0xc8: {  	s15 =	sadd.s32 $0x10, s22  }
0xc9: {  	[tilespmem:s3], [sflag:$0x3] =	stream.linear.gather [hbm4b:s15+s3], $0x80, $0x38;
	[tilespmem:$0x1C300] =	vst v63  }
0xca: {  	_ =	swait.ge [sflag:s24], $0x80  }
0xcb: {  	[sflag:s24] =	ssyncset.done $0x0  }
0xcc: {  	s15 =	sadd.s32 $0x20, s22;
	[sflag:s24] =	ssyncadd.s32 $0xFFFFFF80  }
0xcd: {  	[tilespmem:s25], [sflag:$0x3] =	stream.linear.gather [hbm4b:s15+s3], $0x80, $0x38;
	[tilespmem:$0x1C300] =	vst v63  }
0xce: {  	_ =	swait.ge [sflag:s24], $0x80  }
0xcf: {  	[sflag:s24] =	ssyncset.done $0x0  }
0xd0: {  	s15 =	sadd.s32 $0x10, s21;
	[sflag:s24] =	ssyncadd.s32 $0xFFFFFF80  }
0xd1: {  	[tilespmem:s26], [sflag:$0x3] =	stream.linear.gather [hbm4b:s15+s3], $0x80, $0x38;
	[tilespmem:$0x1C300] =	vst v63  }
0xd2: {  	_ =	swait.ge [sflag:s24], $0x80  }
0xd3: {  	[sflag:s24] =	ssyncset.done $0x0  }
0xd4: {  	[sflag:s24] =	ssyncadd.s32 $0xFFFFFF80  }
0xd5: {  	v1 =	vld [tilespmem:$0x0]  }
0xd6: {  	v2 =	vld [tilespmem:$0x80]  }
0xd7: {  	v3 =	vld [tilespmem:$0x10]  }
0xd8: {  	v4 =	vld [tilespmem:$0x90]  }
0xd9: {  	v5 =	vld [tilespmem:$0x20]  }
0xda: {  	v6 =	vld [tilespmem:$0xA0]  }
0xdb: {  	v7 =	vld [tilespmem:$0x30]  }
0xdc: {  	v8 =	vld [tilespmem:$0xB0]  }
0xdd: {  	v9 =	vld [tilespmem:$0x40]  }
0xde: {  	v10 =	vld [tilespmem:$0xC0]  }
0xdf: {  	v11 =	vld [tilespmem:$0x50]  }
0xe0: {  	v12 =	vld [tilespmem:$0xD0];
	v1 =	vmul.u32 $0x11, v1  }
0xe1: {  	v13 =	vld [tilespmem:$0x60];
	v3 =	vmul.u32 $0x11, v3  }
0xe2: {  	v61 =	vld [tilespmem:$0x70];
	v1 =	vadd.s32 v2, v1;
	v2 =	vmul.u32 $0x11, v5  }
0xe3: {  	v62 =	vld [tilespmem:$0xE0];
	[tilespmem:$0x100] =	vst v1;
	v1 =	vadd.s32 v4, v3;
	v3 =	vmul.u32 $0x11, v7  }
0xe4: {  	v63 =	vld [tilespmem:$0xF0];
	[tilespmem:$0x110] =	vst v1;
	v1 =	vadd.s32 v6, v2;
	v2 =	vmul.u32 $0x11, v9  }
0xe5: {  	[tilespmem:$0x120] =	vst v1;
	v1 =	vadd.s32 v8, v3;
	v3 =	vmul.u32 $0x11, v11  }
0xe6: {  	[tilespmem:$0x130] =	vst v1;
	v1 =	vadd.s32 v10, v2;
	v2 =	vmul.u32 $0x11, v13  }
0xe7: {  	[tilespmem:$0x140] =	vst v1;
	v1 =	vadd.s32 v12, v3;
	v3 =	vmul.u32 $0x11, v61  }
0xe8: {  	[tilespmem:$0x150] =	vst v1;
	v1 =	vadd.s32 v62, v2  }
0xe9: {  	[tilespmem:$0x160] =	vst v1;
	v1 =	vadd.s32 v63, v3  }
.Ltmp7:
0xea: {  	[tilespmem:$0x170] =	vst v1;
	(pc) =	sbr.rel .LBB2_7-.Ltmp7, $4  }
0xeb: {  	_ =	swait.ge [sflag:s2], $0x4000  }
0xec: {  	[sflag:s2] =	ssyncset.done $0x0  }
0xed: {  	[sflag:s2] =	ssyncadd.s32 $0xFFFFC000  }
0xee: {  	[tilespmem:s23], [sflag:$0x1] =	stream.indirect.gather [hbm4b:s4+s26], $0x80, s28, s26, $0xb8;
	[tilespmem:$0x1C300] =	vst v63  }
.LBB2_9:
0xef: {  	_ =	sfence.sel $0x180000  }
0xf0: {  	[bflag:$0x0] =	sbarrier.arrive $0xFFFF  }
0xf1: {  	_ =	strace $0x90000047  }
0xf2: {  	s0 =	stileid.u32;
	[bflag:$0x2] =	sbarrier.arrive $0xFFFF  }
0xf3: {  	p0 =	sne.s32 s0, $0x0;
	s0 =	rddreg [dreg:$0x4]  }
0xf4: {  	s0 =	sadd.s32 @!p0 $0x100000, s0  }
0xf5: {  	[sflag:s0] =	ssyncadd.tile.s32 @!p0 $0x1;
	_ =	shalt  }
.Lfunc_end2:
_tile_overlayer_lowered:
.L_overlay_start_2:
0xf6: {  	(tag) =	ssettag $0x2  }
0xf7: {  	s0 =	rddreg [dreg:$0x0];
	s2 =	stileid.u32  }
0xf8: {  	s1 =	rddreg [dreg:$0x1];
	p0 =	sne.s32 s2, $0x0  }
0xf9: {  	s3 =	rddreg [dreg:$0x2];
	[bflag:$0x3] =	sbarrier.arrive $0xFFFF;
	s2 =	simm.s32 @!p0 $0x1C03  }
0xfa: {  	[timem:s3], [sflag:s2] =	dma.local @!p0 [hbm:s0], s1  }
0xfb: {  	s0 =	simm.s32 @!p0 $0x3  }
0xfc: {  	_ =	swait.ge @!p0 [sflag:s0], s1  }
0xfd: {  	s1 =	ssub.s32 @!p0 $0x0, s1;
	[sflag:s0] =	ssyncset.done @!p0 $0x0  }
0xfe: {  	[sflag:s0] =	ssyncadd.s32 @!p0 s1  }
0xff: {  	[bflag:$0x3] =	sbarrier.arrive $0xFFFF  }
0x100: {  	_ =	shalt  }

// kernel: kernel.14.cloned.1.call-start
scs
__scs_entry_jumppad:
0x0: {  	(pc) =	sbr.rel $0x88, $3  }
0x1: {  	(tag) =	ssettag $0x0;
	lr =	simm.s32 $0x1  }
0x2: {  	[smem:$0x3F91] =	sst lr;
	_ =	strace $0xD0000000  }
0x3: {  	_ = 	snop  }
0x4: {  	_ = 	snop  }
0x5: {  	_ = 	snop  }
0x6: {  	_ = 	snop  }
0x7: {  	_ = 	snop  }
__scs_overlays_trampoline_lowered:
0x8: {  	[smem:$0x3FA0] =	sst s0  }
0x9: {  	[smem:$0x3FA1] =	sst s1  }
0xa: {  	[smem:$0x3FA2] =	sst s2  }
0xb: {  	[smem:$0x3FA3] =	sst s3  }
0xc: {  	[smem:$0x3FA4] =	sst s4  }
0xd: {  	[smem:$0x3FA5] =	sst s5  }
0xe: {  	[smem:$0x3FA6] =	sst s6  }
0xf: {  	[smem:$0x3FA7] =	sst s7  }
0x10: {  	[smem:$0x3FA8] =	sst s8  }
0x11: {  	[smem:$0x3FA9] =	sst s9;
	s0 =	simm.s32 @!p0 $0x0  }
0x12: {  	s1 =	sld [smem:$0x3F8F];
	s0 =	simm.s32 @p0 $0x1  }
0x13: {  	[smem:$0x3FAA] =	sst s0;
	s0 =	simm.s32 @!p1 $0x0  }
0x14: {  	s2 =	sld [smem:$0x3F8E];
	s0 =	simm.s32 @p1 $0x1  }
0x15: {  	[smem:$0x3FAB] =	sst s0;
	s0 =	simm.s32 @!p2 $0x0  }
0x16: {  	s3 =	sld [smem:$0x3FDB];
	s0 =	simm.s32 @p2 $0x1  }
0x17: {  	s4 =	simm.s32 $0x1BF5;
	[smem:$0x3FAD] =	sst s0  }
0x18: {  	s0 =	sld [smem:$0x3F90];
	_ =	swait.ge [sflag:s4], $0x0  }
0x19: {  	s7 =	sld [smem:$0x3F91]  }
0x1a: {  	s8 =	sadd.s32 $0xFFFFE003, lr  }
0x1b: {  	s9 =	sadd.s32 $0xFFFFFEF7, lr;
	s5 =	simm.s32 $0xFFFFFFFF;
	p2 =	slt.u32 s8, $0xFFFFF086  }
0x1c: {  	p1 =	slt.u32 s9, $0xF7A;
	s5 =	simm.s32 @!p2 $0x0  }
0x1d: {  	s5 =	simm.s32 @p1 $0x1;
	p0 =	seq.s32 s7, s2  }
0x1e: {  	s7 =	smul.u32 @!p0 $0xF7A, s2;
	p2 =	seq.s32 @!p0 s5, $0x0  }
0x1f: {  	s9 =	smul.u32 $0xF7A, s1;
	s8 =	simm.s32 @!p0 $0x1BF5;
	p2 =	por !p2, p0  }
0x20: {  	[sflag:s8] =	ssyncset.s32 @!p0 $0xFFFFF086;
	s6 =	sadd.s32 @!p0 s3, s7;
	s7 =	simm.s32 @!p0 $0x108  }
0x21: {  	s3 =	sadd.s32 s3, s9;
	s6 =	sadd.s32 @!p0 $0x88, s6;
	s7 =	simm.s32 @p2 $0x1082  }
0x22: {  	[simem:s7], [sflag:s8] =	dma.local @!p0 [hbm:s6], $0xF7A  }
0x23: {  	s9 =	sor.u32 $0xD0000000, s2;
	s6 =	simm.s32 $0x108;
	_ =	swait.ge @!p0 [sflag:s8], $0x0  }
0x24: {  	s3 =	sadd.s32 $0x88, s3;
	s6 =	simm.s32 @!p1 $0x1082;
	[sflag:s4] =	ssyncset.s32 $0xFFFFF086  }
0x25: {  	[simem:s6], [sflag:s4] =	dma.local [hbm:s3], $0xF7A  }
0x26: {  	[smem:$0x3F91] =	sst s1;
	(tag) =	ssettag s2;
	_ =	strace s9  }
0x27: {  	s1 =	sld [smem:$0x3FA1]  }
0x28: {  	s2 =	sld [smem:$0x3FA2]  }
0x29: {  	s4 =	sld [smem:$0x3FA4]  }
0x2a: {  	p0 =	seq.s32 s5, $0x0;
	s5 =	sld [smem:$0x3FA5]  }
0x2b: {  	s6 =	sld [smem:$0x3FA6]  }
0x2c: {  	s7 =	sld [smem:$0x3FA7]  }
0x2d: {  	s3 =	simm.s32 $0x108;
	s8 =	sld [smem:$0x3FA8]  }
0x2e: {  	s3 =	simm.s32 @!p0 $0x1082;
	s9 =	sld [smem:$0x3FA9]  }
0x2f: {  	lr =	sadd.s32 s0, s3;
	s0 =	sld [smem:$0x3FA0]  }
0x30: {  	s3 =	sld [smem:$0x3FA3]  }
0x31: {  	[smem:$0x3FAC] =	sst s10  }
0x32: {  	s10 =	sld [smem:$0x3FAA];
	_ =	sdelay $0x3  }
0x33: {  	p0 =	seq.s32 s10, $0x1;
	s10 =	sld [smem:$0x3FAC];
	_ =	sdelay $0x3  }
0x34: {  	[smem:$0x3FAC] =	sst s10  }
0x35: {  	s10 =	sld [smem:$0x3FAB];
	_ =	sdelay $0x3  }
0x36: {  	p1 =	seq.s32 s10, $0x1;
	s10 =	sld [smem:$0x3FAC];
	_ =	sdelay $0x3  }
0x37: {  	[smem:$0x3FAC] =	sst s10  }
0x38: {  	s10 =	sld [smem:$0x3FAD]  }
0x39: {  	_ = 	snop;
	(pc) =	sbr.ind lr, $3  }
0x3a: {  	_ = 	snop  }
0x3b: {  	_ = 	snop  }
0x3c: {  	p2 =	seq.s32 s10, $0x1;
	s10 =	sld [smem:$0x3FAC]  }
0x3d: {  	_ =	shalt  }
0x3e: {  	_ =	shalt  }
0x3f: {  	_ =	shalt  }
0x40: {  	_ =	shalt  }
0x41: {  	_ =	shalt  }
0x42: {  	_ =	shalt  }
0x43: {  	_ =	shalt  }
0x44: {  	_ =	shalt  }
0x45: {  	_ =	shalt  }
0x46: {  	_ =	shalt  }
0x47: {  	_ =	shalt  }
0x48: {  	_ =	shalt  }
0x49: {  	_ =	shalt  }
0x4a: {  	_ =	shalt  }
0x4b: {  	_ =	shalt  }
0x4c: {  	_ =	shalt  }
0x4d: {  	_ =	shalt  }
0x4e: {  	_ =	shalt  }
0x4f: {  	_ =	shalt  }
0x50: {  	_ =	shalt  }
0x51: {  	_ =	shalt  }
0x52: {  	_ =	shalt  }
0x53: {  	_ =	shalt  }
0x54: {  	_ =	shalt  }
0x55: {  	_ =	shalt  }
0x56: {  	_ =	shalt  }
0x57: {  	_ =	shalt  }
0x58: {  	_ =	shalt  }
0x59: {  	_ =	shalt  }
0x5a: {  	_ =	shalt  }
0x5b: {  	_ =	shalt  }
0x5c: {  	_ =	shalt  }
0x5d: {  	_ =	shalt  }
0x5e: {  	_ =	shalt  }
0x5f: {  	_ =	shalt  }
0x60: {  	_ =	shalt  }
0x61: {  	_ =	shalt  }
0x62: {  	_ =	shalt  }
0x63: {  	_ =	shalt  }
0x64: {  	_ =	shalt  }
0x65: {  	_ =	shalt  }
0x66: {  	_ =	shalt  }
0x67: {  	_ =	shalt  }
0x68: {  	_ =	shalt  }
0x69: {  	_ =	shalt  }
0x6a: {  	_ =	shalt  }
0x6b: {  	_ =	shalt  }
0x6c: {  	_ =	shalt  }
0x6d: {  	_ =	shalt  }
0x6e: {  	_ =	shalt  }
0x6f: {  	_ =	shalt  }
0x70: {  	_ =	shalt  }
0x71: {  	_ =	shalt  }
0x72: {  	_ =	shalt  }
0x73: {  	_ =	shalt  }
0x74: {  	_ =	shalt  }
0x75: {  	_ =	shalt  }
0x76: {  	_ =	shalt  }
0x77: {  	_ =	shalt  }
0x78: {  	_ =	shalt  }
0x79: {  	_ =	shalt  }
0x7a: {  	_ =	shalt  }
0x7b: {  	_ =	shalt  }
0x7c: {  	_ =	shalt  }
0x7d: {  	_ =	shalt  }
0x7e: {  	_ =	shalt  }
0x7f: {  	_ =	shalt  }
0x80: {  	_ =	shalt  }
0x81: {  	_ =	shalt  }
0x82: {  	_ =	shalt  }
0x83: {  	_ =	shalt  }
0x84: {  	_ =	shalt  }
0x85: {  	_ =	shalt  }
0x86: {  	_ =	shalt  }
0x87: {  	_ =	shalt  }
.Lfunc_end0:
.L_simem_size_0:
called_computation.1_lowered:
.L_overlay_start_0:
0x88: {  	s2 =	sld [smem:$0x3FD9]  }
0x89: {  	s3 =	sld [smem:$0x3FFE];
	_ =	sdelay $0x1  }
0x8a: {  	s1 =	srdreg.scid  }
0x8b: {  	s0 =	sand.u32 $0x1, s1  }
0x8c: {  	s17 =	sshll.u32 s0, $0xA;
	s2 =	sadd.s32 s3, s2  }
0x8d: {  	s2 =	sadd.s32 s2, s17  }
0x8e: {  	[smem:$0x3FB8] =	sst s2  }
0x8f: {  	_ = 	snop  }
0x90: {  	s2 =	sld [smem:$0x3FC8]  }
0x91: {  	s18 =	sld [smem:$0x3FC7];
	(tm) =	ssettm $0x1  }
0x92: {  	s4 =	sld [smem:$0x3FFB];
	_ =	sdelay $0x3  }
0x93: {  	_ =	strace s4  }
0x94: {  	s4 =	sld [smem:$0x3FFC];
	_ =	sdelay $0x3  }
0x95: {  	_ =	strace s4  }
0x96: {  	s4 =	sld [smem:$0x3FFD];
	_ =	sdelay $0x3  }
0x97: {  	_ =	strace s4  }
0x98: {  	_ =	strace $0x8FFFFFFF  }
0x99: {  	s19 =	sld [smem:$0x3FDB];
	_ =	sdelay $0x1  }
0x9a: {  	s5 =	simm.s32 $_scs_section_size  }
0x9b: {  	s6 =	simm.s32 $_size__tile_overlayer_lowered;
	s7 =	simm.s32 $_tile_overlayer_lowered  }
0x9c: {  	s22 =	simm.s32 $0x1BFF;
	s21 =	sshll.u32 s7, $0x1;
	s4 =	sadd.s32 s5, s19  }
0x9d: {  	s8 =	simm.s32 $0x0;
	s20 =	sshll.u32 s6, $0x1;
	s6 =	sadd.s32 s21, s4  }
0x9e: {  	[timem:s8], [sflag:s22] =	dma.local [hbm:s6], s20  }
0x9f: {  	_ =	swait.ge [sflag:s22], s20  }
0xa0: {  	s5 =	ssub.s32 $0x0, s20;
	[sflag:s22] =	ssyncset.done $0x0  }
0xa1: {  	[sflag:s22] =	ssyncadd.s32 s5;
	_ =	sdelay $0x1  }
0xa2: {  	s23 =	simm.s32 $0x1B8B  }
0xa3: {  	_ =	swait.ge [sflag:s23], $0x1  }
0xa4: {  	[sflag:s23] =	ssyncset.done $0x0  }
0xa5: {  	s25 =	simm.s32 $0x1B8E;
	s24 =	sld [smem:$0x3FFE];
	[sflag:s23] =	ssyncadd.s32 $0xFFFFFFFF  }
0xa6: {  	s26 =	simm.s32 $execute0_lowered;
	[smem:$0x3FD2] =	sst s25  }
0xa7: {  	s6 =	sshll.u32 s26, $0x1;
	_ =	strace $0x80000049;
	[dreg:$0x1] =	wrdreg $0xFFFFFFFF  }
0xa8: {  	s28 =	simm.s32 $_size_execute0_lowered;
	s4 =	sadd.s32 s4, s6;
	[dreg:$0x0] =	wrdreg $0x0  }
0xa9: {  	s6 =	sshll.u32 s28, $0x1;
	[dreg:$0x2] =	wrdreg s4  }
0xaa: {  	[dreg:$0x3] =	wrdreg s6  }
0xab: {  	[dreg:$0x4] =	wrdreg $0xC0  }
0xac: {  	_ =	task [dreg:s8], $0x5FFFF  }
0xad: {  	[dreg:$0x1] =	wrdreg $0xFFFFFFFF  }
0xae: {  	[dreg:$0x0] =	wrdreg $0x60  }
0xaf: {  	[dreg:$0x2] =	wrdreg s2  }
0xb0: {  	[dreg:$0x3] =	wrdreg s18  }
0xb1: {  	[dreg:$0x4] =	wrdreg s24  }
0xb2: {  	[dreg:$0x5] =	wrdreg $0x83000  }
0xb3: {  	[dreg:$0x6] =	wrdreg $0x9  }
0xb4: {  	_ =	task.clear_ibuf [dreg:s8], $0x7FFFF;
	_ =	strace $0x90000049  }
0xb5: {  	s29 =	simm.s32 $0x9;
	_ =	strace $0x8000004B  }
0xb6: {  	_ =	swait.ge [sflag:s29], $0x1  }
0xb7: {  	[sflag:s29] =	ssyncadd.s32 $0xFFFFFFFF  }
0xb8: {  	_ =	strace $0x9000004B  }
0xb9: {  	_ =	sfence  }
0xba: {  	s30 =	sld [smem:$0x0];
	_ =	sdelay $0x2  }
0xbb: {  	s31 =	sshll.u32 s1, $0xD;
	s1 =	sshrl.u32 s1, $0x2  }
0xbc: {  	s3 =	sand.u32 $0x4000, s31;
	s1 =	sadd.s32 s1, s30  }
0xbd: {  	s0 =	sor.u32 s3, s0;
	s1 =	sshll.u32 s1, $0x11  }
0xbe: {  	s0 =	sor.u32 s1, s0  }
0xbf: {  	s0 =	sadd.s32 $0x8F2B, s0  }
0xc0: {  	[sflag:s0] =	ssyncadd.remote.s32 $0x1  }
0xc1: {  	_ =	sfence.sel $0xFFFF  }
0xc2: {  	[dreg:$0x0] =	wrdreg $0xFFFFFFFF;
	(pc) =	sbr.abs _section_cstart, $3  }
0xc3: {  	[dreg:$0x1] =	wrdreg $0xFFFFFFFF  }
0xc4: {  	_ =	task.clear_ibuf [dreg:s8], $0x2FFFF;
	_ =	strace $0x9FFFFFFF  }
0xc5: {  	(tm) =	ssettm $0x7FFFFFFF  }
tec
execute0_lowered:
.L_overlay_start_1:
0x0: {  	(tag) =	ssettag $0x1  }
0x1: {  	s0 =	rddreg [dreg:$0x0]  }
0x2: {  	s2 =	rddreg [dreg:$0x1]  }
0x3: {  	s5 =	rddreg [dreg:$0x2]  }
0x4: {  	s1 =	rddreg [dreg:$0x3];
	s3 =	simm.s32 $0x0;
	s4 =	srdreg.scid  }
0x5: {  	s23 =	stileid.u32;
	s28 =	simm.s32 $0x100;
	s29 =	simm.s32 $0x4280  }
0x6: {  	s30 =	simm.s32 $0x1;
	s31 =	simm.s32 $0x4200;
	s7 =	smul.u32 $0x50000, s23  }
0x7: {  	[smem:$0x7FF] =	sst s3;
	s11 =	sand.u32 $0x1, s4;
	s13 =	smul.u32 $0x14000, s23  }
0x8: {  	s4 =	sadd.s32 $0x2E00, s5;
	s12 =	sadd.s32 $0x29B000, s5;
	s26 =	smul.u32 $0x4E2, s23  }
0x9: {  	_ =	strace $0x8000004A;
	s6 =	ssub.s32 $0x2, s11;
	s8 =	sshll.u32 s11, $0x4  }
0xa: {  	s21 =	sshrl.u32 s6, $0x1;
	s7 =	sshrl.u32 s7, $0x2;
	s22 =	sor.u32 s23, s8  }
0xb: {  	s15 =	sadd.s32 $0x4000, s13;
	s16 =	sadd.s32 $0x8000, s13;
	s18 =	sadd.s32 $0xC000, s13  }
0xc: {  	s19 =	sadd.s32 $0x10000, s13;
	s14 =	ssub.s32 s6, s21;
	s5 =	sadd.s32 s7, s1  }
0xd: {  	s17 =	smul.u32 $0x4E2, s22;
	s6 =	sadd.s32 s15, s1;
	s7 =	sadd.s32 s16, s1  }
0xe: {  	s8 =	sadd.s32 s18, s1;
	s22 =	smul.u32 $0x140000, s11;
	s9 =	sadd.s32 s19, s1  }
0xf: {  	s11 =	smul.u32 $0x4E20, s11;
	s20 =	sshrl.u32 s17, $0x5;
	s10 =	sadd.s32 $0x4E2, s17  }
0x10: {  	s17 =	sand.u32 $0xFFE0, s17;
	s13 =	sadd.s32 s13, s22;
	s15 =	sadd.s32 s22, s15  }
0x11: {  	s16 =	sadd.s32 s22, s16;
	s24 =	sadd.s32 s22, s18;
	s25 =	sadd.s32 s22, s19  }
0x12: {  	s11 =	sadd.s32 s26, s11;
	s19 =	smax.u32 s14, $0x1;
	s21 =	sshll.u32 s20, $0x6  }
0x13: {  	s10 =	sshrl.u32 s10, $0x5;
	s17 =	sadd.s32 s2, s17;
	s13 =	sshrl.u32 s13, $0x3  }
0x14: {  	s15 =	sshrl.u32 s15, $0x3;
	s22 =	sshrl.u32 s16, $0x3;
	s23 =	sshrl.u32 s24, $0x3  }
0x15: {  	s24 =	sshrl.u32 s25, $0x3;
	s25 =	sshrl.u32 s11, $0x5;
	s11 =	sand.u32 $0xFFE0, s11  }
0x16: {  	s21 =	sadd.s32 s0, s21;
	[dreg:$0x7] =	wrdreg s17;
	s13 =	sadd.s32 s12, s13  }
0x17: {  	s16 =	sadd.s32 s12, s22;
	s17 =	sadd.s32 s12, s23;
	s18 =	sadd.s32 s12, s24  }
0x18: {  	s26 =	sshll.u32 s25, $0x6;
	s2 =	sadd.s32 s11, s2;
	s14 =	sadd.s32 $0x1, s25  }
0x19: {  	p0 =	sge.u32 s20, s10;
	s23 =	simm.s32 $0x200;
	s24 =	simm.s32 $0x3  }
.Ltmp0:
0x1a: {  	s25 =	simm.s32 $0x180;
	[dreg:$0x5] =	wrdreg s21;
	(pc) =	sbr.rel .LBB2_1-.Ltmp0, $4  }
0x1b: {  	s21 =	sadd.s32 $0x10, s21;
	[dreg:$0x8] =	wrdreg s13;
	s0 =	sadd.s32 s26, s0  }
0x1c: {  	s11 =	sadd.s32 $0x10, s2;
	s26 =	simm.s32 $0x80;
	s2 =	simm.s32 $0x2  }
0x1d: {  	[dreg:$0x6] =	wrdreg s21;
	s21 =	sadd.s32 s12, s15;
	s13 =	sadd.s32 $0x30, s0  }
0x1e: {  	v0 =	vimm.f32 $0.0e+00;
	s0 =	simm.s32 $0x4300;
	s12 =	simm.s32 $0x0;
	[dreg:$0x9] =	wrdreg s21  }
.LBB2_8:
0x1f: {  	[bflag:$0x0] =	sbarrier.arrive $0xFFFF  }
0x20: {  	[tilespmem:s23], [sflag:$0x3] =	stream.linear.gather [spmem:s5], $0x4000, $0x38;
	[tilespmem:$0x1C300] =	vst v63  }
0x21: {  	_ =	swait.ge [sflag:s24], $0x4000  }
0x22: {  	[sflag:s24] =	ssyncset.done $0x0  }
0x23: {  	s15 =	rddreg [dreg:$0x8];
	[sflag:s24] =	ssyncadd.s32 $0xFFFFC000  }
0x24: {  	[hbm4b:s15+s3] =	stream.linear.scatter [tilespmem:s23], [sflag:$0x3], $0x4000, $0x38;
	[tilespmem:$0x1C300] =	vst v63  }
0x25: {  	_ =	swait.ge [sflag:s24], $0x4000  }
0x26: {  	[sflag:s24] =	ssyncset.done $0x0  }
0x27: {  	[sflag:s24] =	ssyncadd.s32 $0xFFFFC000  }
0x28: {  	[tilespmem:s23], [sflag:$0x3] =	stream.linear.gather [spmem:s6], $0x4000, $0x38;
	[tilespmem:$0x1C300] =	vst v63  }
0x29: {  	_ =	swait.ge [sflag:s24], $0x4000  }
0x2a: {  	[sflag:s24] =	ssyncset.done $0x0  }
0x2b: {  	s22 =	rddreg [dreg:$0x9];
	[sflag:s24] =	ssyncadd.s32 $0xFFFFC000  }
0x2c: {  	[hbm4b:s22+s3] =	stream.linear.scatter [tilespmem:s23], [sflag:$0x3], $0x4000, $0x38;
	[tilespmem:$0x1C300] =	vst v63  }
0x2d: {  	_ =	swait.ge [sflag:s24], $0x4000  }
0x2e: {  	[sflag:s24] =	ssyncset.done $0x0  }
0x2f: {  	[sflag:s24] =	ssyncadd.s32 $0xFFFFC000  }
0x30: {  	[tilespmem:s23], [sflag:$0x3] =	stream.linear.gather [spmem:s7], $0x4000, $0x38;
	[tilespmem:$0x1C300] =	vst v63  }
0x31: {  	_ =	swait.ge [sflag:s24], $0x4000  }
0x32: {  	[sflag:s24] =	ssyncset.done $0x0  }
0x33: {  	[sflag:s24] =	ssyncadd.s32 $0xFFFFC000  }
0x34: {  	[hbm4b:s16+s3] =	stream.linear.scatter [tilespmem:s23], [sflag:$0x3], $0x4000, $0x38;
	[tilespmem:$0x1C300] =	vst v63  }
0x35: {  	_ =	swait.ge [sflag:s24], $0x4000  }
0x36: {  	[sflag:s24] =	ssyncset.done $0x0  }
0x37: {  	[sflag:s24] =	ssyncadd.s32 $0xFFFFC000  }
0x38: {  	[tilespmem:s23], [sflag:$0x3] =	stream.linear.gather [spmem:s8], $0x4000, $0x38;
	[tilespmem:$0x1C300] =	vst v63  }
0x39: {  	_ =	swait.ge [sflag:s24], $0x4000  }
0x3a: {  	[sflag:s24] =	ssyncset.done $0x0  }
0x3b: {  	[sflag:s24] =	ssyncadd.s32 $0xFFFFC000  }
0x3c: {  	[hbm4b:s17+s3] =	stream.linear.scatter [tilespmem:s23], [sflag:$0x3], $0x4000, $0x38;
	[tilespmem:$0x1C300] =	vst v63  }
0x3d: {  	_ =	swait.ge [sflag:s24], $0x4000  }
0x3e: {  	[sflag:s24] =	ssyncset.done $0x0  }
0x3f: {  	[sflag:s24] =	ssyncadd.s32 $0xFFFFC000  }
0x40: {  	[tilespmem:s23], [sflag:$0x3] =	stream.linear.gather [spmem:s9], $0x4000, $0x38;
	[tilespmem:$0x1C300] =	vst v63  }
0x41: {  	s12 =	sadd.s32 $0x1, s12;
	_ =	swait.ge [sflag:s24], $0x4000  }
0x42: {  	p1 =	sne.s32 s12, s19;
	[sflag:s24] =	ssyncset.done $0x0  }
.Ltmp1:
0x43: {  	[sflag:s24] =	ssyncadd.s32 $0xFFFFC000;
	(pc) =	sbr.rel @!p1 .LBB2_9-.Ltmp1, $4  }
0x44: {  	[hbm4b:s18+s3] =	stream.linear.scatter [tilespmem:s23], [sflag:$0x3], $0x4000, $0x38;
	[tilespmem:$0x1C300] =	vst v63  }
0x45: {  	_ =	swait.ge [sflag:s24], $0x4000  }
0x46: {  	[sflag:s24] =	ssyncset.done $0x0  }
0x47: {  	[sflag:s24] =	ssyncadd.s32 $0xFFFFC000  }
.LBB2_1:
0x48: {  	s20 =	simm.s32 $0x0;
	s21 =	simm.s32 $0x200  }
.LBB2_2:
0x49: {  	p1 =	sne.s32 s21, $0xFE00;
	[tilespmem:s20+$0x270] =	vst v0  }
0x4a: {  	[tilespmem:s20+$0x200] =	vst v0  }
0x4b: {  	[tilespmem:s20+$0x210] =	vst v0  }
.Ltmp2:
0x4c: {  	[tilespmem:s20+$0x220] =	vst v0;
	(pc) =	sbr.rel @p1 .LBB2_2-.Ltmp2, $4  }
0x4d: {  	[tilespmem:s20+$0x230] =	vst v0  }
0x4e: {  	[tilespmem:s20+$0x240] =	vst v0  }
0x4f: {  	[tilespmem:s20+$0x250] =	vst v0  }
0x50: {  	[tilespmem:s20+$0x260] =	vst v0;
	s20 =	sshra.s32 s21, $0x2;
	s21 =	sadd.s32 $0x200, s21  }
0x51: {  	[tilespmem:s20+$0x270] =	vst v0  }
0x52: {  	[tilespmem:s20+$0x200] =	vst v0  }
0x53: {  	[tilespmem:s20+$0x210] =	vst v0  }
0x54: {  	[tilespmem:s20+$0x220] =	vst v0  }
0x55: {  	[tilespmem:s20+$0x230] =	vst v0  }
0x56: {  	[tilespmem:s20+$0x240] =	vst v0  }
0x57: {  	[tilespmem:s20+$0x250] =	vst v0  }
0x58: {  	[tilespmem:s20+$0x260] =	vst v0  }
0x59: {  	[spmem:s5] =	stream.linear.scatter [tilespmem:s23], [sflag:$0x3], $0x4000, $0x38;
	[tilespmem:$0x1C300] =	vst v63  }
0x5a: {  	_ =	swait.ge [sflag:s24], $0x4000  }
0x5b: {  	[sflag:s24] =	ssyncset.done $0x0  }
0x5c: {  	[sflag:s24] =	ssyncadd.s32 $0xFFFFC000  }
0x5d: {  	[spmem:s6] =	stream.linear.scatter [tilespmem:s23], [sflag:$0x3], $0x4000, $0x38;
	[tilespmem:$0x1C300] =	vst v63  }
0x5e: {  	_ =	swait.ge [sflag:s24], $0x4000  }
0x5f: {  	[sflag:s24] =	ssyncset.done $0x0  }
0x60: {  	[sflag:s24] =	ssyncadd.s32 $0xFFFFC000  }
0x61: {  	[spmem:s7] =	stream.linear.scatter [tilespmem:s23], [sflag:$0x3], $0x4000, $0x38;
	[tilespmem:$0x1C300] =	vst v63  }
0x62: {  	_ =	swait.ge [sflag:s24], $0x4000  }
0x63: {  	[sflag:s24] =	ssyncset.done $0x0  }
0x64: {  	[sflag:s24] =	ssyncadd.s32 $0xFFFFC000  }
0x65: {  	[spmem:s8] =	stream.linear.scatter [tilespmem:s23], [sflag:$0x3], $0x4000, $0x38;
	[tilespmem:$0x1C300] =	vst v63  }
0x66: {  	_ =	swait.ge [sflag:s24], $0x4000  }
0x67: {  	[sflag:s24] =	ssyncset.done $0x0  }
0x68: {  	[sflag:s24] =	ssyncadd.s32 $0xFFFFC000  }
0x69: {  	[spmem:s9] =	stream.linear.scatter [tilespmem:s23], [sflag:$0x3], $0x4000, $0x38;
	[tilespmem:$0x1C300] =	vst v63  }
0x6a: {  	_ =	swait.ge [sflag:s24], $0x4000  }
0x6b: {  	[sflag:s24] =	ssyncset.done $0x0  }
0x6c: {  	[sflag:s24] =	ssyncadd.s32 $0xFFFFC000  }
0x6d: {  	[bflag:$0x0] =	sbarrier.arrive $0xFFFF  }
0x6e: {  	s15 =	rddreg [dreg:$0x5]  }
0x6f: {  	[tilespmem:s3], [sflag:$0x3] =	stream.linear.gather [hbm4b:s15+s3], $0x80, $0x38;
	[tilespmem:$0x1C300] =	vst v63  }
0x70: {  	_ =	swait.ge [sflag:s24], $0x80  }
0x71: {  	[sflag:s24] =	ssyncset.done $0x0  }
0x72: {  	s21 =	rddreg [dreg:$0x6];
	[sflag:s24] =	ssyncadd.s32 $0xFFFFFF80  }
0x73: {  	[tilespmem:s25], [sflag:$0x3] =	stream.linear.gather [hbm4b:s21+s3], $0x80, $0x38;
	[tilespmem:$0x1C300] =	vst v63  }
0x74: {  	_ =	swait.ge [sflag:s24], $0x80  }
0x75: {  	[sflag:s24] =	ssyncset.done $0x0  }
0x76: {  	s22 =	rddreg [dreg:$0x7];
	[sflag:s24] =	ssyncadd.s32 $0xFFFFFF80  }
0x77: {  	[tilespmem:s26], [sflag:$0x3] =	stream.linear.gather [hbm4b:s22+s3], $0x80, $0x38;
	[tilespmem:$0x1C300] =	vst v63  }
0x78: {  	_ =	swait.ge [sflag:s24], $0x80  }
0x79: {  	[sflag:s24] =	ssyncset.done $0x0  }
0x7a: {  	[sflag:s24] =	ssyncadd.s32 $0xFFFFFF80  }
0x7b: {  	v1 =	vld [tilespmem:$0x0]  }
0x7c: {  	v2 =	vld [tilespmem:$0x80]  }
0x7d: {  	v3 =	vld [tilespmem:$0x10]  }
0x7e: {  	v4 =	vld [tilespmem:$0x90]  }
0x7f: {  	v5 =	vld [tilespmem:$0x20]  }
0x80: {  	v6 =	vld [tilespmem:$0xA0]  }
0x81: {  	v7 =	vld [tilespmem:$0x30]  }
0x82: {  	v8 =	vld [tilespmem:$0xB0]  }
0x83: {  	v9 =	vld [tilespmem:$0x40]  }
0x84: {  	v10 =	vld [tilespmem:$0xC0]  }
0x85: {  	v11 =	vld [tilespmem:$0x50]  }
0x86: {  	v12 =	vld [tilespmem:$0xD0];
	v1 =	vmul.u32 $0x11, v1  }
0x87: {  	v13 =	vld [tilespmem:$0x60];
	v3 =	vmul.u32 $0x11, v3  }
0x88: {  	v61 =	vld [tilespmem:$0x70];
	v1 =	vadd.s32 v2, v1;
	v2 =	vmul.u32 $0x11, v5  }
0x89: {  	v62 =	vld [tilespmem:$0xE0];
	[tilespmem:$0x100] =	vst v1;
	v1 =	vadd.s32 v4, v3;
	v3 =	vmul.u32 $0x11, v7  }
0x8a: {  	v63 =	vld [tilespmem:$0xF0];
	[tilespmem:$0x110] =	vst v1;
	v1 =	vadd.s32 v6, v2;
	v2 =	vmul.u32 $0x11, v9  }
0x8b: {  	[tilespmem:$0x120] =	vst v1;
	v1 =	vadd.s32 v8, v3;
	v3 =	vmul.u32 $0x11, v11  }
0x8c: {  	[tilespmem:$0x130] =	vst v1;
	v1 =	vadd.s32 v10, v2;
	v2 =	vmul.u32 $0x11, v13  }
.Ltmp3:
0x8d: {  	[tilespmem:$0x140] =	vst v1;
	v1 =	vadd.s32 v12, v3;
	v3 =	vmul.u32 $0x11, v61;
	(pc) =	sbr.rel @p0 .LBB2_8-.Ltmp3, $4  }
.Ltmp4:
0x8e: {  	[tilespmem:$0x150] =	vst v1;
	v1 =	vadd.s32 v62, v2;
	(pc) =	sbr.rel @!p0 .LBB2_4-.Ltmp4, $4  }
0x8f: {  	[tilespmem:$0x160] =	vst v1;
	v1 =	vadd.s32 v63, v3  }
0x90: {  	s20 =	smov.u32 s14;
	s21 =	smov.u32 s11;
	s22 =	smov.u32 s13;
	[tilespmem:$0x170] =	vst v1  }
0x91: {  	[tilespmem:s23], [sflag:$0x1] =	stream.indirect.gather [hbm4b:s4+s26], $0x80, s28, s26, $0xb8;
	[tilespmem:$0x1C300] =	vst v63  }
0x92: {  	_ = 	snop  }
.LBB2_6:
0x93: {  	_ =	swait.ge [sflag:s2], $0x4000  }
0x94: {  	[sflag:s2] =	ssyncset.done $0x0  }
0x95: {  	[sflag:s2] =	ssyncadd.s32 $0xFFFFC000  }
.LBB2_7:
0x96: {  	p1 =	slt.u32 s20, s10  }
.Ltmp5:
0x97: {  	_ = 	snop;
	(pc) =	sbr.rel @!p1 .LBB2_8-.Ltmp5, $4  }
0x98: {  	[spmem:s1] =	stream.indirect.scatter.add.f32 [tilespmem:s0], [sflag:$0x3], $0x80, s29, s26, $0xb8;
	[tilespmem:$0x1C300] =	vst v63  }
0x99: {  	_ =	swait.ge [sflag:s24], $0x4000  }
0x9a: {  	s15 =	sadd.s32 $0x1, s20;
	s21 =	sadd.s32 $0x20, s21;
	[sflag:s24] =	ssyncset.done $0x0  }
0x9b: {  	s22 =	sadd.s32 $0x40, s22;
	s20 =	smov.u32 s15;
	[sflag:s24] =	ssyncadd.s32 $0xFFFFC000  }
.LBB2_4:
0x9c: {  	s15 =	sadd.s32 $0xFFFFFFF0, s22  }
0x9d: {  	[tilespmem:s3], [sflag:$0x3] =	stream.linear.gather [hbm4b:s15+s3], $0x80, $0x38;
	[tilespmem:$0x1C300] =	vst v63  }
0x9e: {  	_ =	swait.ge [sflag:s24], $0x80  }
0x9f: {  	[sflag:s24] =	ssyncset.done $0x0  }
0xa0: {  	[sflag:s24] =	ssyncadd.s32 $0xFFFFFF80  }
0xa1: {  	[tilespmem:s29], [sflag:$0x3] =	stream.linear.gather [hbm4b:s22+s3], $0x80, $0x38;
	[tilespmem:$0x1C300] =	vst v63  }
0xa2: {  	_ =	swait.ge [sflag:s24], $0x80  }
0xa3: {  	[sflag:s24] =	ssyncset.done $0x0  }
0xa4: {  	[sflag:s24] =	ssyncadd.s32 $0xFFFFFF80  }
0xa5: {  	[tilespmem:s26], [sflag:$0x3] =	stream.linear.gather [hbm4b:s21+s3], $0x80, $0x38;
	[tilespmem:$0x1C300] =	vst v63  }
0xa6: {  	_ =	swait.ge [sflag:s24], $0x80  }
0xa7: {  	[sflag:s24] =	ssyncset.done $0x0  }
0xa8: {  	[sflag:s24] =	ssyncadd.s32 $0xFFFFFF80  }
0xa9: {  	v1 =	vld [tilespmem:$0x0]  }
0xaa: {  	v2 =	vld [tilespmem:$0x80]  }
0xab: {  	v3 =	vld [tilespmem:$0x10]  }
0xac: {  	v4 =	vld [tilespmem:$0x90]  }
0xad: {  	v5 =	vld [tilespmem:$0x20]  }
0xae: {  	v6 =	vld [tilespmem:$0xA0]  }
0xaf: {  	v7 =	vld [tilespmem:$0x30]  }
0xb0: {  	v8 =	vld [tilespmem:$0xB0]  }
0xb1: {  	v9 =	vld [tilespmem:$0x40]  }
0xb2: {  	v10 =	vld [tilespmem:$0xC0]  }
0xb3: {  	v11 =	vld [tilespmem:$0x50]  }
0xb4: {  	v12 =	vld [tilespmem:$0xD0];
	v1 =	vmul.u32 $0x11, v1  }
0xb5: {  	v13 =	vld [tilespmem:$0x60];
	v3 =	vmul.u32 $0x11, v3  }
0xb6: {  	v61 =	vld [tilespmem:$0x70];
	v1 =	vadd.s32 v2, v1;
	v2 =	vmul.u32 $0x11, v5  }
0xb7: {  	v62 =	vld [tilespmem:$0xE0];
	[tilespmem:$0x4200] =	vst v1;
	v1 =	vadd.s32 v4, v3;
	v3 =	vmul.u32 $0x11, v7  }
0xb8: {  	v63 =	vld [tilespmem:$0xF0];
	[tilespmem:$0x4210] =	vst v1;
	v1 =	vadd.s32 v6, v2;
	v2 =	vmul.u32 $0x11, v9  }
0xb9: {  	[tilespmem:$0x4220] =	vst v1;
	v1 =	vadd.s32 v8, v3;
	v3 =	vmul.u32 $0x11, v11  }
0xba: {  	[tilespmem:$0x4230] =	vst v1;
	v1 =	vadd.s32 v10, v2;
	v2 =	vmul.u32 $0x11, v13  }
0xbb: {  	[tilespmem:$0x4240] =	vst v1;
	v1 =	vadd.s32 v12, v3;
	v3 =	vmul.u32 $0x11, v61  }
0xbc: {  	[tilespmem:$0x4250] =	vst v1;
	v1 =	vadd.s32 v62, v2  }
0xbd: {  	[tilespmem:$0x4260] =	vst v1;
	v1 =	vadd.s32 v63, v3  }
0xbe: {  	[tilespmem:$0x4270] =	vst v1  }
0xbf: {  	_ =	swait.ge [sflag:s30], $0x4000  }
0xc0: {  	[sflag:s30] =	ssyncset.done $0x0  }
0xc1: {  	p1 =	sge.u32 s20, s10;
	[sflag:s30] =	ssyncadd.s32 $0xFFFFC000  }
0xc2: {  	[tilespmem:s0], [sflag:$0x2] =	stream.indirect.gather [hbm4b:s4+s26], $0x80, s31, s26, $0xb8;
	[tilespmem:$0x1C300] =	vst v63  }
.Ltmp6:
0xc3: {  	_ = 	snop;
	(pc) =	sbr.rel @p1 .LBB2_6-.Ltmp6, $4  }
0xc4: {  	[spmem:s1] =	stream.indirect.scatter.add.f32 [tilespmem:s23], [sflag:$0x3], $0x80, s25, s26, $0xb8;
	[tilespmem:$0x1C300] =	vst v63  }
0xc5: {  	_ =	swait.ge [sflag:s24], $0x4000  }
0xc6: {  	[sflag:s24] =	ssyncset.done $0x0  }
0xc7: {  	[sflag:s24] =	ssyncadd.s32 $0xFFFFC000  }
0xc8: {  	s15 =	sadd.s32 $0x10, s22  }
0xc9: {  	[tilespmem:s3], [sflag:$0x3] =	stream.linear.gather [hbm4b:s15+s3], $0x80, $0x38;
	[tilespmem:$0x1C300] =	vst v63  }
0xca: {  	_ =	swait.ge [sflag:s24], $0x80  }
0xcb: {  	[sflag:s24] =	ssyncset.done $0x0  }
0xcc: {  	s15 =	sadd.s32 $0x20, s22;
	[sflag:s24] =	ssyncadd.s32 $0xFFFFFF80  }
0xcd: {  	[tilespmem:s25], [sflag:$0x3] =	stream.linear.gather [hbm4b:s15+s3], $0x80, $0x38;
	[tilespmem:$0x1C300] =	vst v63  }
0xce: {  	_ =	swait.ge [sflag:s24], $0x80  }
0xcf: {  	[sflag:s24] =	ssyncset.done $0x0  }
0xd0: {  	s15 =	sadd.s32 $0x10, s21;
	[sflag:s24] =	ssyncadd.s32 $0xFFFFFF80  }
0xd1: {  	[tilespmem:s26], [sflag:$0x3] =	stream.linear.gather [hbm4b:s15+s3], $0x80, $0x38;
	[tilespmem:$0x1C300] =	vst v63  }
0xd2: {  	_ =	swait.ge [sflag:s24], $0x80  }
0xd3: {  	[sflag:s24] =	ssyncset.done $0x0  }
0xd4: {  	[sflag:s24] =	ssyncadd.s32 $0xFFFFFF80  }
0xd5: {  	v1 =	vld [tilespmem:$0x0]  }
0xd6: {  	v2 =	vld [tilespmem:$0x80]  }
0xd7: {  	v3 =	vld [tilespmem:$0x10]  }
0xd8: {  	v4 =	vld [tilespmem:$0x90]  }
0xd9: {  	v5 =	vld [tilespmem:$0x20]  }
0xda: {  	v6 =	vld [tilespmem:$0xA0]  }
0xdb: {  	v7 =	vld [tilespmem:$0x30]  }
0xdc: {  	v8 =	vld [tilespmem:$0xB0]  }
0xdd: {  	v9 =	vld [tilespmem:$0x40]  }
0xde: {  	v10 =	vld [tilespmem:$0xC0]  }
0xdf: {  	v11 =	vld [tilespmem:$0x50]  }
0xe0: {  	v12 =	vld [tilespmem:$0xD0];
	v1 =	vmul.u32 $0x11, v1  }
0xe1: {  	v13 =	vld [tilespmem:$0x60];
	v3 =	vmul.u32 $0x11, v3  }
0xe2: {  	v61 =	vld [tilespmem:$0x70];
	v1 =	vadd.s32 v2, v1;
	v2 =	vmul.u32 $0x11, v5  }
0xe3: {  	v62 =	vld [tilespmem:$0xE0];
	[tilespmem:$0x100] =	vst v1;
	v1 =	vadd.s32 v4, v3;
	v3 =	vmul.u32 $0x11, v7  }
0xe4: {  	v63 =	vld [tilespmem:$0xF0];
	[tilespmem:$0x110] =	vst v1;
	v1 =	vadd.s32 v6, v2;
	v2 =	vmul.u32 $0x11, v9  }
0xe5: {  	[tilespmem:$0x120] =	vst v1;
	v1 =	vadd.s32 v8, v3;
	v3 =	vmul.u32 $0x11, v11  }
0xe6: {  	[tilespmem:$0x130] =	vst v1;
	v1 =	vadd.s32 v10, v2;
	v2 =	vmul.u32 $0x11, v13  }
0xe7: {  	[tilespmem:$0x140] =	vst v1;
	v1 =	vadd.s32 v12, v3;
	v3 =	vmul.u32 $0x11, v61  }
0xe8: {  	[tilespmem:$0x150] =	vst v1;
	v1 =	vadd.s32 v62, v2  }
0xe9: {  	[tilespmem:$0x160] =	vst v1;
	v1 =	vadd.s32 v63, v3  }
.Ltmp7:
0xea: {  	[tilespmem:$0x170] =	vst v1;
	(pc) =	sbr.rel .LBB2_7-.Ltmp7, $4  }
0xeb: {  	_ =	swait.ge [sflag:s2], $0x4000  }
0xec: {  	[sflag:s2] =	ssyncset.done $0x0  }
0xed: {  	[sflag:s2] =	ssyncadd.s32 $0xFFFFC000  }
0xee: {  	[tilespmem:s23], [sflag:$0x1] =	stream.indirect.gather [hbm4b:s4+s26], $0x80, s28, s26, $0xb8;
	[tilespmem:$0x1C300] =	vst v63  }
.LBB2_9:
0xef: {  	_ =	sfence.sel $0x180000  }
0xf0: {  	[bflag:$0x0] =	sbarrier.arrive $0xFFFF  }
0xf1: {  	_ =	strace $0x9000004A  }
0xf2: {  	s0 =	stileid.u32;
	[bflag:$0x2] =	sbarrier.arrive $0xFFFF  }
0xf3: {  	p0 =	sne.s32 s0, $0x0;
	s0 =	rddreg [dreg:$0x4]  }
0xf4: {  	s0 =	sadd.s32 @!p0 $0x100000, s0  }
0xf5: {  	[sflag:s0] =	ssyncadd.tile.s32 @!p0 $0x1;
	_ =	shalt  }
.Lfunc_end2:
_tile_overlayer_lowered:
.L_overlay_start_2:
0xf6: {  	(tag) =	ssettag $0x2  }
0xf7: {  	s0 =	rddreg [dreg:$0x0];
	s2 =	stileid.u32  }
0xf8: {  	s1 =	rddreg [dreg:$0x1];
	p0 =	sne.s32 s2, $0x0  }
0xf9: {  	s3 =	rddreg [dreg:$0x2];
	[bflag:$0x3] =	sbarrier.arrive $0xFFFF;
	s2 =	simm.s32 @!p0 $0x1C03  }
0xfa: {  	[timem:s3], [sflag:s2] =	dma.local @!p0 [hbm:s0], s1  }
0xfb: {  	s0 =	simm.s32 @!p0 $0x3  }
0xfc: {  	_ =	swait.ge @!p0 [sflag:s0], s1  }
0xfd: {  	s1 =	ssub.s32 @!p0 $0x0, s1;
	[sflag:s0] =	ssyncset.done @!p0 $0x0  }
0xfe: {  	[sflag:s0] =	ssyncadd.s32 @!p0 s1  }
0xff: {  	[bflag:$0x3] =	sbarrier.arrive $0xFFFF  }
0x100: {  	_ =	shalt  }

// kernel: kernel.17.cloned.1.call-start
scs
__scs_entry_jumppad:
0x0: {  	(pc) =	sbr.rel $0x88, $3  }
0x1: {  	(tag) =	ssettag $0x0;
	lr =	simm.s32 $0x1  }
0x2: {  	[smem:$0x3F91] =	sst lr;
	_ =	strace $0xD0000000  }
0x3: {  	_ = 	snop  }
0x4: {  	_ = 	snop  }
0x5: {  	_ = 	snop  }
0x6: {  	_ = 	snop  }
0x7: {  	_ = 	snop  }
__scs_overlays_trampoline_lowered:
0x8: {  	[smem:$0x3FA0] =	sst s0  }
0x9: {  	[smem:$0x3FA1] =	sst s1  }
0xa: {  	[smem:$0x3FA2] =	sst s2  }
0xb: {  	[smem:$0x3FA3] =	sst s3  }
0xc: {  	[smem:$0x3FA4] =	sst s4  }
0xd: {  	[smem:$0x3FA5] =	sst s5  }
0xe: {  	[smem:$0x3FA6] =	sst s6  }
0xf: {  	[smem:$0x3FA7] =	sst s7  }
0x10: {  	[smem:$0x3FA8] =	sst s8  }
0x11: {  	[smem:$0x3FA9] =	sst s9;
	s0 =	simm.s32 @!p0 $0x0  }
0x12: {  	s1 =	sld [smem:$0x3F8F];
	s0 =	simm.s32 @p0 $0x1  }
0x13: {  	[smem:$0x3FAA] =	sst s0;
	s0 =	simm.s32 @!p1 $0x0  }
0x14: {  	s2 =	sld [smem:$0x3F8E];
	s0 =	simm.s32 @p1 $0x1  }
0x15: {  	[smem:$0x3FAB] =	sst s0;
	s0 =	simm.s32 @!p2 $0x0  }
0x16: {  	s3 =	sld [smem:$0x3FDB];
	s0 =	simm.s32 @p2 $0x1  }
0x17: {  	s4 =	simm.s32 $0x1BF5;
	[smem:$0x3FAD] =	sst s0  }
0x18: {  	s0 =	sld [smem:$0x3F90];
	_ =	swait.ge [sflag:s4], $0x0  }
0x19: {  	s7 =	sld [smem:$0x3F91]  }
0x1a: {  	s8 =	sadd.s32 $0xFFFFE003, lr  }
0x1b: {  	s9 =	sadd.s32 $0xFFFFFEF7, lr;
	s5 =	simm.s32 $0xFFFFFFFF;
	p2 =	slt.u32 s8, $0xFFFFF086  }
0x1c: {  	p1 =	slt.u32 s9, $0xF7A;
	s5 =	simm.s32 @!p2 $0x0  }
0x1d: {  	s5 =	simm.s32 @p1 $0x1;
	p0 =	seq.s32 s7, s2  }
0x1e: {  	s7 =	smul.u32 @!p0 $0xF7A, s2;
	p2 =	seq.s32 @!p0 s5, $0x0  }
0x1f: {  	s9 =	smul.u32 $0xF7A, s1;
	s8 =	simm.s32 @!p0 $0x1BF5;
	p2 =	por !p2, p0  }
0x20: {  	[sflag:s8] =	ssyncset.s32 @!p0 $0xFFFFF086;
	s6 =	sadd.s32 @!p0 s3, s7;
	s7 =	simm.s32 @!p0 $0x108  }
0x21: {  	s3 =	sadd.s32 s3, s9;
	s6 =	sadd.s32 @!p0 $0x88, s6;
	s7 =	simm.s32 @p2 $0x1082  }
0x22: {  	[simem:s7], [sflag:s8] =	dma.local @!p0 [hbm:s6], $0xF7A  }
0x23: {  	s9 =	sor.u32 $0xD0000000, s2;
	s6 =	simm.s32 $0x108;
	_ =	swait.ge @!p0 [sflag:s8], $0x0  }
0x24: {  	s3 =	sadd.s32 $0x88, s3;
	s6 =	simm.s32 @!p1 $0x1082;
	[sflag:s4] =	ssyncset.s32 $0xFFFFF086  }
0x25: {  	[simem:s6], [sflag:s4] =	dma.local [hbm:s3], $0xF7A  }
0x26: {  	[smem:$0x3F91] =	sst s1;
	(tag) =	ssettag s2;
	_ =	strace s9  }
0x27: {  	s1 =	sld [smem:$0x3FA1]  }
0x28: {  	s2 =	sld [smem:$0x3FA2]  }
0x29: {  	s4 =	sld [smem:$0x3FA4]  }
0x2a: {  	p0 =	seq.s32 s5, $0x0;
	s5 =	sld [smem:$0x3FA5]  }
0x2b: {  	s6 =	sld [smem:$0x3FA6]  }
0x2c: {  	s7 =	sld [smem:$0x3FA7]  }
0x2d: {  	s3 =	simm.s32 $0x108;
	s8 =	sld [smem:$0x3FA8]  }
0x2e: {  	s3 =	simm.s32 @!p0 $0x1082;
	s9 =	sld [smem:$0x3FA9]  }
0x2f: {  	lr =	sadd.s32 s0, s3;
	s0 =	sld [smem:$0x3FA0]  }
0x30: {  	s3 =	sld [smem:$0x3FA3]  }
0x31: {  	[smem:$0x3FAC] =	sst s10  }
0x32: {  	s10 =	sld [smem:$0x3FAA];
	_ =	sdelay $0x3  }
0x33: {  	p0 =	seq.s32 s10, $0x1;
	s10 =	sld [smem:$0x3FAC];
	_ =	sdelay $0x3  }
0x34: {  	[smem:$0x3FAC] =	sst s10  }
0x35: {  	s10 =	sld [smem:$0x3FAB];
	_ =	sdelay $0x3  }
0x36: {  	p1 =	seq.s32 s10, $0x1;
	s10 =	sld [smem:$0x3FAC];
	_ =	sdelay $0x3  }
0x37: {  	[smem:$0x3FAC] =	sst s10  }
0x38: {  	s10 =	sld [smem:$0x3FAD]  }
0x39: {  	_ = 	snop;
	(pc) =	sbr.ind lr, $3  }
0x3a: {  	_ = 	snop  }
0x3b: {  	_ = 	snop  }
0x3c: {  	p2 =	seq.s32 s10, $0x1;
	s10 =	sld [smem:$0x3FAC]  }
0x3d: {  	_ =	shalt  }
0x3e: {  	_ =	shalt  }
0x3f: {  	_ =	shalt  }
0x40: {  	_ =	shalt  }
0x41: {  	_ =	shalt  }
0x42: {  	_ =	shalt  }
0x43: {  	_ =	shalt  }
0x44: {  	_ =	shalt  }
0x45: {  	_ =	shalt  }
0x46: {  	_ =	shalt  }
0x47: {  	_ =	shalt  }
0x48: {  	_ =	shalt  }
0x49: {  	_ =	shalt  }
0x4a: {  	_ =	shalt  }
0x4b: {  	_ =	shalt  }
0x4c: {  	_ =	shalt  }
0x4d: {  	_ =	shalt  }
0x4e: {  	_ =	shalt  }
0x4f: {  	_ =	shalt  }
0x50: {  	_ =	shalt  }
0x51: {  	_ =	shalt  }
0x52: {  	_ =	shalt  }
0x53: {  	_ =	shalt  }
0x54: {  	_ =	shalt  }
0x55: {  	_ =	shalt  }
0x56: {  	_ =	shalt  }
0x57: {  	_ =	shalt  }
0x58: {  	_ =	shalt  }
0x59: {  	_ =	shalt  }
0x5a: {  	_ =	shalt  }
0x5b: {  	_ =	shalt  }
0x5c: {  	_ =	shalt  }
0x5d: {  	_ =	shalt  }
0x5e: {  	_ =	shalt  }
0x5f: {  	_ =	shalt  }
0x60: {  	_ =	shalt  }
0x61: {  	_ =	shalt  }
0x62: {  	_ =	shalt  }
0x63: {  	_ =	shalt  }
0x64: {  	_ =	shalt  }
0x65: {  	_ =	shalt  }
0x66: {  	_ =	shalt  }
0x67: {  	_ =	shalt  }
0x68: {  	_ =	shalt  }
0x69: {  	_ =	shalt  }
0x6a: {  	_ =	shalt  }
0x6b: {  	_ =	shalt  }
0x6c: {  	_ =	shalt  }
0x6d: {  	_ =	shalt  }
0x6e: {  	_ =	shalt  }
0x6f: {  	_ =	shalt  }
0x70: {  	_ =	shalt  }
0x71: {  	_ =	shalt  }
0x72: {  	_ =	shalt  }
0x73: {  	_ =	shalt  }
0x74: {  	_ =	shalt  }
0x75: {  	_ =	shalt  }
0x76: {  	_ =	shalt  }
0x77: {  	_ =	shalt  }
0x78: {  	_ =	shalt  }
0x79: {  	_ =	shalt  }
0x7a: {  	_ =	shalt  }
0x7b: {  	_ =	shalt  }
0x7c: {  	_ =	shalt  }
0x7d: {  	_ =	shalt  }
0x7e: {  	_ =	shalt  }
0x7f: {  	_ =	shalt  }
0x80: {  	_ =	shalt  }
0x81: {  	_ =	shalt  }
0x82: {  	_ =	shalt  }
0x83: {  	_ =	shalt  }
0x84: {  	_ =	shalt  }
0x85: {  	_ =	shalt  }
0x86: {  	_ =	shalt  }
0x87: {  	_ =	shalt  }
.Lfunc_end0:
.L_simem_size_0:
called_computation.2_lowered:
.L_overlay_start_0:
0x88: {  	s2 =	sld [smem:$0x3FD9]  }
0x89: {  	s3 =	sld [smem:$0x3FFE];
	_ =	sdelay $0x1  }
0x8a: {  	s1 =	srdreg.scid  }
0x8b: {  	s0 =	sand.u32 $0x1, s1  }
0x8c: {  	s17 =	sshll.u32 s0, $0xA;
	s2 =	sadd.s32 s3, s2  }
0x8d: {  	s2 =	sadd.s32 s2, s17  }
0x8e: {  	[smem:$0x3FB8] =	sst s2  }
0x8f: {  	_ = 	snop  }
0x90: {  	s2 =	sld [smem:$0x3FC9]  }
0x91: {  	s18 =	sld [smem:$0x3FD0];
	(tm) =	ssettm $0x1  }
0x92: {  	s4 =	sld [smem:$0x3FFB];
	_ =	sdelay $0x3  }
0x93: {  	_ =	strace s4  }
0x94: {  	s4 =	sld [smem:$0x3FFC];
	_ =	sdelay $0x3  }
0x95: {  	_ =	strace s4  }
0x96: {  	s4 =	sld [smem:$0x3FFD];
	_ =	sdelay $0x3  }
0x97: {  	_ =	strace s4  }
0x98: {  	_ =	strace $0x8FFFFFFF  }
0x99: {  	s19 =	sld [smem:$0x3FDB];
	_ =	sdelay $0x1  }
0x9a: {  	s5 =	simm.s32 $_scs_section_size  }
0x9b: {  	s6 =	simm.s32 $_size__tile_overlayer_lowered;
	s7 =	simm.s32 $_tile_overlayer_lowered  }
0x9c: {  	s22 =	simm.s32 $0x1BFF;
	s21 =	sshll.u32 s7, $0x1;
	s4 =	sadd.s32 s5, s19  }
0x9d: {  	s8 =	simm.s32 $0x0;
	s20 =	sshll.u32 s6, $0x1;
	s6 =	sadd.s32 s21, s4  }
0x9e: {  	[timem:s8], [sflag:s22] =	dma.local [hbm:s6], s20  }
0x9f: {  	_ =	swait.ge [sflag:s22], s20  }
0xa0: {  	s5 =	ssub.s32 $0x0, s20;
	[sflag:s22] =	ssyncset.done $0x0  }
0xa1: {  	[sflag:s22] =	ssyncadd.s32 s5;
	_ =	sdelay $0x1  }
0xa2: {  	s23 =	simm.s32 $0x1B8B  }
0xa3: {  	_ =	swait.ge [sflag:s23], $0x1  }
0xa4: {  	[sflag:s23] =	ssyncset.done $0x0  }
0xa5: {  	s25 =	simm.s32 $0x1B8E;
	s24 =	sld [smem:$0x3FFE];
	[sflag:s23] =	ssyncadd.s32 $0xFFFFFFFF  }
0xa6: {  	s26 =	simm.s32 $execute0_lowered;
	[smem:$0x3FD2] =	sst s25  }
0xa7: {  	s6 =	sshll.u32 s26, $0x1;
	_ =	strace $0x8000004C;
	[dreg:$0x1] =	wrdreg $0xFFFFFFFF  }
0xa8: {  	s28 =	simm.s32 $_size_execute0_lowered;
	s4 =	sadd.s32 s4, s6;
	[dreg:$0x0] =	wrdreg $0x0  }
0xa9: {  	s6 =	sshll.u32 s28, $0x1;
	[dreg:$0x2] =	wrdreg s4  }
0xaa: {  	[dreg:$0x3] =	wrdreg s6  }
0xab: {  	[dreg:$0x4] =	wrdreg $0xC0  }
0xac: {  	_ =	task [dreg:s8], $0x5FFFF  }
0xad: {  	[dreg:$0x1] =	wrdreg $0xFFFFFFFF  }
0xae: {  	[dreg:$0x0] =	wrdreg $0x60  }
0xaf: {  	[dreg:$0x2] =	wrdreg s2  }
0xb0: {  	[dreg:$0x3] =	wrdreg s24  }
0xb1: {  	[dreg:$0x4] =	wrdreg s18  }
0xb2: {  	[dreg:$0x5] =	wrdreg $0x9  }
0xb3: {  	_ =	task.clear_ibuf [dreg:s8], $0x6FFFF;
	_ =	strace $0x9000004C  }
0xb4: {  	s29 =	simm.s32 $0x9;
	_ =	strace $0x8000004E  }
0xb5: {  	_ =	swait.ge [sflag:s29], $0x1  }
0xb6: {  	[sflag:s29] =	ssyncadd.s32 $0xFFFFFFFF  }
0xb7: {  	_ =	strace $0x9000004E  }
0xb8: {  	_ =	sfence  }
0xb9: {  	s30 =	sld [smem:$0x0];
	_ =	sdelay $0x2  }
0xba: {  	s31 =	sshll.u32 s1, $0xD;
	s1 =	sshrl.u32 s1, $0x2  }
0xbb: {  	s3 =	sand.u32 $0x4000, s31;
	s1 =	sadd.s32 s1, s30  }
0xbc: {  	s0 =	sor.u32 s3, s0;
	s1 =	sshll.u32 s1, $0x11  }
0xbd: {  	s0 =	sor.u32 s1, s0  }
0xbe: {  	s0 =	sadd.s32 $0x8F2B, s0  }
0xbf: {  	[sflag:s0] =	ssyncadd.remote.s32 $0x1  }
0xc0: {  	_ =	sfence.sel $0xFFFF  }
0xc1: {  	[dreg:$0x0] =	wrdreg $0xFFFFFFFF;
	(pc) =	sbr.abs _section_cstart, $3  }
0xc2: {  	[dreg:$0x1] =	wrdreg $0xFFFFFFFF  }
0xc3: {  	_ =	task.clear_ibuf [dreg:s8], $0x2FFFF;
	_ =	strace $0x9FFFFFFF  }
0xc4: {  	(tm) =	ssettm $0x7FFFFFFF  }
0xc5: {  	_ =	shalt  }
tec
execute0_lowered:
.L_overlay_start_1:
0x0: {  	(tag) =	ssettag $0x1  }
0x1: {  	s0 =	srdreg.scid  }
0x2: {  	s18 =	sand.u32 $0x1, s0  }
0x3: {  	s0 =	stileid.u32;
	s1 =	sshll.u32 s18, $0x4  }
0x4: {  	s16 =	rddreg [dreg:$0x0];
	s1 =	sor.u32 s0, s1  }
0x5: {  	s5 =	rddreg [dreg:$0x1];
	s3 =	smul.u32 $0x140, s1  }
0x6: {  	s17 =	rddreg [dreg:$0x2];
	s2 =	simm.s32 $0x0  }
0x7: {  	[smem:$0x7FF] =	sst s2;
	s19 =	smin.u32 s3, $0x25D0  }
0x8: {  	s1 =	rddreg [dreg:$0x3];
	s3 =	sshrl.u32 s19, $0x3  }
0x9: {  	_ =	strace $0x8000004D;
	s4 =	sadd.s32 s16, s3;
	s3 =	simm.s32 $0x2  }
0xa: {  	[tilespmem:s2], [sflag:$0x2] =	stream.linear.gather [hbm4b:s4+s2], $0x40, $0x38;
	[tilespmem:$0x2080] =	vst v63  }
0xb: {  	_ =	swait.ge [sflag:s3], $0x40  }
0xc: {  	s6 =	simm.s32 $0x40;
	s7 =	simm.s32 $0x80;
	[sflag:s3] =	ssyncset.done $0x0  }
0xd: {  	s8 =	simm.s32 $0x1;
	s5 =	sadd.s32 $0x2E00, s5;
	[sflag:s3] =	ssyncadd.s32 $0xFFFFFFC0  }
0xe: {  	[tilespmem:s7], [sflag:$0x1] =	stream.indirect.gather [hbm4b:s5+s6], $0x80, s2, s6, $0xb8;
	[tilespmem:$0x2080] =	vst v63  }
0xf: {  	_ =	swait.ge [sflag:s8], $0x2000  }
0x10: {  	s9 =	sshll.u32 s19, $0x4;
	[sflag:s8] =	ssyncset.done $0x0  }
0x11: {  	s9 =	sadd.s32 s17, s9;
	[sflag:s8] =	ssyncadd.s32 $0xFFFFE000  }
0x12: {  	[hbm4b:s9+s2] =	stream.linear.scatter [tilespmem:s7], [sflag:$0x2], $0x2000, $0x38;
	[tilespmem:$0x2080] =	vst v63  }
0x13: {  	s11 =	sadd.s32 $0x40, s19;
	_ =	swait.ge [sflag:s3], $0x2000  }
0x14: {  	s10 =	sshrl.u32 s11, $0x3;
	[sflag:s3] =	ssyncset.done $0x0  }
0x15: {  	s10 =	sadd.s32 s16, s10;
	[sflag:s3] =	ssyncadd.s32 $0xFFFFE000  }
0x16: {  	[tilespmem:s2], [sflag:$0x2] =	stream.linear.gather [hbm4b:s10+s2], $0x40, $0x38;
	[tilespmem:$0x2080] =	vst v63  }
0x17: {  	_ =	swait.ge [sflag:s3], $0x40  }
0x18: {  	[sflag:s3] =	ssyncset.done $0x0  }
0x19: {  	[sflag:s3] =	ssyncadd.s32 $0xFFFFFFC0  }
0x1a: {  	[tilespmem:s7], [sflag:$0x1] =	stream.indirect.gather [hbm4b:s5+s6], $0x80, s2, s6, $0xb8;
	[tilespmem:$0x2080] =	vst v63  }
0x1b: {  	_ =	swait.ge [sflag:s8], $0x2000  }
0x1c: {  	s11 =	sshll.u32 s11, $0x4;
	[sflag:s8] =	ssyncset.done $0x0  }
0x1d: {  	s11 =	sadd.s32 s17, s11;
	[sflag:s8] =	ssyncadd.s32 $0xFFFFE000  }
0x1e: {  	[hbm4b:s11+s2] =	stream.linear.scatter [tilespmem:s7], [sflag:$0x2], $0x2000, $0x38;
	[tilespmem:$0x2080] =	vst v63  }
0x1f: {  	s13 =	sadd.s32 $0x80, s19;
	_ =	swait.ge [sflag:s3], $0x2000  }
0x20: {  	s12 =	sshrl.u32 s13, $0x3;
	[sflag:s3] =	ssyncset.done $0x0  }
0x21: {  	s12 =	sadd.s32 s16, s12;
	[sflag:s3] =	ssyncadd.s32 $0xFFFFE000  }
0x22: {  	[tilespmem:s2], [sflag:$0x2] =	stream.linear.gather [hbm4b:s12+s2], $0x40, $0x38;
	[tilespmem:$0x2080] =	vst v63  }
0x23: {  	_ =	swait.ge [sflag:s3], $0x40  }
0x24: {  	[sflag:s3] =	ssyncset.done $0x0  }
0x25: {  	[sflag:s3] =	ssyncadd.s32 $0xFFFFFFC0  }
0x26: {  	[tilespmem:s7], [sflag:$0x1] =	stream.indirect.gather [hbm4b:s5+s6], $0x80, s2, s6, $0xb8;
	[tilespmem:$0x2080] =	vst v63  }
0x27: {  	_ =	swait.ge [sflag:s8], $0x2000  }
0x28: {  	s13 =	sshll.u32 s13, $0x4;
	[sflag:s8] =	ssyncset.done $0x0  }
0x29: {  	s13 =	sadd.s32 s17, s13;
	[sflag:s8] =	ssyncadd.s32 $0xFFFFE000  }
0x2a: {  	[hbm4b:s13+s2] =	stream.linear.scatter [tilespmem:s7], [sflag:$0x2], $0x2000, $0x38;
	[tilespmem:$0x2080] =	vst v63  }
0x2b: {  	s15 =	sadd.s32 $0xC0, s19;
	_ =	swait.ge [sflag:s3], $0x2000  }
0x2c: {  	s14 =	sshrl.u32 s15, $0x3;
	[sflag:s3] =	ssyncset.done $0x0  }
0x2d: {  	s14 =	sadd.s32 s16, s14;
	[sflag:s3] =	ssyncadd.s32 $0xFFFFE000  }
0x2e: {  	[tilespmem:s2], [sflag:$0x2] =	stream.linear.gather [hbm4b:s14+s2], $0x40, $0x38;
	[tilespmem:$0x2080] =	vst v63  }
0x2f: {  	_ =	swait.ge [sflag:s3], $0x40  }
0x30: {  	[sflag:s3] =	ssyncset.done $0x0  }
0x31: {  	[sflag:s3] =	ssyncadd.s32 $0xFFFFFFC0  }
0x32: {  	[tilespmem:s7], [sflag:$0x1] =	stream.indirect.gather [hbm4b:s5+s6], $0x80, s2, s6, $0xb8;
	[tilespmem:$0x2080] =	vst v63  }
0x33: {  	_ =	swait.ge [sflag:s8], $0x2000  }
0x34: {  	s15 =	sshll.u32 s15, $0x4;
	[sflag:s8] =	ssyncset.done $0x0  }
0x35: {  	s15 =	sadd.s32 s17, s15;
	[sflag:s8] =	ssyncadd.s32 $0xFFFFE000  }
0x36: {  	[hbm4b:s15+s2] =	stream.linear.scatter [tilespmem:s7], [sflag:$0x2], $0x2000, $0x38;
	[tilespmem:$0x2080] =	vst v63  }
0x37: {  	s19 =	sadd.s32 $0x100, s19;
	_ =	swait.ge [sflag:s3], $0x2000  }
0x38: {  	s20 =	sshrl.u32 s19, $0x3;
	[sflag:s3] =	ssyncset.done $0x0  }
0x39: {  	s18 =	ssub.s32 $0x2, s18;
	s16 =	sadd.s32 s16, s20;
	[sflag:s3] =	ssyncadd.s32 $0xFFFFE000  }
0x3a: {  	[tilespmem:s2], [sflag:$0x2] =	stream.linear.gather [hbm4b:s16+s2], $0x40, $0x38;
	[tilespmem:$0x2080] =	vst v63  }
0x3b: {  	s31 =	sshrl.u32 s18, $0x1;
	_ =	swait.ge [sflag:s3], $0x40  }
0x3c: {  	s18 =	ssub.s32 s18, s31;
	[sflag:s3] =	ssyncset.done $0x0  }
0x3d: {  	s18 =	smax.u32 s18, $0x1;
	[sflag:s3] =	ssyncadd.s32 $0xFFFFFFC0  }
0x3e: {  	[tilespmem:s7], [sflag:$0x1] =	stream.indirect.gather [hbm4b:s5+s6], $0x80, s2, s6, $0xb8;
	[tilespmem:$0x2080] =	vst v63  }
0x3f: {  	p0 =	sne.s32 s18, $0x1;
	_ =	swait.ge [sflag:s8], $0x2000  }
.Ltmp0:
0x40: {  	s19 =	sshll.u32 s19, $0x4;
	[sflag:s8] =	ssyncset.done $0x0;
	(pc) =	sbr.rel @!p0 .LBB2_2-.Ltmp0, $4  }
0x41: {  	s17 =	sadd.s32 s17, s19;
	[sflag:s8] =	ssyncadd.s32 $0xFFFFE000  }
0x42: {  	[hbm4b:s17+s2] =	stream.linear.scatter [tilespmem:s7], [sflag:$0x2], $0x2000, $0x38;
	[tilespmem:$0x2080] =	vst v63  }
0x43: {  	_ =	swait.ge [sflag:s3], $0x2000  }
0x44: {  	s18 =	sadd.s32 $0xFFFFFFFF, s18;
	[sflag:s3] =	ssyncset.done $0x0  }
.LBB2_1:
0x45: {  	p0 =	sne.s32 s18, $0x1;
	s18 =	sadd.s32 $0xFFFFFFFF, s18;
	[sflag:s3] =	ssyncadd.s32 $0xFFFFE000  }
0x46: {  	[tilespmem:s2], [sflag:$0x2] =	stream.linear.gather [hbm4b:s4+s2], $0x40, $0x38;
	[tilespmem:$0x2080] =	vst v63  }
0x47: {  	_ =	swait.ge [sflag:s3], $0x40  }
0x48: {  	[sflag:s3] =	ssyncset.done $0x0  }
0x49: {  	[sflag:s3] =	ssyncadd.s32 $0xFFFFFFC0  }
0x4a: {  	[tilespmem:s7], [sflag:$0x1] =	stream.indirect.gather [hbm4b:s5+s6], $0x80, s2, s6, $0xb8;
	[tilespmem:$0x2080] =	vst v63  }
0x4b: {  	_ =	swait.ge [sflag:s8], $0x2000  }
0x4c: {  	[sflag:s8] =	ssyncset.done $0x0  }
0x4d: {  	[sflag:s8] =	ssyncadd.s32 $0xFFFFE000  }
0x4e: {  	[hbm4b:s9+s2] =	stream.linear.scatter [tilespmem:s7], [sflag:$0x2], $0x2000, $0x38;
	[tilespmem:$0x2080] =	vst v63  }
0x4f: {  	_ =	swait.ge [sflag:s3], $0x2000  }
0x50: {  	[sflag:s3] =	ssyncset.done $0x0  }
0x51: {  	[sflag:s3] =	ssyncadd.s32 $0xFFFFE000  }
0x52: {  	[tilespmem:s2], [sflag:$0x2] =	stream.linear.gather [hbm4b:s10+s2], $0x40, $0x38;
	[tilespmem:$0x2080] =	vst v63  }
0x53: {  	_ =	swait.ge [sflag:s3], $0x40  }
0x54: {  	[sflag:s3] =	ssyncset.done $0x0  }
0x55: {  	[sflag:s3] =	ssyncadd.s32 $0xFFFFFFC0  }
0x56: {  	[tilespmem:s7], [sflag:$0x1] =	stream.indirect.gather [hbm4b:s5+s6], $0x80, s2, s6, $0xb8;
	[tilespmem:$0x2080] =	vst v63  }
0x57: {  	_ =	swait.ge [sflag:s8], $0x2000  }
0x58: {  	[sflag:s8] =	ssyncset.done $0x0  }
0x59: {  	[sflag:s8] =	ssyncadd.s32 $0xFFFFE000  }
0x5a: {  	[hbm4b:s11+s2] =	stream.linear.scatter [tilespmem:s7], [sflag:$0x2], $0x2000, $0x38;
	[tilespmem:$0x2080] =	vst v63  }
0x5b: {  	_ =	swait.ge [sflag:s3], $0x2000  }
0x5c: {  	[sflag:s3] =	ssyncset.done $0x0  }
0x5d: {  	[sflag:s3] =	ssyncadd.s32 $0xFFFFE000  }
0x5e: {  	[tilespmem:s2], [sflag:$0x2] =	stream.linear.gather [hbm4b:s12+s2], $0x40, $0x38;
	[tilespmem:$0x2080] =	vst v63  }
0x5f: {  	_ =	swait.ge [sflag:s3], $0x40  }
0x60: {  	[sflag:s3] =	ssyncset.done $0x0  }
0x61: {  	[sflag:s3] =	ssyncadd.s32 $0xFFFFFFC0  }
0x62: {  	[tilespmem:s7], [sflag:$0x1] =	stream.indirect.gather [hbm4b:s5+s6], $0x80, s2, s6, $0xb8;
	[tilespmem:$0x2080] =	vst v63  }
0x63: {  	_ =	swait.ge [sflag:s8], $0x2000  }
0x64: {  	[sflag:s8] =	ssyncset.done $0x0  }
0x65: {  	[sflag:s8] =	ssyncadd.s32 $0xFFFFE000  }
0x66: {  	[hbm4b:s13+s2] =	stream.linear.scatter [tilespmem:s7], [sflag:$0x2], $0x2000, $0x38;
	[tilespmem:$0x2080] =	vst v63  }
0x67: {  	_ =	swait.ge [sflag:s3], $0x2000  }
0x68: {  	[sflag:s3] =	ssyncset.done $0x0  }
0x69: {  	[sflag:s3] =	ssyncadd.s32 $0xFFFFE000  }
0x6a: {  	[tilespmem:s2], [sflag:$0x2] =	stream.linear.gather [hbm4b:s14+s2], $0x40, $0x38;
	[tilespmem:$0x2080] =	vst v63  }
0x6b: {  	_ =	swait.ge [sflag:s3], $0x40  }
0x6c: {  	[sflag:s3] =	ssyncset.done $0x0  }
0x6d: {  	[sflag:s3] =	ssyncadd.s32 $0xFFFFFFC0  }
0x6e: {  	[tilespmem:s7], [sflag:$0x1] =	stream.indirect.gather [hbm4b:s5+s6], $0x80, s2, s6, $0xb8;
	[tilespmem:$0x2080] =	vst v63  }
0x6f: {  	_ =	swait.ge [sflag:s8], $0x2000  }
0x70: {  	[sflag:s8] =	ssyncset.done $0x0  }
0x71: {  	[sflag:s8] =	ssyncadd.s32 $0xFFFFE000  }
0x72: {  	[hbm4b:s15+s2] =	stream.linear.scatter [tilespmem:s7], [sflag:$0x2], $0x2000, $0x38;
	[tilespmem:$0x2080] =	vst v63  }
0x73: {  	_ =	swait.ge [sflag:s3], $0x2000  }
0x74: {  	[sflag:s3] =	ssyncset.done $0x0  }
0x75: {  	[sflag:s3] =	ssyncadd.s32 $0xFFFFE000  }
0x76: {  	[tilespmem:s2], [sflag:$0x2] =	stream.linear.gather [hbm4b:s16+s2], $0x40, $0x38;
	[tilespmem:$0x2080] =	vst v63  }
0x77: {  	_ =	swait.ge [sflag:s3], $0x40  }
0x78: {  	[sflag:s3] =	ssyncset.done $0x0  }
0x79: {  	[sflag:s3] =	ssyncadd.s32 $0xFFFFFFC0  }
0x7a: {  	[tilespmem:s7], [sflag:$0x1] =	stream.indirect.gather [hbm4b:s5+s6], $0x80, s2, s6, $0xb8;
	[tilespmem:$0x2080] =	vst v63  }
0x7b: {  	_ =	swait.ge [sflag:s8], $0x2000  }
.Ltmp1:
0x7c: {  	[sflag:s8] =	ssyncset.done $0x0;
	(pc) =	sbr.rel @p0 .LBB2_1-.Ltmp1, $4  }
0x7d: {  	[sflag:s8] =	ssyncadd.s32 $0xFFFFE000  }
0x7e: {  	[hbm4b:s17+s2] =	stream.linear.scatter [tilespmem:s7], [sflag:$0x2], $0x2000, $0x38;
	[tilespmem:$0x2080] =	vst v63  }
0x7f: {  	_ =	swait.ge [sflag:s3], $0x2000  }
0x80: {  	[sflag:s3] =	ssyncset.done $0x0  }
.LBB2_2:
0x81: {  	[sflag:s3] =	ssyncadd.s32 $0xFFFFE000  }
0x82: {  	_ =	sfence.sel $0x180000  }
0x83: {  	[bflag:$0x0] =	sbarrier.arrive $0xFFFF  }
0x84: {  	p0 =	sne.s32 s0, $0x0;
	_ =	strace $0x9000004D  }
0x85: {  	s0 =	sadd.s32 @!p0 $0x100000, s1;
	[bflag:$0x2] =	sbarrier.arrive $0xFFFF  }
0x86: {  	[sflag:s0] =	ssyncadd.tile.s32 @!p0 $0x1;
	_ =	shalt  }
.Lfunc_end2:
_tile_overlayer_lowered:
.L_overlay_start_2:
0x87: {  	(tag) =	ssettag $0x2  }
0x88: {  	s0 =	rddreg [dreg:$0x0];
	s2 =	stileid.u32  }
0x89: {  	s1 =	rddreg [dreg:$0x1];
	p0 =	sne.s32 s2, $0x0  }
0x8a: {  	s3 =	rddreg [dreg:$0x2];
	[bflag:$0x3] =	sbarrier.arrive $0xFFFF;
	s2 =	simm.s32 @!p0 $0x1C02  }
0x8b: {  	[timem:s3], [sflag:s2] =	dma.local @!p0 [hbm:s0], s1  }
0x8c: {  	s0 =	simm.s32 @!p0 $0x2  }
0x8d: {  	_ =	swait.ge @!p0 [sflag:s0], s1  }
0x8e: {  	s1 =	ssub.s32 @!p0 $0x0, s1;
	[sflag:s0] =	ssyncset.done @!p0 $0x0  }
0x8f: {  	[sflag:s0] =	ssyncadd.s32 @!p0 s1  }
0x90: {  	[bflag:$0x3] =	sbarrier.arrive $0xFFFF  }
0x91: {  	_ =	shalt  }

</sc_bundles>
